<compile_context>
chip_gen: v7x
topology: tpu7x:2x2x1
jax: 0.10.2.dev20260603
libtpu: 0.0.44.dev20260713+nightly
codegen_flags: <defaults>
</compile_context>

<pallas_src>
import functools

import jax
import jax.numpy as jnp
from jax import lax
from jax.experimental import pallas as pl
from jax.experimental.pallas import tpu as pltpu
from jax.experimental.pallas import tpu_sc as plsc

B = 1024
P = 16
Q = 16
D = 128
L = 16
NW = 32
EW = B // NW
CH = 4
NCHUNK = EW // CH
ROWS = CH * P
NSPLIT = 2
SPLIT = ROWS // NSPLIT
IDXW = EW * (1 + P + Q)
OUT_ROWS = B * (P + Q) // D

_mesh = plsc.VectorSubcoreMesh(core_axis_name="c", subcore_axis_name="s")

_DNUMS = lax.GatherDimensionNumbers(
    offset_dims=(), collapsed_slice_dims=(0,), start_index_map=(0,))


def _perm(x, pm):
    return lax.gather(x, pm, _DNUMS, slice_sizes=(1,),
                      mode=lax.GatherScatterMode.PROMISE_IN_BOUNDS)


@functools.partial(
    pl.kernel,
    out_type=jax.ShapeDtypeStruct((OUT_ROWS, D), jnp.float32),
    mesh=_mesh,
    scratch_types=[
        pltpu.VMEM((EW,), jnp.int32),
        pltpu.VMEM((EW * P,), jnp.int32),
        pltpu.VMEM((EW * Q,), jnp.int32),
        pltpu.VMEM((EW, D), jnp.float32),
        pltpu.VMEM((ROWS, D), jnp.float32),
        pltpu.VMEM((ROWS, D), jnp.float32),
        pltpu.VMEM((ROWS, D), jnp.float32),
        pltpu.VMEM((ROWS, D), jnp.float32),
        pltpu.VMEM((EW * (P + Q) // D, D), jnp.float32),
        pltpu.SemaphoreType.DMA,
        pltpu.SemaphoreType.DMA,
        pltpu.SemaphoreType.DMA,
        pltpu.SemaphoreType.DMA,
        pltpu.SemaphoreType.DMA,
        pltpu.SemaphoreType.DMA,
        pltpu.SemaphoreType.DMA,
        pltpu.SemaphoreType.DMA,
        pltpu.SemaphoreType.DMA,
        pltpu.SemaphoreType.DMA,
        pltpu.SemaphoreType.DMA,
    ],
)
def _sc_logits(emb_hbm, nidx_hbm, pidx_hbm, qidx_hbm, out_hbm,
               nidx_v, pidx_v, qidx_v, a_rows, p0, p1, q0, q1, logit_v,
               sem_a, sem_ip, sem_iq,
               sp0a, sp0b, sp1a, sp1b, sq0a, sq0b, sq1a, sq1b):
    wid = lax.axis_index("s") * 2 + lax.axis_index("c")
    base = wid * EW
    hn = pltpu.async_copy(nidx_hbm.at[pl.ds(base, EW)], nidx_v, sem_a)
    hip = pltpu.async_copy(pidx_hbm.at[pl.ds(base * P, EW * P)], pidx_v, sem_ip)
    hiq = pltpu.async_copy(qidx_hbm.at[pl.ds(base * Q, EW * Q)], qidx_v, sem_iq)
    hn.wait()
    ha = pltpu.async_copy(emb_hbm.at[nidx_v], a_rows, sem_a)

    pbuf, qbuf = [p0, p1], [q0, q1]
    psem = [(sp0a, sp0b), (sp1a, sp1b)]
    qsem = [(sq0a, sq0b), (sq1a, sq1b)]

    def gather_chunk(c, par):
        ofs = c * ROWS
        for t in range(NSPLIT):
            o = t * SPLIT
            pltpu.async_copy(
                emb_hbm.at[pidx_v.at[pl.ds(ofs + o, SPLIT)]],
                pbuf[par].at[pl.ds(o, SPLIT)], psem[par][t])
            pltpu.async_copy(
                emb_hbm.at[qidx_v.at[pl.ds(ofs + o, SPLIT)]],
                qbuf[par].at[pl.ds(o, SPLIT)], qsem[par][t])

    def wait_chunk(par):
        for t in range(NSPLIT):
            o = t * SPLIT
            pltpu.make_async_copy(
                emb_hbm.at[pl.ds(0, SPLIT)],
                pbuf[par].at[pl.ds(o, SPLIT)], psem[par][t]).wait()
            pltpu.make_async_copy(
                emb_hbm.at[pl.ds(0, SPLIT)],
                qbuf[par].at[pl.ds(o, SPLIT)], qsem[par][t]).wait()

    hip.wait()
    hiq.wait()
    gather_chunk(0, 0)
    gather_chunk(1, 1)
    ha.wait()

    lanes = lax.iota(jnp.int32, L)
    shifts = (1, 2, 4, 8)
    masks = [(lanes & sh) == 0 for sh in shifts]
    perms = [(lanes ^ sh)[:, None] for sh in shifts]

    def compute_chunk(c, par):
        wait_chunk(par)
        pb, qb = pbuf[par], qbuf[par]

        def elem_body(e, carry):
            ee = c * CH + e
            a = [a_rows[ee, pl.ds(L * k, L)] for k in range(D // L)]

            def side(buf):
                u = []
                for n in range(P):
                    r = e * P + n
                    s = buf[r, pl.ds(0, L)] * a[0]
                    for k in range(1, D // L):
                        s = s + buf[r, pl.ds(L * k, L)] * a[k]
                    u.append(s)
                for m, pm in zip(masks, perms):
                    u = [jnp.where(m, u[2 * i], u[2 * i + 1])
                         + _perm(jnp.where(m, u[2 * i + 1], u[2 * i]), pm)
                         for i in range(len(u) // 2)]
                return u[0]

            vp = side(pb)
            vq = side(qb)
            row = ee // 4
            colbase = (ee % 4) * (P + Q)
            logit_v[row, pl.ds(colbase, L)] = vp
            logit_v[row, pl.ds(colbase + P, L)] = vq
            return carry

        lax.fori_loop(0, CH, elem_body, 0)

    def pair_body(j, carry):
        compute_chunk(2 * j, 0)

        @pl.when(2 * j + 2 < NCHUNK)
        def _():
            gather_chunk(2 * j + 2, 0)

        compute_chunk(2 * j + 1, 1)

        @pl.when(2 * j + 3 < NCHUNK)
        def _():
            gather_chunk(2 * j + 3, 1)

        return carry

    lax.fori_loop(0, NCHUNK // 2, pair_body, 0)

    pltpu.sync_copy(logit_v, out_hbm.at[pl.ds(wid * (EW * (P + Q) // D),
                                              EW * (P + Q) // D)])


def _tc_body(logit_ref, out_ref):
    x = logit_ref[...]
    col = lax.broadcasted_iota(jnp.int32, x.shape, 1)
    z = jnp.where((col & P) == 0, -x, x)
    sp = jnp.maximum(z, 0.0) + jnp.log1p(jnp.exp(-jnp.abs(z)))
    out_ref[0, 0] = jnp.sum(sp) * (1.0 / P)


_tc_loss = pl.pallas_call(
    _tc_body,
    out_shape=jax.ShapeDtypeStruct((1, 1), jnp.float32),
    out_specs=pl.BlockSpec(memory_space=pltpu.SMEM),
)


def kernel(embeddings, node_idx, pos_idx, neg_idx):
    logits = _sc_logits(embeddings,
                        node_idx.astype(jnp.int32),
                        pos_idx.astype(jnp.int32).reshape(-1),
                        neg_idx.astype(jnp.int32).reshape(-1))
    return _tc_loss(logits).reshape(())

# --- scband reference (transcript-rebuilt; emitter-appended) ---
"""Pipeline reference for scband-trust-sgcn-54365696033487 (READ-ONLY COPY).

The authoritative reference and input builder live on the scoring server;
editing this copy changes nothing except your own understanding.
"""

import jax, jax.numpy as jnp
import numpy as np

N_NODES = 50000
DIM = 128
BATCH = 1024
P = 16
Q = 16


def setup_inputs(seed: int = 0) -> dict:
    key = jax.random.key(seed)
    k1, k2, k3, k4 = jax.random.split(key, 4)
    embeddings = jax.random.normal(k1, (N_NODES, DIM), dtype=jnp.float32)
    node_idx = jax.random.randint(k2, (BATCH,), 0, N_NODES, dtype=jnp.int64 if jax.config.jax_enable_x64 else jnp.int32)
    pos_idx = jax.random.randint(k3, (BATCH, P), 0, N_NODES, dtype=jnp.int64 if jax.config.jax_enable_x64 else jnp.int32)
    neg_idx = jax.random.randint(k4, (BATCH, Q), 0, N_NODES, dtype=jnp.int64 if jax.config.jax_enable_x64 else jnp.int32)
    return {"embeddings": embeddings, "node_idx": node_idx, "pos_idx": pos_idx, "neg_idx": neg_idx}


def reference(embeddings, node_idx, pos_idx, neg_idx):
    # Tensorized TrustSGCN.criterion sign-loss.
    # a_emb = nodes_embs[unique_nodes_dict[node], :]
    a_emb = jnp.take(embeddings, node_idx, axis=0)            # [B, d]
    pos_neig_embs = jnp.take(embeddings, pos_idx, axis=0)     # [B, P, d]
    neg_neig_embs = jnp.take(embeddings, neg_idx, axis=0)     # [B, Q, d]
    # torch.einsum('nj,j->n', [neig_embs, a_emb]) per batch node
    pos_logits = jnp.einsum('bpd,bd->bp', pos_neig_embs, a_emb)
    neg_logits = jnp.einsum('bqd,bd->bq', neg_neig_embs, a_emb)
    # F.binary_cross_entropy_with_logits with target ones (mean reduction per node)
    pos_loss = jnp.mean(jax.nn.softplus(-pos_logits), axis=1)  # BCE(logit, 1)
    # F.binary_cross_entropy_with_logits with target zeros (mean reduction per node)
    neg_loss = jnp.mean(jax.nn.softplus(neg_logits), axis=1)   # BCE(logit, 0)
    sign_loss = jnp.sum(pos_loss) + jnp.sum(neg_loss)
    return sign_loss

if __name__ == "__main__":
    import jax
    _d = setup_inputs()
    print(jax.jit(kernel)(*tuple(_d.values())))

</pallas_src>

<mosaic_0001>
#map = affine_map<(d0, d1) -> (0, 0)>
#map1 = affine_map<(d0, d1) -> (0)>
module attributes {stable_mosaic.version = 14 : i64} {
  func.func @_sc_logits(%arg0: i32, %arg1: i32, %arg2: memref<50000x128xf32, #tpu.memory_space<hbm>>, %arg3: memref<1024xi32, #tpu.memory_space<hbm>>, %arg4: memref<16384xi32, #tpu.memory_space<hbm>>, %arg5: memref<16384xi32, #tpu.memory_space<hbm>>, %arg6: memref<256x128xf32, #tpu.memory_space<hbm>>, %arg7: memref<32xi32, #tpu.memory_space<vmem>>, %arg8: memref<512xi32, #tpu.memory_space<vmem>>, %arg9: memref<512xi32, #tpu.memory_space<vmem>>, %arg10: memref<32x128xf32, #tpu.memory_space<vmem>>, %arg11: memref<64x128xf32, #tpu.memory_space<vmem>>, %arg12: memref<64x128xf32, #tpu.memory_space<vmem>>, %arg13: memref<64x128xf32, #tpu.memory_space<vmem>>, %arg14: memref<64x128xf32, #tpu.memory_space<vmem>>, %arg15: memref<8x128xf32, #tpu.memory_space<vmem>>, %arg16: memref<!tpu.dma_semaphore, #tpu.memory_space<semaphore_mem>>, %arg17: memref<!tpu.dma_semaphore, #tpu.memory_space<semaphore_mem>>, %arg18: memref<!tpu.dma_semaphore, #tpu.memory_space<semaphore_mem>>, %arg19: memref<!tpu.dma_semaphore, #tpu.memory_space<semaphore_mem>>, %arg20: memref<!tpu.dma_semaphore, #tpu.memory_space<semaphore_mem>>, %arg21: memref<!tpu.dma_semaphore, #tpu.memory_space<semaphore_mem>>, %arg22: memref<!tpu.dma_semaphore, #tpu.memory_space<semaphore_mem>>, %arg23: memref<!tpu.dma_semaphore, #tpu.memory_space<semaphore_mem>>, %arg24: memref<!tpu.dma_semaphore, #tpu.memory_space<semaphore_mem>>, %arg25: memref<!tpu.dma_semaphore, #tpu.memory_space<semaphore_mem>>, %arg26: memref<!tpu.dma_semaphore, #tpu.memory_space<semaphore_mem>>) attributes {dimension_semantics = [#tpu.dimension_semantics<core_parallel>, #tpu.dimension_semantics<subcore_parallel>], iteration_bounds = array<i64: 2, 16>, scalar_prefetch = 0 : i64, scratch_operands = 20 : i64, tpu.core_type = #tpu.core_type<sc_vector_subcore>, window_params = [{transform_indices = #map}, {transform_indices = #map1}, {transform_indices = #map1}, {transform_indices = #map1}, {transform_indices = #map}]} {
    %mul3A = arith.constant 2 : i32
    %mul3A_0 = arith.muli %arg1, %mul3A : i32
    %add3A = arith.addi %mul3A_0, %arg0 : i32
    %mul3A_1 = arith.constant 32 : i32
    %mul3A_2 = arith.muli %add3A, %mul3A_1 : i32
    %dma_start3A = tpu.memref_slice %arg3[%mul3A_2] : memref<1024xi32, #tpu.memory_space<hbm>> -> memref<32xi32, #tpu.memory_space<hbm>>
    %dma_start3A_3 = tpu.memref_slice %arg3[%mul3A_2] : memref<1024xi32, #tpu.memory_space<hbm>> -> memref<32xi32, #tpu.memory_space<hbm>>
    tpu.enqueue_dma source(%dma_start3A_3 : memref<32xi32, #tpu.memory_space<hbm>>) target(%arg7 : memref<32xi32, #tpu.memory_space<vmem>>) target_semaphore(%arg16 : memref<!tpu.dma_semaphore, #tpu.memory_space<semaphore_mem>>)
    %mul3A_4 = arith.constant 16 : i32
    %mul3A_5 = arith.muli %mul3A_2, %mul3A_4 : i32
    %dma_start3A_6 = tpu.memref_slice %arg4[%mul3A_5] : memref<16384xi32, #tpu.memory_space<hbm>> -> memref<512xi32, #tpu.memory_space<hbm>>
    %dma_start3A_7 = tpu.memref_slice %arg4[%mul3A_5] : memref<16384xi32, #tpu.memory_space<hbm>> -> memref<512xi32, #tpu.memory_space<hbm>>
    tpu.enqueue_dma source(%dma_start3A_7 : memref<512xi32, #tpu.memory_space<hbm>>) target(%arg8 : memref<512xi32, #tpu.memory_space<vmem>>) target_semaphore(%arg17 : memref<!tpu.dma_semaphore, #tpu.memory_space<semaphore_mem>>)
    %mul3A_8 = arith.constant 16 : i32
    %mul3A_9 = arith.muli %mul3A_2, %mul3A_8 : i32
    %dma_start3A_10 = tpu.memref_slice %arg5[%mul3A_9] : memref<16384xi32, #tpu.memory_space<hbm>> -> memref<512xi32, #tpu.memory_space<hbm>>
    %dma_start3A_11 = tpu.memref_slice %arg5[%mul3A_9] : memref<16384xi32, #tpu.memory_space<hbm>> -> memref<512xi32, #tpu.memory_space<hbm>>
    tpu.enqueue_dma source(%dma_start3A_11 : memref<512xi32, #tpu.memory_space<hbm>>) target(%arg9 : memref<512xi32, #tpu.memory_space<vmem>>) target_semaphore(%arg18 : memref<!tpu.dma_semaphore, #tpu.memory_space<semaphore_mem>>)
    %dma_wait3A = tpu.memref_slice %arg3[%mul3A_2] : memref<1024xi32, #tpu.memory_space<hbm>> -> memref<32xi32, #tpu.memory_space<hbm>>
    %dma_wait3A_12 = tpu.memref_slice %arg3[%mul3A_2] : memref<1024xi32, #tpu.memory_space<hbm>> -> memref<32xi32, #tpu.memory_space<hbm>>
    tpu.wait_dma2 semaphore(%arg16 : memref<!tpu.dma_semaphore, #tpu.memory_space<semaphore_mem>>) src(%dma_wait3A_12 : memref<32xi32, #tpu.memory_space<hbm>>) dst(%arg7 : memref<32xi32, #tpu.memory_space<vmem>>)
    %dma_start3A_13 = arith.constant 0 : i32
    %dma_start3A_14 = arith.constant 0 : i32
    %dma_start3A_15 = tpu.memref_slice %arg2[%dma_start3A_13, %dma_start3A_14] : memref<50000x128xf32, #tpu.memory_space<hbm>> -> memref<50000x128xf32, #tpu.memory_space<hbm>>
    tpu.enqueue_indirect_dma source(%dma_start3A_15 : memref<50000x128xf32, #tpu.memory_space<hbm>>) target(%arg10 : memref<32x128xf32, #tpu.memory_space<vmem>>) offsets(%arg7 : memref<32xi32, #tpu.memory_space<vmem>>) semaphore(%arg16 : memref<!tpu.dma_semaphore, #tpu.memory_space<semaphore_mem>>)
    %dma_wait3A_16 = tpu.memref_slice %arg4[%mul3A_5] : memref<16384xi32, #tpu.memory_space<hbm>> -> memref<512xi32, #tpu.memory_space<hbm>>
    %dma_wait3A_17 = tpu.memref_slice %arg4[%mul3A_5] : memref<16384xi32, #tpu.memory_space<hbm>> -> memref<512xi32, #tpu.memory_space<hbm>>
    tpu.wait_dma2 semaphore(%arg17 : memref<!tpu.dma_semaphore, #tpu.memory_space<semaphore_mem>>) src(%dma_wait3A_17 : memref<512xi32, #tpu.memory_space<hbm>>) dst(%arg8 : memref<512xi32, #tpu.memory_space<vmem>>)
    %dma_wait3A_18 = tpu.memref_slice %arg5[%mul3A_9] : memref<16384xi32, #tpu.memory_space<hbm>> -> memref<512xi32, #tpu.memory_space<hbm>>
    %dma_wait3A_19 = tpu.memref_slice %arg5[%mul3A_9] : memref<16384xi32, #tpu.memory_space<hbm>> -> memref<512xi32, #tpu.memory_space<hbm>>
    tpu.wait_dma2 semaphore(%arg18 : memref<!tpu.dma_semaphore, #tpu.memory_space<semaphore_mem>>) src(%dma_wait3A_19 : memref<512xi32, #tpu.memory_space<hbm>>) dst(%arg9 : memref<512xi32, #tpu.memory_space<vmem>>)
    %dma_start3A_20 = arith.constant 0 : i32
    %dma_start3A_21 = arith.constant 0 : i32
    %dma_start3A_22 = tpu.memref_slice %arg11[%dma_start3A_20, %dma_start3A_21] : memref<64x128xf32, #tpu.memory_space<vmem>> -> memref<32x128xf32, #tpu.memory_space<vmem>>
    %dma_start3A_23 = arith.constant 0 : i32
    %dma_start3A_24 = tpu.memref_slice %arg8[%dma_start3A_23] : memref<512xi32, #tpu.memory_space<vmem>> -> memref<32xi32, #tpu.memory_space<vmem>>
    %dma_start3A_25 = arith.constant 0 : i32
    %dma_start3A_26 = arith.constant 0 : i32
    %dma_start3A_27 = tpu.memref_slice %arg2[%dma_start3A_25, %dma_start3A_26] : memref<50000x128xf32, #tpu.memory_space<hbm>> -> memref<50000x128xf32, #tpu.memory_space<hbm>>
    tpu.enqueue_indirect_dma source(%dma_start3A_27 : memref<50000x128xf32, #tpu.memory_space<hbm>>) target(%dma_start3A_22 : memref<32x128xf32, #tpu.memory_space<vmem>>) offsets(%dma_start3A_24 : memref<32xi32, #tpu.memory_space<vmem>>) semaphore(%arg19 : memref<!tpu.dma_semaphore, #tpu.memory_space<semaphore_mem>>)
    %dma_start3A_28 = arith.constant 0 : i32
    %dma_start3A_29 = arith.constant 0 : i32
    %dma_start3A_30 = tpu.memref_slice %arg13[%dma_start3A_28, %dma_start3A_29] : memref<64x128xf32, #tpu.memory_space<vmem>> -> memref<32x128xf32, #tpu.memory_space<vmem>>
    %dma_start3A_31 = arith.constant 0 : i32
    %dma_start3A_32 = tpu.memref_slice %arg9[%dma_start3A_31] : memref<512xi32, #tpu.memory_space<vmem>> -> memref<32xi32, #tpu.memory_space<vmem>>
    %dma_start3A_33 = arith.constant 0 : i32
    %dma_start3A_34 = arith.constant 0 : i32
    %dma_start3A_35 = tpu.memref_slice %arg2[%dma_start3A_33, %dma_start3A_34] : memref<50000x128xf32, #tpu.memory_space<hbm>> -> memref<50000x128xf32, #tpu.memory_space<hbm>>
    tpu.enqueue_indirect_dma source(%dma_start3A_35 : memref<50000x128xf32, #tpu.memory_space<hbm>>) target(%dma_start3A_30 : memref<32x128xf32, #tpu.memory_space<vmem>>) offsets(%dma_start3A_32 : memref<32xi32, #tpu.memory_space<vmem>>) semaphore(%arg23 : memref<!tpu.dma_semaphore, #tpu.memory_space<semaphore_mem>>)
    %dma_start3A_36 = arith.constant 32 : i32
    %dma_start3A_37 = arith.constant 0 : i32
    %dma_start3A_38 = tpu.memref_slice %arg11[%dma_start3A_36, %dma_start3A_37] : memref<64x128xf32, #tpu.memory_space<vmem>> -> memref<32x128xf32, #tpu.memory_space<vmem>>
    %dma_start3A_39 = arith.constant 32 : i32
    %dma_start3A_40 = tpu.memref_slice %arg8[%dma_start3A_39] : memref<512xi32, #tpu.memory_space<vmem>> -> memref<32xi32, #tpu.memory_space<vmem>>
    %dma_start3A_41 = arith.constant 0 : i32
    %dma_start3A_42 = arith.constant 0 : i32
    %dma_start3A_43 = tpu.memref_slice %arg2[%dma_start3A_41, %dma_start3A_42] : memref<50000x128xf32, #tpu.memory_space<hbm>> -> memref<50000x128xf32, #tpu.memory_space<hbm>>
    tpu.enqueue_indirect_dma source(%dma_start3A_43 : memref<50000x128xf32, #tpu.memory_space<hbm>>) target(%dma_start3A_38 : memref<32x128xf32, #tpu.memory_space<vmem>>) offsets(%dma_start3A_40 : memref<32xi32, #tpu.memory_space<vmem>>) semaphore(%arg20 : memref<!tpu.dma_semaphore, #tpu.memory_space<semaphore_mem>>)
    %dma_start3A_44 = arith.constant 32 : i32
    %dma_start3A_45 = arith.constant 0 : i32
    %dma_start3A_46 = tpu.memref_slice %arg13[%dma_start3A_44, %dma_start3A_45] : memref<64x128xf32, #tpu.memory_space<vmem>> -> memref<32x128xf32, #tpu.memory_space<vmem>>
    %dma_start3A_47 = arith.constant 32 : i32
    %dma_start3A_48 = tpu.memref_slice %arg9[%dma_start3A_47] : memref<512xi32, #tpu.memory_space<vmem>> -> memref<32xi32, #tpu.memory_space<vmem>>
    %dma_start3A_49 = arith.constant 0 : i32
    %dma_start3A_50 = arith.constant 0 : i32
    %dma_start3A_51 = tpu.memref_slice %arg2[%dma_start3A_49, %dma_start3A_50] : memref<50000x128xf32, #tpu.memory_space<hbm>> -> memref<50000x128xf32, #tpu.memory_space<hbm>>
    tpu.enqueue_indirect_dma source(%dma_start3A_51 : memref<50000x128xf32, #tpu.memory_space<hbm>>) target(%dma_start3A_46 : memref<32x128xf32, #tpu.memory_space<vmem>>) offsets(%dma_start3A_48 : memref<32xi32, #tpu.memory_space<vmem>>) semaphore(%arg24 : memref<!tpu.dma_semaphore, #tpu.memory_space<semaphore_mem>>)
    %dma_start3A_52 = arith.constant 0 : i32
    %dma_start3A_53 = arith.constant 0 : i32
    %dma_start3A_54 = tpu.memref_slice %arg12[%dma_start3A_52, %dma_start3A_53] : memref<64x128xf32, #tpu.memory_space<vmem>> -> memref<32x128xf32, #tpu.memory_space<vmem>>
    %dma_start3A_55 = arith.constant 64 : i32
    %dma_start3A_56 = tpu.memref_slice %arg8[%dma_start3A_55] : memref<512xi32, #tpu.memory_space<vmem>> -> memref<32xi32, #tpu.memory_space<vmem>>
    %dma_start3A_57 = arith.constant 0 : i32
    %dma_start3A_58 = arith.constant 0 : i32
    %dma_start3A_59 = tpu.memref_slice %arg2[%dma_start3A_57, %dma_start3A_58] : memref<50000x128xf32, #tpu.memory_space<hbm>> -> memref<50000x128xf32, #tpu.memory_space<hbm>>
    tpu.enqueue_indirect_dma source(%dma_start3A_59 : memref<50000x128xf32, #tpu.memory_space<hbm>>) target(%dma_start3A_54 : memref<32x128xf32, #tpu.memory_space<vmem>>) offsets(%dma_start3A_56 : memref<32xi32, #tpu.memory_space<vmem>>) semaphore(%arg21 : memref<!tpu.dma_semaphore, #tpu.memory_space<semaphore_mem>>)
    %dma_start3A_60 = arith.constant 0 : i32
    %dma_start3A_61 = arith.constant 0 : i32
    %dma_start3A_62 = tpu.memref_slice %arg14[%dma_start3A_60, %dma_start3A_61] : memref<64x128xf32, #tpu.memory_space<vmem>> -> memref<32x128xf32, #tpu.memory_space<vmem>>
    %dma_start3A_63 = arith.constant 64 : i32
    %dma_start3A_64 = tpu.memref_slice %arg9[%dma_start3A_63] : memref<512xi32, #tpu.memory_space<vmem>> -> memref<32xi32, #tpu.memory_space<vmem>>
    %dma_start3A_65 = arith.constant 0 : i32
    %dma_start3A_66 = arith.constant 0 : i32
    %dma_start3A_67 = tpu.memref_slice %arg2[%dma_start3A_65, %dma_start3A_66] : memref<50000x128xf32, #tpu.memory_space<hbm>> -> memref<50000x128xf32, #tpu.memory_space<hbm>>
    tpu.enqueue_indirect_dma source(%dma_start3A_67 : memref<50000x128xf32, #tpu.memory_space<hbm>>) target(%dma_start3A_62 : memref<32x128xf32, #tpu.memory_space<vmem>>) offsets(%dma_start3A_64 : memref<32xi32, #tpu.memory_space<vmem>>) semaphore(%arg25 : memref<!tpu.dma_semaphore, #tpu.memory_space<semaphore_mem>>)
    %dma_start3A_68 = arith.constant 32 : i32
    %dma_start3A_69 = arith.constant 0 : i32
    %dma_start3A_70 = tpu.memref_slice %arg12[%dma_start3A_68, %dma_start3A_69] : memref<64x128xf32, #tpu.memory_space<vmem>> -> memref<32x128xf32, #tpu.memory_space<vmem>>
    %dma_start3A_71 = arith.constant 96 : i32
    %dma_start3A_72 = tpu.memref_slice %arg8[%dma_start3A_71] : memref<512xi32, #tpu.memory_space<vmem>> -> memref<32xi32, #tpu.memory_space<vmem>>
    %dma_start3A_73 = arith.constant 0 : i32
    %dma_start3A_74 = arith.constant 0 : i32
    %dma_start3A_75 = tpu.memref_slice %arg2[%dma_start3A_73, %dma_start3A_74] : memref<50000x128xf32, #tpu.memory_space<hbm>> -> memref<50000x128xf32, #tpu.memory_space<hbm>>
    tpu.enqueue_indirect_dma source(%dma_start3A_75 : memref<50000x128xf32, #tpu.memory_space<hbm>>) target(%dma_start3A_70 : memref<32x128xf32, #tpu.memory_space<vmem>>) offsets(%dma_start3A_72 : memref<32xi32, #tpu.memory_space<vmem>>) semaphore(%arg22 : memref<!tpu.dma_semaphore, #tpu.memory_space<semaphore_mem>>)
    %dma_start3A_76 = arith.constant 32 : i32
    %dma_start3A_77 = arith.constant 0 : i32
    %dma_start3A_78 = tpu.memref_slice %arg14[%dma_start3A_76, %dma_start3A_77] : memref<64x128xf32, #tpu.memory_space<vmem>> -> memref<32x128xf32, #tpu.memory_space<vmem>>
    %dma_start3A_79 = arith.constant 96 : i32
    %dma_start3A_80 = tpu.memref_slice %arg9[%dma_start3A_79] : memref<512xi32, #tpu.memory_space<vmem>> -> memref<32xi32, #tpu.memory_space<vmem>>
    %dma_start3A_81 = arith.constant 0 : i32
    %dma_start3A_82 = arith.constant 0 : i32
    %dma_start3A_83 = tpu.memref_slice %arg2[%dma_start3A_81, %dma_start3A_82] : memref<50000x128xf32, #tpu.memory_space<hbm>> -> memref<50000x128xf32, #tpu.memory_space<hbm>>
    tpu.enqueue_indirect_dma source(%dma_start3A_83 : memref<50000x128xf32, #tpu.memory_space<hbm>>) target(%dma_start3A_78 : memref<32x128xf32, #tpu.memory_space<vmem>>) offsets(%dma_start3A_80 : memref<32xi32, #tpu.memory_space<vmem>>) semaphore(%arg26 : memref<!tpu.dma_semaphore, #tpu.memory_space<semaphore_mem>>)
    %dma_wait3A_84 = arith.constant 0 : i32
    %dma_wait3A_85 = arith.constant 0 : i32
    %dma_wait3A_86 = tpu.memref_slice %arg2[%dma_wait3A_84, %dma_wait3A_85] : memref<50000x128xf32, #tpu.memory_space<hbm>> -> memref<50000x128xf32, #tpu.memory_space<hbm>>
    tpu.wait_indirect_dma semaphore(%arg16 : memref<!tpu.dma_semaphore, #tpu.memory_space<semaphore_mem>>) src(%dma_wait3A_86 : memref<50000x128xf32, #tpu.memory_space<hbm>>) dst(%arg10 : memref<32x128xf32, #tpu.memory_space<vmem>>)
    %iota3A = tpu.iota {dimensions = array<i32: 0>} : vector<16xi32>
    %and3A = arith.constant 1 : i32
    %and3A_87 = vector.broadcast %and3A : i32 to vector<16xi32>
    %and3A_88 = arith.andi %iota3A, %and3A_87 : vector<16xi32>
    %eq3A = arith.constant 0 : i32
    %eq3A_89 = vector.broadcast %eq3A : i32 to vector<16xi32>
    %eq3A_90 = arith.cmpi eq, %and3A_88, %eq3A_89 : vector<16xi32>
    %and3A_91 = arith.constant 2 : i32
    %and3A_92 = vector.broadcast %and3A_91 : i32 to vector<16xi32>
    %and3A_93 = arith.andi %iota3A, %and3A_92 : vector<16xi32>
    %eq3A_94 = arith.constant 0 : i32
    %eq3A_95 = vector.broadcast %eq3A_94 : i32 to vector<16xi32>
    %eq3A_96 = arith.cmpi eq, %and3A_93, %eq3A_95 : vector<16xi32>
    %and3A_97 = arith.constant 4 : i32
    %and3A_98 = vector.broadcast %and3A_97 : i32 to vector<16xi32>
    %and3A_99 = arith.andi %iota3A, %and3A_98 : vector<16xi32>
    %eq3A_100 = arith.constant 0 : i32
    %eq3A_101 = vector.broadcast %eq3A_100 : i32 to vector<16xi32>
    %eq3A_102 = arith.cmpi eq, %and3A_99, %eq3A_101 : vector<16xi32>
    %and3A_103 = arith.constant 8 : i32
    %and3A_104 = vector.broadcast %and3A_103 : i32 to vector<16xi32>
    %and3A_105 = arith.andi %iota3A, %and3A_104 : vector<16xi32>
    %eq3A_106 = arith.constant 0 : i32
    %eq3A_107 = vector.broadcast %eq3A_106 : i32 to vector<16xi32>
    %eq3A_108 = arith.cmpi eq, %and3A_105, %eq3A_107 : vector<16xi32>
    %xor3A = arith.constant 1 : i32
    %xor3A_109 = vector.broadcast %xor3A : i32 to vector<16xi32>
    %xor3A_110 = arith.xori %iota3A, %xor3A_109 : vector<16xi32>
    %broadcast_in_dim3A = vector.shape_cast %xor3A_110 : vector<16xi32> to vector<16x1xi32>
    %xor3A_111 = arith.constant 2 : i32
    %xor3A_112 = vector.broadcast %xor3A_111 : i32 to vector<16xi32>
    %xor3A_113 = arith.xori %iota3A, %xor3A_112 : vector<16xi32>
    %broadcast_in_dim3A_114 = vector.shape_cast %xor3A_113 : vector<16xi32> to vector<16x1xi32>
    %xor3A_115 = arith.constant 4 : i32
    %xor3A_116 = vector.broadcast %xor3A_115 : i32 to vector<16xi32>
    %xor3A_117 = arith.xori %iota3A, %xor3A_116 : vector<16xi32>
    %broadcast_in_dim3A_118 = vector.shape_cast %xor3A_117 : vector<16xi32> to vector<16x1xi32>
    %xor3A_119 = arith.constant 8 : i32
    %xor3A_120 = vector.broadcast %xor3A_119 : i32 to vector<16xi32>
    %xor3A_121 = arith.xori %iota3A, %xor3A_120 : vector<16xi32>
    %broadcast_in_dim3A_122 = vector.shape_cast %xor3A_121 : vector<16xi32> to vector<16x1xi32>
    %scan3A = arith.constant 0 : i32
    %scan3A_123 = arith.constant 0 : i32
    %scan3A_124 = arith.constant 4 : i32
    %scan3A_125 = arith.addi %scan3A_123, %scan3A_124 : i32
    %scan3A_126 = arith.constant 1 : i32
    scf.for %scan3A_130 = %scan3A_123 to %scan3A_125 step %scan3A_126  : i32 {
      %mul3A_131 = arith.constant 2 : i32
      %mul3A_132 = arith.muli %mul3A_131, %scan3A_130 : i32
      %dma_wait3A_133 = arith.constant 0 : i32
      %dma_wait3A_134 = arith.constant 0 : i32
      %dma_wait3A_135 = tpu.memref_slice %arg11[%dma_wait3A_133, %dma_wait3A_134] : memref<64x128xf32, #tpu.memory_space<vmem>> -> memref<32x128xf32, #tpu.memory_space<vmem>>
      %dma_wait3A_136 = arith.constant 0 : i32
      %dma_wait3A_137 = arith.constant 0 : i32
      %dma_wait3A_138 = tpu.memref_slice %arg2[%dma_wait3A_136, %dma_wait3A_137] : memref<50000x128xf32, #tpu.memory_space<hbm>> -> memref<32x128xf32, #tpu.memory_space<hbm>>
      %dma_wait3A_139 = arith.constant 0 : i32
      %dma_wait3A_140 = arith.constant 0 : i32
      %dma_wait3A_141 = tpu.memref_slice %arg11[%dma_wait3A_139, %dma_wait3A_140] : memref<64x128xf32, #tpu.memory_space<vmem>> -> memref<32x128xf32, #tpu.memory_space<vmem>>
      %dma_wait3A_142 = arith.constant 0 : i32
      %dma_wait3A_143 = arith.constant 0 : i32
      %dma_wait3A_144 = tpu.memref_slice %arg2[%dma_wait3A_142, %dma_wait3A_143] : memref<50000x128xf32, #tpu.memory_space<hbm>> -> memref<32x128xf32, #tpu.memory_space<hbm>>
      tpu.wait_dma2 semaphore(%arg19 : memref<!tpu.dma_semaphore, #tpu.memory_space<semaphore_mem>>) src(%dma_wait3A_144 : memref<32x128xf32, #tpu.memory_space<hbm>>) dst(%dma_wait3A_141 : memref<32x128xf32, #tpu.memory_space<vmem>>)
      %dma_wait3A_145 = arith.constant 0 : i32
      %dma_wait3A_146 = arith.constant 0 : i32
      %dma_wait3A_147 = tpu.memref_slice %arg13[%dma_wait3A_145, %dma_wait3A_146] : memref<64x128xf32, #tpu.memory_space<vmem>> -> memref<32x128xf32, #tpu.memory_space<vmem>>
      %dma_wait3A_148 = arith.constant 0 : i32
      %dma_wait3A_149 = arith.constant 0 : i32
      %dma_wait3A_150 = tpu.memref_slice %arg2[%dma_wait3A_148, %dma_wait3A_149] : memref<50000x128xf32, #tpu.memory_space<hbm>> -> memref<32x128xf32, #tpu.memory_space<hbm>>
      %dma_wait3A_151 = arith.constant 0 : i32
      %dma_wait3A_152 = arith.constant 0 : i32
      %dma_wait3A_153 = tpu.memref_slice %arg13[%dma_wait3A_151, %dma_wait3A_152] : memref<64x128xf32, #tpu.memory_space<vmem>> -> memref<32x128xf32, #tpu.memory_space<vmem>>
      %dma_wait3A_154 = arith.constant 0 : i32
      %dma_wait3A_155 = arith.constant 0 : i32
      %dma_wait3A_156 = tpu.memref_slice %arg2[%dma_wait3A_154, %dma_wait3A_155] : memref<50000x128xf32, #tpu.memory_space<hbm>> -> memref<32x128xf32, #tpu.memory_space<hbm>>
      tpu.wait_dma2 semaphore(%arg23 : memref<!tpu.dma_semaphore, #tpu.memory_space<semaphore_mem>>) src(%dma_wait3A_156 : memref<32x128xf32, #tpu.memory_space<hbm>>) dst(%dma_wait3A_153 : memref<32x128xf32, #tpu.memory_space<vmem>>)
      %dma_wait3A_157 = arith.constant 32 : i32
      %dma_wait3A_158 = arith.constant 0 : i32
      %dma_wait3A_159 = tpu.memref_slice %arg11[%dma_wait3A_157, %dma_wait3A_158] : memref<64x128xf32, #tpu.memory_space<vmem>> -> memref<32x128xf32, #tpu.memory_space<vmem>>
      %dma_wait3A_160 = arith.constant 0 : i32
      %dma_wait3A_161 = arith.constant 0 : i32
      %dma_wait3A_162 = tpu.memref_slice %arg2[%dma_wait3A_160, %dma_wait3A_161] : memref<50000x128xf32, #tpu.memory_space<hbm>> -> memref<32x128xf32, #tpu.memory_space<hbm>>
      %dma_wait3A_163 = arith.constant 32 : i32
      %dma_wait3A_164 = arith.constant 0 : i32
      %dma_wait3A_165 = tpu.memref_slice %arg11[%dma_wait3A_163, %dma_wait3A_164] : memref<64x128xf32, #tpu.memory_space<vmem>> -> memref<32x128xf32, #tpu.memory_space<vmem>>
      %dma_wait3A_166 = arith.constant 0 : i32
      %dma_wait3A_167 = arith.constant 0 : i32
      %dma_wait3A_168 = tpu.memref_slice %arg2[%dma_wait3A_166, %dma_wait3A_167] : memref<50000x128xf32, #tpu.memory_space<hbm>> -> memref<32x128xf32, #tpu.memory_space<hbm>>
      tpu.wait_dma2 semaphore(%arg20 : memref<!tpu.dma_semaphore, #tpu.memory_space<semaphore_mem>>) src(%dma_wait3A_168 : memref<32x128xf32, #tpu.memory_space<hbm>>) dst(%dma_wait3A_165 : memref<32x128xf32, #tpu.memory_space<vmem>>)
      %dma_wait3A_169 = arith.constant 32 : i32
      %dma_wait3A_170 = arith.constant 0 : i32
      %dma_wait3A_171 = tpu.memref_slice %arg13[%dma_wait3A_169, %dma_wait3A_170] : memref<64x128xf32, #tpu.memory_space<vmem>> -> memref<32x128xf32, #tpu.memory_space<vmem>>
      %dma_wait3A_172 = arith.constant 0 : i32
      %dma_wait3A_173 = arith.constant 0 : i32
      %dma_wait3A_174 = tpu.memref_slice %arg2[%dma_wait3A_172, %dma_wait3A_173] : memref<50000x128xf32, #tpu.memory_space<hbm>> -> memref<32x128xf32, #tpu.memory_space<hbm>>
      %dma_wait3A_175 = arith.constant 32 : i32
      %dma_wait3A_176 = arith.constant 0 : i32
      %dma_wait3A_177 = tpu.memref_slice %arg13[%dma_wait3A_175, %dma_wait3A_176] : memref<64x128xf32, #tpu.memory_space<vmem>> -> memref<32x128xf32, #tpu.memory_space<vmem>>
      %dma_wait3A_178 = arith.constant 0 : i32
      %dma_wait3A_179 = arith.constant 0 : i32
      %dma_wait3A_180 = tpu.memref_slice %arg2[%dma_wait3A_178, %dma_wait3A_179] : memref<50000x128xf32, #tpu.memory_space<hbm>> -> memref<32x128xf32, #tpu.memory_space<hbm>>
      tpu.wait_dma2 semaphore(%arg24 : memref<!tpu.dma_semaphore, #tpu.memory_space<semaphore_mem>>) src(%dma_wait3A_180 : memref<32x128xf32, #tpu.memory_space<hbm>>) dst(%dma_wait3A_177 : memref<32x128xf32, #tpu.memory_space<vmem>>)
      %scan3A_181 = arith.constant 0 : i32
      %scan3A_182 = arith.constant 0 : i32
      %scan3A_183 = arith.constant 4 : i32
      %scan3A_184 = arith.addi %scan3A_182, %scan3A_183 : i32
      %scan3A_185 = arith.constant 1 : i32
      scf.for %scan3A_260 = %scan3A_182 to %scan3A_184 step %scan3A_185  : i32 {
        %mul3A_261 = arith.constant 4 : i32
        %mul3A_262 = arith.muli %mul3A_132, %mul3A_261 : i32
        %add3A_263 = arith.addi %mul3A_262, %scan3A_260 : i32
        %get3A = arith.index_cast %add3A_263 : i32 to index
        %get3A_264 = arith.constant 0 : index
        %get3A_265 = tpu.vector_load %arg10[%get3A, %get3A_264] {strides = array<i32>} : memref<32x128xf32, #tpu.memory_space<vmem>>, vector<1x16xf32>,
        %get3A_266 = vector.shape_cast %get3A_265 : vector<1x16xf32> to vector<16xf32>
        %get3A_267 = arith.index_cast %add3A_263 : i32 to index
        %get3A_268 = arith.constant 16 : index
        %get3A_269 = tpu.vector_load %arg10[%get3A_267, %get3A_268] {strides = array<i32>} : memref<32x128xf32, #tpu.memory_space<vmem>>, vector<1x16xf32>,
        %get3A_270 = vector.shape_cast %get3A_269 : vector<1x16xf32> to vector<16xf32>
        %get3A_271 = arith.index_cast %add3A_263 : i32 to index
        %get3A_272 = arith.constant 32 : index
        %get3A_273 = tpu.vector_load %arg10[%get3A_271, %get3A_272] {strides = array<i32>} : memref<32x128xf32, #tpu.memory_space<vmem>>, vector<1x16xf32>,
        %get3A_274 = vector.shape_cast %get3A_273 : vector<1x16xf32> to vector<16xf32>
        %get3A_275 = arith.index_cast %add3A_263 : i32 to index
        %get3A_276 = arith.constant 48 : index
        %get3A_277 = tpu.vector_load %arg10[%get3A_275, %get3A_276] {strides = array<i32>} : memref<32x128xf32, #tpu.memory_space<vmem>>, vector<1x16xf32>,
        %get3A_278 = vector.shape_cast %get3A_277 : vector<1x16xf32> to vector<16xf32>
        %get3A_279 = arith.index_cast %add3A_263 : i32 to index
        %get3A_280 = arith.constant 64 : index
        %get3A_281 = tpu.vector_load %arg10[%get3A_279, %get3A_280] {strides = array<i32>} : memref<32x128xf32, #tpu.memory_space<vmem>>, vector<1x16xf32>,
        %get3A_282 = vector.shape_cast %get3A_281 : vector<1x16xf32> to vector<16xf32>
        %get3A_283 = arith.index_cast %add3A_263 : i32 to index
        %get3A_284 = arith.constant 80 : index
        %get3A_285 = tpu.vector_load %arg10[%get3A_283, %get3A_284] {strides = array<i32>} : memref<32x128xf32, #tpu.memory_space<vmem>>, vector<1x16xf32>,
        %get3A_286 = vector.shape_cast %get3A_285 : vector<1x16xf32> to vector<16xf32>
        %get3A_287 = arith.index_cast %add3A_263 : i32 to index
        %get3A_288 = arith.constant 96 : index
        %get3A_289 = tpu.vector_load %arg10[%get3A_287, %get3A_288] {strides = array<i32>} : memref<32x128xf32, #tpu.memory_space<vmem>>, vector<1x16xf32>,
        %get3A_290 = vector.shape_cast %get3A_289 : vector<1x16xf32> to vector<16xf32>
        %get3A_291 = arith.index_cast %add3A_263 : i32 to index
        %get3A_292 = arith.constant 112 : index
        %get3A_293 = tpu.vector_load %arg10[%get3A_291, %get3A_292] {strides = array<i32>} : memref<32x128xf32, #tpu.memory_space<vmem>>, vector<1x16xf32>,
        %get3A_294 = vector.shape_cast %get3A_293 : vector<1x16xf32> to vector<16xf32>
        %mul3A_295 = arith.constant 16 : i32
        %mul3A_296 = arith.muli %scan3A_260, %mul3A_295 : i32
        %add3A_297 = arith.constant 0 : i32
        %add3A_298 = arith.addi %mul3A_296, %add3A_297 : i32
        %get3A_299 = arith.index_cast %add3A_298 : i32 to index
        %get3A_300 = arith.constant 0 : index
        %get3A_301 = tpu.vector_load %arg11[%get3A_299, %get3A_300] {strides = array<i32>} : memref<64x128xf32, #tpu.memory_space<vmem>>, vector<1x16xf32>,
        %get3A_302 = vector.shape_cast %get3A_301 : vector<1x16xf32> to vector<16xf32>
        %mul3A_303 = arith.mulf %get3A_302, %get3A_266 : vector<16xf32>
        %get3A_304 = arith.index_cast %add3A_298 : i32 to index
        %get3A_305 = arith.constant 16 : index
        %get3A_306 = tpu.vector_load %arg11[%get3A_304, %get3A_305] {strides = array<i32>} : memref<64x128xf32, #tpu.memory_space<vmem>>, vector<1x16xf32>,
        %get3A_307 = vector.shape_cast %get3A_306 : vector<1x16xf32> to vector<16xf32>
        %mul3A_308 = arith.mulf %get3A_307, %get3A_270 : vector<16xf32>
        %add3A_309 = arith.addf %mul3A_303, %mul3A_308 : vector<16xf32>
        %get3A_310 = arith.index_cast %add3A_298 : i32 to index
        %get3A_311 = arith.constant 32 : index
        %get3A_312 = tpu.vector_load %arg11[%get3A_310, %get3A_311] {strides = array<i32>} : memref<64x128xf32, #tpu.memory_space<vmem>>, vector<1x16xf32>,
        %get3A_313 = vector.shape_cast %get3A_312 : vector<1x16xf32> to vector<16xf32>
        %mul3A_314 = arith.mulf %get3A_313, %get3A_274 : vector<16xf32>
        %add3A_315 = arith.addf %add3A_309, %mul3A_314 : vector<16xf32>
        %get3A_316 = arith.index_cast %add3A_298 : i32 to index
        %get3A_317 = arith.constant 48 : index
        %get3A_318 = tpu.vector_load %arg11[%get3A_316, %get3A_317] {strides = array<i32>} : memref<64x128xf32, #tpu.memory_space<vmem>>, vector<1x16xf32>,
        %get3A_319 = vector.shape_cast %get3A_318 : vector<1x16xf32> to vector<16xf32>
        %mul3A_320 = arith.mulf %get3A_319, %get3A_278 : vector<16xf32>
        %add3A_321 = arith.addf %add3A_315, %mul3A_320 : vector<16xf32>
        %get3A_322 = arith.index_cast %add3A_298 : i32 to index
        %get3A_323 = arith.constant 64 : index
        %get3A_324 = tpu.vector_load %arg11[%get3A_322, %get3A_323] {strides = array<i32>} : memref<64x128xf32, #tpu.memory_space<vmem>>, vector<1x16xf32>,
        %get3A_325 = vector.shape_cast %get3A_324 : vector<1x16xf32> to vector<16xf32>
        %mul3A_326 = arith.mulf %get3A_325, %get3A_282 : vector<16xf32>
        %add3A_327 = arith.addf %add3A_321, %mul3A_326 : vector<16xf32>
        %get3A_328 = arith.index_cast %add3A_298 : i32 to index
        %get3A_329 = arith.constant 80 : index
        %get3A_330 = tpu.vector_load %arg11[%get3A_328, %get3A_329] {strides = array<i32>} : memref<64x128xf32, #tpu.memory_space<vmem>>, vector<1x16xf32>,
        %get3A_331 = vector.shape_cast %get3A_330 : vector<1x16xf32> to vector<16xf32>
        %mul3A_332 = arith.mulf %get3A_331, %get3A_286 : vector<16xf32>
        %add3A_333 = arith.addf %add3A_327, %mul3A_332 : vector<16xf32>
        %get3A_334 = arith.index_cast %add3A_298 : i32 to index
        %get3A_335 = arith.constant 96 : index
        %get3A_336 = tpu.vector_load %arg11[%get3A_334, %get3A_335] {strides = array<i32>} : memref<64x128xf32, #tpu.memory_space<vmem>>, vector<1x16xf32>,
        %get3A_337 = vector.shape_cast %get3A_336 : vector<1x16xf32> to vector<16xf32>
        %mul3A_338 = arith.mulf %get3A_337, %get3A_290 : vector<16xf32>
        %add3A_339 = arith.addf %add3A_333, %mul3A_338 : vector<16xf32>
        %get3A_340 = arith.index_cast %add3A_298 : i32 to index
        %get3A_341 = arith.constant 112 : index
        %get3A_342 = tpu.vector_load %arg11[%get3A_340, %get3A_341] {strides = array<i32>} : memref<64x128xf32, #tpu.memory_space<vmem>>, vector<1x16xf32>,
        %get3A_343 = vector.shape_cast %get3A_342 : vector<1x16xf32> to vector<16xf32>
        %mul3A_344 = arith.mulf %get3A_343, %get3A_294 : vector<16xf32>
        %add3A_345 = arith.addf %add3A_339, %mul3A_344 : vector<16xf32>
        %mul3A_346 = arith.constant 16 : i32
        %mul3A_347 = arith.muli %scan3A_260, %mul3A_346 : i32
        %add3A_348 = arith.constant 1 : i32
        %add3A_349 = arith.addi %mul3A_347, %add3A_348 : i32
        %get3A_350 = arith.index_cast %add3A_349 : i32 to index
        %get3A_351 = arith.constant 0 : index
        %get3A_352 = tpu.vector_load %arg11[%get3A_350, %get3A_351] {strides = array<i32>} : memref<64x128xf32, #tpu.memory_space<vmem>>, vector<1x16xf32>,
        %get3A_353 = vector.shape_cast %get3A_352 : vector<1x16xf32> to vector<16xf32>
        %mul3A_354 = arith.mulf %get3A_353, %get3A_266 : vector<16xf32>
        %get3A_355 = arith.index_cast %add3A_349 : i32 to index
        %get3A_356 = arith.constant 16 : index
        %get3A_357 = tpu.vector_load %arg11[%get3A_355, %get3A_356] {strides = array<i32>} : memref<64x128xf32, #tpu.memory_space<vmem>>, vector<1x16xf32>,
        %get3A_358 = vector.shape_cast %get3A_357 : vector<1x16xf32> to vector<16xf32>
        %mul3A_359 = arith.mulf %get3A_358, %get3A_270 : vector<16xf32>
        %add3A_360 = arith.addf %mul3A_354, %mul3A_359 : vector<16xf32>
        %get3A_361 = arith.index_cast %add3A_349 : i32 to index
        %get3A_362 = arith.constant 32 : index
        %get3A_363 = tpu.vector_load %arg11[%get3A_361, %get3A_362] {strides = array<i32>} : memref<64x128xf32, #tpu.memory_space<vmem>>, vector<1x16xf32>,
        %get3A_364 = vector.shape_cast %get3A_363 : vector<1x16xf32> to vector<16xf32>
        %mul3A_365 = arith.mulf %get3A_364, %get3A_274 : vector<16xf32>
        %add3A_366 = arith.addf %add3A_360, %mul3A_365 : vector<16xf32>
        %get3A_367 = arith.index_cast %add3A_349 : i32 to index
        %get3A_368 = arith.constant 48 : index
        %get3A_369 = tpu.vector_load %arg11[%get3A_367, %get3A_368] {strides = array<i32>} : memref<64x128xf32, #tpu.memory_space<vmem>>, vector<1x16xf32>,
        %get3A_370 = vector.shape_cast %get3A_369 : vector<1x16xf32> to vector<16xf32>
        %mul3A_371 = arith.mulf %get3A_370, %get3A_278 : vector<16xf32>
        %add3A_372 = arith.addf %add3A_366, %mul3A_371 : vector<16xf32>
        %get3A_373 = arith.index_cast %add3A_349 : i32 to index
        %get3A_374 = arith.constant 64 : index
        %get3A_375 = tpu.vector_load %arg11[%get3A_373, %get3A_374] {strides = array<i32>} : memref<64x128xf32, #tpu.memory_space<vmem>>, vector<1x16xf32>,
        %get3A_376 = vector.shape_cast %get3A_375 : vector<1x16xf32> to vector<16xf32>
        %mul3A_377 = arith.mulf %get3A_376, %get3A_282 : vector<16xf32>
        %add3A_378 = arith.addf %add3A_372, %mul3A_377 : vector<16xf32>
        %get3A_379 = arith.index_cast %add3A_349 : i32 to index
        %get3A_380 = arith.constant 80 : index
        %get3A_381 = tpu.vector_load %arg11[%get3A_379, %get3A_380] {strides = array<i32>} : memref<64x128xf32, #tpu.memory_space<vmem>>, vector<1x16xf32>,
        %get3A_382 = vector.shape_cast %get3A_381 : vector<1x16xf32> to vector<16xf32>
        %mul3A_383 = arith.mulf %get3A_382, %get3A_286 : vector<16xf32>
        %add3A_384 = arith.addf %add3A_378, %mul3A_383 : vector<16xf32>
        %get3A_385 = arith.index_cast %add3A_349 : i32 to index
        %get3A_386 = arith.constant 96 : index
        %get3A_387 = tpu.vector_load %arg11[%get3A_385, %get3A_386] {strides = array<i32>} : memref<64x128xf32, #tpu.memory_space<vmem>>, vector<1x16xf32>,
        %get3A_388 = vector.shape_cast %get3A_387 : vector<1x16xf32> to vector<16xf32>
        %mul3A_389 = arith.mulf %get3A_388, %get3A_290 : vector<16xf32>
        %add3A_390 = arith.addf %add3A_384, %mul3A_389 : vector<16xf32>
        %get3A_391 = arith.index_cast %add3A_349 : i32 to index
        %get3A_392 = arith.constant 112 : index
        %get3A_393 = tpu.vector_load %arg11[%get3A_391, %get3A_392] {strides = array<i32>} : memref<64x128xf32, #tpu.memory_space<vmem>>, vector<1x16xf32>,
        %get3A_394 = vector.shape_cast %get3A_393 : vector<1x16xf32> to vector<16xf32>
        %mul3A_395 = arith.mulf %get3A_394, %get3A_294 : vector<16xf32>
        %add3A_396 = arith.addf %add3A_390, %mul3A_395 : vector<16xf32>
        %mul3A_397 = arith.constant 16 : i32
        %mul3A_398 = arith.muli %scan3A_260, %mul3A_397 : i32
        %add3A_399 = arith.constant 2 : i32
        %add3A_400 = arith.addi %mul3A_398, %add3A_399 : i32
        %get3A_401 = arith.index_cast %add3A_400 : i32 to index
        %get3A_402 = arith.constant 0 : index
        %get3A_403 = tpu.vector_load %arg11[%get3A_401, %get3A_402] {strides = array<i32>} : memref<64x128xf32, #tpu.memory_space<vmem>>, vector<1x16xf32>,
        %get3A_404 = vector.shape_cast %get3A_403 : vector<1x16xf32> to vector<16xf32>
        %mul3A_405 = arith.mulf %get3A_404, %get3A_266 : vector<16xf32>
        %get3A_406 = arith.index_cast %add3A_400 : i32 to index
        %get3A_407 = arith.constant 16 : index
        %get3A_408 = tpu.vector_load %arg11[%get3A_406, %get3A_407] {strides = array<i32>} : memref<64x128xf32, #tpu.memory_space<vmem>>, vector<1x16xf32>,
        %get3A_409 = vector.shape_cast %get3A_408 : vector<1x16xf32> to vector<16xf32>
        %mul3A_410 = arith.mulf %get3A_409, %get3A_270 : vector<16xf32>
        %add3A_411 = arith.addf %mul3A_405, %mul3A_410 : vector<16xf32>
        %get3A_412 = arith.index_cast %add3A_400 : i32 to index
        %get3A_413 = arith.constant 32 : index
        %get3A_414 = tpu.vector_load %arg11[%get3A_412, %get3A_413] {strides = array<i32>} : memref<64x128xf32, #tpu.memory_space<vmem>>, vector<1x16xf32>,
        %get3A_415 = vector.shape_cast %get3A_414 : vector<1x16xf32> to vector<16xf32>
        %mul3A_416 = arith.mulf %get3A_415, %get3A_274 : vector<16xf32>
        %add3A_417 = arith.addf %add3A_411, %mul3A_416 : vector<16xf32>
        %get3A_418 = arith.index_cast %add3A_400 : i32 to index
        %get3A_419 = arith.constant 48 : index
        %get3A_420 = tpu.vector_load %arg11[%get3A_418, %get3A_419] {strides = array<i32>} : memref<64x128xf32, #tpu.memory_space<vmem>>, vector<1x16xf32>,
        %get3A_421 = vector.shape_cast %get3A_420 : vector<1x16xf32> to vector<16xf32>
        %mul3A_422 = arith.mulf %get3A_421, %get3A_278 : vector<16xf32>
        %add3A_423 = arith.addf %add3A_417, %mul3A_422 : vector<16xf32>
        %get3A_424 = arith.index_cast %add3A_400 : i32 to index
        %get3A_425 = arith.constant 64 : index
        %get3A_426 = tpu.vector_load %arg11[%get3A_424, %get3A_425] {strides = array<i32>} : memref<64x128xf32, #tpu.memory_space<vmem>>, vector<1x16xf32>,
        %get3A_427 = vector.shape_cast %get3A_426 : vector<1x16xf32> to vector<16xf32>
        %mul3A_428 = arith.mulf %get3A_427, %get3A_282 : vector<16xf32>
        %add3A_429 = arith.addf %add3A_423, %mul3A_428 : vector<16xf32>
        %get3A_430 = arith.index_cast %add3A_400 : i32 to index
        %get3A_431 = arith.constant 80 : index
        %get3A_432 = tpu.vector_load %arg11[%get3A_430, %get3A_431] {strides = array<i32>} : memref<64x128xf32, #tpu.memory_space<vmem>>, vector<1x16xf32>,
        %get3A_433 = vector.shape_cast %get3A_432 : vector<1x16xf32> to vector<16xf32>
        %mul3A_434 = arith.mulf %get3A_433, %get3A_286 : vector<16xf32>
        %add3A_435 = arith.addf %add3A_429, %mul3A_434 : vector<16xf32>
        %get3A_436 = arith.index_cast %add3A_400 : i32 to index
        %get3A_437 = arith.constant 96 : index
        %get3A_438 = tpu.vector_load %arg11[%get3A_436, %get3A_437] {strides = array<i32>} : memref<64x128xf32, #tpu.memory_space<vmem>>, vector<1x16xf32>,
        %get3A_439 = vector.shape_cast %get3A_438 : vector<1x16xf32> to vector<16xf32>
        %mul3A_440 = arith.mulf %get3A_439, %get3A_290 : vector<16xf32>
        %add3A_441 = arith.addf %add3A_435, %mul3A_440 : vector<16xf32>
        %get3A_442 = arith.index_cast %add3A_400 : i32 to index
        %get3A_443 = arith.constant 112 : index
        %get3A_444 = tpu.vector_load %arg11[%get3A_442, %get3A_443] {strides = array<i32>} : memref<64x128xf32, #tpu.memory_space<vmem>>, vector<1x16xf32>,
        %get3A_445 = vector.shape_cast %get3A_444 : vector<1x16xf32> to vector<16xf32>
        %mul3A_446 = arith.mulf %get3A_445, %get3A_294 : vector<16xf32>
        %add3A_447 = arith.addf %add3A_441, %mul3A_446 : vector<16xf32>
        %mul3A_448 = arith.constant 16 : i32
        %mul3A_449 = arith.muli %scan3A_260, %mul3A_448 : i32
        %add3A_450 = arith.constant 3 : i32
        %add3A_451 = arith.addi %mul3A_449, %add3A_450 : i32
        %get3A_452 = arith.index_cast %add3A_451 : i32 to index
        %get3A_453 = arith.constant 0 : index
        %get3A_454 = tpu.vector_load %arg11[%get3A_452, %get3A_453] {strides = array<i32>} : memref<64x128xf32, #tpu.memory_space<vmem>>, vector<1x16xf32>,
        %get3A_455 = vector.shape_cast %get3A_454 : vector<1x16xf32> to vector<16xf32>
        %mul3A_456 = arith.mulf %get3A_455, %get3A_266 : vector<16xf32>
        %get3A_457 = arith.index_cast %add3A_451 : i32 to index
        %get3A_458 = arith.constant 16 : index
        %get3A_459 = tpu.vector_load %arg11[%get3A_457, %get3A_458] {strides = array<i32>} : memref<64x128xf32, #tpu.memory_space<vmem>>, vector<1x16xf32>,
        %get3A_460 = vector.shape_cast %get3A_459 : vector<1x16xf32> to vector<16xf32>
        %mul3A_461 = arith.mulf %get3A_460, %get3A_270 : vector<16xf32>
        %add3A_462 = arith.addf %mul3A_456, %mul3A_461 : vector<16xf32>
        %get3A_463 = arith.index_cast %add3A_451 : i32 to index
        %get3A_464 = arith.constant 32 : index
        %get3A_465 = tpu.vector_load %arg11[%get3A_463, %get3A_464] {strides = array<i32>} : memref<64x128xf32, #tpu.memory_space<vmem>>, vector<1x16xf32>,
        %get3A_466 = vector.shape_cast %get3A_465 : vector<1x16xf32> to vector<16xf32>
        %mul3A_467 = arith.mulf %get3A_466, %get3A_274 : vector<16xf32>
        %add3A_468 = arith.addf %add3A_462, %mul3A_467 : vector<16xf32>
        %get3A_469 = arith.index_cast %add3A_451 : i32 to index
        %get3A_470 = arith.constant 48 : index
        %get3A_471 = tpu.vector_load %arg11[%get3A_469, %get3A_470] {strides = array<i32>} : memref<64x128xf32, #tpu.memory_space<vmem>>, vector<1x16xf32>,
        %get3A_472 = vector.shape_cast %get3A_471 : vector<1x16xf32> to vector<16xf32>
        %mul3A_473 = arith.mulf %get3A_472, %get3A_278 : vector<16xf32>
        %add3A_474 = arith.addf %add3A_468, %mul3A_473 : vector<16xf32>
        %get3A_475 = arith.index_cast %add3A_451 : i32 to index
        %get3A_476 = arith.constant 64 : index
        %get3A_477 = tpu.vector_load %arg11[%get3A_475, %get3A_476] {strides = array<i32>} : memref<64x128xf32, #tpu.memory_space<vmem>>, vector<1x16xf32>,
        %get3A_478 = vector.shape_cast %get3A_477 : vector<1x16xf32> to vector<16xf32>
        %mul3A_479 = arith.mulf %get3A_478, %get3A_282 : vector<16xf32>
        %add3A_480 = arith.addf %add3A_474, %mul3A_479 : vector<16xf32>
        %get3A_481 = arith.index_cast %add3A_451 : i32 to index
        %get3A_482 = arith.constant 80 : index
        %get3A_483 = tpu.vector_load %arg11[%get3A_481, %get3A_482] {strides = array<i32>} : memref<64x128xf32, #tpu.memory_space<vmem>>, vector<1x16xf32>,
        %get3A_484 = vector.shape_cast %get3A_483 : vector<1x16xf32> to vector<16xf32>
        %mul3A_485 = arith.mulf %get3A_484, %get3A_286 : vector<16xf32>
        %add3A_486 = arith.addf %add3A_480, %mul3A_485 : vector<16xf32>
        %get3A_487 = arith.index_cast %add3A_451 : i32 to index
        %get3A_488 = arith.constant 96 : index
        %get3A_489 = tpu.vector_load %arg11[%get3A_487, %get3A_488] {strides = array<i32>} : memref<64x128xf32, #tpu.memory_space<vmem>>, vector<1x16xf32>,
        %get3A_490 = vector.shape_cast %get3A_489 : vector<1x16xf32> to vector<16xf32>
        %mul3A_491 = arith.mulf %get3A_490, %get3A_290 : vector<16xf32>
        %add3A_492 = arith.addf %add3A_486, %mul3A_491 : vector<16xf32>
        %get3A_493 = arith.index_cast %add3A_451 : i32 to index
        %get3A_494 = arith.constant 112 : index
        %get3A_495 = tpu.vector_load %arg11[%get3A_493, %get3A_494] {strides = array<i32>} : memref<64x128xf32, #tpu.memory_space<vmem>>, vector<1x16xf32>,
        %get3A_496 = vector.shape_cast %get3A_495 : vector<1x16xf32> to vector<16xf32>
        %mul3A_497 = arith.mulf %get3A_496, %get3A_294 : vector<16xf32>
        %add3A_498 = arith.addf %add3A_492, %mul3A_497 : vector<16xf32>
        %mul3A_499 = arith.constant 16 : i32
        %mul3A_500 = arith.muli %scan3A_260, %mul3A_499 : i32
        %add3A_501 = arith.constant 4 : i32
        %add3A_502 = arith.addi %mul3A_500, %add3A_501 : i32
        %get3A_503 = arith.index_cast %add3A_502 : i32 to index
        %get3A_504 = arith.constant 0 : index
        %get3A_505 = tpu.vector_load %arg11[%get3A_503, %get3A_504] {strides = array<i32>} : memref<64x128xf32, #tpu.memory_space<vmem>>, vector<1x16xf32>,
        %get3A_506 = vector.shape_cast %get3A_505 : vector<1x16xf32> to vector<16xf32>
        %mul3A_507 = arith.mulf %get3A_506, %get3A_266 : vector<16xf32>
        %get3A_508 = arith.index_cast %add3A_502 : i32 to index
        %get3A_509 = arith.constant 16 : index
        %get3A_510 = tpu.vector_load %arg11[%get3A_508, %get3A_509] {strides = array<i32>} : memref<64x128xf32, #tpu.memory_space<vmem>>, vector<1x16xf32>,
        %get3A_511 = vector.shape_cast %get3A_510 : vector<1x16xf32> to vector<16xf32>
        %mul3A_512 = arith.mulf %get3A_511, %get3A_270 : vector<16xf32>
        %add3A_513 = arith.addf %mul3A_507, %mul3A_512 : vector<16xf32>
        %get3A_514 = arith.index_cast %add3A_502 : i32 to index
        %get3A_515 = arith.constant 32 : index
        %get3A_516 = tpu.vector_load %arg11[%get3A_514, %get3A_515] {strides = array<i32>} : memref<64x128xf32, #tpu.memory_space<vmem>>, vector<1x16xf32>,
        %get3A_517 = vector.shape_cast %get3A_516 : vector<1x16xf32> to vector<16xf32>
        %mul3A_518 = arith.mulf %get3A_517, %get3A_274 : vector<16xf32>
        %add3A_519 = arith.addf %add3A_513, %mul3A_518 : vector<16xf32>
        %get3A_520 = arith.index_cast %add3A_502 : i32 to index
        %get3A_521 = arith.constant 48 : index
        %get3A_522 = tpu.vector_load %arg11[%get3A_520, %get3A_521] {strides = array<i32>} : memref<64x128xf32, #tpu.memory_space<vmem>>, vector<1x16xf32>,
        %get3A_523 = vector.shape_cast %get3A_522 : vector<1x16xf32> to vector<16xf32>
        %mul3A_524 = arith.mulf %get3A_523, %get3A_278 : vector<16xf32>
        %add3A_525 = arith.addf %add3A_519, %mul3A_524 : vector<16xf32>
        %get3A_526 = arith.index_cast %add3A_502 : i32 to index
        %get3A_527 = arith.constant 64 : index
        %get3A_528 = tpu.vector_load %arg11[%get3A_526, %get3A_527] {strides = array<i32>} : memref<64x128xf32, #tpu.memory_space<vmem>>, vector<1x16xf32>,
        %get3A_529 = vector.shape_cast %get3A_528 : vector<1x16xf32> to vector<16xf32>
        %mul3A_530 = arith.mulf %get3A_529, %get3A_282 : vector<16xf32>
        %add3A_531 = arith.addf %add3A_525, %mul3A_530 : vector<16xf32>
        %get3A_532 = arith.index_cast %add3A_502 : i32 to index
        %get3A_533 = arith.constant 80 : index
        %get3A_534 = tpu.vector_load %arg11[%get3A_532, %get3A_533] {strides = array<i32>} : memref<64x128xf32, #tpu.memory_space<vmem>>, vector<1x16xf32>,
        %get3A_535 = vector.shape_cast %get3A_534 : vector<1x16xf32> to vector<16xf32>
        %mul3A_536 = arith.mulf %get3A_535, %get3A_286 : vector<16xf32>
        %add3A_537 = arith.addf %add3A_531, %mul3A_536 : vector<16xf32>
        %get3A_538 = arith.index_cast %add3A_502 : i32 to index
        %get3A_539 = arith.constant 96 : index
        %get3A_540 = tpu.vector_load %arg11[%get3A_538, %get3A_539] {strides = array<i32>} : memref<64x128xf32, #tpu.memory_space<vmem>>, vector<1x16xf32>,
        %get3A_541 = vector.shape_cast %get3A_540 : vector<1x16xf32> to vector<16xf32>
        %mul3A_542 = arith.mulf %get3A_541, %get3A_290 : vector<16xf32>
        %add3A_543 = arith.addf %add3A_537, %mul3A_542 : vector<16xf32>
        %get3A_544 = arith.index_cast %add3A_502 : i32 to index
        %get3A_545 = arith.constant 112 : index
        %get3A_546 = tpu.vector_load %arg11[%get3A_544, %get3A_545] {strides = array<i32>} : memref<64x128xf32, #tpu.memory_space<vmem>>, vector<1x16xf32>,
        %get3A_547 = vector.shape_cast %get3A_546 : vector<1x16xf32> to vector<16xf32>
        %mul3A_548 = arith.mulf %get3A_547, %get3A_294 : vector<16xf32>
        %add3A_549 = arith.addf %add3A_543, %mul3A_548 : vector<16xf32>
        %mul3A_550 = arith.constant 16 : i32
        %mul3A_551 = arith.muli %scan3A_260, %mul3A_550 : i32
        %add3A_552 = arith.constant 5 : i32
        %add3A_553 = arith.addi %mul3A_551, %add3A_552 : i32
        %get3A_554 = arith.index_cast %add3A_553 : i32 to index
        %get3A_555 = arith.constant 0 : index
        %get3A_556 = tpu.vector_load %arg11[%get3A_554, %get3A_555] {strides = array<i32>} : memref<64x128xf32, #tpu.memory_space<vmem>>, vector<1x16xf32>,
        %get3A_557 = vector.shape_cast %get3A_556 : vector<1x16xf32> to vector<16xf32>
        %mul3A_558 = arith.mulf %get3A_557, %get3A_266 : vector<16xf32>
        %get3A_559 = arith.index_cast %add3A_553 : i32 to index
        %get3A_560 = arith.constant 16 : index
        %get3A_561 = tpu.vector_load %arg11[%get3A_559, %get3A_560] {strides = array<i32>} : memref<64x128xf32, #tpu.memory_space<vmem>>, vector<1x16xf32>,
        %get3A_562 = vector.shape_cast %get3A_561 : vector<1x16xf32> to vector<16xf32>
        %mul3A_563 = arith.mulf %get3A_562, %get3A_270 : vector<16xf32>
        %add3A_564 = arith.addf %mul3A_558, %mul3A_563 : vector<16xf32>
        %get3A_565 = arith.index_cast %add3A_553 : i32 to index
        %get3A_566 = arith.constant 32 : index
        %get3A_567 = tpu.vector_load %arg11[%get3A_565, %get3A_566] {strides = array<i32>} : memref<64x128xf32, #tpu.memory_space<vmem>>, vector<1x16xf32>,
        %get3A_568 = vector.shape_cast %get3A_567 : vector<1x16xf32> to vector<16xf32>
        %mul3A_569 = arith.mulf %get3A_568, %get3A_274 : vector<16xf32>
        %add3A_570 = arith.addf %add3A_564, %mul3A_569 : vector<16xf32>
        %get3A_571 = arith.index_cast %add3A_553 : i32 to index
        %get3A_572 = arith.constant 48 : index
        %get3A_573 = tpu.vector_load %arg11[%get3A_571, %get3A_572] {strides = array<i32>} : memref<64x128xf32, #tpu.memory_space<vmem>>, vector<1x16xf32>,
        %get3A_574 = vector.shape_cast %get3A_573 : vector<1x16xf32> to vector<16xf32>
        %mul3A_575 = arith.mulf %get3A_574, %get3A_278 : vector<16xf32>
        %add3A_576 = arith.addf %add3A_570, %mul3A_575 : vector<16xf32>
        %get3A_577 = arith.index_cast %add3A_553 : i32 to index
        %get3A_578 = arith.constant 64 : index
        %get3A_579 = tpu.vector_load %arg11[%get3A_577, %get3A_578] {strides = array<i32>} : memref<64x128xf32, #tpu.memory_space<vmem>>, vector<1x16xf32>,
        %get3A_580 = vector.shape_cast %get3A_579 : vector<1x16xf32> to vector<16xf32>
        %mul3A_581 = arith.mulf %get3A_580, %get3A_282 : vector<16xf32>
        %add3A_582 = arith.addf %add3A_576, %mul3A_581 : vector<16xf32>
        %get3A_583 = arith.index_cast %add3A_553 : i32 to index
        %get3A_584 = arith.constant 80 : index
        %get3A_585 = tpu.vector_load %arg11[%get3A_583, %get3A_584] {strides = array<i32>} : memref<64x128xf32, #tpu.memory_space<vmem>>, vector<1x16xf32>,
        %get3A_586 = vector.shape_cast %get3A_585 : vector<1x16xf32> to vector<16xf32>
        %mul3A_587 = arith.mulf %get3A_586, %get3A_286 : vector<16xf32>
        %add3A_588 = arith.addf %add3A_582, %mul3A_587 : vector<16xf32>
        %get3A_589 = arith.index_cast %add3A_553 : i32 to index
        %get3A_590 = arith.constant 96 : index
        %get3A_591 = tpu.vector_load %arg11[%get3A_589, %get3A_590] {strides = array<i32>} : memref<64x128xf32, #tpu.memory_space<vmem>>, vector<1x16xf32>,
        %get3A_592 = vector.shape_cast %get3A_591 : vector<1x16xf32> to vector<16xf32>
        %mul3A_593 = arith.mulf %get3A_592, %get3A_290 : vector<16xf32>
        %add3A_594 = arith.addf %add3A_588, %mul3A_593 : vector<16xf32>
        %get3A_595 = arith.index_cast %add3A_553 : i32 to index
        %get3A_596 = arith.constant 112 : index
        %get3A_597 = tpu.vector_load %arg11[%get3A_595, %get3A_596] {strides = array<i32>} : memref<64x128xf32, #tpu.memory_space<vmem>>, vector<1x16xf32>,
        %get3A_598 = vector.shape_cast %get3A_597 : vector<1x16xf32> to vector<16xf32>
        %mul3A_599 = arith.mulf %get3A_598, %get3A_294 : vector<16xf32>
        %add3A_600 = arith.addf %add3A_594, %mul3A_599 : vector<16xf32>
        %mul3A_601 = arith.constant 16 : i32
        %mul3A_602 = arith.muli %scan3A_260, %mul3A_601 : i32
        %add3A_603 = arith.constant 6 : i32
        %add3A_604 = arith.addi %mul3A_602, %add3A_603 : i32
        %get3A_605 = arith.index_cast %add3A_604 : i32 to index
        %get3A_606 = arith.constant 0 : index
        %get3A_607 = tpu.vector_load %arg11[%get3A_605, %get3A_606] {strides = array<i32>} : memref<64x128xf32, #tpu.memory_space<vmem>>, vector<1x16xf32>,
        %get3A_608 = vector.shape_cast %get3A_607 : vector<1x16xf32> to vector<16xf32>
        %mul3A_609 = arith.mulf %get3A_608, %get3A_266 : vector<16xf32>
        %get3A_610 = arith.index_cast %add3A_604 : i32 to index
        %get3A_611 = arith.constant 16 : index
        %get3A_612 = tpu.vector_load %arg11[%get3A_610, %get3A_611] {strides = array<i32>} : memref<64x128xf32, #tpu.memory_space<vmem>>, vector<1x16xf32>,
        %get3A_613 = vector.shape_cast %get3A_612 : vector<1x16xf32> to vector<16xf32>
        %mul3A_614 = arith.mulf %get3A_613, %get3A_270 : vector<16xf32>
        %add3A_615 = arith.addf %mul3A_609, %mul3A_614 : vector<16xf32>
        %get3A_616 = arith.index_cast %add3A_604 : i32 to index
        %get3A_617 = arith.constant 32 : index
        %get3A_618 = tpu.vector_load %arg11[%get3A_616, %get3A_617] {strides = array<i32>} : memref<64x128xf32, #tpu.memory_space<vmem>>, vector<1x16xf32>,
        %get3A_619 = vector.shape_cast %get3A_618 : vector<1x16xf32> to vector<16xf32>
        %mul3A_620 = arith.mulf %get3A_619, %get3A_274 : vector<16xf32>
        %add3A_621 = arith.addf %add3A_615, %mul3A_620 : vector<16xf32>
        %get3A_622 = arith.index_cast %add3A_604 : i32 to index
        %get3A_623 = arith.constant 48 : index
        %get3A_624 = tpu.vector_load %arg11[%get3A_622, %get3A_623] {strides = array<i32>} : memref<64x128xf32, #tpu.memory_space<vmem>>, vector<1x16xf32>,
        %get3A_625 = vector.shape_cast %get3A_624 : vector<1x16xf32> to vector<16xf32>
        %mul3A_626 = arith.mulf %get3A_625, %get3A_278 : vector<16xf32>
        %add3A_627 = arith.addf %add3A_621, %mul3A_626 : vector<16xf32>
        %get3A_628 = arith.index_cast %add3A_604 : i32 to index
        %get3A_629 = arith.constant 64 : index
        %get3A_630 = tpu.vector_load %arg11[%get3A_628, %get3A_629] {strides = array<i32>} : memref<64x128xf32, #tpu.memory_space<vmem>>, vector<1x16xf32>,
        %get3A_631 = vector.shape_cast %get3A_630 : vector<1x16xf32> to vector<16xf32>
        %mul3A_632 = arith.mulf %get3A_631, %get3A_282 : vector<16xf32>
        %add3A_633 = arith.addf %add3A_627, %mul3A_632 : vector<16xf32>
        %get3A_634 = arith.index_cast %add3A_604 : i32 to index
        %get3A_635 = arith.constant 80 : index
        %get3A_636 = tpu.vector_load %arg11[%get3A_634, %get3A_635] {strides = array<i32>} : memref<64x128xf32, #tpu.memory_space<vmem>>, vector<1x16xf32>,
        %get3A_637 = vector.shape_cast %get3A_636 : vector<1x16xf32> to vector<16xf32>
        %mul3A_638 = arith.mulf %get3A_637, %get3A_286 : vector<16xf32>
        %add3A_639 = arith.addf %add3A_633, %mul3A_638 : vector<16xf32>
        %get3A_640 = arith.index_cast %add3A_604 : i32 to index
        %get3A_641 = arith.constant 96 : index
        %get3A_642 = tpu.vector_load %arg11[%get3A_640, %get3A_641] {strides = array<i32>} : memref<64x128xf32, #tpu.memory_space<vmem>>, vector<1x16xf32>,
        %get3A_643 = vector.shape_cast %get3A_642 : vector<1x16xf32> to vector<16xf32>
        %mul3A_644 = arith.mulf %get3A_643, %get3A_290 : vector<16xf32>
        %add3A_645 = arith.addf %add3A_639, %mul3A_644 : vector<16xf32>
        %get3A_646 = arith.index_cast %add3A_604 : i32 to index
        %get3A_647 = arith.constant 112 : index
        %get3A_648 = tpu.vector_load %arg11[%get3A_646, %get3A_647] {strides = array<i32>} : memref<64x128xf32, #tpu.memory_space<vmem>>, vector<1x16xf32>,
        %get3A_649 = vector.shape_cast %get3A_648 : vector<1x16xf32> to vector<16xf32>
        %mul3A_650 = arith.mulf %get3A_649, %get3A_294 : vector<16xf32>
        %add3A_651 = arith.addf %add3A_645, %mul3A_650 : vector<16xf32>
        %mul3A_652 = arith.constant 16 : i32
        %mul3A_653 = arith.muli %scan3A_260, %mul3A_652 : i32
        %add3A_654 = arith.constant 7 : i32
        %add3A_655 = arith.addi %mul3A_653, %add3A_654 : i32
        %get3A_656 = arith.index_cast %add3A_655 : i32 to index
        %get3A_657 = arith.constant 0 : index
        %get3A_658 = tpu.vector_load %arg11[%get3A_656, %get3A_657] {strides = array<i32>} : memref<64x128xf32, #tpu.memory_space<vmem>>, vector<1x16xf32>,
        %get3A_659 = vector.shape_cast %get3A_658 : vector<1x16xf32> to vector<16xf32>
        %mul3A_660 = arith.mulf %get3A_659, %get3A_266 : vector<16xf32>
        %get3A_661 = arith.index_cast %add3A_655 : i32 to index
        %get3A_662 = arith.constant 16 : index
        %get3A_663 = tpu.vector_load %arg11[%get3A_661, %get3A_662] {strides = array<i32>} : memref<64x128xf32, #tpu.memory_space<vmem>>, vector<1x16xf32>,
        %get3A_664 = vector.shape_cast %get3A_663 : vector<1x16xf32> to vector<16xf32>
        %mul3A_665 = arith.mulf %get3A_664, %get3A_270 : vector<16xf32>
        %add3A_666 = arith.addf %mul3A_660, %mul3A_665 : vector<16xf32>
        %get3A_667 = arith.index_cast %add3A_655 : i32 to index
        %get3A_668 = arith.constant 32 : index
        %get3A_669 = tpu.vector_load %arg11[%get3A_667, %get3A_668] {strides = array<i32>} : memref<64x128xf32, #tpu.memory_space<vmem>>, vector<1x16xf32>,
        %get3A_670 = vector.shape_cast %get3A_669 : vector<1x16xf32> to vector<16xf32>
        %mul3A_671 = arith.mulf %get3A_670, %get3A_274 : vector<16xf32>
        %add3A_672 = arith.addf %add3A_666, %mul3A_671 : vector<16xf32>
        %get3A_673 = arith.index_cast %add3A_655 : i32 to index
        %get3A_674 = arith.constant 48 : index
        %get3A_675 = tpu.vector_load %arg11[%get3A_673, %get3A_674] {strides = array<i32>} : memref<64x128xf32, #tpu.memory_space<vmem>>, vector<1x16xf32>,
        %get3A_676 = vector.shape_cast %get3A_675 : vector<1x16xf32> to vector<16xf32>
        %mul3A_677 = arith.mulf %get3A_676, %get3A_278 : vector<16xf32>
        %add3A_678 = arith.addf %add3A_672, %mul3A_677 : vector<16xf32>
        %get3A_679 = arith.index_cast %add3A_655 : i32 to index
        %get3A_680 = arith.constant 64 : index
        %get3A_681 = tpu.vector_load %arg11[%get3A_679, %get3A_680] {strides = array<i32>} : memref<64x128xf32, #tpu.memory_space<vmem>>, vector<1x16xf32>,
        %get3A_682 = vector.shape_cast %get3A_681 : vector<1x16xf32> to vector<16xf32>
        %mul3A_683 = arith.mulf %get3A_682, %get3A_282 : vector<16xf32>
        %add3A_684 = arith.addf %add3A_678, %mul3A_683 : vector<16xf32>
        %get3A_685 = arith.index_cast %add3A_655 : i32 to index
        %get3A_686 = arith.constant 80 : index
        %get3A_687 = tpu.vector_load %arg11[%get3A_685, %get3A_686] {strides = array<i32>} : memref<64x128xf32, #tpu.memory_space<vmem>>, vector<1x16xf32>,
        %get3A_688 = vector.shape_cast %get3A_687 : vector<1x16xf32> to vector<16xf32>
        %mul3A_689 = arith.mulf %get3A_688, %get3A_286 : vector<16xf32>
        %add3A_690 = arith.addf %add3A_684, %mul3A_689 : vector<16xf32>
        %get3A_691 = arith.index_cast %add3A_655 : i32 to index
        %get3A_692 = arith.constant 96 : index
        %get3A_693 = tpu.vector_load %arg11[%get3A_691, %get3A_692] {strides = array<i32>} : memref<64x128xf32, #tpu.memory_space<vmem>>, vector<1x16xf32>,
        %get3A_694 = vector.shape_cast %get3A_693 : vector<1x16xf32> to vector<16xf32>
        %mul3A_695 = arith.mulf %get3A_694, %get3A_290 : vector<16xf32>
        %add3A_696 = arith.addf %add3A_690, %mul3A_695 : vector<16xf32>
        %get3A_697 = arith.index_cast %add3A_655 : i32 to index
        %get3A_698 = arith.constant 112 : index
        %get3A_699 = tpu.vector_load %arg11[%get3A_697, %get3A_698] {strides = array<i32>} : memref<64x128xf32, #tpu.memory_space<vmem>>, vector<1x16xf32>,
        %get3A_700 = vector.shape_cast %get3A_699 : vector<1x16xf32> to vector<16xf32>
        %mul3A_701 = arith.mulf %get3A_700, %get3A_294 : vector<16xf32>
        %add3A_702 = arith.addf %add3A_696, %mul3A_701 : vector<16xf32>
        %mul3A_703 = arith.constant 16 : i32
        %mul3A_704 = arith.muli %scan3A_260, %mul3A_703 : i32
        %add3A_705 = arith.constant 8 : i32
        %add3A_706 = arith.addi %mul3A_704, %add3A_705 : i32
        %get3A_707 = arith.index_cast %add3A_706 : i32 to index
        %get3A_708 = arith.constant 0 : index
        %get3A_709 = tpu.vector_load %arg11[%get3A_707, %get3A_708] {strides = array<i32>} : memref<64x128xf32, #tpu.memory_space<vmem>>, vector<1x16xf32>,
        %get3A_710 = vector.shape_cast %get3A_709 : vector<1x16xf32> to vector<16xf32>
        %mul3A_711 = arith.mulf %get3A_710, %get3A_266 : vector<16xf32>
        %get3A_712 = arith.index_cast %add3A_706 : i32 to index
        %get3A_713 = arith.constant 16 : index
        %get3A_714 = tpu.vector_load %arg11[%get3A_712, %get3A_713] {strides = array<i32>} : memref<64x128xf32, #tpu.memory_space<vmem>>, vector<1x16xf32>,
        %get3A_715 = vector.shape_cast %get3A_714 : vector<1x16xf32> to vector<16xf32>
        %mul3A_716 = arith.mulf %get3A_715, %get3A_270 : vector<16xf32>
        %add3A_717 = arith.addf %mul3A_711, %mul3A_716 : vector<16xf32>
        %get3A_718 = arith.index_cast %add3A_706 : i32 to index
        %get3A_719 = arith.constant 32 : index
        %get3A_720 = tpu.vector_load %arg11[%get3A_718, %get3A_719] {strides = array<i32>} : memref<64x128xf32, #tpu.memory_space<vmem>>, vector<1x16xf32>,
        %get3A_721 = vector.shape_cast %get3A_720 : vector<1x16xf32> to vector<16xf32>
        %mul3A_722 = arith.mulf %get3A_721, %get3A_274 : vector<16xf32>
        %add3A_723 = arith.addf %add3A_717, %mul3A_722 : vector<16xf32>
        %get3A_724 = arith.index_cast %add3A_706 : i32 to index
        %get3A_725 = arith.constant 48 : index
        %get3A_726 = tpu.vector_load %arg11[%get3A_724, %get3A_725] {strides = array<i32>} : memref<64x128xf32, #tpu.memory_space<vmem>>, vector<1x16xf32>,
        %get3A_727 = vector.shape_cast %get3A_726 : vector<1x16xf32> to vector<16xf32>
        %mul3A_728 = arith.mulf %get3A_727, %get3A_278 : vector<16xf32>
        %add3A_729 = arith.addf %add3A_723, %mul3A_728 : vector<16xf32>
        %get3A_730 = arith.index_cast %add3A_706 : i32 to index
        %get3A_731 = arith.constant 64 : index
        %get3A_732 = tpu.vector_load %arg11[%get3A_730, %get3A_731] {strides = array<i32>} : memref<64x128xf32, #tpu.memory_space<vmem>>, vector<1x16xf32>,
        %get3A_733 = vector.shape_cast %get3A_732 : vector<1x16xf32> to vector<16xf32>
        %mul3A_734 = arith.mulf %get3A_733, %get3A_282 : vector<16xf32>
        %add3A_735 = arith.addf %add3A_729, %mul3A_734 : vector<16xf32>
        %get3A_736 = arith.index_cast %add3A_706 : i32 to index
        %get3A_737 = arith.constant 80 : index
        %get3A_738 = tpu.vector_load %arg11[%get3A_736, %get3A_737] {strides = array<i32>} : memref<64x128xf32, #tpu.memory_space<vmem>>, vector<1x16xf32>,
        %get3A_739 = vector.shape_cast %get3A_738 : vector<1x16xf32> to vector<16xf32>
        %mul3A_740 = arith.mulf %get3A_739, %get3A_286 : vector<16xf32>
        %add3A_741 = arith.addf %add3A_735, %mul3A_740 : vector<16xf32>
        %get3A_742 = arith.index_cast %add3A_706 : i32 to index
        %get3A_743 = arith.constant 96 : index
        %get3A_744 = tpu.vector_load %arg11[%get3A_742, %get3A_743] {strides = array<i32>} : memref<64x128xf32, #tpu.memory_space<vmem>>, vector<1x16xf32>,
        %get3A_745 = vector.shape_cast %get3A_744 : vector<1x16xf32> to vector<16xf32>
        %mul3A_746 = arith.mulf %get3A_745, %get3A_290 : vector<16xf32>
        %add3A_747 = arith.addf %add3A_741, %mul3A_746 : vector<16xf32>
        %get3A_748 = arith.index_cast %add3A_706 : i32 to index
        %get3A_749 = arith.constant 112 : index
        %get3A_750 = tpu.vector_load %arg11[%get3A_748, %get3A_749] {strides = array<i32>} : memref<64x128xf32, #tpu.memory_space<vmem>>, vector<1x16xf32>,
        %get3A_751 = vector.shape_cast %get3A_750 : vector<1x16xf32> to vector<16xf32>
        %mul3A_752 = arith.mulf %get3A_751, %get3A_294 : vector<16xf32>
        %add3A_753 = arith.addf %add3A_747, %mul3A_752 : vector<16xf32>
        %mul3A_754 = arith.constant 16 : i32
        %mul3A_755 = arith.muli %scan3A_260, %mul3A_754 : i32
        %add3A_756 = arith.constant 9 : i32
        %add3A_757 = arith.addi %mul3A_755, %add3A_756 : i32
        %get3A_758 = arith.index_cast %add3A_757 : i32 to index
        %get3A_759 = arith.constant 0 : index
        %get3A_760 = tpu.vector_load %arg11[%get3A_758, %get3A_759] {strides = array<i32>} : memref<64x128xf32, #tpu.memory_space<vmem>>, vector<1x16xf32>,
        %get3A_761 = vector.shape_cast %get3A_760 : vector<1x16xf32> to vector<16xf32>
        %mul3A_762 = arith.mulf %get3A_761, %get3A_266 : vector<16xf32>
        %get3A_763 = arith.index_cast %add3A_757 : i32 to index
        %get3A_764 = arith.constant 16 : index
        %get3A_765 = tpu.vector_load %arg11[%get3A_763, %get3A_764] {strides = array<i32>} : memref<64x128xf32, #tpu.memory_space<vmem>>, vector<1x16xf32>,
        %get3A_766 = vector.shape_cast %get3A_765 : vector<1x16xf32> to vector<16xf32>
        %mul3A_767 = arith.mulf %get3A_766, %get3A_270 : vector<16xf32>
        %add3A_768 = arith.addf %mul3A_762, %mul3A_767 : vector<16xf32>
        %get3A_769 = arith.index_cast %add3A_757 : i32 to index
        %get3A_770 = arith.constant 32 : index
        %get3A_771 = tpu.vector_load %arg11[%get3A_769, %get3A_770] {strides = array<i32>} : memref<64x128xf32, #tpu.memory_space<vmem>>, vector<1x16xf32>,
        %get3A_772 = vector.shape_cast %get3A_771 : vector<1x16xf32> to vector<16xf32>
        %mul3A_773 = arith.mulf %get3A_772, %get3A_274 : vector<16xf32>
        %add3A_774 = arith.addf %add3A_768, %mul3A_773 : vector<16xf32>
        %get3A_775 = arith.index_cast %add3A_757 : i32 to index
        %get3A_776 = arith.constant 48 : index
        %get3A_777 = tpu.vector_load %arg11[%get3A_775, %get3A_776] {strides = array<i32>} : memref<64x128xf32, #tpu.memory_space<vmem>>, vector<1x16xf32>,
        %get3A_778 = vector.shape_cast %get3A_777 : vector<1x16xf32> to vector<16xf32>
        %mul3A_779 = arith.mulf %get3A_778, %get3A_278 : vector<16xf32>
        %add3A_780 = arith.addf %add3A_774, %mul3A_779 : vector<16xf32>
        %get3A_781 = arith.index_cast %add3A_757 : i32 to index
        %get3A_782 = arith.constant 64 : index
        %get3A_783 = tpu.vector_load %arg11[%get3A_781, %get3A_782] {strides = array<i32>} : memref<64x128xf32, #tpu.memory_space<vmem>>, vector<1x16xf32>,
        %get3A_784 = vector.shape_cast %get3A_783 : vector<1x16xf32> to vector<16xf32>
        %mul3A_785 = arith.mulf %get3A_784, %get3A_282 : vector<16xf32>
        %add3A_786 = arith.addf %add3A_780, %mul3A_785 : vector<16xf32>
        %get3A_787 = arith.index_cast %add3A_757 : i32 to index
        %get3A_788 = arith.constant 80 : index
        %get3A_789 = tpu.vector_load %arg11[%get3A_787, %get3A_788] {strides = array<i32>} : memref<64x128xf32, #tpu.memory_space<vmem>>, vector<1x16xf32>,
        %get3A_790 = vector.shape_cast %get3A_789 : vector<1x16xf32> to vector<16xf32>
        %mul3A_791 = arith.mulf %get3A_790, %get3A_286 : vector<16xf32>
        %add3A_792 = arith.addf %add3A_786, %mul3A_791 : vector<16xf32>
        %get3A_793 = arith.index_cast %add3A_757 : i32 to index
        %get3A_794 = arith.constant 96 : index
        %get3A_795 = tpu.vector_load %arg11[%get3A_793, %get3A_794] {strides = array<i32>} : memref<64x128xf32, #tpu.memory_space<vmem>>, vector<1x16xf32>,
        %get3A_796 = vector.shape_cast %get3A_795 : vector<1x16xf32> to vector<16xf32>
        %mul3A_797 = arith.mulf %get3A_796, %get3A_290 : vector<16xf32>
        %add3A_798 = arith.addf %add3A_792, %mul3A_797 : vector<16xf32>
        %get3A_799 = arith.index_cast %add3A_757 : i32 to index
        %get3A_800 = arith.constant 112 : index
        %get3A_801 = tpu.vector_load %arg11[%get3A_799, %get3A_800] {strides = array<i32>} : memref<64x128xf32, #tpu.memory_space<vmem>>, vector<1x16xf32>,
        %get3A_802 = vector.shape_cast %get3A_801 : vector<1x16xf32> to vector<16xf32>
        %mul3A_803 = arith.mulf %get3A_802, %get3A_294 : vector<16xf32>
        %add3A_804 = arith.addf %add3A_798, %mul3A_803 : vector<16xf32>
        %mul3A_805 = arith.constant 16 : i32
        %mul3A_806 = arith.muli %scan3A_260, %mul3A_805 : i32
        %add3A_807 = arith.constant 10 : i32
        %add3A_808 = arith.addi %mul3A_806, %add3A_807 : i32
        %get3A_809 = arith.index_cast %add3A_808 : i32 to index
        %get3A_810 = arith.constant 0 : index
        %get3A_811 = tpu.vector_load %arg11[%get3A_809, %get3A_810] {strides = array<i32>} : memref<64x128xf32, #tpu.memory_space<vmem>>, vector<1x16xf32>,
        %get3A_812 = vector.shape_cast %get3A_811 : vector<1x16xf32> to vector<16xf32>
        %mul3A_813 = arith.mulf %get3A_812, %get3A_266 : vector<16xf32>
        %get3A_814 = arith.index_cast %add3A_808 : i32 to index
        %get3A_815 = arith.constant 16 : index
        %get3A_816 = tpu.vector_load %arg11[%get3A_814, %get3A_815] {strides = array<i32>} : memref<64x128xf32, #tpu.memory_space<vmem>>, vector<1x16xf32>,
        %get3A_817 = vector.shape_cast %get3A_816 : vector<1x16xf32> to vector<16xf32>
        %mul3A_818 = arith.mulf %get3A_817, %get3A_270 : vector<16xf32>
        %add3A_819 = arith.addf %mul3A_813, %mul3A_818 : vector<16xf32>
        %get3A_820 = arith.index_cast %add3A_808 : i32 to index
        %get3A_821 = arith.constant 32 : index
        %get3A_822 = tpu.vector_load %arg11[%get3A_820, %get3A_821] {strides = array<i32>} : memref<64x128xf32, #tpu.memory_space<vmem>>, vector<1x16xf32>,
        %get3A_823 = vector.shape_cast %get3A_822 : vector<1x16xf32> to vector<16xf32>
        %mul3A_824 = arith.mulf %get3A_823, %get3A_274 : vector<16xf32>
        %add3A_825 = arith.addf %add3A_819, %mul3A_824 : vector<16xf32>
        %get3A_826 = arith.index_cast %add3A_808 : i32 to index
        %get3A_827 = arith.constant 48 : index
        %get3A_828 = tpu.vector_load %arg11[%get3A_826, %get3A_827] {strides = array<i32>} : memref<64x128xf32, #tpu.memory_space<vmem>>, vector<1x16xf32>,
        %get3A_829 = vector.shape_cast %get3A_828 : vector<1x16xf32> to vector<16xf32>
        %mul3A_830 = arith.mulf %get3A_829, %get3A_278 : vector<16xf32>
        %add3A_831 = arith.addf %add3A_825, %mul3A_830 : vector<16xf32>
        %get3A_832 = arith.index_cast %add3A_808 : i32 to index
        %get3A_833 = arith.constant 64 : index
        %get3A_834 = tpu.vector_load %arg11[%get3A_832, %get3A_833] {strides = array<i32>} : memref<64x128xf32, #tpu.memory_space<vmem>>, vector<1x16xf32>,
        %get3A_835 = vector.shape_cast %get3A_834 : vector<1x16xf32> to vector<16xf32>
        %mul3A_836 = arith.mulf %get3A_835, %get3A_282 : vector<16xf32>
        %add3A_837 = arith.addf %add3A_831, %mul3A_836 : vector<16xf32>
        %get3A_838 = arith.index_cast %add3A_808 : i32 to index
        %get3A_839 = arith.constant 80 : index
        %get3A_840 = tpu.vector_load %arg11[%get3A_838, %get3A_839] {strides = array<i32>} : memref<64x128xf32, #tpu.memory_space<vmem>>, vector<1x16xf32>,
        %get3A_841 = vector.shape_cast %get3A_840 : vector<1x16xf32> to vector<16xf32>
        %mul3A_842 = arith.mulf %get3A_841, %get3A_286 : vector<16xf32>
        %add3A_843 = arith.addf %add3A_837, %mul3A_842 : vector<16xf32>
        %get3A_844 = arith.index_cast %add3A_808 : i32 to index
        %get3A_845 = arith.constant 96 : index
        %get3A_846 = tpu.vector_load %arg11[%get3A_844, %get3A_845] {strides = array<i32>} : memref<64x128xf32, #tpu.memory_space<vmem>>, vector<1x16xf32>,
        %get3A_847 = vector.shape_cast %get3A_846 : vector<1x16xf32> to vector<16xf32>
        %mul3A_848 = arith.mulf %get3A_847, %get3A_290 : vector<16xf32>
        %add3A_849 = arith.addf %add3A_843, %mul3A_848 : vector<16xf32>
        %get3A_850 = arith.index_cast %add3A_808 : i32 to index
        %get3A_851 = arith.constant 112 : index
        %get3A_852 = tpu.vector_load %arg11[%get3A_850, %get3A_851] {strides = array<i32>} : memref<64x128xf32, #tpu.memory_space<vmem>>, vector<1x16xf32>,
        %get3A_853 = vector.shape_cast %get3A_852 : vector<1x16xf32> to vector<16xf32>
        %mul3A_854 = arith.mulf %get3A_853, %get3A_294 : vector<16xf32>
        %add3A_855 = arith.addf %add3A_849, %mul3A_854 : vector<16xf32>
        %mul3A_856 = arith.constant 16 : i32
        %mul3A_857 = arith.muli %scan3A_260, %mul3A_856 : i32
        %add3A_858 = arith.constant 11 : i32
        %add3A_859 = arith.addi %mul3A_857, %add3A_858 : i32
        %get3A_860 = arith.index_cast %add3A_859 : i32 to index
        %get3A_861 = arith.constant 0 : index
        %get3A_862 = tpu.vector_load %arg11[%get3A_860, %get3A_861] {strides = array<i32>} : memref<64x128xf32, #tpu.memory_space<vmem>>, vector<1x16xf32>,
        %get3A_863 = vector.shape_cast %get3A_862 : vector<1x16xf32> to vector<16xf32>
        %mul3A_864 = arith.mulf %get3A_863, %get3A_266 : vector<16xf32>
        %get3A_865 = arith.index_cast %add3A_859 : i32 to index
        %get3A_866 = arith.constant 16 : index
        %get3A_867 = tpu.vector_load %arg11[%get3A_865, %get3A_866] {strides = array<i32>} : memref<64x128xf32, #tpu.memory_space<vmem>>, vector<1x16xf32>,
        %get3A_868 = vector.shape_cast %get3A_867 : vector<1x16xf32> to vector<16xf32>
        %mul3A_869 = arith.mulf %get3A_868, %get3A_270 : vector<16xf32>
        %add3A_870 = arith.addf %mul3A_864, %mul3A_869 : vector<16xf32>
        %get3A_871 = arith.index_cast %add3A_859 : i32 to index
        %get3A_872 = arith.constant 32 : index
        %get3A_873 = tpu.vector_load %arg11[%get3A_871, %get3A_872] {strides = array<i32>} : memref<64x128xf32, #tpu.memory_space<vmem>>, vector<1x16xf32>,
        %get3A_874 = vector.shape_cast %get3A_873 : vector<1x16xf32> to vector<16xf32>
        %mul3A_875 = arith.mulf %get3A_874, %get3A_274 : vector<16xf32>
        %add3A_876 = arith.addf %add3A_870, %mul3A_875 : vector<16xf32>
        %get3A_877 = arith.index_cast %add3A_859 : i32 to index
        %get3A_878 = arith.constant 48 : index
        %get3A_879 = tpu.vector_load %arg11[%get3A_877, %get3A_878] {strides = array<i32>} : memref<64x128xf32, #tpu.memory_space<vmem>>, vector<1x16xf32>,
        %get3A_880 = vector.shape_cast %get3A_879 : vector<1x16xf32> to vector<16xf32>
        %mul3A_881 = arith.mulf %get3A_880, %get3A_278 : vector<16xf32>
        %add3A_882 = arith.addf %add3A_876, %mul3A_881 : vector<16xf32>
        %get3A_883 = arith.index_cast %add3A_859 : i32 to index
        %get3A_884 = arith.constant 64 : index
        %get3A_885 = tpu.vector_load %arg11[%get3A_883, %get3A_884] {strides = array<i32>} : memref<64x128xf32, #tpu.memory_space<vmem>>, vector<1x16xf32>,
        %get3A_886 = vector.shape_cast %get3A_885 : vector<1x16xf32> to vector<16xf32>
        %mul3A_887 = arith.mulf %get3A_886, %get3A_282 : vector<16xf32>
        %add3A_888 = arith.addf %add3A_882, %mul3A_887 : vector<16xf32>
        %get3A_889 = arith.index_cast %add3A_859 : i32 to index
        %get3A_890 = arith.constant 80 : index
        %get3A_891 = tpu.vector_load %arg11[%get3A_889, %get3A_890] {strides = array<i32>} : memref<64x128xf32, #tpu.memory_space<vmem>>, vector<1x16xf32>,
        %get3A_892 = vector.shape_cast %get3A_891 : vector<1x16xf32> to vector<16xf32>
        %mul3A_893 = arith.mulf %get3A_892, %get3A_286 : vector<16xf32>
        %add3A_894 = arith.addf %add3A_888, %mul3A_893 : vector<16xf32>
        %get3A_895 = arith.index_cast %add3A_859 : i32 to index
        %get3A_896 = arith.constant 96 : index
        %get3A_897 = tpu.vector_load %arg11[%get3A_895, %get3A_896] {strides = array<i32>} : memref<64x128xf32, #tpu.memory_space<vmem>>, vector<1x16xf32>,
        %get3A_898 = vector.shape_cast %get3A_897 : vector<1x16xf32> to vector<16xf32>
        %mul3A_899 = arith.mulf %get3A_898, %get3A_290 : vector<16xf32>
        %add3A_900 = arith.addf %add3A_894, %mul3A_899 : vector<16xf32>
        %get3A_901 = arith.index_cast %add3A_859 : i32 to index
        %get3A_902 = arith.constant 112 : index
        %get3A_903 = tpu.vector_load %arg11[%get3A_901, %get3A_902] {strides = array<i32>} : memref<64x128xf32, #tpu.memory_space<vmem>>, vector<1x16xf32>,
        %get3A_904 = vector.shape_cast %get3A_903 : vector<1x16xf32> to vector<16xf32>
        %mul3A_905 = arith.mulf %get3A_904, %get3A_294 : vector<16xf32>
        %add3A_906 = arith.addf %add3A_900, %mul3A_905 : vector<16xf32>
        %mul3A_907 = arith.constant 16 : i32
        %mul3A_908 = arith.muli %scan3A_260, %mul3A_907 : i32
        %add3A_909 = arith.constant 12 : i32
        %add3A_910 = arith.addi %mul3A_908, %add3A_909 : i32
        %get3A_911 = arith.index_cast %add3A_910 : i32 to index
        %get3A_912 = arith.constant 0 : index
        %get3A_913 = tpu.vector_load %arg11[%get3A_911, %get3A_912] {strides = array<i32>} : memref<64x128xf32, #tpu.memory_space<vmem>>, vector<1x16xf32>,
        %get3A_914 = vector.shape_cast %get3A_913 : vector<1x16xf32> to vector<16xf32>
        %mul3A_915 = arith.mulf %get3A_914, %get3A_266 : vector<16xf32>
        %get3A_916 = arith.index_cast %add3A_910 : i32 to index
        %get3A_917 = arith.constant 16 : index
        %get3A_918 = tpu.vector_load %arg11[%get3A_916, %get3A_917] {strides = array<i32>} : memref<64x128xf32, #tpu.memory_space<vmem>>, vector<1x16xf32>,
        %get3A_919 = vector.shape_cast %get3A_918 : vector<1x16xf32> to vector<16xf32>
        %mul3A_920 = arith.mulf %get3A_919, %get3A_270 : vector<16xf32>
        %add3A_921 = arith.addf %mul3A_915, %mul3A_920 : vector<16xf32>
        %get3A_922 = arith.index_cast %add3A_910 : i32 to index
        %get3A_923 = arith.constant 32 : index
        %get3A_924 = tpu.vector_load %arg11[%get3A_922, %get3A_923] {strides = array<i32>} : memref<64x128xf32, #tpu.memory_space<vmem>>, vector<1x16xf32>,
        %get3A_925 = vector.shape_cast %get3A_924 : vector<1x16xf32> to vector<16xf32>
        %mul3A_926 = arith.mulf %get3A_925, %get3A_274 : vector<16xf32>
        %add3A_927 = arith.addf %add3A_921, %mul3A_926 : vector<16xf32>
        %get3A_928 = arith.index_cast %add3A_910 : i32 to index
        %get3A_929 = arith.constant 48 : index
        %get3A_930 = tpu.vector_load %arg11[%get3A_928, %get3A_929] {strides = array<i32>} : memref<64x128xf32, #tpu.memory_space<vmem>>, vector<1x16xf32>,
        %get3A_931 = vector.shape_cast %get3A_930 : vector<1x16xf32> to vector<16xf32>
        %mul3A_932 = arith.mulf %get3A_931, %get3A_278 : vector<16xf32>
        %add3A_933 = arith.addf %add3A_927, %mul3A_932 : vector<16xf32>
        %get3A_934 = arith.index_cast %add3A_910 : i32 to index
        %get3A_935 = arith.constant 64 : index
        %get3A_936 = tpu.vector_load %arg11[%get3A_934, %get3A_935] {strides = array<i32>} : memref<64x128xf32, #tpu.memory_space<vmem>>, vector<1x16xf32>,
        %get3A_937 = vector.shape_cast %get3A_936 : vector<1x16xf32> to vector<16xf32>
        %mul3A_938 = arith.mulf %get3A_937, %get3A_282 : vector<16xf32>
        %add3A_939 = arith.addf %add3A_933, %mul3A_938 : vector<16xf32>
        %get3A_940 = arith.index_cast %add3A_910 : i32 to index
        %get3A_941 = arith.constant 80 : index
        %get3A_942 = tpu.vector_load %arg11[%get3A_940, %get3A_941] {strides = array<i32>} : memref<64x128xf32, #tpu.memory_space<vmem>>, vector<1x16xf32>,
        %get3A_943 = vector.shape_cast %get3A_942 : vector<1x16xf32> to vector<16xf32>
        %mul3A_944 = arith.mulf %get3A_943, %get3A_286 : vector<16xf32>
        %add3A_945 = arith.addf %add3A_939, %mul3A_944 : vector<16xf32>
        %get3A_946 = arith.index_cast %add3A_910 : i32 to index
        %get3A_947 = arith.constant 96 : index
        %get3A_948 = tpu.vector_load %arg11[%get3A_946, %get3A_947] {strides = array<i32>} : memref<64x128xf32, #tpu.memory_space<vmem>>, vector<1x16xf32>,
        %get3A_949 = vector.shape_cast %get3A_948 : vector<1x16xf32> to vector<16xf32>
        %mul3A_950 = arith.mulf %get3A_949, %get3A_290 : vector<16xf32>
        %add3A_951 = arith.addf %add3A_945, %mul3A_950 : vector<16xf32>
        %get3A_952 = arith.index_cast %add3A_910 : i32 to index
        %get3A_953 = arith.constant 112 : index
        %get3A_954 = tpu.vector_load %arg11[%get3A_952, %get3A_953] {strides = array<i32>} : memref<64x128xf32, #tpu.memory_space<vmem>>, vector<1x16xf32>,
        %get3A_955 = vector.shape_cast %get3A_954 : vector<1x16xf32> to vector<16xf32>
        %mul3A_956 = arith.mulf %get3A_955, %get3A_294 : vector<16xf32>
        %add3A_957 = arith.addf %add3A_951, %mul3A_956 : vector<16xf32>
        %mul3A_958 = arith.constant 16 : i32
        %mul3A_959 = arith.muli %scan3A_260, %mul3A_958 : i32
        %add3A_960 = arith.constant 13 : i32
        %add3A_961 = arith.addi %mul3A_959, %add3A_960 : i32
        %get3A_962 = arith.index_cast %add3A_961 : i32 to index
        %get3A_963 = arith.constant 0 : index
        %get3A_964 = tpu.vector_load %arg11[%get3A_962, %get3A_963] {strides = array<i32>} : memref<64x128xf32, #tpu.memory_space<vmem>>, vector<1x16xf32>,
        %get3A_965 = vector.shape_cast %get3A_964 : vector<1x16xf32> to vector<16xf32>
        %mul3A_966 = arith.mulf %get3A_965, %get3A_266 : vector<16xf32>
        %get3A_967 = arith.index_cast %add3A_961 : i32 to index
        %get3A_968 = arith.constant 16 : index
        %get3A_969 = tpu.vector_load %arg11[%get3A_967, %get3A_968] {strides = array<i32>} : memref<64x128xf32, #tpu.memory_space<vmem>>, vector<1x16xf32>,
        %get3A_970 = vector.shape_cast %get3A_969 : vector<1x16xf32> to vector<16xf32>
        %mul3A_971 = arith.mulf %get3A_970, %get3A_270 : vector<16xf32>
        %add3A_972 = arith.addf %mul3A_966, %mul3A_971 : vector<16xf32>
        %get3A_973 = arith.index_cast %add3A_961 : i32 to index
        %get3A_974 = arith.constant 32 : index
        %get3A_975 = tpu.vector_load %arg11[%get3A_973, %get3A_974] {strides = array<i32>} : memref<64x128xf32, #tpu.memory_space<vmem>>, vector<1x16xf32>,
        %get3A_976 = vector.shape_cast %get3A_975 : vector<1x16xf32> to vector<16xf32>
        %mul3A_977 = arith.mulf %get3A_976, %get3A_274 : vector<16xf32>
        %add3A_978 = arith.addf %add3A_972, %mul3A_977 : vector<16xf32>
        %get3A_979 = arith.index_cast %add3A_961 : i32 to index
        %get3A_980 = arith.constant 48 : index
        %get3A_981 = tpu.vector_load %arg11[%get3A_979, %get3A_980] {strides = array<i32>} : memref<64x128xf32, #tpu.memory_space<vmem>>, vector<1x16xf32>,
        %get3A_982 = vector.shape_cast %get3A_981 : vector<1x16xf32> to vector<16xf32>
        %mul3A_983 = arith.mulf %get3A_982, %get3A_278 : vector<16xf32>
        %add3A_984 = arith.addf %add3A_978, %mul3A_983 : vector<16xf32>
        %get3A_985 = arith.index_cast %add3A_961 : i32 to index
        %get3A_986 = arith.constant 64 : index
        %get3A_987 = tpu.vector_load %arg11[%get3A_985, %get3A_986] {strides = array<i32>} : memref<64x128xf32, #tpu.memory_space<vmem>>, vector<1x16xf32>,
        %get3A_988 = vector.shape_cast %get3A_987 : vector<1x16xf32> to vector<16xf32>
        %mul3A_989 = arith.mulf %get3A_988, %get3A_282 : vector<16xf32>
        %add3A_990 = arith.addf %add3A_984, %mul3A_989 : vector<16xf32>
        %get3A_991 = arith.index_cast %add3A_961 : i32 to index
        %get3A_992 = arith.constant 80 : index
        %get3A_993 = tpu.vector_load %arg11[%get3A_991, %get3A_992] {strides = array<i32>} : memref<64x128xf32, #tpu.memory_space<vmem>>, vector<1x16xf32>,
        %get3A_994 = vector.shape_cast %get3A_993 : vector<1x16xf32> to vector<16xf32>
        %mul3A_995 = arith.mulf %get3A_994, %get3A_286 : vector<16xf32>
        %add3A_996 = arith.addf %add3A_990, %mul3A_995 : vector<16xf32>
        %get3A_997 = arith.index_cast %add3A_961 : i32 to index
        %get3A_998 = arith.constant 96 : index
        %get3A_999 = tpu.vector_load %arg11[%get3A_997, %get3A_998] {strides = array<i32>} : memref<64x128xf32, #tpu.memory_space<vmem>>, vector<1x16xf32>,
        %get3A_1000 = vector.shape_cast %get3A_999 : vector<1x16xf32> to vector<16xf32>
        %mul3A_1001 = arith.mulf %get3A_1000, %get3A_290 : vector<16xf32>
        %add3A_1002 = arith.addf %add3A_996, %mul3A_1001 : vector<16xf32>
        %get3A_1003 = arith.index_cast %add3A_961 : i32 to index
        %get3A_1004 = arith.constant 112 : index
        %get3A_1005 = tpu.vector_load %arg11[%get3A_1003, %get3A_1004] {strides = array<i32>} : memref<64x128xf32, #tpu.memory_space<vmem>>, vector<1x16xf32>,
        %get3A_1006 = vector.shape_cast %get3A_1005 : vector<1x16xf32> to vector<16xf32>
        %mul3A_1007 = arith.mulf %get3A_1006, %get3A_294 : vector<16xf32>
        %add3A_1008 = arith.addf %add3A_1002, %mul3A_1007 : vector<16xf32>
        %mul3A_1009 = arith.constant 16 : i32
        %mul3A_1010 = arith.muli %scan3A_260, %mul3A_1009 : i32
        %add3A_1011 = arith.constant 14 : i32
        %add3A_1012 = arith.addi %mul3A_1010, %add3A_1011 : i32
        %get3A_1013 = arith.index_cast %add3A_1012 : i32 to index
        %get3A_1014 = arith.constant 0 : index
        %get3A_1015 = tpu.vector_load %arg11[%get3A_1013, %get3A_1014] {strides = array<i32>} : memref<64x128xf32, #tpu.memory_space<vmem>>, vector<1x16xf32>,
        %get3A_1016 = vector.shape_cast %get3A_1015 : vector<1x16xf32> to vector<16xf32>
        %mul3A_1017 = arith.mulf %get3A_1016, %get3A_266 : vector<16xf32>
        %get3A_1018 = arith.index_cast %add3A_1012 : i32 to index
        %get3A_1019 = arith.constant 16 : index
        %get3A_1020 = tpu.vector_load %arg11[%get3A_1018, %get3A_1019] {strides = array<i32>} : memref<64x128xf32, #tpu.memory_space<vmem>>, vector<1x16xf32>,
        %get3A_1021 = vector.shape_cast %get3A_1020 : vector<1x16xf32> to vector<16xf32>
        %mul3A_1022 = arith.mulf %get3A_1021, %get3A_270 : vector<16xf32>
        %add3A_1023 = arith.addf %mul3A_1017, %mul3A_1022 : vector<16xf32>
        %get3A_1024 = arith.index_cast %add3A_1012 : i32 to index
        %get3A_1025 = arith.constant 32 : index
        %get3A_1026 = tpu.vector_load %arg11[%get3A_1024, %get3A_1025] {strides = array<i32>} : memref<64x128xf32, #tpu.memory_space<vmem>>, vector<1x16xf32>,
        %get3A_1027 = vector.shape_cast %get3A_1026 : vector<1x16xf32> to vector<16xf32>
        %mul3A_1028 = arith.mulf %get3A_1027, %get3A_274 : vector<16xf32>
        %add3A_1029 = arith.addf %add3A_1023, %mul3A_1028 : vector<16xf32>
        %get3A_1030 = arith.index_cast %add3A_1012 : i32 to index
        %get3A_1031 = arith.constant 48 : index
        %get3A_1032 = tpu.vector_load %arg11[%get3A_1030, %get3A_1031] {strides = array<i32>} : memref<64x128xf32, #tpu.memory_space<vmem>>, vector<1x16xf32>,
        %get3A_1033 = vector.shape_cast %get3A_1032 : vector<1x16xf32> to vector<16xf32>
        %mul3A_1034 = arith.mulf %get3A_1033, %get3A_278 : vector<16xf32>
        %add3A_1035 = arith.addf %add3A_1029, %mul3A_1034 : vector<16xf32>
        %get3A_1036 = arith.index_cast %add3A_1012 : i32 to index
        %get3A_1037 = arith.constant 64 : index
        %get3A_1038 = tpu.vector_load %arg11[%get3A_1036, %get3A_1037] {strides = array<i32>} : memref<64x128xf32, #tpu.memory_space<vmem>>, vector<1x16xf32>,
        %get3A_1039 = vector.shape_cast %get3A_1038 : vector<1x16xf32> to vector<16xf32>
        %mul3A_1040 = arith.mulf %get3A_1039, %get3A_282 : vector<16xf32>
        %add3A_1041 = arith.addf %add3A_1035, %mul3A_1040 : vector<16xf32>
        %get3A_1042 = arith.index_cast %add3A_1012 : i32 to index
        %get3A_1043 = arith.constant 80 : index
        %get3A_1044 = tpu.vector_load %arg11[%get3A_1042, %get3A_1043] {strides = array<i32>} : memref<64x128xf32, #tpu.memory_space<vmem>>, vector<1x16xf32>,
        %get3A_1045 = vector.shape_cast %get3A_1044 : vector<1x16xf32> to vector<16xf32>
        %mul3A_1046 = arith.mulf %get3A_1045, %get3A_286 : vector<16xf32>
        %add3A_1047 = arith.addf %add3A_1041, %mul3A_1046 : vector<16xf32>
        %get3A_1048 = arith.index_cast %add3A_1012 : i32 to index
        %get3A_1049 = arith.constant 96 : index
        %get3A_1050 = tpu.vector_load %arg11[%get3A_1048, %get3A_1049] {strides = array<i32>} : memref<64x128xf32, #tpu.memory_space<vmem>>, vector<1x16xf32>,
        %get3A_1051 = vector.shape_cast %get3A_1050 : vector<1x16xf32> to vector<16xf32>
        %mul3A_1052 = arith.mulf %get3A_1051, %get3A_290 : vector<16xf32>
        %add3A_1053 = arith.addf %add3A_1047, %mul3A_1052 : vector<16xf32>
        %get3A_1054 = arith.index_cast %add3A_1012 : i32 to index
        %get3A_1055 = arith.constant 112 : index
        %get3A_1056 = tpu.vector_load %arg11[%get3A_1054, %get3A_1055] {strides = array<i32>} : memref<64x128xf32, #tpu.memory_space<vmem>>, vector<1x16xf32>,
        %get3A_1057 = vector.shape_cast %get3A_1056 : vector<1x16xf32> to vector<16xf32>
        %mul3A_1058 = arith.mulf %get3A_1057, %get3A_294 : vector<16xf32>
        %add3A_1059 = arith.addf %add3A_1053, %mul3A_1058 : vector<16xf32>
        %mul3A_1060 = arith.constant 16 : i32
        %mul3A_1061 = arith.muli %scan3A_260, %mul3A_1060 : i32
        %add3A_1062 = arith.constant 15 : i32
        %add3A_1063 = arith.addi %mul3A_1061, %add3A_1062 : i32
        %get3A_1064 = arith.index_cast %add3A_1063 : i32 to index
        %get3A_1065 = arith.constant 0 : index
        %get3A_1066 = tpu.vector_load %arg11[%get3A_1064, %get3A_1065] {strides = array<i32>} : memref<64x128xf32, #tpu.memory_space<vmem>>, vector<1x16xf32>,
        %get3A_1067 = vector.shape_cast %get3A_1066 : vector<1x16xf32> to vector<16xf32>
        %mul3A_1068 = arith.mulf %get3A_1067, %get3A_266 : vector<16xf32>
        %get3A_1069 = arith.index_cast %add3A_1063 : i32 to index
        %get3A_1070 = arith.constant 16 : index
        %get3A_1071 = tpu.vector_load %arg11[%get3A_1069, %get3A_1070] {strides = array<i32>} : memref<64x128xf32, #tpu.memory_space<vmem>>, vector<1x16xf32>,
        %get3A_1072 = vector.shape_cast %get3A_1071 : vector<1x16xf32> to vector<16xf32>
        %mul3A_1073 = arith.mulf %get3A_1072, %get3A_270 : vector<16xf32>
        %add3A_1074 = arith.addf %mul3A_1068, %mul3A_1073 : vector<16xf32>
        %get3A_1075 = arith.index_cast %add3A_1063 : i32 to index
        %get3A_1076 = arith.constant 32 : index
        %get3A_1077 = tpu.vector_load %arg11[%get3A_1075, %get3A_1076] {strides = array<i32>} : memref<64x128xf32, #tpu.memory_space<vmem>>, vector<1x16xf32>,
        %get3A_1078 = vector.shape_cast %get3A_1077 : vector<1x16xf32> to vector<16xf32>
        %mul3A_1079 = arith.mulf %get3A_1078, %get3A_274 : vector<16xf32>
        %add3A_1080 = arith.addf %add3A_1074, %mul3A_1079 : vector<16xf32>
        %get3A_1081 = arith.index_cast %add3A_1063 : i32 to index
        %get3A_1082 = arith.constant 48 : index
        %get3A_1083 = tpu.vector_load %arg11[%get3A_1081, %get3A_1082] {strides = array<i32>} : memref<64x128xf32, #tpu.memory_space<vmem>>, vector<1x16xf32>,
        %get3A_1084 = vector.shape_cast %get3A_1083 : vector<1x16xf32> to vector<16xf32>
        %mul3A_1085 = arith.mulf %get3A_1084, %get3A_278 : vector<16xf32>
        %add3A_1086 = arith.addf %add3A_1080, %mul3A_1085 : vector<16xf32>
        %get3A_1087 = arith.index_cast %add3A_1063 : i32 to index
        %get3A_1088 = arith.constant 64 : index
        %get3A_1089 = tpu.vector_load %arg11[%get3A_1087, %get3A_1088] {strides = array<i32>} : memref<64x128xf32, #tpu.memory_space<vmem>>, vector<1x16xf32>,
        %get3A_1090 = vector.shape_cast %get3A_1089 : vector<1x16xf32> to vector<16xf32>
        %mul3A_1091 = arith.mulf %get3A_1090, %get3A_282 : vector<16xf32>
        %add3A_1092 = arith.addf %add3A_1086, %mul3A_1091 : vector<16xf32>
        %get3A_1093 = arith.index_cast %add3A_1063 : i32 to index
        %get3A_1094 = arith.constant 80 : index
        %get3A_1095 = tpu.vector_load %arg11[%get3A_1093, %get3A_1094] {strides = array<i32>} : memref<64x128xf32, #tpu.memory_space<vmem>>, vector<1x16xf32>,
        %get3A_1096 = vector.shape_cast %get3A_1095 : vector<1x16xf32> to vector<16xf32>
        %mul3A_1097 = arith.mulf %get3A_1096, %get3A_286 : vector<16xf32>
        %add3A_1098 = arith.addf %add3A_1092, %mul3A_1097 : vector<16xf32>
        %get3A_1099 = arith.index_cast %add3A_1063 : i32 to index
        %get3A_1100 = arith.constant 96 : index
        %get3A_1101 = tpu.vector_load %arg11[%get3A_1099, %get3A_1100] {strides = array<i32>} : memref<64x128xf32, #tpu.memory_space<vmem>>, vector<1x16xf32>,
        %get3A_1102 = vector.shape_cast %get3A_1101 : vector<1x16xf32> to vector<16xf32>
        %mul3A_1103 = arith.mulf %get3A_1102, %get3A_290 : vector<16xf32>
        %add3A_1104 = arith.addf %add3A_1098, %mul3A_1103 : vector<16xf32>
        %get3A_1105 = arith.index_cast %add3A_1063 : i32 to index
        %get3A_1106 = arith.constant 112 : index
        %get3A_1107 = tpu.vector_load %arg11[%get3A_1105, %get3A_1106] {strides = array<i32>} : memref<64x128xf32, #tpu.memory_space<vmem>>, vector<1x16xf32>,
        %get3A_1108 = vector.shape_cast %get3A_1107 : vector<1x16xf32> to vector<16xf32>
        %mul3A_1109 = arith.mulf %get3A_1108, %get3A_294 : vector<16xf32>
        %add3A_1110 = arith.addf %add3A_1104, %mul3A_1109 : vector<16xf32>
        %select_n3A = arith.select %eq3A_90, %add3A_345, %add3A_396 : vector<16xi1>, vector<16xf32>
        %select_n3A_1111 = arith.select %eq3A_90, %add3A_396, %add3A_345 : vector<16xi1>, vector<16xf32>
        %gather3A = vector.shape_cast %broadcast_in_dim3A : vector<16x1xi32> to vector<16xi32>
        %gather3A_1112 = tpu.dynamic_gather %select_n3A_1111[%gather3A] in [0] : vector<16xf32>, vector<16xi32> -> vector<16xf32>
        %add3A_1113 = arith.addf %select_n3A, %gather3A_1112 : vector<16xf32>
        %select_n3A_1114 = arith.select %eq3A_90, %add3A_447, %add3A_498 : vector<16xi1>, vector<16xf32>
        %select_n3A_1115 = arith.select %eq3A_90, %add3A_498, %add3A_447 : vector<16xi1>, vector<16xf32>
        %gather3A_1116 = vector.shape_cast %broadcast_in_dim3A : vector<16x1xi32> to vector<16xi32>
        %gather3A_1117 = tpu.dynamic_gather %select_n3A_1115[%gather3A_1116] in [0] : vector<16xf32>, vector<16xi32> -> vector<16xf32>
        %add3A_1118 = arith.addf %select_n3A_1114, %gather3A_1117 : vector<16xf32>
        %select_n3A_1119 = arith.select %eq3A_90, %add3A_549, %add3A_600 : vector<16xi1>, vector<16xf32>
        %select_n3A_1120 = arith.select %eq3A_90, %add3A_600, %add3A_549 : vector<16xi1>, vector<16xf32>
        %gather3A_1121 = vector.shape_cast %broadcast_in_dim3A : vector<16x1xi32> to vector<16xi32>
        %gather3A_1122 = tpu.dynamic_gather %select_n3A_1120[%gather3A_1121] in [0] : vector<16xf32>, vector<16xi32> -> vector<16xf32>
        %add3A_1123 = arith.addf %select_n3A_1119, %gather3A_1122 : vector<16xf32>
        %select_n3A_1124 = arith.select %eq3A_90, %add3A_651, %add3A_702 : vector<16xi1>, vector<16xf32>
        %select_n3A_1125 = arith.select %eq3A_90, %add3A_702, %add3A_651 : vector<16xi1>, vector<16xf32>
        %gather3A_1126 = vector.shape_cast %broadcast_in_dim3A : vector<16x1xi32> to vector<16xi32>
        %gather3A_1127 = tpu.dynamic_gather %select_n3A_1125[%gather3A_1126] in [0] : vector<16xf32>, vector<16xi32> -> vector<16xf32>
        %add3A_1128 = arith.addf %select_n3A_1124, %gather3A_1127 : vector<16xf32>
        %select_n3A_1129 = arith.select %eq3A_90, %add3A_753, %add3A_804 : vector<16xi1>, vector<16xf32>
        %select_n3A_1130 = arith.select %eq3A_90, %add3A_804, %add3A_753 : vector<16xi1>, vector<16xf32>
        %gather3A_1131 = vector.shape_cast %broadcast_in_dim3A : vector<16x1xi32> to vector<16xi32>
        %gather3A_1132 = tpu.dynamic_gather %select_n3A_1130[%gather3A_1131] in [0] : vector<16xf32>, vector<16xi32> -> vector<16xf32>
        %add3A_1133 = arith.addf %select_n3A_1129, %gather3A_1132 : vector<16xf32>
        %select_n3A_1134 = arith.select %eq3A_90, %add3A_855, %add3A_906 : vector<16xi1>, vector<16xf32>
        %select_n3A_1135 = arith.select %eq3A_90, %add3A_906, %add3A_855 : vector<16xi1>, vector<16xf32>
        %gather3A_1136 = vector.shape_cast %broadcast_in_dim3A : vector<16x1xi32> to vector<16xi32>
        %gather3A_1137 = tpu.dynamic_gather %select_n3A_1135[%gather3A_1136] in [0] : vector<16xf32>, vector<16xi32> -> vector<16xf32>
        %add3A_1138 = arith.addf %select_n3A_1134, %gather3A_1137 : vector<16xf32>
        %select_n3A_1139 = arith.select %eq3A_90, %add3A_957, %add3A_1008 : vector<16xi1>, vector<16xf32>
        %select_n3A_1140 = arith.select %eq3A_90, %add3A_1008, %add3A_957 : vector<16xi1>, vector<16xf32>
        %gather3A_1141 = vector.shape_cast %broadcast_in_dim3A : vector<16x1xi32> to vector<16xi32>
        %gather3A_1142 = tpu.dynamic_gather %select_n3A_1140[%gather3A_1141] in [0] : vector<16xf32>, vector<16xi32> -> vector<16xf32>
        %add3A_1143 = arith.addf %select_n3A_1139, %gather3A_1142 : vector<16xf32>
        %select_n3A_1144 = arith.select %eq3A_90, %add3A_1059, %add3A_1110 : vector<16xi1>, vector<16xf32>
        %select_n3A_1145 = arith.select %eq3A_90, %add3A_1110, %add3A_1059 : vector<16xi1>, vector<16xf32>
        %gather3A_1146 = vector.shape_cast %broadcast_in_dim3A : vector<16x1xi32> to vector<16xi32>
        %gather3A_1147 = tpu.dynamic_gather %select_n3A_1145[%gather3A_1146] in [0] : vector<16xf32>, vector<16xi32> -> vector<16xf32>
        %add3A_1148 = arith.addf %select_n3A_1144, %gather3A_1147 : vector<16xf32>
        %select_n3A_1149 = arith.select %eq3A_96, %add3A_1113, %add3A_1118 : vector<16xi1>, vector<16xf32>
        %select_n3A_1150 = arith.select %eq3A_96, %add3A_1118, %add3A_1113 : vector<16xi1>, vector<16xf32>
        %gather3A_1151 = vector.shape_cast %broadcast_in_dim3A_114 : vector<16x1xi32> to vector<16xi32>
        %gather3A_1152 = tpu.dynamic_gather %select_n3A_1150[%gather3A_1151] in [0] : vector<16xf32>, vector<16xi32> -> vector<16xf32>
        %add3A_1153 = arith.addf %select_n3A_1149, %gather3A_1152 : vector<16xf32>
        %select_n3A_1154 = arith.select %eq3A_96, %add3A_1123, %add3A_1128 : vector<16xi1>, vector<16xf32>
        %select_n3A_1155 = arith.select %eq3A_96, %add3A_1128, %add3A_1123 : vector<16xi1>, vector<16xf32>
        %gather3A_1156 = vector.shape_cast %broadcast_in_dim3A_114 : vector<16x1xi32> to vector<16xi32>
        %gather3A_1157 = tpu.dynamic_gather %select_n3A_1155[%gather3A_1156] in [0] : vector<16xf32>, vector<16xi32> -> vector<16xf32>
        %add3A_1158 = arith.addf %select_n3A_1154, %gather3A_1157 : vector<16xf32>
        %select_n3A_1159 = arith.select %eq3A_96, %add3A_1133, %add3A_1138 : vector<16xi1>, vector<16xf32>
        %select_n3A_1160 = arith.select %eq3A_96, %add3A_1138, %add3A_1133 : vector<16xi1>, vector<16xf32>
        %gather3A_1161 = vector.shape_cast %broadcast_in_dim3A_114 : vector<16x1xi32> to vector<16xi32>
        %gather3A_1162 = tpu.dynamic_gather %select_n3A_1160[%gather3A_1161] in [0] : vector<16xf32>, vector<16xi32> -> vector<16xf32>
        %add3A_1163 = arith.addf %select_n3A_1159, %gather3A_1162 : vector<16xf32>
        %select_n3A_1164 = arith.select %eq3A_96, %add3A_1143, %add3A_1148 : vector<16xi1>, vector<16xf32>
        %select_n3A_1165 = arith.select %eq3A_96, %add3A_1148, %add3A_1143 : vector<16xi1>, vector<16xf32>
        %gather3A_1166 = vector.shape_cast %broadcast_in_dim3A_114 : vector<16x1xi32> to vector<16xi32>
        %gather3A_1167 = tpu.dynamic_gather %select_n3A_1165[%gather3A_1166] in [0] : vector<16xf32>, vector<16xi32> -> vector<16xf32>
        %add3A_1168 = arith.addf %select_n3A_1164, %gather3A_1167 : vector<16xf32>
        %select_n3A_1169 = arith.select %eq3A_102, %add3A_1153, %add3A_1158 : vector<16xi1>, vector<16xf32>
        %select_n3A_1170 = arith.select %eq3A_102, %add3A_1158, %add3A_1153 : vector<16xi1>, vector<16xf32>
        %gather3A_1171 = vector.shape_cast %broadcast_in_dim3A_118 : vector<16x1xi32> to vector<16xi32>
        %gather3A_1172 = tpu.dynamic_gather %select_n3A_1170[%gather3A_1171] in [0] : vector<16xf32>, vector<16xi32> -> vector<16xf32>
        %add3A_1173 = arith.addf %select_n3A_1169, %gather3A_1172 : vector<16xf32>
        %select_n3A_1174 = arith.select %eq3A_102, %add3A_1163, %add3A_1168 : vector<16xi1>, vector<16xf32>
        %select_n3A_1175 = arith.select %eq3A_102, %add3A_1168, %add3A_1163 : vector<16xi1>, vector<16xf32>
        %gather3A_1176 = vector.shape_cast %broadcast_in_dim3A_118 : vector<16x1xi32> to vector<16xi32>
        %gather3A_1177 = tpu.dynamic_gather %select_n3A_1175[%gather3A_1176] in [0] : vector<16xf32>, vector<16xi32> -> vector<16xf32>
        %add3A_1178 = arith.addf %select_n3A_1174, %gather3A_1177 : vector<16xf32>
        %select_n3A_1179 = arith.select %eq3A_108, %add3A_1173, %add3A_1178 : vector<16xi1>, vector<16xf32>
        %select_n3A_1180 = arith.select %eq3A_108, %add3A_1178, %add3A_1173 : vector<16xi1>, vector<16xf32>
        %gather3A_1181 = vector.shape_cast %broadcast_in_dim3A_122 : vector<16x1xi32> to vector<16xi32>
        %gather3A_1182 = tpu.dynamic_gather %select_n3A_1180[%gather3A_1181] in [0] : vector<16xf32>, vector<16xi32> -> vector<16xf32>
        %add3A_1183 = arith.addf %select_n3A_1179, %gather3A_1182 : vector<16xf32>
        %mul3A_1184 = arith.constant 16 : i32
        %mul3A_1185 = arith.muli %scan3A_260, %mul3A_1184 : i32
        %add3A_1186 = arith.constant 0 : i32
        %add3A_1187 = arith.addi %mul3A_1185, %add3A_1186 : i32
        %get3A_1188 = arith.index_cast %add3A_1187 : i32 to index
        %get3A_1189 = arith.constant 0 : index
        %get3A_1190 = tpu.vector_load %arg13[%get3A_1188, %get3A_1189] {strides = array<i32>} : memref<64x128xf32, #tpu.memory_space<vmem>>, vector<1x16xf32>,
        %get3A_1191 = vector.shape_cast %get3A_1190 : vector<1x16xf32> to vector<16xf32>
        %mul3A_1192 = arith.mulf %get3A_1191, %get3A_266 : vector<16xf32>
        %get3A_1193 = arith.index_cast %add3A_1187 : i32 to index
        %get3A_1194 = arith.constant 16 : index
        %get3A_1195 = tpu.vector_load %arg13[%get3A_1193, %get3A_1194] {strides = array<i32>} : memref<64x128xf32, #tpu.memory_space<vmem>>, vector<1x16xf32>,
        %get3A_1196 = vector.shape_cast %get3A_1195 : vector<1x16xf32> to vector<16xf32>
        %mul3A_1197 = arith.mulf %get3A_1196, %get3A_270 : vector<16xf32>
        %add3A_1198 = arith.addf %mul3A_1192, %mul3A_1197 : vector<16xf32>
        %get3A_1199 = arith.index_cast %add3A_1187 : i32 to index
        %get3A_1200 = arith.constant 32 : index
        %get3A_1201 = tpu.vector_load %arg13[%get3A_1199, %get3A_1200] {strides = array<i32>} : memref<64x128xf32, #tpu.memory_space<vmem>>, vector<1x16xf32>,
        %get3A_1202 = vector.shape_cast %get3A_1201 : vector<1x16xf32> to vector<16xf32>
        %mul3A_1203 = arith.mulf %get3A_1202, %get3A_274 : vector<16xf32>
        %add3A_1204 = arith.addf %add3A_1198, %mul3A_1203 : vector<16xf32>
        %get3A_1205 = arith.index_cast %add3A_1187 : i32 to index
        %get3A_1206 = arith.constant 48 : index
        %get3A_1207 = tpu.vector_load %arg13[%get3A_1205, %get3A_1206] {strides = array<i32>} : memref<64x128xf32, #tpu.memory_space<vmem>>, vector<1x16xf32>,
        %get3A_1208 = vector.shape_cast %get3A_1207 : vector<1x16xf32> to vector<16xf32>
        %mul3A_1209 = arith.mulf %get3A_1208, %get3A_278 : vector<16xf32>
        %add3A_1210 = arith.addf %add3A_1204, %mul3A_1209 : vector<16xf32>
        %get3A_1211 = arith.index_cast %add3A_1187 : i32 to index
        %get3A_1212 = arith.constant 64 : index
        %get3A_1213 = tpu.vector_load %arg13[%get3A_1211, %get3A_1212] {strides = array<i32>} : memref<64x128xf32, #tpu.memory_space<vmem>>, vector<1x16xf32>,
        %get3A_1214 = vector.shape_cast %get3A_1213 : vector<1x16xf32> to vector<16xf32>
        %mul3A_1215 = arith.mulf %get3A_1214, %get3A_282 : vector<16xf32>
        %add3A_1216 = arith.addf %add3A_1210, %mul3A_1215 : vector<16xf32>
        %get3A_1217 = arith.index_cast %add3A_1187 : i32 to index
        %get3A_1218 = arith.constant 80 : index
        %get3A_1219 = tpu.vector_load %arg13[%get3A_1217, %get3A_1218] {strides = array<i32>} : memref<64x128xf32, #tpu.memory_space<vmem>>, vector<1x16xf32>,
        %get3A_1220 = vector.shape_cast %get3A_1219 : vector<1x16xf32> to vector<16xf32>
        %mul3A_1221 = arith.mulf %get3A_1220, %get3A_286 : vector<16xf32>
        %add3A_1222 = arith.addf %add3A_1216, %mul3A_1221 : vector<16xf32>
        %get3A_1223 = arith.index_cast %add3A_1187 : i32 to index
        %get3A_1224 = arith.constant 96 : index
        %get3A_1225 = tpu.vector_load %arg13[%get3A_1223, %get3A_1224] {strides = array<i32>} : memref<64x128xf32, #tpu.memory_space<vmem>>, vector<1x16xf32>,
        %get3A_1226 = vector.shape_cast %get3A_1225 : vector<1x16xf32> to vector<16xf32>
        %mul3A_1227 = arith.mulf %get3A_1226, %get3A_290 : vector<16xf32>
        %add3A_1228 = arith.addf %add3A_1222, %mul3A_1227 : vector<16xf32>
        %get3A_1229 = arith.index_cast %add3A_1187 : i32 to index
        %get3A_1230 = arith.constant 112 : index
        %get3A_1231 = tpu.vector_load %arg13[%get3A_1229, %get3A_1230] {strides = array<i32>} : memref<64x128xf32, #tpu.memory_space<vmem>>, vector<1x16xf32>,
        %get3A_1232 = vector.shape_cast %get3A_1231 : vector<1x16xf32> to vector<16xf32>
        %mul3A_1233 = arith.mulf %get3A_1232, %get3A_294 : vector<16xf32>
        %add3A_1234 = arith.addf %add3A_1228, %mul3A_1233 : vector<16xf32>
        %mul3A_1235 = arith.constant 16 : i32
        %mul3A_1236 = arith.muli %scan3A_260, %mul3A_1235 : i32
        %add3A_1237 = arith.constant 1 : i32
        %add3A_1238 = arith.addi %mul3A_1236, %add3A_1237 : i32
        %get3A_1239 = arith.index_cast %add3A_1238 : i32 to index
        %get3A_1240 = arith.constant 0 : index
        %get3A_1241 = tpu.vector_load %arg13[%get3A_1239, %get3A_1240] {strides = array<i32>} : memref<64x128xf32, #tpu.memory_space<vmem>>, vector<1x16xf32>,
        %get3A_1242 = vector.shape_cast %get3A_1241 : vector<1x16xf32> to vector<16xf32>
        %mul3A_1243 = arith.mulf %get3A_1242, %get3A_266 : vector<16xf32>
        %get3A_1244 = arith.index_cast %add3A_1238 : i32 to index
        %get3A_1245 = arith.constant 16 : index
        %get3A_1246 = tpu.vector_load %arg13[%get3A_1244, %get3A_1245] {strides = array<i32>} : memref<64x128xf32, #tpu.memory_space<vmem>>, vector<1x16xf32>,
        %get3A_1247 = vector.shape_cast %get3A_1246 : vector<1x16xf32> to vector<16xf32>
        %mul3A_1248 = arith.mulf %get3A_1247, %get3A_270 : vector<16xf32>
        %add3A_1249 = arith.addf %mul3A_1243, %mul3A_1248 : vector<16xf32>
        %get3A_1250 = arith.index_cast %add3A_1238 : i32 to index
        %get3A_1251 = arith.constant 32 : index
        %get3A_1252 = tpu.vector_load %arg13[%get3A_1250, %get3A_1251] {strides = array<i32>} : memref<64x128xf32, #tpu.memory_space<vmem>>, vector<1x16xf32>,
        %get3A_1253 = vector.shape_cast %get3A_1252 : vector<1x16xf32> to vector<16xf32>
        %mul3A_1254 = arith.mulf %get3A_1253, %get3A_274 : vector<16xf32>
        %add3A_1255 = arith.addf %add3A_1249, %mul3A_1254 : vector<16xf32>
        %get3A_1256 = arith.index_cast %add3A_1238 : i32 to index
        %get3A_1257 = arith.constant 48 : index
        %get3A_1258 = tpu.vector_load %arg13[%get3A_1256, %get3A_1257] {strides = array<i32>} : memref<64x128xf32, #tpu.memory_space<vmem>>, vector<1x16xf32>,
        %get3A_1259 = vector.shape_cast %get3A_1258 : vector<1x16xf32> to vector<16xf32>
        %mul3A_1260 = arith.mulf %get3A_1259, %get3A_278 : vector<16xf32>
        %add3A_1261 = arith.addf %add3A_1255, %mul3A_1260 : vector<16xf32>
        %get3A_1262 = arith.index_cast %add3A_1238 : i32 to index
        %get3A_1263 = arith.constant 64 : index
        %get3A_1264 = tpu.vector_load %arg13[%get3A_1262, %get3A_1263] {strides = array<i32>} : memref<64x128xf32, #tpu.memory_space<vmem>>, vector<1x16xf32>,
        %get3A_1265 = vector.shape_cast %get3A_1264 : vector<1x16xf32> to vector<16xf32>
        %mul3A_1266 = arith.mulf %get3A_1265, %get3A_282 : vector<16xf32>
        %add3A_1267 = arith.addf %add3A_1261, %mul3A_1266 : vector<16xf32>
        %get3A_1268 = arith.index_cast %add3A_1238 : i32 to index
        %get3A_1269 = arith.constant 80 : index
        %get3A_1270 = tpu.vector_load %arg13[%get3A_1268, %get3A_1269] {strides = array<i32>} : memref<64x128xf32, #tpu.memory_space<vmem>>, vector<1x16xf32>,
        %get3A_1271 = vector.shape_cast %get3A_1270 : vector<1x16xf32> to vector<16xf32>
        %mul3A_1272 = arith.mulf %get3A_1271, %get3A_286 : vector<16xf32>
        %add3A_1273 = arith.addf %add3A_1267, %mul3A_1272 : vector<16xf32>
        %get3A_1274 = arith.index_cast %add3A_1238 : i32 to index
        %get3A_1275 = arith.constant 96 : index
        %get3A_1276 = tpu.vector_load %arg13[%get3A_1274, %get3A_1275] {strides = array<i32>} : memref<64x128xf32, #tpu.memory_space<vmem>>, vector<1x16xf32>,
        %get3A_1277 = vector.shape_cast %get3A_1276 : vector<1x16xf32> to vector<16xf32>
        %mul3A_1278 = arith.mulf %get3A_1277, %get3A_290 : vector<16xf32>
        %add3A_1279 = arith.addf %add3A_1273, %mul3A_1278 : vector<16xf32>
        %get3A_1280 = arith.index_cast %add3A_1238 : i32 to index
        %get3A_1281 = arith.constant 112 : index
        %get3A_1282 = tpu.vector_load %arg13[%get3A_1280, %get3A_1281] {strides = array<i32>} : memref<64x128xf32, #tpu.memory_space<vmem>>, vector<1x16xf32>,
        %get3A_1283 = vector.shape_cast %get3A_1282 : vector<1x16xf32> to vector<16xf32>
        %mul3A_1284 = arith.mulf %get3A_1283, %get3A_294 : vector<16xf32>
        %add3A_1285 = arith.addf %add3A_1279, %mul3A_1284 : vector<16xf32>
        %mul3A_1286 = arith.constant 16 : i32
        %mul3A_1287 = arith.muli %scan3A_260, %mul3A_1286 : i32
        %add3A_1288 = arith.constant 2 : i32
        %add3A_1289 = arith.addi %mul3A_1287, %add3A_1288 : i32
        %get3A_1290 = arith.index_cast %add3A_1289 : i32 to index
        %get3A_1291 = arith.constant 0 : index
        %get3A_1292 = tpu.vector_load %arg13[%get3A_1290, %get3A_1291] {strides = array<i32>} : memref<64x128xf32, #tpu.memory_space<vmem>>, vector<1x16xf32>,
        %get3A_1293 = vector.shape_cast %get3A_1292 : vector<1x16xf32> to vector<16xf32>
        %mul3A_1294 = arith.mulf %get3A_1293, %get3A_266 : vector<16xf32>
        %get3A_1295 = arith.index_cast %add3A_1289 : i32 to index
        %get3A_1296 = arith.constant 16 : index
        %get3A_1297 = tpu.vector_load %arg13[%get3A_1295, %get3A_1296] {strides = array<i32>} : memref<64x128xf32, #tpu.memory_space<vmem>>, vector<1x16xf32>,
        %get3A_1298 = vector.shape_cast %get3A_1297 : vector<1x16xf32> to vector<16xf32>
        %mul3A_1299 = arith.mulf %get3A_1298, %get3A_270 : vector<16xf32>
        %add3A_1300 = arith.addf %mul3A_1294, %mul3A_1299 : vector<16xf32>
        %get3A_1301 = arith.index_cast %add3A_1289 : i32 to index
        %get3A_1302 = arith.constant 32 : index
        %get3A_1303 = tpu.vector_load %arg13[%get3A_1301, %get3A_1302] {strides = array<i32>} : memref<64x128xf32, #tpu.memory_space<vmem>>, vector<1x16xf32>,
        %get3A_1304 = vector.shape_cast %get3A_1303 : vector<1x16xf32> to vector<16xf32>
        %mul3A_1305 = arith.mulf %get3A_1304, %get3A_274 : vector<16xf32>
        %add3A_1306 = arith.addf %add3A_1300, %mul3A_1305 : vector<16xf32>
        %get3A_1307 = arith.index_cast %add3A_1289 : i32 to index
        %get3A_1308 = arith.constant 48 : index
        %get3A_1309 = tpu.vector_load %arg13[%get3A_1307, %get3A_1308] {strides = array<i32>} : memref<64x128xf32, #tpu.memory_space<vmem>>, vector<1x16xf32>,
        %get3A_1310 = vector.shape_cast %get3A_1309 : vector<1x16xf32> to vector<16xf32>
        %mul3A_1311 = arith.mulf %get3A_1310, %get3A_278 : vector<16xf32>
        %add3A_1312 = arith.addf %add3A_1306, %mul3A_1311 : vector<16xf32>
        %get3A_1313 = arith.index_cast %add3A_1289 : i32 to index
        %get3A_1314 = arith.constant 64 : index
        %get3A_1315 = tpu.vector_load %arg13[%get3A_1313, %get3A_1314] {strides = array<i32>} : memref<64x128xf32, #tpu.memory_space<vmem>>, vector<1x16xf32>,
        %get3A_1316 = vector.shape_cast %get3A_1315 : vector<1x16xf32> to vector<16xf32>
        %mul3A_1317 = arith.mulf %get3A_1316, %get3A_282 : vector<16xf32>
        %add3A_1318 = arith.addf %add3A_1312, %mul3A_1317 : vector<16xf32>
        %get3A_1319 = arith.index_cast %add3A_1289 : i32 to index
        %get3A_1320 = arith.constant 80 : index
        %get3A_1321 = tpu.vector_load %arg13[%get3A_1319, %get3A_1320] {strides = array<i32>} : memref<64x128xf32, #tpu.memory_space<vmem>>, vector<1x16xf32>,
        %get3A_1322 = vector.shape_cast %get3A_1321 : vector<1x16xf32> to vector<16xf32>
        %mul3A_1323 = arith.mulf %get3A_1322, %get3A_286 : vector<16xf32>
        %add3A_1324 = arith.addf %add3A_1318, %mul3A_1323 : vector<16xf32>
        %get3A_1325 = arith.index_cast %add3A_1289 : i32 to index
        %get3A_1326 = arith.constant 96 : index
        %get3A_1327 = tpu.vector_load %arg13[%get3A_1325, %get3A_1326] {strides = array<i32>} : memref<64x128xf32, #tpu.memory_space<vmem>>, vector<1x16xf32>,
        %get3A_1328 = vector.shape_cast %get3A_1327 : vector<1x16xf32> to vector<16xf32>
        %mul3A_1329 = arith.mulf %get3A_1328, %get3A_290 : vector<16xf32>
        %add3A_1330 = arith.addf %add3A_1324, %mul3A_1329 : vector<16xf32>
        %get3A_1331 = arith.index_cast %add3A_1289 : i32 to index
        %get3A_1332 = arith.constant 112 : index
        %get3A_1333 = tpu.vector_load %arg13[%get3A_1331, %get3A_1332] {strides = array<i32>} : memref<64x128xf32, #tpu.memory_space<vmem>>, vector<1x16xf32>,
        %get3A_1334 = vector.shape_cast %get3A_1333 : vector<1x16xf32> to vector<16xf32>
        %mul3A_1335 = arith.mulf %get3A_1334, %get3A_294 : vector<16xf32>
        %add3A_1336 = arith.addf %add3A_1330, %mul3A_1335 : vector<16xf32>
        %mul3A_1337 = arith.constant 16 : i32
        %mul3A_1338 = arith.muli %scan3A_260, %mul3A_1337 : i32
        %add3A_1339 = arith.constant 3 : i32
        %add3A_1340 = arith.addi %mul3A_1338, %add3A_1339 : i32
        %get3A_1341 = arith.index_cast %add3A_1340 : i32 to index
        %get3A_1342 = arith.constant 0 : index
        %get3A_1343 = tpu.vector_load %arg13[%get3A_1341, %get3A_1342] {strides = array<i32>} : memref<64x128xf32, #tpu.memory_space<vmem>>, vector<1x16xf32>,
        %get3A_1344 = vector.shape_cast %get3A_1343 : vector<1x16xf32> to vector<16xf32>
        %mul3A_1345 = arith.mulf %get3A_1344, %get3A_266 : vector<16xf32>
        %get3A_1346 = arith.index_cast %add3A_1340 : i32 to index
        %get3A_1347 = arith.constant 16 : index
        %get3A_1348 = tpu.vector_load %arg13[%get3A_1346, %get3A_1347] {strides = array<i32>} : memref<64x128xf32, #tpu.memory_space<vmem>>, vector<1x16xf32>,
        %get3A_1349 = vector.shape_cast %get3A_1348 : vector<1x16xf32> to vector<16xf32>
        %mul3A_1350 = arith.mulf %get3A_1349, %get3A_270 : vector<16xf32>
        %add3A_1351 = arith.addf %mul3A_1345, %mul3A_1350 : vector<16xf32>
        %get3A_1352 = arith.index_cast %add3A_1340 : i32 to index
        %get3A_1353 = arith.constant 32 : index
        %get3A_1354 = tpu.vector_load %arg13[%get3A_1352, %get3A_1353] {strides = array<i32>} : memref<64x128xf32, #tpu.memory_space<vmem>>, vector<1x16xf32>,
        %get3A_1355 = vector.shape_cast %get3A_1354 : vector<1x16xf32> to vector<16xf32>
        %mul3A_1356 = arith.mulf %get3A_1355, %get3A_274 : vector<16xf32>
        %add3A_1357 = arith.addf %add3A_1351, %mul3A_1356 : vector<16xf32>
        %get3A_1358 = arith.index_cast %add3A_1340 : i32 to index
        %get3A_1359 = arith.constant 48 : index
        %get3A_1360 = tpu.vector_load %arg13[%get3A_1358, %get3A_1359] {strides = array<i32>} : memref<64x128xf32, #tpu.memory_space<vmem>>, vector<1x16xf32>,
        %get3A_1361 = vector.shape_cast %get3A_1360 : vector<1x16xf32> to vector<16xf32>
        %mul3A_1362 = arith.mulf %get3A_1361, %get3A_278 : vector<16xf32>
        %add3A_1363 = arith.addf %add3A_1357, %mul3A_1362 : vector<16xf32>
        %get3A_1364 = arith.index_cast %add3A_1340 : i32 to index
        %get3A_1365 = arith.constant 64 : index
        %get3A_1366 = tpu.vector_load %arg13[%get3A_1364, %get3A_1365] {strides = array<i32>} : memref<64x128xf32, #tpu.memory_space<vmem>>, vector<1x16xf32>,
        %get3A_1367 = vector.shape_cast %get3A_1366 : vector<1x16xf32> to vector<16xf32>
        %mul3A_1368 = arith.mulf %get3A_1367, %get3A_282 : vector<16xf32>
        %add3A_1369 = arith.addf %add3A_1363, %mul3A_1368 : vector<16xf32>
        %get3A_1370 = arith.index_cast %add3A_1340 : i32 to index
        %get3A_1371 = arith.constant 80 : index
        %get3A_1372 = tpu.vector_load %arg13[%get3A_1370, %get3A_1371] {strides = array<i32>} : memref<64x128xf32, #tpu.memory_space<vmem>>, vector<1x16xf32>,
        %get3A_1373 = vector.shape_cast %get3A_1372 : vector<1x16xf32> to vector<16xf32>
        %mul3A_1374 = arith.mulf %get3A_1373, %get3A_286 : vector<16xf32>
        %add3A_1375 = arith.addf %add3A_1369, %mul3A_1374 : vector<16xf32>
        %get3A_1376 = arith.index_cast %add3A_1340 : i32 to index
        %get3A_1377 = arith.constant 96 : index
        %get3A_1378 = tpu.vector_load %arg13[%get3A_1376, %get3A_1377] {strides = array<i32>} : memref<64x128xf32, #tpu.memory_space<vmem>>, vector<1x16xf32>,
        %get3A_1379 = vector.shape_cast %get3A_1378 : vector<1x16xf32> to vector<16xf32>
        %mul3A_1380 = arith.mulf %get3A_1379, %get3A_290 : vector<16xf32>
        %add3A_1381 = arith.addf %add3A_1375, %mul3A_1380 : vector<16xf32>
        %get3A_1382 = arith.index_cast %add3A_1340 : i32 to index
        %get3A_1383 = arith.constant 112 : index
        %get3A_1384 = tpu.vector_load %arg13[%get3A_1382, %get3A_1383] {strides = array<i32>} : memref<64x128xf32, #tpu.memory_space<vmem>>, vector<1x16xf32>,
        %get3A_1385 = vector.shape_cast %get3A_1384 : vector<1x16xf32> to vector<16xf32>
        %mul3A_1386 = arith.mulf %get3A_1385, %get3A_294 : vector<16xf32>
        %add3A_1387 = arith.addf %add3A_1381, %mul3A_1386 : vector<16xf32>
        %mul3A_1388 = arith.constant 16 : i32
        %mul3A_1389 = arith.muli %scan3A_260, %mul3A_1388 : i32
        %add3A_1390 = arith.constant 4 : i32
        %add3A_1391 = arith.addi %mul3A_1389, %add3A_1390 : i32
        %get3A_1392 = arith.index_cast %add3A_1391 : i32 to index
        %get3A_1393 = arith.constant 0 : index
        %get3A_1394 = tpu.vector_load %arg13[%get3A_1392, %get3A_1393] {strides = array<i32>} : memref<64x128xf32, #tpu.memory_space<vmem>>, vector<1x16xf32>,
        %get3A_1395 = vector.shape_cast %get3A_1394 : vector<1x16xf32> to vector<16xf32>
        %mul3A_1396 = arith.mulf %get3A_1395, %get3A_266 : vector<16xf32>
        %get3A_1397 = arith.index_cast %add3A_1391 : i32 to index
        %get3A_1398 = arith.constant 16 : index
        %get3A_1399 = tpu.vector_load %arg13[%get3A_1397, %get3A_1398] {strides = array<i32>} : memref<64x128xf32, #tpu.memory_space<vmem>>, vector<1x16xf32>,
        %get3A_1400 = vector.shape_cast %get3A_1399 : vector<1x16xf32> to vector<16xf32>
        %mul3A_1401 = arith.mulf %get3A_1400, %get3A_270 : vector<16xf32>
        %add3A_1402 = arith.addf %mul3A_1396, %mul3A_1401 : vector<16xf32>
        %get3A_1403 = arith.index_cast %add3A_1391 : i32 to index
        %get3A_1404 = arith.constant 32 : index
        %get3A_1405 = tpu.vector_load %arg13[%get3A_1403, %get3A_1404] {strides = array<i32>} : memref<64x128xf32, #tpu.memory_space<vmem>>, vector<1x16xf32>,
        %get3A_1406 = vector.shape_cast %get3A_1405 : vector<1x16xf32> to vector<16xf32>
        %mul3A_1407 = arith.mulf %get3A_1406, %get3A_274 : vector<16xf32>
        %add3A_1408 = arith.addf %add3A_1402, %mul3A_1407 : vector<16xf32>
        %get3A_1409 = arith.index_cast %add3A_1391 : i32 to index
        %get3A_1410 = arith.constant 48 : index
        %get3A_1411 = tpu.vector_load %arg13[%get3A_1409, %get3A_1410] {strides = array<i32>} : memref<64x128xf32, #tpu.memory_space<vmem>>, vector<1x16xf32>,
        %get3A_1412 = vector.shape_cast %get3A_1411 : vector<1x16xf32> to vector<16xf32>
        %mul3A_1413 = arith.mulf %get3A_1412, %get3A_278 : vector<16xf32>
        %add3A_1414 = arith.addf %add3A_1408, %mul3A_1413 : vector<16xf32>
        %get3A_1415 = arith.index_cast %add3A_1391 : i32 to index
        %get3A_1416 = arith.constant 64 : index
        %get3A_1417 = tpu.vector_load %arg13[%get3A_1415, %get3A_1416] {strides = array<i32>} : memref<64x128xf32, #tpu.memory_space<vmem>>, vector<1x16xf32>,
        %get3A_1418 = vector.shape_cast %get3A_1417 : vector<1x16xf32> to vector<16xf32>
        %mul3A_1419 = arith.mulf %get3A_1418, %get3A_282 : vector<16xf32>
        %add3A_1420 = arith.addf %add3A_1414, %mul3A_1419 : vector<16xf32>
        %get3A_1421 = arith.index_cast %add3A_1391 : i32 to index
        %get3A_1422 = arith.constant 80 : index
        %get3A_1423 = tpu.vector_load %arg13[%get3A_1421, %get3A_1422] {strides = array<i32>} : memref<64x128xf32, #tpu.memory_space<vmem>>, vector<1x16xf32>,
        %get3A_1424 = vector.shape_cast %get3A_1423 : vector<1x16xf32> to vector<16xf32>
        %mul3A_1425 = arith.mulf %get3A_1424, %get3A_286 : vector<16xf32>
        %add3A_1426 = arith.addf %add3A_1420, %mul3A_1425 : vector<16xf32>
        %get3A_1427 = arith.index_cast %add3A_1391 : i32 to index
        %get3A_1428 = arith.constant 96 : index
        %get3A_1429 = tpu.vector_load %arg13[%get3A_1427, %get3A_1428] {strides = array<i32>} : memref<64x128xf32, #tpu.memory_space<vmem>>, vector<1x16xf32>,
        %get3A_1430 = vector.shape_cast %get3A_1429 : vector<1x16xf32> to vector<16xf32>
        %mul3A_1431 = arith.mulf %get3A_1430, %get3A_290 : vector<16xf32>
        %add3A_1432 = arith.addf %add3A_1426, %mul3A_1431 : vector<16xf32>
        %get3A_1433 = arith.index_cast %add3A_1391 : i32 to index
        %get3A_1434 = arith.constant 112 : index
        %get3A_1435 = tpu.vector_load %arg13[%get3A_1433, %get3A_1434] {strides = array<i32>} : memref<64x128xf32, #tpu.memory_space<vmem>>, vector<1x16xf32>,
        %get3A_1436 = vector.shape_cast %get3A_1435 : vector<1x16xf32> to vector<16xf32>
        %mul3A_1437 = arith.mulf %get3A_1436, %get3A_294 : vector<16xf32>
        %add3A_1438 = arith.addf %add3A_1432, %mul3A_1437 : vector<16xf32>
        %mul3A_1439 = arith.constant 16 : i32
        %mul3A_1440 = arith.muli %scan3A_260, %mul3A_1439 : i32
        %add3A_1441 = arith.constant 5 : i32
        %add3A_1442 = arith.addi %mul3A_1440, %add3A_1441 : i32
        %get3A_1443 = arith.index_cast %add3A_1442 : i32 to index
        %get3A_1444 = arith.constant 0 : index
        %get3A_1445 = tpu.vector_load %arg13[%get3A_1443, %get3A_1444] {strides = array<i32>} : memref<64x128xf32, #tpu.memory_space<vmem>>, vector<1x16xf32>,
        %get3A_1446 = vector.shape_cast %get3A_1445 : vector<1x16xf32> to vector<16xf32>
        %mul3A_1447 = arith.mulf %get3A_1446, %get3A_266 : vector<16xf32>
        %get3A_1448 = arith.index_cast %add3A_1442 : i32 to index
        %get3A_1449 = arith.constant 16 : index
        %get3A_1450 = tpu.vector_load %arg13[%get3A_1448, %get3A_1449] {strides = array<i32>} : memref<64x128xf32, #tpu.memory_space<vmem>>, vector<1x16xf32>,
        %get3A_1451 = vector.shape_cast %get3A_1450 : vector<1x16xf32> to vector<16xf32>
        %mul3A_1452 = arith.mulf %get3A_1451, %get3A_270 : vector<16xf32>
        %add3A_1453 = arith.addf %mul3A_1447, %mul3A_1452 : vector<16xf32>
        %get3A_1454 = arith.index_cast %add3A_1442 : i32 to index
        %get3A_1455 = arith.constant 32 : index
        %get3A_1456 = tpu.vector_load %arg13[%get3A_1454, %get3A_1455] {strides = array<i32>} : memref<64x128xf32, #tpu.memory_space<vmem>>, vector<1x16xf32>,
        %get3A_1457 = vector.shape_cast %get3A_1456 : vector<1x16xf32> to vector<16xf32>
        %mul3A_1458 = arith.mulf %get3A_1457, %get3A_274 : vector<16xf32>
        %add3A_1459 = arith.addf %add3A_1453, %mul3A_1458 : vector<16xf32>
        %get3A_1460 = arith.index_cast %add3A_1442 : i32 to index
        %get3A_1461 = arith.constant 48 : index
        %get3A_1462 = tpu.vector_load %arg13[%get3A_1460, %get3A_1461] {strides = array<i32>} : memref<64x128xf32, #tpu.memory_space<vmem>>, vector<1x16xf32>,
        %get3A_1463 = vector.shape_cast %get3A_1462 : vector<1x16xf32> to vector<16xf32>
        %mul3A_1464 = arith.mulf %get3A_1463, %get3A_278 : vector<16xf32>
        %add3A_1465 = arith.addf %add3A_1459, %mul3A_1464 : vector<16xf32>
        %get3A_1466 = arith.index_cast %add3A_1442 : i32 to index
        %get3A_1467 = arith.constant 64 : index
        %get3A_1468 = tpu.vector_load %arg13[%get3A_1466, %get3A_1467] {strides = array<i32>} : memref<64x128xf32, #tpu.memory_space<vmem>>, vector<1x16xf32>,
        %get3A_1469 = vector.shape_cast %get3A_1468 : vector<1x16xf32> to vector<16xf32>
        %mul3A_1470 = arith.mulf %get3A_1469, %get3A_282 : vector<16xf32>
        %add3A_1471 = arith.addf %add3A_1465, %mul3A_1470 : vector<16xf32>
        %get3A_1472 = arith.index_cast %add3A_1442 : i32 to index
        %get3A_1473 = arith.constant 80 : index
        %get3A_1474 = tpu.vector_load %arg13[%get3A_1472, %get3A_1473] {strides = array<i32>} : memref<64x128xf32, #tpu.memory_space<vmem>>, vector<1x16xf32>,
        %get3A_1475 = vector.shape_cast %get3A_1474 : vector<1x16xf32> to vector<16xf32>
        %mul3A_1476 = arith.mulf %get3A_1475, %get3A_286 : vector<16xf32>
        %add3A_1477 = arith.addf %add3A_1471, %mul3A_1476 : vector<16xf32>
        %get3A_1478 = arith.index_cast %add3A_1442 : i32 to index
        %get3A_1479 = arith.constant 96 : index
        %get3A_1480 = tpu.vector_load %arg13[%get3A_1478, %get3A_1479] {strides = array<i32>} : memref<64x128xf32, #tpu.memory_space<vmem>>, vector<1x16xf32>,
        %get3A_1481 = vector.shape_cast %get3A_1480 : vector<1x16xf32> to vector<16xf32>
        %mul3A_1482 = arith.mulf %get3A_1481, %get3A_290 : vector<16xf32>
        %add3A_1483 = arith.addf %add3A_1477, %mul3A_1482 : vector<16xf32>
        %get3A_1484 = arith.index_cast %add3A_1442 : i32 to index
        %get3A_1485 = arith.constant 112 : index
        %get3A_1486 = tpu.vector_load %arg13[%get3A_1484, %get3A_1485] {strides = array<i32>} : memref<64x128xf32, #tpu.memory_space<vmem>>, vector<1x16xf32>,
        %get3A_1487 = vector.shape_cast %get3A_1486 : vector<1x16xf32> to vector<16xf32>
        %mul3A_1488 = arith.mulf %get3A_1487, %get3A_294 : vector<16xf32>
        %add3A_1489 = arith.addf %add3A_1483, %mul3A_1488 : vector<16xf32>
        %mul3A_1490 = arith.constant 16 : i32
        %mul3A_1491 = arith.muli %scan3A_260, %mul3A_1490 : i32
        %add3A_1492 = arith.constant 6 : i32
        %add3A_1493 = arith.addi %mul3A_1491, %add3A_1492 : i32
        %get3A_1494 = arith.index_cast %add3A_1493 : i32 to index
        %get3A_1495 = arith.constant 0 : index
        %get3A_1496 = tpu.vector_load %arg13[%get3A_1494, %get3A_1495] {strides = array<i32>} : memref<64x128xf32, #tpu.memory_space<vmem>>, vector<1x16xf32>,
        %get3A_1497 = vector.shape_cast %get3A_1496 : vector<1x16xf32> to vector<16xf32>
        %mul3A_1498 = arith.mulf %get3A_1497, %get3A_266 : vector<16xf32>
        %get3A_1499 = arith.index_cast %add3A_1493 : i32 to index
        %get3A_1500 = arith.constant 16 : index
        %get3A_1501 = tpu.vector_load %arg13[%get3A_1499, %get3A_1500] {strides = array<i32>} : memref<64x128xf32, #tpu.memory_space<vmem>>, vector<1x16xf32>,
        %get3A_1502 = vector.shape_cast %get3A_1501 : vector<1x16xf32> to vector<16xf32>
        %mul3A_1503 = arith.mulf %get3A_1502, %get3A_270 : vector<16xf32>
        %add3A_1504 = arith.addf %mul3A_1498, %mul3A_1503 : vector<16xf32>
        %get3A_1505 = arith.index_cast %add3A_1493 : i32 to index
        %get3A_1506 = arith.constant 32 : index
        %get3A_1507 = tpu.vector_load %arg13[%get3A_1505, %get3A_1506] {strides = array<i32>} : memref<64x128xf32, #tpu.memory_space<vmem>>, vector<1x16xf32>,
        %get3A_1508 = vector.shape_cast %get3A_1507 : vector<1x16xf32> to vector<16xf32>
        %mul3A_1509 = arith.mulf %get3A_1508, %get3A_274 : vector<16xf32>
        %add3A_1510 = arith.addf %add3A_1504, %mul3A_1509 : vector<16xf32>
        %get3A_1511 = arith.index_cast %add3A_1493 : i32 to index
        %get3A_1512 = arith.constant 48 : index
        %get3A_1513 = tpu.vector_load %arg13[%get3A_1511, %get3A_1512] {strides = array<i32>} : memref<64x128xf32, #tpu.memory_space<vmem>>, vector<1x16xf32>,
        %get3A_1514 = vector.shape_cast %get3A_1513 : vector<1x16xf32> to vector<16xf32>
        %mul3A_1515 = arith.mulf %get3A_1514, %get3A_278 : vector<16xf32>
        %add3A_1516 = arith.addf %add3A_1510, %mul3A_1515 : vector<16xf32>
        %get3A_1517 = arith.index_cast %add3A_1493 : i32 to index
        %get3A_1518 = arith.constant 64 : index
        %get3A_1519 = tpu.vector_load %arg13[%get3A_1517, %get3A_1518] {strides = array<i32>} : memref<64x128xf32, #tpu.memory_space<vmem>>, vector<1x16xf32>,
        %get3A_1520 = vector.shape_cast %get3A_1519 : vector<1x16xf32> to vector<16xf32>
        %mul3A_1521 = arith.mulf %get3A_1520, %get3A_282 : vector<16xf32>
        %add3A_1522 = arith.addf %add3A_1516, %mul3A_1521 : vector<16xf32>
        %get3A_1523 = arith.index_cast %add3A_1493 : i32 to index
        %get3A_1524 = arith.constant 80 : index
        %get3A_1525 = tpu.vector_load %arg13[%get3A_1523, %get3A_1524] {strides = array<i32>} : memref<64x128xf32, #tpu.memory_space<vmem>>, vector<1x16xf32>,
        %get3A_1526 = vector.shape_cast %get3A_1525 : vector<1x16xf32> to vector<16xf32>
        %mul3A_1527 = arith.mulf %get3A_1526, %get3A_286 : vector<16xf32>
        %add3A_1528 = arith.addf %add3A_1522, %mul3A_1527 : vector<16xf32>
        %get3A_1529 = arith.index_cast %add3A_1493 : i32 to index
        %get3A_1530 = arith.constant 96 : index
        %get3A_1531 = tpu.vector_load %arg13[%get3A_1529, %get3A_1530] {strides = array<i32>} : memref<64x128xf32, #tpu.memory_space<vmem>>, vector<1x16xf32>,
        %get3A_1532 = vector.shape_cast %get3A_1531 : vector<1x16xf32> to vector<16xf32>
        %mul3A_1533 = arith.mulf %get3A_1532, %get3A_290 : vector<16xf32>
        %add3A_1534 = arith.addf %add3A_1528, %mul3A_1533 : vector<16xf32>
        %get3A_1535 = arith.index_cast %add3A_1493 : i32 to index
        %get3A_1536 = arith.constant 112 : index
        %get3A_1537 = tpu.vector_load %arg13[%get3A_1535, %get3A_1536] {strides = array<i32>} : memref<64x128xf32, #tpu.memory_space<vmem>>, vector<1x16xf32>,
        %get3A_1538 = vector.shape_cast %get3A_1537 : vector<1x16xf32> to vector<16xf32>
        %mul3A_1539 = arith.mulf %get3A_1538, %get3A_294 : vector<16xf32>
        %add3A_1540 = arith.addf %add3A_1534, %mul3A_1539 : vector<16xf32>
        %mul3A_1541 = arith.constant 16 : i32
        %mul3A_1542 = arith.muli %scan3A_260, %mul3A_1541 : i32
        %add3A_1543 = arith.constant 7 : i32
        %add3A_1544 = arith.addi %mul3A_1542, %add3A_1543 : i32
        %get3A_1545 = arith.index_cast %add3A_1544 : i32 to index
        %get3A_1546 = arith.constant 0 : index
        %get3A_1547 = tpu.vector_load %arg13[%get3A_1545, %get3A_1546] {strides = array<i32>} : memref<64x128xf32, #tpu.memory_space<vmem>>, vector<1x16xf32>,
        %get3A_1548 = vector.shape_cast %get3A_1547 : vector<1x16xf32> to vector<16xf32>
        %mul3A_1549 = arith.mulf %get3A_1548, %get3A_266 : vector<16xf32>
        %get3A_1550 = arith.index_cast %add3A_1544 : i32 to index
        %get3A_1551 = arith.constant 16 : index
        %get3A_1552 = tpu.vector_load %arg13[%get3A_1550, %get3A_1551] {strides = array<i32>} : memref<64x128xf32, #tpu.memory_space<vmem>>, vector<1x16xf32>,
        %get3A_1553 = vector.shape_cast %get3A_1552 : vector<1x16xf32> to vector<16xf32>
        %mul3A_1554 = arith.mulf %get3A_1553, %get3A_270 : vector<16xf32>
        %add3A_1555 = arith.addf %mul3A_1549, %mul3A_1554 : vector<16xf32>
        %get3A_1556 = arith.index_cast %add3A_1544 : i32 to index
        %get3A_1557 = arith.constant 32 : index
        %get3A_1558 = tpu.vector_load %arg13[%get3A_1556, %get3A_1557] {strides = array<i32>} : memref<64x128xf32, #tpu.memory_space<vmem>>, vector<1x16xf32>,
        %get3A_1559 = vector.shape_cast %get3A_1558 : vector<1x16xf32> to vector<16xf32>
        %mul3A_1560 = arith.mulf %get3A_1559, %get3A_274 : vector<16xf32>
        %add3A_1561 = arith.addf %add3A_1555, %mul3A_1560 : vector<16xf32>
        %get3A_1562 = arith.index_cast %add3A_1544 : i32 to index
        %get3A_1563 = arith.constant 48 : index
        %get3A_1564 = tpu.vector_load %arg13[%get3A_1562, %get3A_1563] {strides = array<i32>} : memref<64x128xf32, #tpu.memory_space<vmem>>, vector<1x16xf32>,
        %get3A_1565 = vector.shape_cast %get3A_1564 : vector<1x16xf32> to vector<16xf32>
        %mul3A_1566 = arith.mulf %get3A_1565, %get3A_278 : vector<16xf32>
        %add3A_1567 = arith.addf %add3A_1561, %mul3A_1566 : vector<16xf32>
        %get3A_1568 = arith.index_cast %add3A_1544 : i32 to index
        %get3A_1569 = arith.constant 64 : index
        %get3A_1570 = tpu.vector_load %arg13[%get3A_1568, %get3A_1569] {strides = array<i32>} : memref<64x128xf32, #tpu.memory_space<vmem>>, vector<1x16xf32>,
        %get3A_1571 = vector.shape_cast %get3A_1570 : vector<1x16xf32> to vector<16xf32>
        %mul3A_1572 = arith.mulf %get3A_1571, %get3A_282 : vector<16xf32>
        %add3A_1573 = arith.addf %add3A_1567, %mul3A_1572 : vector<16xf32>
        %get3A_1574 = arith.index_cast %add3A_1544 : i32 to index
        %get3A_1575 = arith.constant 80 : index
        %get3A_1576 = tpu.vector_load %arg13[%get3A_1574, %get3A_1575] {strides = array<i32>} : memref<64x128xf32, #tpu.memory_space<vmem>>, vector<1x16xf32>,
        %get3A_1577 = vector.shape_cast %get3A_1576 : vector<1x16xf32> to vector<16xf32>
        %mul3A_1578 = arith.mulf %get3A_1577, %get3A_286 : vector<16xf32>
        %add3A_1579 = arith.addf %add3A_1573, %mul3A_1578 : vector<16xf32>
        %get3A_1580 = arith.index_cast %add3A_1544 : i32 to index
        %get3A_1581 = arith.constant 96 : index
        %get3A_1582 = tpu.vector_load %arg13[%get3A_1580, %get3A_1581] {strides = array<i32>} : memref<64x128xf32, #tpu.memory_space<vmem>>, vector<1x16xf32>,
        %get3A_1583 = vector.shape_cast %get3A_1582 : vector<1x16xf32> to vector<16xf32>
        %mul3A_1584 = arith.mulf %get3A_1583, %get3A_290 : vector<16xf32>
        %add3A_1585 = arith.addf %add3A_1579, %mul3A_1584 : vector<16xf32>
        %get3A_1586 = arith.index_cast %add3A_1544 : i32 to index
        %get3A_1587 = arith.constant 112 : index
        %get3A_1588 = tpu.vector_load %arg13[%get3A_1586, %get3A_1587] {strides = array<i32>} : memref<64x128xf32, #tpu.memory_space<vmem>>, vector<1x16xf32>,
        %get3A_1589 = vector.shape_cast %get3A_1588 : vector<1x16xf32> to vector<16xf32>
        %mul3A_1590 = arith.mulf %get3A_1589, %get3A_294 : vector<16xf32>
        %add3A_1591 = arith.addf %add3A_1585, %mul3A_1590 : vector<16xf32>
        %mul3A_1592 = arith.constant 16 : i32
        %mul3A_1593 = arith.muli %scan3A_260, %mul3A_1592 : i32
        %add3A_1594 = arith.constant 8 : i32
        %add3A_1595 = arith.addi %mul3A_1593, %add3A_1594 : i32
        %get3A_1596 = arith.index_cast %add3A_1595 : i32 to index
        %get3A_1597 = arith.constant 0 : index
        %get3A_1598 = tpu.vector_load %arg13[%get3A_1596, %get3A_1597] {strides = array<i32>} : memref<64x128xf32, #tpu.memory_space<vmem>>, vector<1x16xf32>,
        %get3A_1599 = vector.shape_cast %get3A_1598 : vector<1x16xf32> to vector<16xf32>
        %mul3A_1600 = arith.mulf %get3A_1599, %get3A_266 : vector<16xf32>
        %get3A_1601 = arith.index_cast %add3A_1595 : i32 to index
        %get3A_1602 = arith.constant 16 : index
        %get3A_1603 = tpu.vector_load %arg13[%get3A_1601, %get3A_1602] {strides = array<i32>} : memref<64x128xf32, #tpu.memory_space<vmem>>, vector<1x16xf32>,
        %get3A_1604 = vector.shape_cast %get3A_1603 : vector<1x16xf32> to vector<16xf32>
        %mul3A_1605 = arith.mulf %get3A_1604, %get3A_270 : vector<16xf32>
        %add3A_1606 = arith.addf %mul3A_1600, %mul3A_1605 : vector<16xf32>
        %get3A_1607 = arith.index_cast %add3A_1595 : i32 to index
        %get3A_1608 = arith.constant 32 : index
        %get3A_1609 = tpu.vector_load %arg13[%get3A_1607, %get3A_1608] {strides = array<i32>} : memref<64x128xf32, #tpu.memory_space<vmem>>, vector<1x16xf32>,
        %get3A_1610 = vector.shape_cast %get3A_1609 : vector<1x16xf32> to vector<16xf32>
        %mul3A_1611 = arith.mulf %get3A_1610, %get3A_274 : vector<16xf32>
        %add3A_1612 = arith.addf %add3A_1606, %mul3A_1611 : vector<16xf32>
        %get3A_1613 = arith.index_cast %add3A_1595 : i32 to index
        %get3A_1614 = arith.constant 48 : index
        %get3A_1615 = tpu.vector_load %arg13[%get3A_1613, %get3A_1614] {strides = array<i32>} : memref<64x128xf32, #tpu.memory_space<vmem>>, vector<1x16xf32>,
        %get3A_1616 = vector.shape_cast %get3A_1615 : vector<1x16xf32> to vector<16xf32>
        %mul3A_1617 = arith.mulf %get3A_1616, %get3A_278 : vector<16xf32>
        %add3A_1618 = arith.addf %add3A_1612, %mul3A_1617 : vector<16xf32>
        %get3A_1619 = arith.index_cast %add3A_1595 : i32 to index
        %get3A_1620 = arith.constant 64 : index
        %get3A_1621 = tpu.vector_load %arg13[%get3A_1619, %get3A_1620] {strides = array<i32>} : memref<64x128xf32, #tpu.memory_space<vmem>>, vector<1x16xf32>,
        %get3A_1622 = vector.shape_cast %get3A_1621 : vector<1x16xf32> to vector<16xf32>
        %mul3A_1623 = arith.mulf %get3A_1622, %get3A_282 : vector<16xf32>
        %add3A_1624 = arith.addf %add3A_1618, %mul3A_1623 : vector<16xf32>
        %get3A_1625 = arith.index_cast %add3A_1595 : i32 to index
        %get3A_1626 = arith.constant 80 : index
        %get3A_1627 = tpu.vector_load %arg13[%get3A_1625, %get3A_1626] {strides = array<i32>} : memref<64x128xf32, #tpu.memory_space<vmem>>, vector<1x16xf32>,
        %get3A_1628 = vector.shape_cast %get3A_1627 : vector<1x16xf32> to vector<16xf32>
        %mul3A_1629 = arith.mulf %get3A_1628, %get3A_286 : vector<16xf32>
        %add3A_1630 = arith.addf %add3A_1624, %mul3A_1629 : vector<16xf32>
        %get3A_1631 = arith.index_cast %add3A_1595 : i32 to index
        %get3A_1632 = arith.constant 96 : index
        %get3A_1633 = tpu.vector_load %arg13[%get3A_1631, %get3A_1632] {strides = array<i32>} : memref<64x128xf32, #tpu.memory_space<vmem>>, vector<1x16xf32>,
        %get3A_1634 = vector.shape_cast %get3A_1633 : vector<1x16xf32> to vector<16xf32>
        %mul3A_1635 = arith.mulf %get3A_1634, %get3A_290 : vector<16xf32>
        %add3A_1636 = arith.addf %add3A_1630, %mul3A_1635 : vector<16xf32>
        %get3A_1637 = arith.index_cast %add3A_1595 : i32 to index
        %get3A_1638 = arith.constant 112 : index
        %get3A_1639 = tpu.vector_load %arg13[%get3A_1637, %get3A_1638] {strides = array<i32>} : memref<64x128xf32, #tpu.memory_space<vmem>>, vector<1x16xf32>,
        %get3A_1640 = vector.shape_cast %get3A_1639 : vector<1x16xf32> to vector<16xf32>
        %mul3A_1641 = arith.mulf %get3A_1640, %get3A_294 : vector<16xf32>
        %add3A_1642 = arith.addf %add3A_1636, %mul3A_1641 : vector<16xf32>
        %mul3A_1643 = arith.constant 16 : i32
        %mul3A_1644 = arith.muli %scan3A_260, %mul3A_1643 : i32
        %add3A_1645 = arith.constant 9 : i32
        %add3A_1646 = arith.addi %mul3A_1644, %add3A_1645 : i32
        %get3A_1647 = arith.index_cast %add3A_1646 : i32 to index
        %get3A_1648 = arith.constant 0 : index
        %get3A_1649 = tpu.vector_load %arg13[%get3A_1647, %get3A_1648] {strides = array<i32>} : memref<64x128xf32, #tpu.memory_space<vmem>>, vector<1x16xf32>,
        %get3A_1650 = vector.shape_cast %get3A_1649 : vector<1x16xf32> to vector<16xf32>
        %mul3A_1651 = arith.mulf %get3A_1650, %get3A_266 : vector<16xf32>
        %get3A_1652 = arith.index_cast %add3A_1646 : i32 to index
        %get3A_1653 = arith.constant 16 : index
        %get3A_1654 = tpu.vector_load %arg13[%get3A_1652, %get3A_1653] {strides = array<i32>} : memref<64x128xf32, #tpu.memory_space<vmem>>, vector<1x16xf32>,
        %get3A_1655 = vector.shape_cast %get3A_1654 : vector<1x16xf32> to vector<16xf32>
        %mul3A_1656 = arith.mulf %get3A_1655, %get3A_270 : vector<16xf32>
        %add3A_1657 = arith.addf %mul3A_1651, %mul3A_1656 : vector<16xf32>
        %get3A_1658 = arith.index_cast %add3A_1646 : i32 to index
        %get3A_1659 = arith.constant 32 : index
        %get3A_1660 = tpu.vector_load %arg13[%get3A_1658, %get3A_1659] {strides = array<i32>} : memref<64x128xf32, #tpu.memory_space<vmem>>, vector<1x16xf32>,
        %get3A_1661 = vector.shape_cast %get3A_1660 : vector<1x16xf32> to vector<16xf32>
        %mul3A_1662 = arith.mulf %get3A_1661, %get3A_274 : vector<16xf32>
        %add3A_1663 = arith.addf %add3A_1657, %mul3A_1662 : vector<16xf32>
        %get3A_1664 = arith.index_cast %add3A_1646 : i32 to index
        %get3A_1665 = arith.constant 48 : index
        %get3A_1666 = tpu.vector_load %arg13[%get3A_1664, %get3A_1665] {strides = array<i32>} : memref<64x128xf32, #tpu.memory_space<vmem>>, vector<1x16xf32>,
        %get3A_1667 = vector.shape_cast %get3A_1666 : vector<1x16xf32> to vector<16xf32>
        %mul3A_1668 = arith.mulf %get3A_1667, %get3A_278 : vector<16xf32>
        %add3A_1669 = arith.addf %add3A_1663, %mul3A_1668 : vector<16xf32>
        %get3A_1670 = arith.index_cast %add3A_1646 : i32 to index
        %get3A_1671 = arith.constant 64 : index
        %get3A_1672 = tpu.vector_load %arg13[%get3A_1670, %get3A_1671] {strides = array<i32>} : memref<64x128xf32, #tpu.memory_space<vmem>>, vector<1x16xf32>,
        %get3A_1673 = vector.shape_cast %get3A_1672 : vector<1x16xf32> to vector<16xf32>
        %mul3A_1674 = arith.mulf %get3A_1673, %get3A_282 : vector<16xf32>
        %add3A_1675 = arith.addf %add3A_1669, %mul3A_1674 : vector<16xf32>
        %get3A_1676 = arith.index_cast %add3A_1646 : i32 to index
        %get3A_1677 = arith.constant 80 : index
        %get3A_1678 = tpu.vector_load %arg13[%get3A_1676, %get3A_1677] {strides = array<i32>} : memref<64x128xf32, #tpu.memory_space<vmem>>, vector<1x16xf32>,
        %get3A_1679 = vector.shape_cast %get3A_1678 : vector<1x16xf32> to vector<16xf32>
        %mul3A_1680 = arith.mulf %get3A_1679, %get3A_286 : vector<16xf32>
        %add3A_1681 = arith.addf %add3A_1675, %mul3A_1680 : vector<16xf32>
        %get3A_1682 = arith.index_cast %add3A_1646 : i32 to index
        %get3A_1683 = arith.constant 96 : index
        %get3A_1684 = tpu.vector_load %arg13[%get3A_1682, %get3A_1683] {strides = array<i32>} : memref<64x128xf32, #tpu.memory_space<vmem>>, vector<1x16xf32>,
        %get3A_1685 = vector.shape_cast %get3A_1684 : vector<1x16xf32> to vector<16xf32>
        %mul3A_1686 = arith.mulf %get3A_1685, %get3A_290 : vector<16xf32>
        %add3A_1687 = arith.addf %add3A_1681, %mul3A_1686 : vector<16xf32>
        %get3A_1688 = arith.index_cast %add3A_1646 : i32 to index
        %get3A_1689 = arith.constant 112 : index
        %get3A_1690 = tpu.vector_load %arg13[%get3A_1688, %get3A_1689] {strides = array<i32>} : memref<64x128xf32, #tpu.memory_space<vmem>>, vector<1x16xf32>,
        %get3A_1691 = vector.shape_cast %get3A_1690 : vector<1x16xf32> to vector<16xf32>
        %mul3A_1692 = arith.mulf %get3A_1691, %get3A_294 : vector<16xf32>
        %add3A_1693 = arith.addf %add3A_1687, %mul3A_1692 : vector<16xf32>
        %mul3A_1694 = arith.constant 16 : i32
        %mul3A_1695 = arith.muli %scan3A_260, %mul3A_1694 : i32
        %add3A_1696 = arith.constant 10 : i32
        %add3A_1697 = arith.addi %mul3A_1695, %add3A_1696 : i32
        %get3A_1698 = arith.index_cast %add3A_1697 : i32 to index
        %get3A_1699 = arith.constant 0 : index
        %get3A_1700 = tpu.vector_load %arg13[%get3A_1698, %get3A_1699] {strides = array<i32>} : memref<64x128xf32, #tpu.memory_space<vmem>>, vector<1x16xf32>,
        %get3A_1701 = vector.shape_cast %get3A_1700 : vector<1x16xf32> to vector<16xf32>
        %mul3A_1702 = arith.mulf %get3A_1701, %get3A_266 : vector<16xf32>
        %get3A_1703 = arith.index_cast %add3A_1697 : i32 to index
        %get3A_1704 = arith.constant 16 : index
        %get3A_1705 = tpu.vector_load %arg13[%get3A_1703, %get3A_1704] {strides = array<i32>} : memref<64x128xf32, #tpu.memory_space<vmem>>, vector<1x16xf32>,
        %get3A_1706 = vector.shape_cast %get3A_1705 : vector<1x16xf32> to vector<16xf32>
        %mul3A_1707 = arith.mulf %get3A_1706, %get3A_270 : vector<16xf32>
        %add3A_1708 = arith.addf %mul3A_1702, %mul3A_1707 : vector<16xf32>
        %get3A_1709 = arith.index_cast %add3A_1697 : i32 to index
        %get3A_1710 = arith.constant 32 : index
        %get3A_1711 = tpu.vector_load %arg13[%get3A_1709, %get3A_1710] {strides = array<i32>} : memref<64x128xf32, #tpu.memory_space<vmem>>, vector<1x16xf32>,
        %get3A_1712 = vector.shape_cast %get3A_1711 : vector<1x16xf32> to vector<16xf32>
        %mul3A_1713 = arith.mulf %get3A_1712, %get3A_274 : vector<16xf32>
        %add3A_1714 = arith.addf %add3A_1708, %mul3A_1713 : vector<16xf32>
        %get3A_1715 = arith.index_cast %add3A_1697 : i32 to index
        %get3A_1716 = arith.constant 48 : index
        %get3A_1717 = tpu.vector_load %arg13[%get3A_1715, %get3A_1716] {strides = array<i32>} : memref<64x128xf32, #tpu.memory_space<vmem>>, vector<1x16xf32>,
        %get3A_1718 = vector.shape_cast %get3A_1717 : vector<1x16xf32> to vector<16xf32>
        %mul3A_1719 = arith.mulf %get3A_1718, %get3A_278 : vector<16xf32>
        %add3A_1720 = arith.addf %add3A_1714, %mul3A_1719 : vector<16xf32>
        %get3A_1721 = arith.index_cast %add3A_1697 : i32 to index
        %get3A_1722 = arith.constant 64 : index
        %get3A_1723 = tpu.vector_load %arg13[%get3A_1721, %get3A_1722] {strides = array<i32>} : memref<64x128xf32, #tpu.memory_space<vmem>>, vector<1x16xf32>,
        %get3A_1724 = vector.shape_cast %get3A_1723 : vector<1x16xf32> to vector<16xf32>
        %mul3A_1725 = arith.mulf %get3A_1724, %get3A_282 : vector<16xf32>
        %add3A_1726 = arith.addf %add3A_1720, %mul3A_1725 : vector<16xf32>
        %get3A_1727 = arith.index_cast %add3A_1697 : i32 to index
        %get3A_1728 = arith.constant 80 : index
        %get3A_1729 = tpu.vector_load %arg13[%get3A_1727, %get3A_1728] {strides = array<i32>} : memref<64x128xf32, #tpu.memory_space<vmem>>, vector<1x16xf32>,
        %get3A_1730 = vector.shape_cast %get3A_1729 : vector<1x16xf32> to vector<16xf32>
        %mul3A_1731 = arith.mulf %get3A_1730, %get3A_286 : vector<16xf32>
        %add3A_1732 = arith.addf %add3A_1726, %mul3A_1731 : vector<16xf32>
        %get3A_1733 = arith.index_cast %add3A_1697 : i32 to index
        %get3A_1734 = arith.constant 96 : index
        %get3A_1735 = tpu.vector_load %arg13[%get3A_1733, %get3A_1734] {strides = array<i32>} : memref<64x128xf32, #tpu.memory_space<vmem>>, vector<1x16xf32>,
        %get3A_1736 = vector.shape_cast %get3A_1735 : vector<1x16xf32> to vector<16xf32>
        %mul3A_1737 = arith.mulf %get3A_1736, %get3A_290 : vector<16xf32>
        %add3A_1738 = arith.addf %add3A_1732, %mul3A_1737 : vector<16xf32>
        %get3A_1739 = arith.index_cast %add3A_1697 : i32 to index
        %get3A_1740 = arith.constant 112 : index
        %get3A_1741 = tpu.vector_load %arg13[%get3A_1739, %get3A_1740] {strides = array<i32>} : memref<64x128xf32, #tpu.memory_space<vmem>>, vector<1x16xf32>,
        %get3A_1742 = vector.shape_cast %get3A_1741 : vector<1x16xf32> to vector<16xf32>
        %mul3A_1743 = arith.mulf %get3A_1742, %get3A_294 : vector<16xf32>
        %add3A_1744 = arith.addf %add3A_1738, %mul3A_1743 : vector<16xf32>
        %mul3A_1745 = arith.constant 16 : i32
        %mul3A_1746 = arith.muli %scan3A_260, %mul3A_1745 : i32
        %add3A_1747 = arith.constant 11 : i32
        %add3A_1748 = arith.addi %mul3A_1746, %add3A_1747 : i32
        %get3A_1749 = arith.index_cast %add3A_1748 : i32 to index
        %get3A_1750 = arith.constant 0 : index
        %get3A_1751 = tpu.vector_load %arg13[%get3A_1749, %get3A_1750] {strides = array<i32>} : memref<64x128xf32, #tpu.memory_space<vmem>>, vector<1x16xf32>,
        %get3A_1752 = vector.shape_cast %get3A_1751 : vector<1x16xf32> to vector<16xf32>
        %mul3A_1753 = arith.mulf %get3A_1752, %get3A_266 : vector<16xf32>
        %get3A_1754 = arith.index_cast %add3A_1748 : i32 to index
        %get3A_1755 = arith.constant 16 : index
        %get3A_1756 = tpu.vector_load %arg13[%get3A_1754, %get3A_1755] {strides = array<i32>} : memref<64x128xf32, #tpu.memory_space<vmem>>, vector<1x16xf32>,
        %get3A_1757 = vector.shape_cast %get3A_1756 : vector<1x16xf32> to vector<16xf32>
        %mul3A_1758 = arith.mulf %get3A_1757, %get3A_270 : vector<16xf32>
        %add3A_1759 = arith.addf %mul3A_1753, %mul3A_1758 : vector<16xf32>
        %get3A_1760 = arith.index_cast %add3A_1748 : i32 to index
        %get3A_1761 = arith.constant 32 : index
        %get3A_1762 = tpu.vector_load %arg13[%get3A_1760, %get3A_1761] {strides = array<i32>} : memref<64x128xf32, #tpu.memory_space<vmem>>, vector<1x16xf32>,
        %get3A_1763 = vector.shape_cast %get3A_1762 : vector<1x16xf32> to vector<16xf32>
        %mul3A_1764 = arith.mulf %get3A_1763, %get3A_274 : vector<16xf32>
        %add3A_1765 = arith.addf %add3A_1759, %mul3A_1764 : vector<16xf32>
        %get3A_1766 = arith.index_cast %add3A_1748 : i32 to index
        %get3A_1767 = arith.constant 48 : index
        %get3A_1768 = tpu.vector_load %arg13[%get3A_1766, %get3A_1767] {strides = array<i32>} : memref<64x128xf32, #tpu.memory_space<vmem>>, vector<1x16xf32>,
        %get3A_1769 = vector.shape_cast %get3A_1768 : vector<1x16xf32> to vector<16xf32>
        %mul3A_1770 = arith.mulf %get3A_1769, %get3A_278 : vector<16xf32>
        %add3A_1771 = arith.addf %add3A_1765, %mul3A_1770 : vector<16xf32>
        %get3A_1772 = arith.index_cast %add3A_1748 : i32 to index
        %get3A_1773 = arith.constant 64 : index
        %get3A_1774 = tpu.vector_load %arg13[%get3A_1772, %get3A_1773] {strides = array<i32>} : memref<64x128xf32, #tpu.memory_space<vmem>>, vector<1x16xf32>,
        %get3A_1775 = vector.shape_cast %get3A_1774 : vector<1x16xf32> to vector<16xf32>
        %mul3A_1776 = arith.mulf %get3A_1775, %get3A_282 : vector<16xf32>
        %add3A_1777 = arith.addf %add3A_1771, %mul3A_1776 : vector<16xf32>
        %get3A_1778 = arith.index_cast %add3A_1748 : i32 to index
        %get3A_1779 = arith.constant 80 : index
        %get3A_1780 = tpu.vector_load %arg13[%get3A_1778, %get3A_1779] {strides = array<i32>} : memref<64x128xf32, #tpu.memory_space<vmem>>, vector<1x16xf32>,
        %get3A_1781 = vector.shape_cast %get3A_1780 : vector<1x16xf32> to vector<16xf32>
        %mul3A_1782 = arith.mulf %get3A_1781, %get3A_286 : vector<16xf32>
        %add3A_1783 = arith.addf %add3A_1777, %mul3A_1782 : vector<16xf32>
        %get3A_1784 = arith.index_cast %add3A_1748 : i32 to index
        %get3A_1785 = arith.constant 96 : index
        %get3A_1786 = tpu.vector_load %arg13[%get3A_1784, %get3A_1785] {strides = array<i32>} : memref<64x128xf32, #tpu.memory_space<vmem>>, vector<1x16xf32>,
        %get3A_1787 = vector.shape_cast %get3A_1786 : vector<1x16xf32> to vector<16xf32>
        %mul3A_1788 = arith.mulf %get3A_1787, %get3A_290 : vector<16xf32>
        %add3A_1789 = arith.addf %add3A_1783, %mul3A_1788 : vector<16xf32>
        %get3A_1790 = arith.index_cast %add3A_1748 : i32 to index
        %get3A_1791 = arith.constant 112 : index
        %get3A_1792 = tpu.vector_load %arg13[%get3A_1790, %get3A_1791] {strides = array<i32>} : memref<64x128xf32, #tpu.memory_space<vmem>>, vector<1x16xf32>,
        %get3A_1793 = vector.shape_cast %get3A_1792 : vector<1x16xf32> to vector<16xf32>
        %mul3A_1794 = arith.mulf %get3A_1793, %get3A_294 : vector<16xf32>
        %add3A_1795 = arith.addf %add3A_1789, %mul3A_1794 : vector<16xf32>
        %mul3A_1796 = arith.constant 16 : i32
        %mul3A_1797 = arith.muli %scan3A_260, %mul3A_1796 : i32
        %add3A_1798 = arith.constant 12 : i32
        %add3A_1799 = arith.addi %mul3A_1797, %add3A_1798 : i32
        %get3A_1800 = arith.index_cast %add3A_1799 : i32 to index
        %get3A_1801 = arith.constant 0 : index
        %get3A_1802 = tpu.vector_load %arg13[%get3A_1800, %get3A_1801] {strides = array<i32>} : memref<64x128xf32, #tpu.memory_space<vmem>>, vector<1x16xf32>,
        %get3A_1803 = vector.shape_cast %get3A_1802 : vector<1x16xf32> to vector<16xf32>
        %mul3A_1804 = arith.mulf %get3A_1803, %get3A_266 : vector<16xf32>
        %get3A_1805 = arith.index_cast %add3A_1799 : i32 to index
        %get3A_1806 = arith.constant 16 : index
        %get3A_1807 = tpu.vector_load %arg13[%get3A_1805, %get3A_1806] {strides = array<i32>} : memref<64x128xf32, #tpu.memory_space<vmem>>, vector<1x16xf32>,
        %get3A_1808 = vector.shape_cast %get3A_1807 : vector<1x16xf32> to vector<16xf32>
        %mul3A_1809 = arith.mulf %get3A_1808, %get3A_270 : vector<16xf32>
        %add3A_1810 = arith.addf %mul3A_1804, %mul3A_1809 : vector<16xf32>
        %get3A_1811 = arith.index_cast %add3A_1799 : i32 to index
        %get3A_1812 = arith.constant 32 : index
        %get3A_1813 = tpu.vector_load %arg13[%get3A_1811, %get3A_1812] {strides = array<i32>} : memref<64x128xf32, #tpu.memory_space<vmem>>, vector<1x16xf32>,
        %get3A_1814 = vector.shape_cast %get3A_1813 : vector<1x16xf32> to vector<16xf32>
        %mul3A_1815 = arith.mulf %get3A_1814, %get3A_274 : vector<16xf32>
        %add3A_1816 = arith.addf %add3A_1810, %mul3A_1815 : vector<16xf32>
        %get3A_1817 = arith.index_cast %add3A_1799 : i32 to index
        %get3A_1818 = arith.constant 48 : index
        %get3A_1819 = tpu.vector_load %arg13[%get3A_1817, %get3A_1818] {strides = array<i32>} : memref<64x128xf32, #tpu.memory_space<vmem>>, vector<1x16xf32>,
        %get3A_1820 = vector.shape_cast %get3A_1819 : vector<1x16xf32> to vector<16xf32>
        %mul3A_1821 = arith.mulf %get3A_1820, %get3A_278 : vector<16xf32>
        %add3A_1822 = arith.addf %add3A_1816, %mul3A_1821 : vector<16xf32>
        %get3A_1823 = arith.index_cast %add3A_1799 : i32 to index
        %get3A_1824 = arith.constant 64 : index
        %get3A_1825 = tpu.vector_load %arg13[%get3A_1823, %get3A_1824] {strides = array<i32>} : memref<64x128xf32, #tpu.memory_space<vmem>>, vector<1x16xf32>,
        %get3A_1826 = vector.shape_cast %get3A_1825 : vector<1x16xf32> to vector<16xf32>
        %mul3A_1827 = arith.mulf %get3A_1826, %get3A_282 : vector<16xf32>
        %add3A_1828 = arith.addf %add3A_1822, %mul3A_1827 : vector<16xf32>
        %get3A_1829 = arith.index_cast %add3A_1799 : i32 to index
        %get3A_1830 = arith.constant 80 : index
        %get3A_1831 = tpu.vector_load %arg13[%get3A_1829, %get3A_1830] {strides = array<i32>} : memref<64x128xf32, #tpu.memory_space<vmem>>, vector<1x16xf32>,
        %get3A_1832 = vector.shape_cast %get3A_1831 : vector<1x16xf32> to vector<16xf32>
        %mul3A_1833 = arith.mulf %get3A_1832, %get3A_286 : vector<16xf32>
        %add3A_1834 = arith.addf %add3A_1828, %mul3A_1833 : vector<16xf32>
        %get3A_1835 = arith.index_cast %add3A_1799 : i32 to index
        %get3A_1836 = arith.constant 96 : index
        %get3A_1837 = tpu.vector_load %arg13[%get3A_1835, %get3A_1836] {strides = array<i32>} : memref<64x128xf32, #tpu.memory_space<vmem>>, vector<1x16xf32>,
        %get3A_1838 = vector.shape_cast %get3A_1837 : vector<1x16xf32> to vector<16xf32>
        %mul3A_1839 = arith.mulf %get3A_1838, %get3A_290 : vector<16xf32>
        %add3A_1840 = arith.addf %add3A_1834, %mul3A_1839 : vector<16xf32>
        %get3A_1841 = arith.index_cast %add3A_1799 : i32 to index
        %get3A_1842 = arith.constant 112 : index
        %get3A_1843 = tpu.vector_load %arg13[%get3A_1841, %get3A_1842] {strides = array<i32>} : memref<64x128xf32, #tpu.memory_space<vmem>>, vector<1x16xf32>,
        %get3A_1844 = vector.shape_cast %get3A_1843 : vector<1x16xf32> to vector<16xf32>
        %mul3A_1845 = arith.mulf %get3A_1844, %get3A_294 : vector<16xf32>
        %add3A_1846 = arith.addf %add3A_1840, %mul3A_1845 : vector<16xf32>
        %mul3A_1847 = arith.constant 16 : i32
        %mul3A_1848 = arith.muli %scan3A_260, %mul3A_1847 : i32
        %add3A_1849 = arith.constant 13 : i32
        %add3A_1850 = arith.addi %mul3A_1848, %add3A_1849 : i32
        %get3A_1851 = arith.index_cast %add3A_1850 : i32 to index
        %get3A_1852 = arith.constant 0 : index
        %get3A_1853 = tpu.vector_load %arg13[%get3A_1851, %get3A_1852] {strides = array<i32>} : memref<64x128xf32, #tpu.memory_space<vmem>>, vector<1x16xf32>,
        %get3A_1854 = vector.shape_cast %get3A_1853 : vector<1x16xf32> to vector<16xf32>
        %mul3A_1855 = arith.mulf %get3A_1854, %get3A_266 : vector<16xf32>
        %get3A_1856 = arith.index_cast %add3A_1850 : i32 to index
        %get3A_1857 = arith.constant 16 : index
        %get3A_1858 = tpu.vector_load %arg13[%get3A_1856, %get3A_1857] {strides = array<i32>} : memref<64x128xf32, #tpu.memory_space<vmem>>, vector<1x16xf32>,
        %get3A_1859 = vector.shape_cast %get3A_1858 : vector<1x16xf32> to vector<16xf32>
        %mul3A_1860 = arith.mulf %get3A_1859, %get3A_270 : vector<16xf32>
        %add3A_1861 = arith.addf %mul3A_1855, %mul3A_1860 : vector<16xf32>
        %get3A_1862 = arith.index_cast %add3A_1850 : i32 to index
        %get3A_1863 = arith.constant 32 : index
        %get3A_1864 = tpu.vector_load %arg13[%get3A_1862, %get3A_1863] {strides = array<i32>} : memref<64x128xf32, #tpu.memory_space<vmem>>, vector<1x16xf32>,
        %get3A_1865 = vector.shape_cast %get3A_1864 : vector<1x16xf32> to vector<16xf32>
        %mul3A_1866 = arith.mulf %get3A_1865, %get3A_274 : vector<16xf32>
        %add3A_1867 = arith.addf %add3A_1861, %mul3A_1866 : vector<16xf32>
        %get3A_1868 = arith.index_cast %add3A_1850 : i32 to index
        %get3A_1869 = arith.constant 48 : index
        %get3A_1870 = tpu.vector_load %arg13[%get3A_1868, %get3A_1869] {strides = array<i32>} : memref<64x128xf32, #tpu.memory_space<vmem>>, vector<1x16xf32>,
        %get3A_1871 = vector.shape_cast %get3A_1870 : vector<1x16xf32> to vector<16xf32>
        %mul3A_1872 = arith.mulf %get3A_1871, %get3A_278 : vector<16xf32>
        %add3A_1873 = arith.addf %add3A_1867, %mul3A_1872 : vector<16xf32>
        %get3A_1874 = arith.index_cast %add3A_1850 : i32 to index
        %get3A_1875 = arith.constant 64 : index
        %get3A_1876 = tpu.vector_load %arg13[%get3A_1874, %get3A_1875] {strides = array<i32>} : memref<64x128xf32, #tpu.memory_space<vmem>>, vector<1x16xf32>,
        %get3A_1877 = vector.shape_cast %get3A_1876 : vector<1x16xf32> to vector<16xf32>
        %mul3A_1878 = arith.mulf %get3A_1877, %get3A_282 : vector<16xf32>
        %add3A_1879 = arith.addf %add3A_1873, %mul3A_1878 : vector<16xf32>
        %get3A_1880 = arith.index_cast %add3A_1850 : i32 to index
        %get3A_1881 = arith.constant 80 : index
        %get3A_1882 = tpu.vector_load %arg13[%get3A_1880, %get3A_1881] {strides = array<i32>} : memref<64x128xf32, #tpu.memory_space<vmem>>, vector<1x16xf32>,
        %get3A_1883 = vector.shape_cast %get3A_1882 : vector<1x16xf32> to vector<16xf32>
        %mul3A_1884 = arith.mulf %get3A_1883, %get3A_286 : vector<16xf32>
        %add3A_1885 = arith.addf %add3A_1879, %mul3A_1884 : vector<16xf32>
        %get3A_1886 = arith.index_cast %add3A_1850 : i32 to index
        %get3A_1887 = arith.constant 96 : index
        %get3A_1888 = tpu.vector_load %arg13[%get3A_1886, %get3A_1887] {strides = array<i32>} : memref<64x128xf32, #tpu.memory_space<vmem>>, vector<1x16xf32>,
        %get3A_1889 = vector.shape_cast %get3A_1888 : vector<1x16xf32> to vector<16xf32>
        %mul3A_1890 = arith.mulf %get3A_1889, %get3A_290 : vector<16xf32>
        %add3A_1891 = arith.addf %add3A_1885, %mul3A_1890 : vector<16xf32>
        %get3A_1892 = arith.index_cast %add3A_1850 : i32 to index
        %get3A_1893 = arith.constant 112 : index
        %get3A_1894 = tpu.vector_load %arg13[%get3A_1892, %get3A_1893] {strides = array<i32>} : memref<64x128xf32, #tpu.memory_space<vmem>>, vector<1x16xf32>,
        %get3A_1895 = vector.shape_cast %get3A_1894 : vector<1x16xf32> to vector<16xf32>
        %mul3A_1896 = arith.mulf %get3A_1895, %get3A_294 : vector<16xf32>
        %add3A_1897 = arith.addf %add3A_1891, %mul3A_1896 : vector<16xf32>
        %mul3A_1898 = arith.constant 16 : i32
        %mul3A_1899 = arith.muli %scan3A_260, %mul3A_1898 : i32
        %add3A_1900 = arith.constant 14 : i32
        %add3A_1901 = arith.addi %mul3A_1899, %add3A_1900 : i32
        %get3A_1902 = arith.index_cast %add3A_1901 : i32 to index
        %get3A_1903 = arith.constant 0 : index
        %get3A_1904 = tpu.vector_load %arg13[%get3A_1902, %get3A_1903] {strides = array<i32>} : memref<64x128xf32, #tpu.memory_space<vmem>>, vector<1x16xf32>,
        %get3A_1905 = vector.shape_cast %get3A_1904 : vector<1x16xf32> to vector<16xf32>
        %mul3A_1906 = arith.mulf %get3A_1905, %get3A_266 : vector<16xf32>
        %get3A_1907 = arith.index_cast %add3A_1901 : i32 to index
        %get3A_1908 = arith.constant 16 : index
        %get3A_1909 = tpu.vector_load %arg13[%get3A_1907, %get3A_1908] {strides = array<i32>} : memref<64x128xf32, #tpu.memory_space<vmem>>, vector<1x16xf32>,
        %get3A_1910 = vector.shape_cast %get3A_1909 : vector<1x16xf32> to vector<16xf32>
        %mul3A_1911 = arith.mulf %get3A_1910, %get3A_270 : vector<16xf32>
        %add3A_1912 = arith.addf %mul3A_1906, %mul3A_1911 : vector<16xf32>
        %get3A_1913 = arith.index_cast %add3A_1901 : i32 to index
        %get3A_1914 = arith.constant 32 : index
        %get3A_1915 = tpu.vector_load %arg13[%get3A_1913, %get3A_1914] {strides = array<i32>} : memref<64x128xf32, #tpu.memory_space<vmem>>, vector<1x16xf32>,
        %get3A_1916 = vector.shape_cast %get3A_1915 : vector<1x16xf32> to vector<16xf32>
        %mul3A_1917 = arith.mulf %get3A_1916, %get3A_274 : vector<16xf32>
        %add3A_1918 = arith.addf %add3A_1912, %mul3A_1917 : vector<16xf32>
        %get3A_1919 = arith.index_cast %add3A_1901 : i32 to index
        %get3A_1920 = arith.constant 48 : index
        %get3A_1921 = tpu.vector_load %arg13[%get3A_1919, %get3A_1920] {strides = array<i32>} : memref<64x128xf32, #tpu.memory_space<vmem>>, vector<1x16xf32>,
        %get3A_1922 = vector.shape_cast %get3A_1921 : vector<1x16xf32> to vector<16xf32>
        %mul3A_1923 = arith.mulf %get3A_1922, %get3A_278 : vector<16xf32>
        %add3A_1924 = arith.addf %add3A_1918, %mul3A_1923 : vector<16xf32>
        %get3A_1925 = arith.index_cast %add3A_1901 : i32 to index
        %get3A_1926 = arith.constant 64 : index
        %get3A_1927 = tpu.vector_load %arg13[%get3A_1925, %get3A_1926] {strides = array<i32>} : memref<64x128xf32, #tpu.memory_space<vmem>>, vector<1x16xf32>,
        %get3A_1928 = vector.shape_cast %get3A_1927 : vector<1x16xf32> to vector<16xf32>
        %mul3A_1929 = arith.mulf %get3A_1928, %get3A_282 : vector<16xf32>
        %add3A_1930 = arith.addf %add3A_1924, %mul3A_1929 : vector<16xf32>
        %get3A_1931 = arith.index_cast %add3A_1901 : i32 to index
        %get3A_1932 = arith.constant 80 : index
        %get3A_1933 = tpu.vector_load %arg13[%get3A_1931, %get3A_1932] {strides = array<i32>} : memref<64x128xf32, #tpu.memory_space<vmem>>, vector<1x16xf32>,
        %get3A_1934 = vector.shape_cast %get3A_1933 : vector<1x16xf32> to vector<16xf32>
        %mul3A_1935 = arith.mulf %get3A_1934, %get3A_286 : vector<16xf32>
        %add3A_1936 = arith.addf %add3A_1930, %mul3A_1935 : vector<16xf32>
        %get3A_1937 = arith.index_cast %add3A_1901 : i32 to index
        %get3A_1938 = arith.constant 96 : index
        %get3A_1939 = tpu.vector_load %arg13[%get3A_1937, %get3A_1938] {strides = array<i32>} : memref<64x128xf32, #tpu.memory_space<vmem>>, vector<1x16xf32>,
        %get3A_1940 = vector.shape_cast %get3A_1939 : vector<1x16xf32> to vector<16xf32>
        %mul3A_1941 = arith.mulf %get3A_1940, %get3A_290 : vector<16xf32>
        %add3A_1942 = arith.addf %add3A_1936, %mul3A_1941 : vector<16xf32>
        %get3A_1943 = arith.index_cast %add3A_1901 : i32 to index
        %get3A_1944 = arith.constant 112 : index
        %get3A_1945 = tpu.vector_load %arg13[%get3A_1943, %get3A_1944] {strides = array<i32>} : memref<64x128xf32, #tpu.memory_space<vmem>>, vector<1x16xf32>,
        %get3A_1946 = vector.shape_cast %get3A_1945 : vector<1x16xf32> to vector<16xf32>
        %mul3A_1947 = arith.mulf %get3A_1946, %get3A_294 : vector<16xf32>
        %add3A_1948 = arith.addf %add3A_1942, %mul3A_1947 : vector<16xf32>
        %mul3A_1949 = arith.constant 16 : i32
        %mul3A_1950 = arith.muli %scan3A_260, %mul3A_1949 : i32
        %add3A_1951 = arith.constant 15 : i32
        %add3A_1952 = arith.addi %mul3A_1950, %add3A_1951 : i32
        %get3A_1953 = arith.index_cast %add3A_1952 : i32 to index
        %get3A_1954 = arith.constant 0 : index
        %get3A_1955 = tpu.vector_load %arg13[%get3A_1953, %get3A_1954] {strides = array<i32>} : memref<64x128xf32, #tpu.memory_space<vmem>>, vector<1x16xf32>,
        %get3A_1956 = vector.shape_cast %get3A_1955 : vector<1x16xf32> to vector<16xf32>
        %mul3A_1957 = arith.mulf %get3A_1956, %get3A_266 : vector<16xf32>
        %get3A_1958 = arith.index_cast %add3A_1952 : i32 to index
        %get3A_1959 = arith.constant 16 : index
        %get3A_1960 = tpu.vector_load %arg13[%get3A_1958, %get3A_1959] {strides = array<i32>} : memref<64x128xf32, #tpu.memory_space<vmem>>, vector<1x16xf32>,
        %get3A_1961 = vector.shape_cast %get3A_1960 : vector<1x16xf32> to vector<16xf32>
        %mul3A_1962 = arith.mulf %get3A_1961, %get3A_270 : vector<16xf32>
        %add3A_1963 = arith.addf %mul3A_1957, %mul3A_1962 : vector<16xf32>
        %get3A_1964 = arith.index_cast %add3A_1952 : i32 to index
        %get3A_1965 = arith.constant 32 : index
        %get3A_1966 = tpu.vector_load %arg13[%get3A_1964, %get3A_1965] {strides = array<i32>} : memref<64x128xf32, #tpu.memory_space<vmem>>, vector<1x16xf32>,
        %get3A_1967 = vector.shape_cast %get3A_1966 : vector<1x16xf32> to vector<16xf32>
        %mul3A_1968 = arith.mulf %get3A_1967, %get3A_274 : vector<16xf32>
        %add3A_1969 = arith.addf %add3A_1963, %mul3A_1968 : vector<16xf32>
        %get3A_1970 = arith.index_cast %add3A_1952 : i32 to index
        %get3A_1971 = arith.constant 48 : index
        %get3A_1972 = tpu.vector_load %arg13[%get3A_1970, %get3A_1971] {strides = array<i32>} : memref<64x128xf32, #tpu.memory_space<vmem>>, vector<1x16xf32>,
        %get3A_1973 = vector.shape_cast %get3A_1972 : vector<1x16xf32> to vector<16xf32>
        %mul3A_1974 = arith.mulf %get3A_1973, %get3A_278 : vector<16xf32>
        %add3A_1975 = arith.addf %add3A_1969, %mul3A_1974 : vector<16xf32>
        %get3A_1976 = arith.index_cast %add3A_1952 : i32 to index
        %get3A_1977 = arith.constant 64 : index
        %get3A_1978 = tpu.vector_load %arg13[%get3A_1976, %get3A_1977] {strides = array<i32>} : memref<64x128xf32, #tpu.memory_space<vmem>>, vector<1x16xf32>,
        %get3A_1979 = vector.shape_cast %get3A_1978 : vector<1x16xf32> to vector<16xf32>
        %mul3A_1980 = arith.mulf %get3A_1979, %get3A_282 : vector<16xf32>
        %add3A_1981 = arith.addf %add3A_1975, %mul3A_1980 : vector<16xf32>
        %get3A_1982 = arith.index_cast %add3A_1952 : i32 to index
        %get3A_1983 = arith.constant 80 : index
        %get3A_1984 = tpu.vector_load %arg13[%get3A_1982, %get3A_1983] {strides = array<i32>} : memref<64x128xf32, #tpu.memory_space<vmem>>, vector<1x16xf32>,
        %get3A_1985 = vector.shape_cast %get3A_1984 : vector<1x16xf32> to vector<16xf32>
        %mul3A_1986 = arith.mulf %get3A_1985, %get3A_286 : vector<16xf32>
        %add3A_1987 = arith.addf %add3A_1981, %mul3A_1986 : vector<16xf32>
        %get3A_1988 = arith.index_cast %add3A_1952 : i32 to index
        %get3A_1989 = arith.constant 96 : index
        %get3A_1990 = tpu.vector_load %arg13[%get3A_1988, %get3A_1989] {strides = array<i32>} : memref<64x128xf32, #tpu.memory_space<vmem>>, vector<1x16xf32>,
        %get3A_1991 = vector.shape_cast %get3A_1990 : vector<1x16xf32> to vector<16xf32>
        %mul3A_1992 = arith.mulf %get3A_1991, %get3A_290 : vector<16xf32>
        %add3A_1993 = arith.addf %add3A_1987, %mul3A_1992 : vector<16xf32>
        %get3A_1994 = arith.index_cast %add3A_1952 : i32 to index
        %get3A_1995 = arith.constant 112 : index
        %get3A_1996 = tpu.vector_load %arg13[%get3A_1994, %get3A_1995] {strides = array<i32>} : memref<64x128xf32, #tpu.memory_space<vmem>>, vector<1x16xf32>,
        %get3A_1997 = vector.shape_cast %get3A_1996 : vector<1x16xf32> to vector<16xf32>
        %mul3A_1998 = arith.mulf %get3A_1997, %get3A_294 : vector<16xf32>
        %add3A_1999 = arith.addf %add3A_1993, %mul3A_1998 : vector<16xf32>
        %select_n3A_2000 = arith.select %eq3A_90, %add3A_1234, %add3A_1285 : vector<16xi1>, vector<16xf32>
        %select_n3A_2001 = arith.select %eq3A_90, %add3A_1285, %add3A_1234 : vector<16xi1>, vector<16xf32>
        %gather3A_2002 = vector.shape_cast %broadcast_in_dim3A : vector<16x1xi32> to vector<16xi32>
        %gather3A_2003 = tpu.dynamic_gather %select_n3A_2001[%gather3A_2002] in [0] : vector<16xf32>, vector<16xi32> -> vector<16xf32>
        %add3A_2004 = arith.addf %select_n3A_2000, %gather3A_2003 : vector<16xf32>
        %select_n3A_2005 = arith.select %eq3A_90, %add3A_1336, %add3A_1387 : vector<16xi1>, vector<16xf32>
        %select_n3A_2006 = arith.select %eq3A_90, %add3A_1387, %add3A_1336 : vector<16xi1>, vector<16xf32>
        %gather3A_2007 = vector.shape_cast %broadcast_in_dim3A : vector<16x1xi32> to vector<16xi32>
        %gather3A_2008 = tpu.dynamic_gather %select_n3A_2006[%gather3A_2007] in [0] : vector<16xf32>, vector<16xi32> -> vector<16xf32>
        %add3A_2009 = arith.addf %select_n3A_2005, %gather3A_2008 : vector<16xf32>
        %select_n3A_2010 = arith.select %eq3A_90, %add3A_1438, %add3A_1489 : vector<16xi1>, vector<16xf32>
        %select_n3A_2011 = arith.select %eq3A_90, %add3A_1489, %add3A_1438 : vector<16xi1>, vector<16xf32>
        %gather3A_2012 = vector.shape_cast %broadcast_in_dim3A : vector<16x1xi32> to vector<16xi32>
        %gather3A_2013 = tpu.dynamic_gather %select_n3A_2011[%gather3A_2012] in [0] : vector<16xf32>, vector<16xi32> -> vector<16xf32>
        %add3A_2014 = arith.addf %select_n3A_2010, %gather3A_2013 : vector<16xf32>
        %select_n3A_2015 = arith.select %eq3A_90, %add3A_1540, %add3A_1591 : vector<16xi1>, vector<16xf32>
        %select_n3A_2016 = arith.select %eq3A_90, %add3A_1591, %add3A_1540 : vector<16xi1>, vector<16xf32>
        %gather3A_2017 = vector.shape_cast %broadcast_in_dim3A : vector<16x1xi32> to vector<16xi32>
        %gather3A_2018 = tpu.dynamic_gather %select_n3A_2016[%gather3A_2017] in [0] : vector<16xf32>, vector<16xi32> -> vector<16xf32>
        %add3A_2019 = arith.addf %select_n3A_2015, %gather3A_2018 : vector<16xf32>
        %select_n3A_2020 = arith.select %eq3A_90, %add3A_1642, %add3A_1693 : vector<16xi1>, vector<16xf32>
        %select_n3A_2021 = arith.select %eq3A_90, %add3A_1693, %add3A_1642 : vector<16xi1>, vector<16xf32>
        %gather3A_2022 = vector.shape_cast %broadcast_in_dim3A : vector<16x1xi32> to vector<16xi32>
        %gather3A_2023 = tpu.dynamic_gather %select_n3A_2021[%gather3A_2022] in [0] : vector<16xf32>, vector<16xi32> -> vector<16xf32>
        %add3A_2024 = arith.addf %select_n3A_2020, %gather3A_2023 : vector<16xf32>
        %select_n3A_2025 = arith.select %eq3A_90, %add3A_1744, %add3A_1795 : vector<16xi1>, vector<16xf32>
        %select_n3A_2026 = arith.select %eq3A_90, %add3A_1795, %add3A_1744 : vector<16xi1>, vector<16xf32>
        %gather3A_2027 = vector.shape_cast %broadcast_in_dim3A : vector<16x1xi32> to vector<16xi32>
        %gather3A_2028 = tpu.dynamic_gather %select_n3A_2026[%gather3A_2027] in [0] : vector<16xf32>, vector<16xi32> -> vector<16xf32>
        %add3A_2029 = arith.addf %select_n3A_2025, %gather3A_2028 : vector<16xf32>
        %select_n3A_2030 = arith.select %eq3A_90, %add3A_1846, %add3A_1897 : vector<16xi1>, vector<16xf32>
        %select_n3A_2031 = arith.select %eq3A_90, %add3A_1897, %add3A_1846 : vector<16xi1>, vector<16xf32>
        %gather3A_2032 = vector.shape_cast %broadcast_in_dim3A : vector<16x1xi32> to vector<16xi32>
        %gather3A_2033 = tpu.dynamic_gather %select_n3A_2031[%gather3A_2032] in [0] : vector<16xf32>, vector<16xi32> -> vector<16xf32>
        %add3A_2034 = arith.addf %select_n3A_2030, %gather3A_2033 : vector<16xf32>
        %select_n3A_2035 = arith.select %eq3A_90, %add3A_1948, %add3A_1999 : vector<16xi1>, vector<16xf32>
        %select_n3A_2036 = arith.select %eq3A_90, %add3A_1999, %add3A_1948 : vector<16xi1>, vector<16xf32>
        %gather3A_2037 = vector.shape_cast %broadcast_in_dim3A : vector<16x1xi32> to vector<16xi32>
        %gather3A_2038 = tpu.dynamic_gather %select_n3A_2036[%gather3A_2037] in [0] : vector<16xf32>, vector<16xi32> -> vector<16xf32>
        %add3A_2039 = arith.addf %select_n3A_2035, %gather3A_2038 : vector<16xf32>
        %select_n3A_2040 = arith.select %eq3A_96, %add3A_2004, %add3A_2009 : vector<16xi1>, vector<16xf32>
        %select_n3A_2041 = arith.select %eq3A_96, %add3A_2009, %add3A_2004 : vector<16xi1>, vector<16xf32>
        %gather3A_2042 = vector.shape_cast %broadcast_in_dim3A_114 : vector<16x1xi32> to vector<16xi32>
        %gather3A_2043 = tpu.dynamic_gather %select_n3A_2041[%gather3A_2042] in [0] : vector<16xf32>, vector<16xi32> -> vector<16xf32>
        %add3A_2044 = arith.addf %select_n3A_2040, %gather3A_2043 : vector<16xf32>
        %select_n3A_2045 = arith.select %eq3A_96, %add3A_2014, %add3A_2019 : vector<16xi1>, vector<16xf32>
        %select_n3A_2046 = arith.select %eq3A_96, %add3A_2019, %add3A_2014 : vector<16xi1>, vector<16xf32>
        %gather3A_2047 = vector.shape_cast %broadcast_in_dim3A_114 : vector<16x1xi32> to vector<16xi32>
        %gather3A_2048 = tpu.dynamic_gather %select_n3A_2046[%gather3A_2047] in [0] : vector<16xf32>, vector<16xi32> -> vector<16xf32>
        %add3A_2049 = arith.addf %select_n3A_2045, %gather3A_2048 : vector<16xf32>
        %select_n3A_2050 = arith.select %eq3A_96, %add3A_2024, %add3A_2029 : vector<16xi1>, vector<16xf32>
        %select_n3A_2051 = arith.select %eq3A_96, %add3A_2029, %add3A_2024 : vector<16xi1>, vector<16xf32>
        %gather3A_2052 = vector.shape_cast %broadcast_in_dim3A_114 : vector<16x1xi32> to vector<16xi32>
        %gather3A_2053 = tpu.dynamic_gather %select_n3A_2051[%gather3A_2052] in [0] : vector<16xf32>, vector<16xi32> -> vector<16xf32>
        %add3A_2054 = arith.addf %select_n3A_2050, %gather3A_2053 : vector<16xf32>
        %select_n3A_2055 = arith.select %eq3A_96, %add3A_2034, %add3A_2039 : vector<16xi1>, vector<16xf32>
        %select_n3A_2056 = arith.select %eq3A_96, %add3A_2039, %add3A_2034 : vector<16xi1>, vector<16xf32>
        %gather3A_2057 = vector.shape_cast %broadcast_in_dim3A_114 : vector<16x1xi32> to vector<16xi32>
        %gather3A_2058 = tpu.dynamic_gather %select_n3A_2056[%gather3A_2057] in [0] : vector<16xf32>, vector<16xi32> -> vector<16xf32>
        %add3A_2059 = arith.addf %select_n3A_2055, %gather3A_2058 : vector<16xf32>
        %select_n3A_2060 = arith.select %eq3A_102, %add3A_2044, %add3A_2049 : vector<16xi1>, vector<16xf32>
        %select_n3A_2061 = arith.select %eq3A_102, %add3A_2049, %add3A_2044 : vector<16xi1>, vector<16xf32>
        %gather3A_2062 = vector.shape_cast %broadcast_in_dim3A_118 : vector<16x1xi32> to vector<16xi32>
        %gather3A_2063 = tpu.dynamic_gather %select_n3A_2061[%gather3A_2062] in [0] : vector<16xf32>, vector<16xi32> -> vector<16xf32>
        %add3A_2064 = arith.addf %select_n3A_2060, %gather3A_2063 : vector<16xf32>
        %select_n3A_2065 = arith.select %eq3A_102, %add3A_2054, %add3A_2059 : vector<16xi1>, vector<16xf32>
        %select_n3A_2066 = arith.select %eq3A_102, %add3A_2059, %add3A_2054 : vector<16xi1>, vector<16xf32>
        %gather3A_2067 = vector.shape_cast %broadcast_in_dim3A_118 : vector<16x1xi32> to vector<16xi32>
        %gather3A_2068 = tpu.dynamic_gather %select_n3A_2066[%gather3A_2067] in [0] : vector<16xf32>, vector<16xi32> -> vector<16xf32>
        %add3A_2069 = arith.addf %select_n3A_2065, %gather3A_2068 : vector<16xf32>
        %select_n3A_2070 = arith.select %eq3A_108, %add3A_2064, %add3A_2069 : vector<16xi1>, vector<16xf32>
        %select_n3A_2071 = arith.select %eq3A_108, %add3A_2069, %add3A_2064 : vector<16xi1>, vector<16xf32>
        %gather3A_2072 = vector.shape_cast %broadcast_in_dim3A_122 : vector<16x1xi32> to vector<16xi32>
        %gather3A_2073 = tpu.dynamic_gather %select_n3A_2071[%gather3A_2072] in [0] : vector<16xf32>, vector<16xi32> -> vector<16xf32>
        %add3A_2074 = arith.addf %select_n3A_2070, %gather3A_2073 : vector<16xf32>
        %jit3A = arith.constant 4 : i32
        %div3A = arith.divsi %add3A_263, %jit3A : i32
        %sign3A = arith.constant 0 : i32
        %sign3A_2075 = arith.cmpi sgt, %add3A_263, %sign3A : i32
        %sign3A_2076 = arith.extui %sign3A_2075 : i1 to i32
        %sign3A_2077 = arith.constant 0 : i32
        %sign3A_2078 = arith.cmpi slt, %add3A_263, %sign3A_2077 : i32
        %sign3A_2079 = arith.extui %sign3A_2078 : i1 to i32
        %sign3A_2080 = arith.subi %sign3A_2076, %sign3A_2079 : i32
        %sign3A_2081 = arith.constant 0 : i32
        %sign3A_2082 = arith.cmpi sgt, %jit3A, %sign3A_2081 : i32
        %sign3A_2083 = arith.extui %sign3A_2082 : i1 to i32
        %sign3A_2084 = arith.constant 0 : i32
        %sign3A_2085 = arith.cmpi slt, %jit3A, %sign3A_2084 : i32
        %sign3A_2086 = arith.extui %sign3A_2085 : i1 to i32
        %sign3A_2087 = arith.subi %sign3A_2083, %sign3A_2086 : i32
        %ne3A = arith.cmpi ne, %sign3A_2080, %sign3A_2087 : i32
        %rem3A = arith.remsi %add3A_263, %jit3A : i32
        %ne3A_2088 = arith.constant 0 : i32
        %ne3A_2089 = arith.cmpi ne, %rem3A, %ne3A_2088 : i32
        %and3A_2090 = arith.andi %ne3A, %ne3A_2089 : i1
        %sub3A = arith.constant 1 : i32
        %sub3A_2091 = arith.subi %div3A, %sub3A : i32
        %select_n3A_2092 = arith.select %and3A_2090, %sub3A_2091, %div3A : i32
        %jit3A_2093 = arith.constant 4 : i32
        %eq3A_2094 = arith.constant 0 : i32
        %eq3A_2095 = arith.cmpi eq, %jit3A_2093, %eq3A_2094 : i32
        %jit3A_2096 = arith.constant 1 : i32
        %select_n3A_2097 = arith.select %eq3A_2095, %jit3A_2096, %jit3A_2093 : i32
        %rem3A_2098 = arith.remsi %add3A_263, %select_n3A_2097 : i32
        %ne3A_2099 = arith.constant 0 : i32
        %ne3A_2100 = arith.cmpi ne, %rem3A_2098, %ne3A_2099 : i32
        %lt3A_2101 = arith.constant 0 : i32
        %lt3A_2102 = arith.cmpi slt, %rem3A_2098, %lt3A_2101 : i32
        %lt3A_2103 = arith.constant 0 : i32
        %lt3A_2104 = arith.cmpi slt, %select_n3A_2097, %lt3A_2103 : i32
        %ne3A_2105 = arith.xori %lt3A_2102, %lt3A_2104 : i1
        %and3A_2106 = arith.andi %ne3A_2105, %ne3A_2100 : i1
        %add3A_2107 = arith.addi %rem3A_2098, %select_n3A_2097 : i32
        %select_n3A_2108 = arith.select %and3A_2106, %add3A_2107, %rem3A_2098 : i32
        %mul3A_2109 = arith.constant 32 : i32
        %mul3A_2110 = arith.muli %select_n3A_2108, %mul3A_2109 : i32
        %swap3A = arith.index_cast %select_n3A_2092 : i32 to index
        %swap3A_2111 = arith.index_cast %mul3A_2110 : i32 to index
        %swap3A_2112 = tpu.vector_load %arg15[%swap3A, %swap3A_2111] {strides = array<i32>} : memref<8x128xf32, #tpu.memory_space<vmem>>, vector<1x16xf32>,
        %swap3A_2113 = vector.shape_cast %swap3A_2112 : vector<1x16xf32> to vector<16xf32>
        %swap3A_2114 = vector.shape_cast %add3A_1183 : vector<16xf32> to vector<1x16xf32>
        tpu.vector_store %arg15[%swap3A, %swap3A_2111], %swap3A_2114 {strides = array<i32>} : memref<8x128xf32, #tpu.memory_space<vmem>>, vector<1x16xf32>,
        %add3A_2115 = arith.constant 16 : i32
        %add3A_2116 = arith.addi %mul3A_2110, %add3A_2115 : i32
        %swap3A_2117 = arith.index_cast %select_n3A_2092 : i32 to index
        %swap3A_2118 = arith.index_cast %add3A_2116 : i32 to index
        %swap3A_2119 = tpu.vector_load %arg15[%swap3A_2117, %swap3A_2118] {strides = array<i32>} : memref<8x128xf32, #tpu.memory_space<vmem>>, vector<1x16xf32>,
        %swap3A_2120 = vector.shape_cast %swap3A_2119 : vector<1x16xf32> to vector<16xf32>
        %swap3A_2121 = vector.shape_cast %add3A_2074 : vector<16xf32> to vector<1x16xf32>
        tpu.vector_store %arg15[%swap3A_2117, %swap3A_2118], %swap3A_2121 {strides = array<i32>} : memref<8x128xf32, #tpu.memory_space<vmem>>, vector<1x16xf32>,
      }
      %scan3A_186 = arith.constant 4 : i32
      %mul3A_187 = arith.constant 2 : i32
      %mul3A_188 = arith.muli %mul3A_187, %scan3A_130 : i32
      %add3A_189 = arith.constant 2 : i32
      %add3A_190 = arith.addi %mul3A_188, %add3A_189 : i32
      %lt3A = arith.constant 8 : i32
      %lt3A_191 = arith.cmpi slt, %add3A_190, %lt3A : i32
      %convert_element_type3A = arith.extui %lt3A_191 : i1 to i32
      %cond3A = arith.constant 0 : i32
      %cond3A_192 = arith.cmpi ne, %convert_element_type3A, %cond3A : i32
      scf.if %cond3A_192 {
        %mul3A_260 = arith.constant 2 : i32
        %mul3A_261 = arith.muli %mul3A_260, %scan3A_130 : i32
        %add3A_262 = arith.constant 2 : i32
        %add3A_263 = arith.addi %mul3A_261, %add3A_262 : i32
        %mul3A_264 = arith.constant 64 : i32
        %mul3A_265 = arith.muli %add3A_263, %mul3A_264 : i32
        %add3A_266 = arith.constant 0 : i32
        %add3A_267 = arith.addi %mul3A_265, %add3A_266 : i32
        %dma_start3A_268 = arith.constant 0 : i32
        %dma_start3A_269 = arith.constant 0 : i32
        %dma_start3A_270 = tpu.memref_slice %arg11[%dma_start3A_268, %dma_start3A_269] : memref<64x128xf32, #tpu.memory_space<vmem>> -> memref<32x128xf32, #tpu.memory_space<vmem>>
        %dma_start3A_271 = tpu.memref_slice %arg8[%add3A_267] : memref<512xi32, #tpu.memory_space<vmem>> -> memref<32xi32, #tpu.memory_space<vmem>>
        %dma_start3A_272 = arith.constant 0 : i32
        %dma_start3A_273 = arith.constant 0 : i32
        %dma_start3A_274 = tpu.memref_slice %arg2[%dma_start3A_272, %dma_start3A_273] : memref<50000x128xf32, #tpu.memory_space<hbm>> -> memref<50000x128xf32, #tpu.memory_space<hbm>>
        tpu.enqueue_indirect_dma source(%dma_start3A_274 : memref<50000x128xf32, #tpu.memory_space<hbm>>) target(%dma_start3A_270 : memref<32x128xf32, #tpu.memory_space<vmem>>) offsets(%dma_start3A_271 : memref<32xi32, #tpu.memory_space<vmem>>) semaphore(%arg19 : memref<!tpu.dma_semaphore, #tpu.memory_space<semaphore_mem>>)
        %add3A_275 = arith.constant 0 : i32
        %add3A_276 = arith.addi %mul3A_265, %add3A_275 : i32
        %dma_start3A_277 = arith.constant 0 : i32
        %dma_start3A_278 = arith.constant 0 : i32
        %dma_start3A_279 = tpu.memref_slice %arg13[%dma_start3A_277, %dma_start3A_278] : memref<64x128xf32, #tpu.memory_space<vmem>> -> memref<32x128xf32, #tpu.memory_space<vmem>>
        %dma_start3A_280 = tpu.memref_slice %arg9[%add3A_276] : memref<512xi32, #tpu.memory_space<vmem>> -> memref<32xi32, #tpu.memory_space<vmem>>
        %dma_start3A_281 = arith.constant 0 : i32
        %dma_start3A_282 = arith.constant 0 : i32
        %dma_start3A_283 = tpu.memref_slice %arg2[%dma_start3A_281, %dma_start3A_282] : memref<50000x128xf32, #tpu.memory_space<hbm>> -> memref<50000x128xf32, #tpu.memory_space<hbm>>
        tpu.enqueue_indirect_dma source(%dma_start3A_283 : memref<50000x128xf32, #tpu.memory_space<hbm>>) target(%dma_start3A_279 : memref<32x128xf32, #tpu.memory_space<vmem>>) offsets(%dma_start3A_280 : memref<32xi32, #tpu.memory_space<vmem>>) semaphore(%arg23 : memref<!tpu.dma_semaphore, #tpu.memory_space<semaphore_mem>>)
        %add3A_284 = arith.constant 32 : i32
        %add3A_285 = arith.addi %mul3A_265, %add3A_284 : i32
        %dma_start3A_286 = arith.constant 32 : i32
        %dma_start3A_287 = arith.constant 0 : i32
        %dma_start3A_288 = tpu.memref_slice %arg11[%dma_start3A_286, %dma_start3A_287] : memref<64x128xf32, #tpu.memory_space<vmem>> -> memref<32x128xf32, #tpu.memory_space<vmem>>
        %dma_start3A_289 = tpu.memref_slice %arg8[%add3A_285] : memref<512xi32, #tpu.memory_space<vmem>> -> memref<32xi32, #tpu.memory_space<vmem>>
        %dma_start3A_290 = arith.constant 0 : i32
        %dma_start3A_291 = arith.constant 0 : i32
        %dma_start3A_292 = tpu.memref_slice %arg2[%dma_start3A_290, %dma_start3A_291] : memref<50000x128xf32, #tpu.memory_space<hbm>> -> memref<50000x128xf32, #tpu.memory_space<hbm>>
        tpu.enqueue_indirect_dma source(%dma_start3A_292 : memref<50000x128xf32, #tpu.memory_space<hbm>>) target(%dma_start3A_288 : memref<32x128xf32, #tpu.memory_space<vmem>>) offsets(%dma_start3A_289 : memref<32xi32, #tpu.memory_space<vmem>>) semaphore(%arg20 : memref<!tpu.dma_semaphore, #tpu.memory_space<semaphore_mem>>)
        %add3A_293 = arith.constant 32 : i32
        %add3A_294 = arith.addi %mul3A_265, %add3A_293 : i32
        %dma_start3A_295 = arith.constant 32 : i32
        %dma_start3A_296 = arith.constant 0 : i32
        %dma_start3A_297 = tpu.memref_slice %arg13[%dma_start3A_295, %dma_start3A_296] : memref<64x128xf32, #tpu.memory_space<vmem>> -> memref<32x128xf32, #tpu.memory_space<vmem>>
        %dma_start3A_298 = tpu.memref_slice %arg9[%add3A_294] : memref<512xi32, #tpu.memory_space<vmem>> -> memref<32xi32, #tpu.memory_space<vmem>>
        %dma_start3A_299 = arith.constant 0 : i32
        %dma_start3A_300 = arith.constant 0 : i32
        %dma_start3A_301 = tpu.memref_slice %arg2[%dma_start3A_299, %dma_start3A_300] : memref<50000x128xf32, #tpu.memory_space<hbm>> -> memref<50000x128xf32, #tpu.memory_space<hbm>>
        tpu.enqueue_indirect_dma source(%dma_start3A_301 : memref<50000x128xf32, #tpu.memory_space<hbm>>) target(%dma_start3A_297 : memref<32x128xf32, #tpu.memory_space<vmem>>) offsets(%dma_start3A_298 : memref<32xi32, #tpu.memory_space<vmem>>) semaphore(%arg24 : memref<!tpu.dma_semaphore, #tpu.memory_space<semaphore_mem>>)
      } else {
      }
      %mul3A_193 = arith.constant 2 : i32
      %mul3A_194 = arith.muli %mul3A_193, %scan3A_130 : i32
      %add3A_195 = arith.constant 1 : i32
      %add3A_196 = arith.addi %mul3A_194, %add3A_195 : i32
      %dma_wait3A_197 = arith.constant 0 : i32
      %dma_wait3A_198 = arith.constant 0 : i32
      %dma_wait3A_199 = tpu.memref_slice %arg12[%dma_wait3A_197, %dma_wait3A_198] : memref<64x128xf32, #tpu.memory_space<vmem>> -> memref<32x128xf32, #tpu.memory_space<vmem>>
      %dma_wait3A_200 = arith.constant 0 : i32
      %dma_wait3A_201 = arith.constant 0 : i32
      %dma_wait3A_202 = tpu.memref_slice %arg2[%dma_wait3A_200, %dma_wait3A_201] : memref<50000x128xf32, #tpu.memory_space<hbm>> -> memref<32x128xf32, #tpu.memory_space<hbm>>
      %dma_wait3A_203 = arith.constant 0 : i32
      %dma_wait3A_204 = arith.constant 0 : i32
      %dma_wait3A_205 = tpu.memref_slice %arg12[%dma_wait3A_203, %dma_wait3A_204] : memref<64x128xf32, #tpu.memory_space<vmem>> -> memref<32x128xf32, #tpu.memory_space<vmem>>
      %dma_wait3A_206 = arith.constant 0 : i32
      %dma_wait3A_207 = arith.constant 0 : i32
      %dma_wait3A_208 = tpu.memref_slice %arg2[%dma_wait3A_206, %dma_wait3A_207] : memref<50000x128xf32, #tpu.memory_space<hbm>> -> memref<32x128xf32, #tpu.memory_space<hbm>>
      tpu.wait_dma2 semaphore(%arg21 : memref<!tpu.dma_semaphore, #tpu.memory_space<semaphore_mem>>) src(%dma_wait3A_208 : memref<32x128xf32, #tpu.memory_space<hbm>>) dst(%dma_wait3A_205 : memref<32x128xf32, #tpu.memory_space<vmem>>)
      %dma_wait3A_209 = arith.constant 0 : i32
      %dma_wait3A_210 = arith.constant 0 : i32
      %dma_wait3A_211 = tpu.memref_slice %arg14[%dma_wait3A_209, %dma_wait3A_210] : memref<64x128xf32, #tpu.memory_space<vmem>> -> memref<32x128xf32, #tpu.memory_space<vmem>>
      %dma_wait3A_212 = arith.constant 0 : i32
      %dma_wait3A_213 = arith.constant 0 : i32
      %dma_wait3A_214 = tpu.memref_slice %arg2[%dma_wait3A_212, %dma_wait3A_213] : memref<50000x128xf32, #tpu.memory_space<hbm>> -> memref<32x128xf32, #tpu.memory_space<hbm>>
      %dma_wait3A_215 = arith.constant 0 : i32
      %dma_wait3A_216 = arith.constant 0 : i32
      %dma_wait3A_217 = tpu.memref_slice %arg14[%dma_wait3A_215, %dma_wait3A_216] : memref<64x128xf32, #tpu.memory_space<vmem>> -> memref<32x128xf32, #tpu.memory_space<vmem>>
      %dma_wait3A_218 = arith.constant 0 : i32
      %dma_wait3A_219 = arith.constant 0 : i32
      %dma_wait3A_220 = tpu.memref_slice %arg2[%dma_wait3A_218, %dma_wait3A_219] : memref<50000x128xf32, #tpu.memory_space<hbm>> -> memref<32x128xf32, #tpu.memory_space<hbm>>
      tpu.wait_dma2 semaphore(%arg25 : memref<!tpu.dma_semaphore, #tpu.memory_space<semaphore_mem>>) src(%dma_wait3A_220 : memref<32x128xf32, #tpu.memory_space<hbm>>) dst(%dma_wait3A_217 : memref<32x128xf32, #tpu.memory_space<vmem>>)
      %dma_wait3A_221 = arith.constant 32 : i32
      %dma_wait3A_222 = arith.constant 0 : i32
      %dma_wait3A_223 = tpu.memref_slice %arg12[%dma_wait3A_221, %dma_wait3A_222] : memref<64x128xf32, #tpu.memory_space<vmem>> -> memref<32x128xf32, #tpu.memory_space<vmem>>
      %dma_wait3A_224 = arith.constant 0 : i32
      %dma_wait3A_225 = arith.constant 0 : i32
      %dma_wait3A_226 = tpu.memref_slice %arg2[%dma_wait3A_224, %dma_wait3A_225] : memref<50000x128xf32, #tpu.memory_space<hbm>> -> memref<32x128xf32, #tpu.memory_space<hbm>>
      %dma_wait3A_227 = arith.constant 32 : i32
      %dma_wait3A_228 = arith.constant 0 : i32
      %dma_wait3A_229 = tpu.memref_slice %arg12[%dma_wait3A_227, %dma_wait3A_228] : memref<64x128xf32, #tpu.memory_space<vmem>> -> memref<32x128xf32, #tpu.memory_space<vmem>>
      %dma_wait3A_230 = arith.constant 0 : i32
      %dma_wait3A_231 = arith.constant 0 : i32
      %dma_wait3A_232 = tpu.memref_slice %arg2[%dma_wait3A_230, %dma_wait3A_231] : memref<50000x128xf32, #tpu.memory_space<hbm>> -> memref<32x128xf32, #tpu.memory_space<hbm>>
      tpu.wait_dma2 semaphore(%arg22 : memref<!tpu.dma_semaphore, #tpu.memory_space<semaphore_mem>>) src(%dma_wait3A_232 : memref<32x128xf32, #tpu.memory_space<hbm>>) dst(%dma_wait3A_229 : memref<32x128xf32, #tpu.memory_space<vmem>>)
      %dma_wait3A_233 = arith.constant 32 : i32
      %dma_wait3A_234 = arith.constant 0 : i32
      %dma_wait3A_235 = tpu.memref_slice %arg14[%dma_wait3A_233, %dma_wait3A_234] : memref<64x128xf32, #tpu.memory_space<vmem>> -> memref<32x128xf32, #tpu.memory_space<vmem>>
      %dma_wait3A_236 = arith.constant 0 : i32
      %dma_wait3A_237 = arith.constant 0 : i32
      %dma_wait3A_238 = tpu.memref_slice %arg2[%dma_wait3A_236, %dma_wait3A_237] : memref<50000x128xf32, #tpu.memory_space<hbm>> -> memref<32x128xf32, #tpu.memory_space<hbm>>
      %dma_wait3A_239 = arith.constant 32 : i32
      %dma_wait3A_240 = arith.constant 0 : i32
      %dma_wait3A_241 = tpu.memref_slice %arg14[%dma_wait3A_239, %dma_wait3A_240] : memref<64x128xf32, #tpu.memory_space<vmem>> -> memref<32x128xf32, #tpu.memory_space<vmem>>
      %dma_wait3A_242 = arith.constant 0 : i32
      %dma_wait3A_243 = arith.constant 0 : i32
      %dma_wait3A_244 = tpu.memref_slice %arg2[%dma_wait3A_242, %dma_wait3A_243] : memref<50000x128xf32, #tpu.memory_space<hbm>> -> memref<32x128xf32, #tpu.memory_space<hbm>>
      tpu.wait_dma2 semaphore(%arg26 : memref<!tpu.dma_semaphore, #tpu.memory_space<semaphore_mem>>) src(%dma_wait3A_244 : memref<32x128xf32, #tpu.memory_space<hbm>>) dst(%dma_wait3A_241 : memref<32x128xf32, #tpu.memory_space<vmem>>)
      %scan3A_245 = arith.constant 0 : i32
      %scan3A_246 = arith.constant 0 : i32
      %scan3A_247 = arith.constant 4 : i32
      %scan3A_248 = arith.addi %scan3A_246, %scan3A_247 : i32
      %scan3A_249 = arith.constant 1 : i32
      scf.for %scan3A_260 = %scan3A_246 to %scan3A_248 step %scan3A_249  : i32 {
        %mul3A_261 = arith.constant 4 : i32
        %mul3A_262 = arith.muli %add3A_196, %mul3A_261 : i32
        %add3A_263 = arith.addi %mul3A_262, %scan3A_260 : i32
        %get3A = arith.index_cast %add3A_263 : i32 to index
        %get3A_264 = arith.constant 0 : index
        %get3A_265 = tpu.vector_load %arg10[%get3A, %get3A_264] {strides = array<i32>} : memref<32x128xf32, #tpu.memory_space<vmem>>, vector<1x16xf32>,
        %get3A_266 = vector.shape_cast %get3A_265 : vector<1x16xf32> to vector<16xf32>
        %get3A_267 = arith.index_cast %add3A_263 : i32 to index
        %get3A_268 = arith.constant 16 : index
        %get3A_269 = tpu.vector_load %arg10[%get3A_267, %get3A_268] {strides = array<i32>} : memref<32x128xf32, #tpu.memory_space<vmem>>, vector<1x16xf32>,
        %get3A_270 = vector.shape_cast %get3A_269 : vector<1x16xf32> to vector<16xf32>
        %get3A_271 = arith.index_cast %add3A_263 : i32 to index
        %get3A_272 = arith.constant 32 : index
        %get3A_273 = tpu.vector_load %arg10[%get3A_271, %get3A_272] {strides = array<i32>} : memref<32x128xf32, #tpu.memory_space<vmem>>, vector<1x16xf32>,
        %get3A_274 = vector.shape_cast %get3A_273 : vector<1x16xf32> to vector<16xf32>
        %get3A_275 = arith.index_cast %add3A_263 : i32 to index
        %get3A_276 = arith.constant 48 : index
        %get3A_277 = tpu.vector_load %arg10[%get3A_275, %get3A_276] {strides = array<i32>} : memref<32x128xf32, #tpu.memory_space<vmem>>, vector<1x16xf32>,
        %get3A_278 = vector.shape_cast %get3A_277 : vector<1x16xf32> to vector<16xf32>
        %get3A_279 = arith.index_cast %add3A_263 : i32 to index
        %get3A_280 = arith.constant 64 : index
        %get3A_281 = tpu.vector_load %arg10[%get3A_279, %get3A_280] {strides = array<i32>} : memref<32x128xf32, #tpu.memory_space<vmem>>, vector<1x16xf32>,
        %get3A_282 = vector.shape_cast %get3A_281 : vector<1x16xf32> to vector<16xf32>
        %get3A_283 = arith.index_cast %add3A_263 : i32 to index
        %get3A_284 = arith.constant 80 : index
        %get3A_285 = tpu.vector_load %arg10[%get3A_283, %get3A_284] {strides = array<i32>} : memref<32x128xf32, #tpu.memory_space<vmem>>, vector<1x16xf32>,
        %get3A_286 = vector.shape_cast %get3A_285 : vector<1x16xf32> to vector<16xf32>
        %get3A_287 = arith.index_cast %add3A_263 : i32 to index
        %get3A_288 = arith.constant 96 : index
        %get3A_289 = tpu.vector_load %arg10[%get3A_287, %get3A_288] {strides = array<i32>} : memref<32x128xf32, #tpu.memory_space<vmem>>, vector<1x16xf32>,
        %get3A_290 = vector.shape_cast %get3A_289 : vector<1x16xf32> to vector<16xf32>
        %get3A_291 = arith.index_cast %add3A_263 : i32 to index
        %get3A_292 = arith.constant 112 : index
        %get3A_293 = tpu.vector_load %arg10[%get3A_291, %get3A_292] {strides = array<i32>} : memref<32x128xf32, #tpu.memory_space<vmem>>, vector<1x16xf32>,
        %get3A_294 = vector.shape_cast %get3A_293 : vector<1x16xf32> to vector<16xf32>
        %mul3A_295 = arith.constant 16 : i32
        %mul3A_296 = arith.muli %scan3A_260, %mul3A_295 : i32
        %add3A_297 = arith.constant 0 : i32
        %add3A_298 = arith.addi %mul3A_296, %add3A_297 : i32
        %get3A_299 = arith.index_cast %add3A_298 : i32 to index
        %get3A_300 = arith.constant 0 : index
        %get3A_301 = tpu.vector_load %arg12[%get3A_299, %get3A_300] {strides = array<i32>} : memref<64x128xf32, #tpu.memory_space<vmem>>, vector<1x16xf32>,
        %get3A_302 = vector.shape_cast %get3A_301 : vector<1x16xf32> to vector<16xf32>
        %mul3A_303 = arith.mulf %get3A_302, %get3A_266 : vector<16xf32>
        %get3A_304 = arith.index_cast %add3A_298 : i32 to index
        %get3A_305 = arith.constant 16 : index
        %get3A_306 = tpu.vector_load %arg12[%get3A_304, %get3A_305] {strides = array<i32>} : memref<64x128xf32, #tpu.memory_space<vmem>>, vector<1x16xf32>,
        %get3A_307 = vector.shape_cast %get3A_306 : vector<1x16xf32> to vector<16xf32>
        %mul3A_308 = arith.mulf %get3A_307, %get3A_270 : vector<16xf32>
        %add3A_309 = arith.addf %mul3A_303, %mul3A_308 : vector<16xf32>
        %get3A_310 = arith.index_cast %add3A_298 : i32 to index
        %get3A_311 = arith.constant 32 : index
        %get3A_312 = tpu.vector_load %arg12[%get3A_310, %get3A_311] {strides = array<i32>} : memref<64x128xf32, #tpu.memory_space<vmem>>, vector<1x16xf32>,
        %get3A_313 = vector.shape_cast %get3A_312 : vector<1x16xf32> to vector<16xf32>
        %mul3A_314 = arith.mulf %get3A_313, %get3A_274 : vector<16xf32>
        %add3A_315 = arith.addf %add3A_309, %mul3A_314 : vector<16xf32>
        %get3A_316 = arith.index_cast %add3A_298 : i32 to index
        %get3A_317 = arith.constant 48 : index
        %get3A_318 = tpu.vector_load %arg12[%get3A_316, %get3A_317] {strides = array<i32>} : memref<64x128xf32, #tpu.memory_space<vmem>>, vector<1x16xf32>,
        %get3A_319 = vector.shape_cast %get3A_318 : vector<1x16xf32> to vector<16xf32>
        %mul3A_320 = arith.mulf %get3A_319, %get3A_278 : vector<16xf32>
        %add3A_321 = arith.addf %add3A_315, %mul3A_320 : vector<16xf32>
        %get3A_322 = arith.index_cast %add3A_298 : i32 to index
        %get3A_323 = arith.constant 64 : index
        %get3A_324 = tpu.vector_load %arg12[%get3A_322, %get3A_323] {strides = array<i32>} : memref<64x128xf32, #tpu.memory_space<vmem>>, vector<1x16xf32>,
        %get3A_325 = vector.shape_cast %get3A_324 : vector<1x16xf32> to vector<16xf32>
        %mul3A_326 = arith.mulf %get3A_325, %get3A_282 : vector<16xf32>
        %add3A_327 = arith.addf %add3A_321, %mul3A_326 : vector<16xf32>
        %get3A_328 = arith.index_cast %add3A_298 : i32 to index
        %get3A_329 = arith.constant 80 : index
        %get3A_330 = tpu.vector_load %arg12[%get3A_328, %get3A_329] {strides = array<i32>} : memref<64x128xf32, #tpu.memory_space<vmem>>, vector<1x16xf32>,
        %get3A_331 = vector.shape_cast %get3A_330 : vector<1x16xf32> to vector<16xf32>
        %mul3A_332 = arith.mulf %get3A_331, %get3A_286 : vector<16xf32>
        %add3A_333 = arith.addf %add3A_327, %mul3A_332 : vector<16xf32>
        %get3A_334 = arith.index_cast %add3A_298 : i32 to index
        %get3A_335 = arith.constant 96 : index
        %get3A_336 = tpu.vector_load %arg12[%get3A_334, %get3A_335] {strides = array<i32>} : memref<64x128xf32, #tpu.memory_space<vmem>>, vector<1x16xf32>,
        %get3A_337 = vector.shape_cast %get3A_336 : vector<1x16xf32> to vector<16xf32>
        %mul3A_338 = arith.mulf %get3A_337, %get3A_290 : vector<16xf32>
        %add3A_339 = arith.addf %add3A_333, %mul3A_338 : vector<16xf32>
        %get3A_340 = arith.index_cast %add3A_298 : i32 to index
        %get3A_341 = arith.constant 112 : index
        %get3A_342 = tpu.vector_load %arg12[%get3A_340, %get3A_341] {strides = array<i32>} : memref<64x128xf32, #tpu.memory_space<vmem>>, vector<1x16xf32>,
        %get3A_343 = vector.shape_cast %get3A_342 : vector<1x16xf32> to vector<16xf32>
        %mul3A_344 = arith.mulf %get3A_343, %get3A_294 : vector<16xf32>
        %add3A_345 = arith.addf %add3A_339, %mul3A_344 : vector<16xf32>
        %mul3A_346 = arith.constant 16 : i32
        %mul3A_347 = arith.muli %scan3A_260, %mul3A_346 : i32
        %add3A_348 = arith.constant 1 : i32
        %add3A_349 = arith.addi %mul3A_347, %add3A_348 : i32
        %get3A_350 = arith.index_cast %add3A_349 : i32 to index
        %get3A_351 = arith.constant 0 : index
        %get3A_352 = tpu.vector_load %arg12[%get3A_350, %get3A_351] {strides = array<i32>} : memref<64x128xf32, #tpu.memory_space<vmem>>, vector<1x16xf32>,
        %get3A_353 = vector.shape_cast %get3A_352 : vector<1x16xf32> to vector<16xf32>
        %mul3A_354 = arith.mulf %get3A_353, %get3A_266 : vector<16xf32>
        %get3A_355 = arith.index_cast %add3A_349 : i32 to index
        %get3A_356 = arith.constant 16 : index
        %get3A_357 = tpu.vector_load %arg12[%get3A_355, %get3A_356] {strides = array<i32>} : memref<64x128xf32, #tpu.memory_space<vmem>>, vector<1x16xf32>,
        %get3A_358 = vector.shape_cast %get3A_357 : vector<1x16xf32> to vector<16xf32>
        %mul3A_359 = arith.mulf %get3A_358, %get3A_270 : vector<16xf32>
        %add3A_360 = arith.addf %mul3A_354, %mul3A_359 : vector<16xf32>
        %get3A_361 = arith.index_cast %add3A_349 : i32 to index
        %get3A_362 = arith.constant 32 : index
        %get3A_363 = tpu.vector_load %arg12[%get3A_361, %get3A_362] {strides = array<i32>} : memref<64x128xf32, #tpu.memory_space<vmem>>, vector<1x16xf32>,
        %get3A_364 = vector.shape_cast %get3A_363 : vector<1x16xf32> to vector<16xf32>
        %mul3A_365 = arith.mulf %get3A_364, %get3A_274 : vector<16xf32>
        %add3A_366 = arith.addf %add3A_360, %mul3A_365 : vector<16xf32>
        %get3A_367 = arith.index_cast %add3A_349 : i32 to index
        %get3A_368 = arith.constant 48 : index
        %get3A_369 = tpu.vector_load %arg12[%get3A_367, %get3A_368] {strides = array<i32>} : memref<64x128xf32, #tpu.memory_space<vmem>>, vector<1x16xf32>,
        %get3A_370 = vector.shape_cast %get3A_369 : vector<1x16xf32> to vector<16xf32>
        %mul3A_371 = arith.mulf %get3A_370, %get3A_278 : vector<16xf32>
        %add3A_372 = arith.addf %add3A_366, %mul3A_371 : vector<16xf32>
        %get3A_373 = arith.index_cast %add3A_349 : i32 to index
        %get3A_374 = arith.constant 64 : index
        %get3A_375 = tpu.vector_load %arg12[%get3A_373, %get3A_374] {strides = array<i32>} : memref<64x128xf32, #tpu.memory_space<vmem>>, vector<1x16xf32>,
        %get3A_376 = vector.shape_cast %get3A_375 : vector<1x16xf32> to vector<16xf32>
        %mul3A_377 = arith.mulf %get3A_376, %get3A_282 : vector<16xf32>
        %add3A_378 = arith.addf %add3A_372, %mul3A_377 : vector<16xf32>
        %get3A_379 = arith.index_cast %add3A_349 : i32 to index
        %get3A_380 = arith.constant 80 : index
        %get3A_381 = tpu.vector_load %arg12[%get3A_379, %get3A_380] {strides = array<i32>} : memref<64x128xf32, #tpu.memory_space<vmem>>, vector<1x16xf32>,
        %get3A_382 = vector.shape_cast %get3A_381 : vector<1x16xf32> to vector<16xf32>
        %mul3A_383 = arith.mulf %get3A_382, %get3A_286 : vector<16xf32>
        %add3A_384 = arith.addf %add3A_378, %mul3A_383 : vector<16xf32>
        %get3A_385 = arith.index_cast %add3A_349 : i32 to index
        %get3A_386 = arith.constant 96 : index
        %get3A_387 = tpu.vector_load %arg12[%get3A_385, %get3A_386] {strides = array<i32>} : memref<64x128xf32, #tpu.memory_space<vmem>>, vector<1x16xf32>,
        %get3A_388 = vector.shape_cast %get3A_387 : vector<1x16xf32> to vector<16xf32>
        %mul3A_389 = arith.mulf %get3A_388, %get3A_290 : vector<16xf32>
        %add3A_390 = arith.addf %add3A_384, %mul3A_389 : vector<16xf32>
        %get3A_391 = arith.index_cast %add3A_349 : i32 to index
        %get3A_392 = arith.constant 112 : index
        %get3A_393 = tpu.vector_load %arg12[%get3A_391, %get3A_392] {strides = array<i32>} : memref<64x128xf32, #tpu.memory_space<vmem>>, vector<1x16xf32>,
        %get3A_394 = vector.shape_cast %get3A_393 : vector<1x16xf32> to vector<16xf32>
        %mul3A_395 = arith.mulf %get3A_394, %get3A_294 : vector<16xf32>
        %add3A_396 = arith.addf %add3A_390, %mul3A_395 : vector<16xf32>
        %mul3A_397 = arith.constant 16 : i32
        %mul3A_398 = arith.muli %scan3A_260, %mul3A_397 : i32
        %add3A_399 = arith.constant 2 : i32
        %add3A_400 = arith.addi %mul3A_398, %add3A_399 : i32
        %get3A_401 = arith.index_cast %add3A_400 : i32 to index
        %get3A_402 = arith.constant 0 : index
        %get3A_403 = tpu.vector_load %arg12[%get3A_401, %get3A_402] {strides = array<i32>} : memref<64x128xf32, #tpu.memory_space<vmem>>, vector<1x16xf32>,
        %get3A_404 = vector.shape_cast %get3A_403 : vector<1x16xf32> to vector<16xf32>
        %mul3A_405 = arith.mulf %get3A_404, %get3A_266 : vector<16xf32>
        %get3A_406 = arith.index_cast %add3A_400 : i32 to index
        %get3A_407 = arith.constant 16 : index
        %get3A_408 = tpu.vector_load %arg12[%get3A_406, %get3A_407] {strides = array<i32>} : memref<64x128xf32, #tpu.memory_space<vmem>>, vector<1x16xf32>,
        %get3A_409 = vector.shape_cast %get3A_408 : vector<1x16xf32> to vector<16xf32>
        %mul3A_410 = arith.mulf %get3A_409, %get3A_270 : vector<16xf32>
        %add3A_411 = arith.addf %mul3A_405, %mul3A_410 : vector<16xf32>
        %get3A_412 = arith.index_cast %add3A_400 : i32 to index
        %get3A_413 = arith.constant 32 : index
        %get3A_414 = tpu.vector_load %arg12[%get3A_412, %get3A_413] {strides = array<i32>} : memref<64x128xf32, #tpu.memory_space<vmem>>, vector<1x16xf32>,
        %get3A_415 = vector.shape_cast %get3A_414 : vector<1x16xf32> to vector<16xf32>
        %mul3A_416 = arith.mulf %get3A_415, %get3A_274 : vector<16xf32>
        %add3A_417 = arith.addf %add3A_411, %mul3A_416 : vector<16xf32>
        %get3A_418 = arith.index_cast %add3A_400 : i32 to index
        %get3A_419 = arith.constant 48 : index
        %get3A_420 = tpu.vector_load %arg12[%get3A_418, %get3A_419] {strides = array<i32>} : memref<64x128xf32, #tpu.memory_space<vmem>>, vector<1x16xf32>,
        %get3A_421 = vector.shape_cast %get3A_420 : vector<1x16xf32> to vector<16xf32>
        %mul3A_422 = arith.mulf %get3A_421, %get3A_278 : vector<16xf32>
        %add3A_423 = arith.addf %add3A_417, %mul3A_422 : vector<16xf32>
        %get3A_424 = arith.index_cast %add3A_400 : i32 to index
        %get3A_425 = arith.constant 64 : index
        %get3A_426 = tpu.vector_load %arg12[%get3A_424, %get3A_425] {strides = array<i32>} : memref<64x128xf32, #tpu.memory_space<vmem>>, vector<1x16xf32>,
        %get3A_427 = vector.shape_cast %get3A_426 : vector<1x16xf32> to vector<16xf32>
        %mul3A_428 = arith.mulf %get3A_427, %get3A_282 : vector<16xf32>
        %add3A_429 = arith.addf %add3A_423, %mul3A_428 : vector<16xf32>
        %get3A_430 = arith.index_cast %add3A_400 : i32 to index
        %get3A_431 = arith.constant 80 : index
        %get3A_432 = tpu.vector_load %arg12[%get3A_430, %get3A_431] {strides = array<i32>} : memref<64x128xf32, #tpu.memory_space<vmem>>, vector<1x16xf32>,
        %get3A_433 = vector.shape_cast %get3A_432 : vector<1x16xf32> to vector<16xf32>
        %mul3A_434 = arith.mulf %get3A_433, %get3A_286 : vector<16xf32>
        %add3A_435 = arith.addf %add3A_429, %mul3A_434 : vector<16xf32>
        %get3A_436 = arith.index_cast %add3A_400 : i32 to index
        %get3A_437 = arith.constant 96 : index
        %get3A_438 = tpu.vector_load %arg12[%get3A_436, %get3A_437] {strides = array<i32>} : memref<64x128xf32, #tpu.memory_space<vmem>>, vector<1x16xf32>,
        %get3A_439 = vector.shape_cast %get3A_438 : vector<1x16xf32> to vector<16xf32>
        %mul3A_440 = arith.mulf %get3A_439, %get3A_290 : vector<16xf32>
        %add3A_441 = arith.addf %add3A_435, %mul3A_440 : vector<16xf32>
        %get3A_442 = arith.index_cast %add3A_400 : i32 to index
        %get3A_443 = arith.constant 112 : index
        %get3A_444 = tpu.vector_load %arg12[%get3A_442, %get3A_443] {strides = array<i32>} : memref<64x128xf32, #tpu.memory_space<vmem>>, vector<1x16xf32>,
        %get3A_445 = vector.shape_cast %get3A_444 : vector<1x16xf32> to vector<16xf32>
        %mul3A_446 = arith.mulf %get3A_445, %get3A_294 : vector<16xf32>
        %add3A_447 = arith.addf %add3A_441, %mul3A_446 : vector<16xf32>
        %mul3A_448 = arith.constant 16 : i32
        %mul3A_449 = arith.muli %scan3A_260, %mul3A_448 : i32
        %add3A_450 = arith.constant 3 : i32
        %add3A_451 = arith.addi %mul3A_449, %add3A_450 : i32
        %get3A_452 = arith.index_cast %add3A_451 : i32 to index
        %get3A_453 = arith.constant 0 : index
        %get3A_454 = tpu.vector_load %arg12[%get3A_452, %get3A_453] {strides = array<i32>} : memref<64x128xf32, #tpu.memory_space<vmem>>, vector<1x16xf32>,
        %get3A_455 = vector.shape_cast %get3A_454 : vector<1x16xf32> to vector<16xf32>
        %mul3A_456 = arith.mulf %get3A_455, %get3A_266 : vector<16xf32>
        %get3A_457 = arith.index_cast %add3A_451 : i32 to index
        %get3A_458 = arith.constant 16 : index
        %get3A_459 = tpu.vector_load %arg12[%get3A_457, %get3A_458] {strides = array<i32>} : memref<64x128xf32, #tpu.memory_space<vmem>>, vector<1x16xf32>,
        %get3A_460 = vector.shape_cast %get3A_459 : vector<1x16xf32> to vector<16xf32>
        %mul3A_461 = arith.mulf %get3A_460, %get3A_270 : vector<16xf32>
        %add3A_462 = arith.addf %mul3A_456, %mul3A_461 : vector<16xf32>
        %get3A_463 = arith.index_cast %add3A_451 : i32 to index
        %get3A_464 = arith.constant 32 : index
        %get3A_465 = tpu.vector_load %arg12[%get3A_463, %get3A_464] {strides = array<i32>} : memref<64x128xf32, #tpu.memory_space<vmem>>, vector<1x16xf32>,
        %get3A_466 = vector.shape_cast %get3A_465 : vector<1x16xf32> to vector<16xf32>
        %mul3A_467 = arith.mulf %get3A_466, %get3A_274 : vector<16xf32>
        %add3A_468 = arith.addf %add3A_462, %mul3A_467 : vector<16xf32>
        %get3A_469 = arith.index_cast %add3A_451 : i32 to index
        %get3A_470 = arith.constant 48 : index
        %get3A_471 = tpu.vector_load %arg12[%get3A_469, %get3A_470] {strides = array<i32>} : memref<64x128xf32, #tpu.memory_space<vmem>>, vector<1x16xf32>,
        %get3A_472 = vector.shape_cast %get3A_471 : vector<1x16xf32> to vector<16xf32>
        %mul3A_473 = arith.mulf %get3A_472, %get3A_278 : vector<16xf32>
        %add3A_474 = arith.addf %add3A_468, %mul3A_473 : vector<16xf32>
        %get3A_475 = arith.index_cast %add3A_451 : i32 to index
        %get3A_476 = arith.constant 64 : index
        %get3A_477 = tpu.vector_load %arg12[%get3A_475, %get3A_476] {strides = array<i32>} : memref<64x128xf32, #tpu.memory_space<vmem>>, vector<1x16xf32>,
        %get3A_478 = vector.shape_cast %get3A_477 : vector<1x16xf32> to vector<16xf32>
        %mul3A_479 = arith.mulf %get3A_478, %get3A_282 : vector<16xf32>
        %add3A_480 = arith.addf %add3A_474, %mul3A_479 : vector<16xf32>
        %get3A_481 = arith.index_cast %add3A_451 : i32 to index
        %get3A_482 = arith.constant 80 : index
        %get3A_483 = tpu.vector_load %arg12[%get3A_481, %get3A_482] {strides = array<i32>} : memref<64x128xf32, #tpu.memory_space<vmem>>, vector<1x16xf32>,
        %get3A_484 = vector.shape_cast %get3A_483 : vector<1x16xf32> to vector<16xf32>
        %mul3A_485 = arith.mulf %get3A_484, %get3A_286 : vector<16xf32>
        %add3A_486 = arith.addf %add3A_480, %mul3A_485 : vector<16xf32>
        %get3A_487 = arith.index_cast %add3A_451 : i32 to index
        %get3A_488 = arith.constant 96 : index
        %get3A_489 = tpu.vector_load %arg12[%get3A_487, %get3A_488] {strides = array<i32>} : memref<64x128xf32, #tpu.memory_space<vmem>>, vector<1x16xf32>,
        %get3A_490 = vector.shape_cast %get3A_489 : vector<1x16xf32> to vector<16xf32>
        %mul3A_491 = arith.mulf %get3A_490, %get3A_290 : vector<16xf32>
        %add3A_492 = arith.addf %add3A_486, %mul3A_491 : vector<16xf32>
        %get3A_493 = arith.index_cast %add3A_451 : i32 to index
        %get3A_494 = arith.constant 112 : index
        %get3A_495 = tpu.vector_load %arg12[%get3A_493, %get3A_494] {strides = array<i32>} : memref<64x128xf32, #tpu.memory_space<vmem>>, vector<1x16xf32>,
        %get3A_496 = vector.shape_cast %get3A_495 : vector<1x16xf32> to vector<16xf32>
        %mul3A_497 = arith.mulf %get3A_496, %get3A_294 : vector<16xf32>
        %add3A_498 = arith.addf %add3A_492, %mul3A_497 : vector<16xf32>
        %mul3A_499 = arith.constant 16 : i32
        %mul3A_500 = arith.muli %scan3A_260, %mul3A_499 : i32
        %add3A_501 = arith.constant 4 : i32
        %add3A_502 = arith.addi %mul3A_500, %add3A_501 : i32
        %get3A_503 = arith.index_cast %add3A_502 : i32 to index
        %get3A_504 = arith.constant 0 : index
        %get3A_505 = tpu.vector_load %arg12[%get3A_503, %get3A_504] {strides = array<i32>} : memref<64x128xf32, #tpu.memory_space<vmem>>, vector<1x16xf32>,
        %get3A_506 = vector.shape_cast %get3A_505 : vector<1x16xf32> to vector<16xf32>
        %mul3A_507 = arith.mulf %get3A_506, %get3A_266 : vector<16xf32>
        %get3A_508 = arith.index_cast %add3A_502 : i32 to index
        %get3A_509 = arith.constant 16 : index
        %get3A_510 = tpu.vector_load %arg12[%get3A_508, %get3A_509] {strides = array<i32>} : memref<64x128xf32, #tpu.memory_space<vmem>>, vector<1x16xf32>,
        %get3A_511 = vector.shape_cast %get3A_510 : vector<1x16xf32> to vector<16xf32>
        %mul3A_512 = arith.mulf %get3A_511, %get3A_270 : vector<16xf32>
        %add3A_513 = arith.addf %mul3A_507, %mul3A_512 : vector<16xf32>
        %get3A_514 = arith.index_cast %add3A_502 : i32 to index
        %get3A_515 = arith.constant 32 : index
        %get3A_516 = tpu.vector_load %arg12[%get3A_514, %get3A_515] {strides = array<i32>} : memref<64x128xf32, #tpu.memory_space<vmem>>, vector<1x16xf32>,
        %get3A_517 = vector.shape_cast %get3A_516 : vector<1x16xf32> to vector<16xf32>
        %mul3A_518 = arith.mulf %get3A_517, %get3A_274 : vector<16xf32>
        %add3A_519 = arith.addf %add3A_513, %mul3A_518 : vector<16xf32>
        %get3A_520 = arith.index_cast %add3A_502 : i32 to index
        %get3A_521 = arith.constant 48 : index
        %get3A_522 = tpu.vector_load %arg12[%get3A_520, %get3A_521] {strides = array<i32>} : memref<64x128xf32, #tpu.memory_space<vmem>>, vector<1x16xf32>,
        %get3A_523 = vector.shape_cast %get3A_522 : vector<1x16xf32> to vector<16xf32>
        %mul3A_524 = arith.mulf %get3A_523, %get3A_278 : vector<16xf32>
        %add3A_525 = arith.addf %add3A_519, %mul3A_524 : vector<16xf32>
        %get3A_526 = arith.index_cast %add3A_502 : i32 to index
        %get3A_527 = arith.constant 64 : index
        %get3A_528 = tpu.vector_load %arg12[%get3A_526, %get3A_527] {strides = array<i32>} : memref<64x128xf32, #tpu.memory_space<vmem>>, vector<1x16xf32>,
        %get3A_529 = vector.shape_cast %get3A_528 : vector<1x16xf32> to vector<16xf32>
        %mul3A_530 = arith.mulf %get3A_529, %get3A_282 : vector<16xf32>
        %add3A_531 = arith.addf %add3A_525, %mul3A_530 : vector<16xf32>
        %get3A_532 = arith.index_cast %add3A_502 : i32 to index
        %get3A_533 = arith.constant 80 : index
        %get3A_534 = tpu.vector_load %arg12[%get3A_532, %get3A_533] {strides = array<i32>} : memref<64x128xf32, #tpu.memory_space<vmem>>, vector<1x16xf32>,
        %get3A_535 = vector.shape_cast %get3A_534 : vector<1x16xf32> to vector<16xf32>
        %mul3A_536 = arith.mulf %get3A_535, %get3A_286 : vector<16xf32>
        %add3A_537 = arith.addf %add3A_531, %mul3A_536 : vector<16xf32>
        %get3A_538 = arith.index_cast %add3A_502 : i32 to index
        %get3A_539 = arith.constant 96 : index
        %get3A_540 = tpu.vector_load %arg12[%get3A_538, %get3A_539] {strides = array<i32>} : memref<64x128xf32, #tpu.memory_space<vmem>>, vector<1x16xf32>,
        %get3A_541 = vector.shape_cast %get3A_540 : vector<1x16xf32> to vector<16xf32>
        %mul3A_542 = arith.mulf %get3A_541, %get3A_290 : vector<16xf32>
        %add3A_543 = arith.addf %add3A_537, %mul3A_542 : vector<16xf32>
        %get3A_544 = arith.index_cast %add3A_502 : i32 to index
        %get3A_545 = arith.constant 112 : index
        %get3A_546 = tpu.vector_load %arg12[%get3A_544, %get3A_545] {strides = array<i32>} : memref<64x128xf32, #tpu.memory_space<vmem>>, vector<1x16xf32>,
        %get3A_547 = vector.shape_cast %get3A_546 : vector<1x16xf32> to vector<16xf32>
        %mul3A_548 = arith.mulf %get3A_547, %get3A_294 : vector<16xf32>
        %add3A_549 = arith.addf %add3A_543, %mul3A_548 : vector<16xf32>
        %mul3A_550 = arith.constant 16 : i32
        %mul3A_551 = arith.muli %scan3A_260, %mul3A_550 : i32
        %add3A_552 = arith.constant 5 : i32
        %add3A_553 = arith.addi %mul3A_551, %add3A_552 : i32
        %get3A_554 = arith.index_cast %add3A_553 : i32 to index
        %get3A_555 = arith.constant 0 : index
        %get3A_556 = tpu.vector_load %arg12[%get3A_554, %get3A_555] {strides = array<i32>} : memref<64x128xf32, #tpu.memory_space<vmem>>, vector<1x16xf32>,
        %get3A_557 = vector.shape_cast %get3A_556 : vector<1x16xf32> to vector<16xf32>
        %mul3A_558 = arith.mulf %get3A_557, %get3A_266 : vector<16xf32>
        %get3A_559 = arith.index_cast %add3A_553 : i32 to index
        %get3A_560 = arith.constant 16 : index
        %get3A_561 = tpu.vector_load %arg12[%get3A_559, %get3A_560] {strides = array<i32>} : memref<64x128xf32, #tpu.memory_space<vmem>>, vector<1x16xf32>,
        %get3A_562 = vector.shape_cast %get3A_561 : vector<1x16xf32> to vector<16xf32>
        %mul3A_563 = arith.mulf %get3A_562, %get3A_270 : vector<16xf32>
        %add3A_564 = arith.addf %mul3A_558, %mul3A_563 : vector<16xf32>
        %get3A_565 = arith.index_cast %add3A_553 : i32 to index
        %get3A_566 = arith.constant 32 : index
        %get3A_567 = tpu.vector_load %arg12[%get3A_565, %get3A_566] {strides = array<i32>} : memref<64x128xf32, #tpu.memory_space<vmem>>, vector<1x16xf32>,
        %get3A_568 = vector.shape_cast %get3A_567 : vector<1x16xf32> to vector<16xf32>
        %mul3A_569 = arith.mulf %get3A_568, %get3A_274 : vector<16xf32>
        %add3A_570 = arith.addf %add3A_564, %mul3A_569 : vector<16xf32>
        %get3A_571 = arith.index_cast %add3A_553 : i32 to index
        %get3A_572 = arith.constant 48 : index
        %get3A_573 = tpu.vector_load %arg12[%get3A_571, %get3A_572] {strides = array<i32>} : memref<64x128xf32, #tpu.memory_space<vmem>>, vector<1x16xf32>,
        %get3A_574 = vector.shape_cast %get3A_573 : vector<1x16xf32> to vector<16xf32>
        %mul3A_575 = arith.mulf %get3A_574, %get3A_278 : vector<16xf32>
        %add3A_576 = arith.addf %add3A_570, %mul3A_575 : vector<16xf32>
        %get3A_577 = arith.index_cast %add3A_553 : i32 to index
        %get3A_578 = arith.constant 64 : index
        %get3A_579 = tpu.vector_load %arg12[%get3A_577, %get3A_578] {strides = array<i32>} : memref<64x128xf32, #tpu.memory_space<vmem>>, vector<1x16xf32>,
        %get3A_580 = vector.shape_cast %get3A_579 : vector<1x16xf32> to vector<16xf32>
        %mul3A_581 = arith.mulf %get3A_580, %get3A_282 : vector<16xf32>
        %add3A_582 = arith.addf %add3A_576, %mul3A_581 : vector<16xf32>
        %get3A_583 = arith.index_cast %add3A_553 : i32 to index
        %get3A_584 = arith.constant 80 : index
        %get3A_585 = tpu.vector_load %arg12[%get3A_583, %get3A_584] {strides = array<i32>} : memref<64x128xf32, #tpu.memory_space<vmem>>, vector<1x16xf32>,
        %get3A_586 = vector.shape_cast %get3A_585 : vector<1x16xf32> to vector<16xf32>
        %mul3A_587 = arith.mulf %get3A_586, %get3A_286 : vector<16xf32>
        %add3A_588 = arith.addf %add3A_582, %mul3A_587 : vector<16xf32>
        %get3A_589 = arith.index_cast %add3A_553 : i32 to index
        %get3A_590 = arith.constant 96 : index
        %get3A_591 = tpu.vector_load %arg12[%get3A_589, %get3A_590] {strides = array<i32>} : memref<64x128xf32, #tpu.memory_space<vmem>>, vector<1x16xf32>,
        %get3A_592 = vector.shape_cast %get3A_591 : vector<1x16xf32> to vector<16xf32>
        %mul3A_593 = arith.mulf %get3A_592, %get3A_290 : vector<16xf32>
        %add3A_594 = arith.addf %add3A_588, %mul3A_593 : vector<16xf32>
        %get3A_595 = arith.index_cast %add3A_553 : i32 to index
        %get3A_596 = arith.constant 112 : index
        %get3A_597 = tpu.vector_load %arg12[%get3A_595, %get3A_596] {strides = array<i32>} : memref<64x128xf32, #tpu.memory_space<vmem>>, vector<1x16xf32>,
        %get3A_598 = vector.shape_cast %get3A_597 : vector<1x16xf32> to vector<16xf32>
        %mul3A_599 = arith.mulf %get3A_598, %get3A_294 : vector<16xf32>
        %add3A_600 = arith.addf %add3A_594, %mul3A_599 : vector<16xf32>
        %mul3A_601 = arith.constant 16 : i32
        %mul3A_602 = arith.muli %scan3A_260, %mul3A_601 : i32
        %add3A_603 = arith.constant 6 : i32
        %add3A_604 = arith.addi %mul3A_602, %add3A_603 : i32
        %get3A_605 = arith.index_cast %add3A_604 : i32 to index
        %get3A_606 = arith.constant 0 : index
        %get3A_607 = tpu.vector_load %arg12[%get3A_605, %get3A_606] {strides = array<i32>} : memref<64x128xf32, #tpu.memory_space<vmem>>, vector<1x16xf32>,
        %get3A_608 = vector.shape_cast %get3A_607 : vector<1x16xf32> to vector<16xf32>
        %mul3A_609 = arith.mulf %get3A_608, %get3A_266 : vector<16xf32>
        %get3A_610 = arith.index_cast %add3A_604 : i32 to index
        %get3A_611 = arith.constant 16 : index
        %get3A_612 = tpu.vector_load %arg12[%get3A_610, %get3A_611] {strides = array<i32>} : memref<64x128xf32, #tpu.memory_space<vmem>>, vector<1x16xf32>,
        %get3A_613 = vector.shape_cast %get3A_612 : vector<1x16xf32> to vector<16xf32>
        %mul3A_614 = arith.mulf %get3A_613, %get3A_270 : vector<16xf32>
        %add3A_615 = arith.addf %mul3A_609, %mul3A_614 : vector<16xf32>
        %get3A_616 = arith.index_cast %add3A_604 : i32 to index
        %get3A_617 = arith.constant 32 : index
        %get3A_618 = tpu.vector_load %arg12[%get3A_616, %get3A_617] {strides = array<i32>} : memref<64x128xf32, #tpu.memory_space<vmem>>, vector<1x16xf32>,
        %get3A_619 = vector.shape_cast %get3A_618 : vector<1x16xf32> to vector<16xf32>
        %mul3A_620 = arith.mulf %get3A_619, %get3A_274 : vector<16xf32>
        %add3A_621 = arith.addf %add3A_615, %mul3A_620 : vector<16xf32>
        %get3A_622 = arith.index_cast %add3A_604 : i32 to index
        %get3A_623 = arith.constant 48 : index
        %get3A_624 = tpu.vector_load %arg12[%get3A_622, %get3A_623] {strides = array<i32>} : memref<64x128xf32, #tpu.memory_space<vmem>>, vector<1x16xf32>,
        %get3A_625 = vector.shape_cast %get3A_624 : vector<1x16xf32> to vector<16xf32>
        %mul3A_626 = arith.mulf %get3A_625, %get3A_278 : vector<16xf32>
        %add3A_627 = arith.addf %add3A_621, %mul3A_626 : vector<16xf32>
        %get3A_628 = arith.index_cast %add3A_604 : i32 to index
        %get3A_629 = arith.constant 64 : index
        %get3A_630 = tpu.vector_load %arg12[%get3A_628, %get3A_629] {strides = array<i32>} : memref<64x128xf32, #tpu.memory_space<vmem>>, vector<1x16xf32>,
        %get3A_631 = vector.shape_cast %get3A_630 : vector<1x16xf32> to vector<16xf32>
        %mul3A_632 = arith.mulf %get3A_631, %get3A_282 : vector<16xf32>
        %add3A_633 = arith.addf %add3A_627, %mul3A_632 : vector<16xf32>
        %get3A_634 = arith.index_cast %add3A_604 : i32 to index
        %get3A_635 = arith.constant 80 : index
        %get3A_636 = tpu.vector_load %arg12[%get3A_634, %get3A_635] {strides = array<i32>} : memref<64x128xf32, #tpu.memory_space<vmem>>, vector<1x16xf32>,
        %get3A_637 = vector.shape_cast %get3A_636 : vector<1x16xf32> to vector<16xf32>
        %mul3A_638 = arith.mulf %get3A_637, %get3A_286 : vector<16xf32>
        %add3A_639 = arith.addf %add3A_633, %mul3A_638 : vector<16xf32>
        %get3A_640 = arith.index_cast %add3A_604 : i32 to index
        %get3A_641 = arith.constant 96 : index
        %get3A_642 = tpu.vector_load %arg12[%get3A_640, %get3A_641] {strides = array<i32>} : memref<64x128xf32, #tpu.memory_space<vmem>>, vector<1x16xf32>,
        %get3A_643 = vector.shape_cast %get3A_642 : vector<1x16xf32> to vector<16xf32>
        %mul3A_644 = arith.mulf %get3A_643, %get3A_290 : vector<16xf32>
        %add3A_645 = arith.addf %add3A_639, %mul3A_644 : vector<16xf32>
        %get3A_646 = arith.index_cast %add3A_604 : i32 to index
        %get3A_647 = arith.constant 112 : index
        %get3A_648 = tpu.vector_load %arg12[%get3A_646, %get3A_647] {strides = array<i32>} : memref<64x128xf32, #tpu.memory_space<vmem>>, vector<1x16xf32>,
        %get3A_649 = vector.shape_cast %get3A_648 : vector<1x16xf32> to vector<16xf32>
        %mul3A_650 = arith.mulf %get3A_649, %get3A_294 : vector<16xf32>
        %add3A_651 = arith.addf %add3A_645, %mul3A_650 : vector<16xf32>
        %mul3A_652 = arith.constant 16 : i32
        %mul3A_653 = arith.muli %scan3A_260, %mul3A_652 : i32
        %add3A_654 = arith.constant 7 : i32
        %add3A_655 = arith.addi %mul3A_653, %add3A_654 : i32
        %get3A_656 = arith.index_cast %add3A_655 : i32 to index
        %get3A_657 = arith.constant 0 : index
        %get3A_658 = tpu.vector_load %arg12[%get3A_656, %get3A_657] {strides = array<i32>} : memref<64x128xf32, #tpu.memory_space<vmem>>, vector<1x16xf32>,
        %get3A_659 = vector.shape_cast %get3A_658 : vector<1x16xf32> to vector<16xf32>
        %mul3A_660 = arith.mulf %get3A_659, %get3A_266 : vector<16xf32>
        %get3A_661 = arith.index_cast %add3A_655 : i32 to index
        %get3A_662 = arith.constant 16 : index
        %get3A_663 = tpu.vector_load %arg12[%get3A_661, %get3A_662] {strides = array<i32>} : memref<64x128xf32, #tpu.memory_space<vmem>>, vector<1x16xf32>,
        %get3A_664 = vector.shape_cast %get3A_663 : vector<1x16xf32> to vector<16xf32>
        %mul3A_665 = arith.mulf %get3A_664, %get3A_270 : vector<16xf32>
        %add3A_666 = arith.addf %mul3A_660, %mul3A_665 : vector<16xf32>
        %get3A_667 = arith.index_cast %add3A_655 : i32 to index
        %get3A_668 = arith.constant 32 : index
        %get3A_669 = tpu.vector_load %arg12[%get3A_667, %get3A_668] {strides = array<i32>} : memref<64x128xf32, #tpu.memory_space<vmem>>, vector<1x16xf32>,
        %get3A_670 = vector.shape_cast %get3A_669 : vector<1x16xf32> to vector<16xf32>
        %mul3A_671 = arith.mulf %get3A_670, %get3A_274 : vector<16xf32>
        %add3A_672 = arith.addf %add3A_666, %mul3A_671 : vector<16xf32>
        %get3A_673 = arith.index_cast %add3A_655 : i32 to index
        %get3A_674 = arith.constant 48 : index
        %get3A_675 = tpu.vector_load %arg12[%get3A_673, %get3A_674] {strides = array<i32>} : memref<64x128xf32, #tpu.memory_space<vmem>>, vector<1x16xf32>,
        %get3A_676 = vector.shape_cast %get3A_675 : vector<1x16xf32> to vector<16xf32>
        %mul3A_677 = arith.mulf %get3A_676, %get3A_278 : vector<16xf32>
        %add3A_678 = arith.addf %add3A_672, %mul3A_677 : vector<16xf32>
        %get3A_679 = arith.index_cast %add3A_655 : i32 to index
        %get3A_680 = arith.constant 64 : index
        %get3A_681 = tpu.vector_load %arg12[%get3A_679, %get3A_680] {strides = array<i32>} : memref<64x128xf32, #tpu.memory_space<vmem>>, vector<1x16xf32>,
        %get3A_682 = vector.shape_cast %get3A_681 : vector<1x16xf32> to vector<16xf32>
        %mul3A_683 = arith.mulf %get3A_682, %get3A_282 : vector<16xf32>
        %add3A_684 = arith.addf %add3A_678, %mul3A_683 : vector<16xf32>
        %get3A_685 = arith.index_cast %add3A_655 : i32 to index
        %get3A_686 = arith.constant 80 : index
        %get3A_687 = tpu.vector_load %arg12[%get3A_685, %get3A_686] {strides = array<i32>} : memref<64x128xf32, #tpu.memory_space<vmem>>, vector<1x16xf32>,
        %get3A_688 = vector.shape_cast %get3A_687 : vector<1x16xf32> to vector<16xf32>
        %mul3A_689 = arith.mulf %get3A_688, %get3A_286 : vector<16xf32>
        %add3A_690 = arith.addf %add3A_684, %mul3A_689 : vector<16xf32>
        %get3A_691 = arith.index_cast %add3A_655 : i32 to index
        %get3A_692 = arith.constant 96 : index
        %get3A_693 = tpu.vector_load %arg12[%get3A_691, %get3A_692] {strides = array<i32>} : memref<64x128xf32, #tpu.memory_space<vmem>>, vector<1x16xf32>,
        %get3A_694 = vector.shape_cast %get3A_693 : vector<1x16xf32> to vector<16xf32>
        %mul3A_695 = arith.mulf %get3A_694, %get3A_290 : vector<16xf32>
        %add3A_696 = arith.addf %add3A_690, %mul3A_695 : vector<16xf32>
        %get3A_697 = arith.index_cast %add3A_655 : i32 to index
        %get3A_698 = arith.constant 112 : index
        %get3A_699 = tpu.vector_load %arg12[%get3A_697, %get3A_698] {strides = array<i32>} : memref<64x128xf32, #tpu.memory_space<vmem>>, vector<1x16xf32>,
        %get3A_700 = vector.shape_cast %get3A_699 : vector<1x16xf32> to vector<16xf32>
        %mul3A_701 = arith.mulf %get3A_700, %get3A_294 : vector<16xf32>
        %add3A_702 = arith.addf %add3A_696, %mul3A_701 : vector<16xf32>
        %mul3A_703 = arith.constant 16 : i32
        %mul3A_704 = arith.muli %scan3A_260, %mul3A_703 : i32
        %add3A_705 = arith.constant 8 : i32
        %add3A_706 = arith.addi %mul3A_704, %add3A_705 : i32
        %get3A_707 = arith.index_cast %add3A_706 : i32 to index
        %get3A_708 = arith.constant 0 : index
        %get3A_709 = tpu.vector_load %arg12[%get3A_707, %get3A_708] {strides = array<i32>} : memref<64x128xf32, #tpu.memory_space<vmem>>, vector<1x16xf32>,
        %get3A_710 = vector.shape_cast %get3A_709 : vector<1x16xf32> to vector<16xf32>
        %mul3A_711 = arith.mulf %get3A_710, %get3A_266 : vector<16xf32>
        %get3A_712 = arith.index_cast %add3A_706 : i32 to index
        %get3A_713 = arith.constant 16 : index
        %get3A_714 = tpu.vector_load %arg12[%get3A_712, %get3A_713] {strides = array<i32>} : memref<64x128xf32, #tpu.memory_space<vmem>>, vector<1x16xf32>,
        %get3A_715 = vector.shape_cast %get3A_714 : vector<1x16xf32> to vector<16xf32>
        %mul3A_716 = arith.mulf %get3A_715, %get3A_270 : vector<16xf32>
        %add3A_717 = arith.addf %mul3A_711, %mul3A_716 : vector<16xf32>
        %get3A_718 = arith.index_cast %add3A_706 : i32 to index
        %get3A_719 = arith.constant 32 : index
        %get3A_720 = tpu.vector_load %arg12[%get3A_718, %get3A_719] {strides = array<i32>} : memref<64x128xf32, #tpu.memory_space<vmem>>, vector<1x16xf32>,
        %get3A_721 = vector.shape_cast %get3A_720 : vector<1x16xf32> to vector<16xf32>
        %mul3A_722 = arith.mulf %get3A_721, %get3A_274 : vector<16xf32>
        %add3A_723 = arith.addf %add3A_717, %mul3A_722 : vector<16xf32>
        %get3A_724 = arith.index_cast %add3A_706 : i32 to index
        %get3A_725 = arith.constant 48 : index
        %get3A_726 = tpu.vector_load %arg12[%get3A_724, %get3A_725] {strides = array<i32>} : memref<64x128xf32, #tpu.memory_space<vmem>>, vector<1x16xf32>,
        %get3A_727 = vector.shape_cast %get3A_726 : vector<1x16xf32> to vector<16xf32>
        %mul3A_728 = arith.mulf %get3A_727, %get3A_278 : vector<16xf32>
        %add3A_729 = arith.addf %add3A_723, %mul3A_728 : vector<16xf32>
        %get3A_730 = arith.index_cast %add3A_706 : i32 to index
        %get3A_731 = arith.constant 64 : index
        %get3A_732 = tpu.vector_load %arg12[%get3A_730, %get3A_731] {strides = array<i32>} : memref<64x128xf32, #tpu.memory_space<vmem>>, vector<1x16xf32>,
        %get3A_733 = vector.shape_cast %get3A_732 : vector<1x16xf32> to vector<16xf32>
        %mul3A_734 = arith.mulf %get3A_733, %get3A_282 : vector<16xf32>
        %add3A_735 = arith.addf %add3A_729, %mul3A_734 : vector<16xf32>
        %get3A_736 = arith.index_cast %add3A_706 : i32 to index
        %get3A_737 = arith.constant 80 : index
        %get3A_738 = tpu.vector_load %arg12[%get3A_736, %get3A_737] {strides = array<i32>} : memref<64x128xf32, #tpu.memory_space<vmem>>, vector<1x16xf32>,
        %get3A_739 = vector.shape_cast %get3A_738 : vector<1x16xf32> to vector<16xf32>
        %mul3A_740 = arith.mulf %get3A_739, %get3A_286 : vector<16xf32>
        %add3A_741 = arith.addf %add3A_735, %mul3A_740 : vector<16xf32>
        %get3A_742 = arith.index_cast %add3A_706 : i32 to index
        %get3A_743 = arith.constant 96 : index
        %get3A_744 = tpu.vector_load %arg12[%get3A_742, %get3A_743] {strides = array<i32>} : memref<64x128xf32, #tpu.memory_space<vmem>>, vector<1x16xf32>,
        %get3A_745 = vector.shape_cast %get3A_744 : vector<1x16xf32> to vector<16xf32>
        %mul3A_746 = arith.mulf %get3A_745, %get3A_290 : vector<16xf32>
        %add3A_747 = arith.addf %add3A_741, %mul3A_746 : vector<16xf32>
        %get3A_748 = arith.index_cast %add3A_706 : i32 to index
        %get3A_749 = arith.constant 112 : index
        %get3A_750 = tpu.vector_load %arg12[%get3A_748, %get3A_749] {strides = array<i32>} : memref<64x128xf32, #tpu.memory_space<vmem>>, vector<1x16xf32>,
        %get3A_751 = vector.shape_cast %get3A_750 : vector<1x16xf32> to vector<16xf32>
        %mul3A_752 = arith.mulf %get3A_751, %get3A_294 : vector<16xf32>
        %add3A_753 = arith.addf %add3A_747, %mul3A_752 : vector<16xf32>
        %mul3A_754 = arith.constant 16 : i32
        %mul3A_755 = arith.muli %scan3A_260, %mul3A_754 : i32
        %add3A_756 = arith.constant 9 : i32
        %add3A_757 = arith.addi %mul3A_755, %add3A_756 : i32
        %get3A_758 = arith.index_cast %add3A_757 : i32 to index
        %get3A_759 = arith.constant 0 : index
        %get3A_760 = tpu.vector_load %arg12[%get3A_758, %get3A_759] {strides = array<i32>} : memref<64x128xf32, #tpu.memory_space<vmem>>, vector<1x16xf32>,
        %get3A_761 = vector.shape_cast %get3A_760 : vector<1x16xf32> to vector<16xf32>
        %mul3A_762 = arith.mulf %get3A_761, %get3A_266 : vector<16xf32>
        %get3A_763 = arith.index_cast %add3A_757 : i32 to index
        %get3A_764 = arith.constant 16 : index
        %get3A_765 = tpu.vector_load %arg12[%get3A_763, %get3A_764] {strides = array<i32>} : memref<64x128xf32, #tpu.memory_space<vmem>>, vector<1x16xf32>,
        %get3A_766 = vector.shape_cast %get3A_765 : vector<1x16xf32> to vector<16xf32>
        %mul3A_767 = arith.mulf %get3A_766, %get3A_270 : vector<16xf32>
        %add3A_768 = arith.addf %mul3A_762, %mul3A_767 : vector<16xf32>
        %get3A_769 = arith.index_cast %add3A_757 : i32 to index
        %get3A_770 = arith.constant 32 : index
        %get3A_771 = tpu.vector_load %arg12[%get3A_769, %get3A_770] {strides = array<i32>} : memref<64x128xf32, #tpu.memory_space<vmem>>, vector<1x16xf32>,
        %get3A_772 = vector.shape_cast %get3A_771 : vector<1x16xf32> to vector<16xf32>
        %mul3A_773 = arith.mulf %get3A_772, %get3A_274 : vector<16xf32>
        %add3A_774 = arith.addf %add3A_768, %mul3A_773 : vector<16xf32>
        %get3A_775 = arith.index_cast %add3A_757 : i32 to index
        %get3A_776 = arith.constant 48 : index
        %get3A_777 = tpu.vector_load %arg12[%get3A_775, %get3A_776] {strides = array<i32>} : memref<64x128xf32, #tpu.memory_space<vmem>>, vector<1x16xf32>,
        %get3A_778 = vector.shape_cast %get3A_777 : vector<1x16xf32> to vector<16xf32>
        %mul3A_779 = arith.mulf %get3A_778, %get3A_278 : vector<16xf32>
        %add3A_780 = arith.addf %add3A_774, %mul3A_779 : vector<16xf32>
        %get3A_781 = arith.index_cast %add3A_757 : i32 to index
        %get3A_782 = arith.constant 64 : index
        %get3A_783 = tpu.vector_load %arg12[%get3A_781, %get3A_782] {strides = array<i32>} : memref<64x128xf32, #tpu.memory_space<vmem>>, vector<1x16xf32>,
        %get3A_784 = vector.shape_cast %get3A_783 : vector<1x16xf32> to vector<16xf32>
        %mul3A_785 = arith.mulf %get3A_784, %get3A_282 : vector<16xf32>
        %add3A_786 = arith.addf %add3A_780, %mul3A_785 : vector<16xf32>
        %get3A_787 = arith.index_cast %add3A_757 : i32 to index
        %get3A_788 = arith.constant 80 : index
        %get3A_789 = tpu.vector_load %arg12[%get3A_787, %get3A_788] {strides = array<i32>} : memref<64x128xf32, #tpu.memory_space<vmem>>, vector<1x16xf32>,
        %get3A_790 = vector.shape_cast %get3A_789 : vector<1x16xf32> to vector<16xf32>
        %mul3A_791 = arith.mulf %get3A_790, %get3A_286 : vector<16xf32>
        %add3A_792 = arith.addf %add3A_786, %mul3A_791 : vector<16xf32>
        %get3A_793 = arith.index_cast %add3A_757 : i32 to index
        %get3A_794 = arith.constant 96 : index
        %get3A_795 = tpu.vector_load %arg12[%get3A_793, %get3A_794] {strides = array<i32>} : memref<64x128xf32, #tpu.memory_space<vmem>>, vector<1x16xf32>,
        %get3A_796 = vector.shape_cast %get3A_795 : vector<1x16xf32> to vector<16xf32>
        %mul3A_797 = arith.mulf %get3A_796, %get3A_290 : vector<16xf32>
        %add3A_798 = arith.addf %add3A_792, %mul3A_797 : vector<16xf32>
        %get3A_799 = arith.index_cast %add3A_757 : i32 to index
        %get3A_800 = arith.constant 112 : index
        %get3A_801 = tpu.vector_load %arg12[%get3A_799, %get3A_800] {strides = array<i32>} : memref<64x128xf32, #tpu.memory_space<vmem>>, vector<1x16xf32>,
        %get3A_802 = vector.shape_cast %get3A_801 : vector<1x16xf32> to vector<16xf32>
        %mul3A_803 = arith.mulf %get3A_802, %get3A_294 : vector<16xf32>
        %add3A_804 = arith.addf %add3A_798, %mul3A_803 : vector<16xf32>
        %mul3A_805 = arith.constant 16 : i32
        %mul3A_806 = arith.muli %scan3A_260, %mul3A_805 : i32
        %add3A_807 = arith.constant 10 : i32
        %add3A_808 = arith.addi %mul3A_806, %add3A_807 : i32
        %get3A_809 = arith.index_cast %add3A_808 : i32 to index
        %get3A_810 = arith.constant 0 : index
        %get3A_811 = tpu.vector_load %arg12[%get3A_809, %get3A_810] {strides = array<i32>} : memref<64x128xf32, #tpu.memory_space<vmem>>, vector<1x16xf32>,
        %get3A_812 = vector.shape_cast %get3A_811 : vector<1x16xf32> to vector<16xf32>
        %mul3A_813 = arith.mulf %get3A_812, %get3A_266 : vector<16xf32>
        %get3A_814 = arith.index_cast %add3A_808 : i32 to index
        %get3A_815 = arith.constant 16 : index
        %get3A_816 = tpu.vector_load %arg12[%get3A_814, %get3A_815] {strides = array<i32>} : memref<64x128xf32, #tpu.memory_space<vmem>>, vector<1x16xf32>,
        %get3A_817 = vector.shape_cast %get3A_816 : vector<1x16xf32> to vector<16xf32>
        %mul3A_818 = arith.mulf %get3A_817, %get3A_270 : vector<16xf32>
        %add3A_819 = arith.addf %mul3A_813, %mul3A_818 : vector<16xf32>
        %get3A_820 = arith.index_cast %add3A_808 : i32 to index
        %get3A_821 = arith.constant 32 : index
        %get3A_822 = tpu.vector_load %arg12[%get3A_820, %get3A_821] {strides = array<i32>} : memref<64x128xf32, #tpu.memory_space<vmem>>, vector<1x16xf32>,
        %get3A_823 = vector.shape_cast %get3A_822 : vector<1x16xf32> to vector<16xf32>
        %mul3A_824 = arith.mulf %get3A_823, %get3A_274 : vector<16xf32>
        %add3A_825 = arith.addf %add3A_819, %mul3A_824 : vector<16xf32>
        %get3A_826 = arith.index_cast %add3A_808 : i32 to index
        %get3A_827 = arith.constant 48 : index
        %get3A_828 = tpu.vector_load %arg12[%get3A_826, %get3A_827] {strides = array<i32>} : memref<64x128xf32, #tpu.memory_space<vmem>>, vector<1x16xf32>,
        %get3A_829 = vector.shape_cast %get3A_828 : vector<1x16xf32> to vector<16xf32>
        %mul3A_830 = arith.mulf %get3A_829, %get3A_278 : vector<16xf32>
        %add3A_831 = arith.addf %add3A_825, %mul3A_830 : vector<16xf32>
        %get3A_832 = arith.index_cast %add3A_808 : i32 to index
        %get3A_833 = arith.constant 64 : index
        %get3A_834 = tpu.vector_load %arg12[%get3A_832, %get3A_833] {strides = array<i32>} : memref<64x128xf32, #tpu.memory_space<vmem>>, vector<1x16xf32>,
        %get3A_835 = vector.shape_cast %get3A_834 : vector<1x16xf32> to vector<16xf32>
        %mul3A_836 = arith.mulf %get3A_835, %get3A_282 : vector<16xf32>
        %add3A_837 = arith.addf %add3A_831, %mul3A_836 : vector<16xf32>
        %get3A_838 = arith.index_cast %add3A_808 : i32 to index
        %get3A_839 = arith.constant 80 : index
        %get3A_840 = tpu.vector_load %arg12[%get3A_838, %get3A_839] {strides = array<i32>} : memref<64x128xf32, #tpu.memory_space<vmem>>, vector<1x16xf32>,
        %get3A_841 = vector.shape_cast %get3A_840 : vector<1x16xf32> to vector<16xf32>
        %mul3A_842 = arith.mulf %get3A_841, %get3A_286 : vector<16xf32>
        %add3A_843 = arith.addf %add3A_837, %mul3A_842 : vector<16xf32>
        %get3A_844 = arith.index_cast %add3A_808 : i32 to index
        %get3A_845 = arith.constant 96 : index
        %get3A_846 = tpu.vector_load %arg12[%get3A_844, %get3A_845] {strides = array<i32>} : memref<64x128xf32, #tpu.memory_space<vmem>>, vector<1x16xf32>,
        %get3A_847 = vector.shape_cast %get3A_846 : vector<1x16xf32> to vector<16xf32>
        %mul3A_848 = arith.mulf %get3A_847, %get3A_290 : vector<16xf32>
        %add3A_849 = arith.addf %add3A_843, %mul3A_848 : vector<16xf32>
        %get3A_850 = arith.index_cast %add3A_808 : i32 to index
        %get3A_851 = arith.constant 112 : index
        %get3A_852 = tpu.vector_load %arg12[%get3A_850, %get3A_851] {strides = array<i32>} : memref<64x128xf32, #tpu.memory_space<vmem>>, vector<1x16xf32>,
        %get3A_853 = vector.shape_cast %get3A_852 : vector<1x16xf32> to vector<16xf32>
        %mul3A_854 = arith.mulf %get3A_853, %get3A_294 : vector<16xf32>
        %add3A_855 = arith.addf %add3A_849, %mul3A_854 : vector<16xf32>
        %mul3A_856 = arith.constant 16 : i32
        %mul3A_857 = arith.muli %scan3A_260, %mul3A_856 : i32
        %add3A_858 = arith.constant 11 : i32
        %add3A_859 = arith.addi %mul3A_857, %add3A_858 : i32
        %get3A_860 = arith.index_cast %add3A_859 : i32 to index
        %get3A_861 = arith.constant 0 : index
        %get3A_862 = tpu.vector_load %arg12[%get3A_860, %get3A_861] {strides = array<i32>} : memref<64x128xf32, #tpu.memory_space<vmem>>, vector<1x16xf32>,
        %get3A_863 = vector.shape_cast %get3A_862 : vector<1x16xf32> to vector<16xf32>
        %mul3A_864 = arith.mulf %get3A_863, %get3A_266 : vector<16xf32>
        %get3A_865 = arith.index_cast %add3A_859 : i32 to index
        %get3A_866 = arith.constant 16 : index
        %get3A_867 = tpu.vector_load %arg12[%get3A_865, %get3A_866] {strides = array<i32>} : memref<64x128xf32, #tpu.memory_space<vmem>>, vector<1x16xf32>,
        %get3A_868 = vector.shape_cast %get3A_867 : vector<1x16xf32> to vector<16xf32>
        %mul3A_869 = arith.mulf %get3A_868, %get3A_270 : vector<16xf32>
        %add3A_870 = arith.addf %mul3A_864, %mul3A_869 : vector<16xf32>
        %get3A_871 = arith.index_cast %add3A_859 : i32 to index
        %get3A_872 = arith.constant 32 : index
        %get3A_873 = tpu.vector_load %arg12[%get3A_871, %get3A_872] {strides = array<i32>} : memref<64x128xf32, #tpu.memory_space<vmem>>, vector<1x16xf32>,
        %get3A_874 = vector.shape_cast %get3A_873 : vector<1x16xf32> to vector<16xf32>
        %mul3A_875 = arith.mulf %get3A_874, %get3A_274 : vector<16xf32>
        %add3A_876 = arith.addf %add3A_870, %mul3A_875 : vector<16xf32>
        %get3A_877 = arith.index_cast %add3A_859 : i32 to index
        %get3A_878 = arith.constant 48 : index
        %get3A_879 = tpu.vector_load %arg12[%get3A_877, %get3A_878] {strides = array<i32>} : memref<64x128xf32, #tpu.memory_space<vmem>>, vector<1x16xf32>,
        %get3A_880 = vector.shape_cast %get3A_879 : vector<1x16xf32> to vector<16xf32>
        %mul3A_881 = arith.mulf %get3A_880, %get3A_278 : vector<16xf32>
        %add3A_882 = arith.addf %add3A_876, %mul3A_881 : vector<16xf32>
        %get3A_883 = arith.index_cast %add3A_859 : i32 to index
        %get3A_884 = arith.constant 64 : index
        %get3A_885 = tpu.vector_load %arg12[%get3A_883, %get3A_884] {strides = array<i32>} : memref<64x128xf32, #tpu.memory_space<vmem>>, vector<1x16xf32>,
        %get3A_886 = vector.shape_cast %get3A_885 : vector<1x16xf32> to vector<16xf32>
        %mul3A_887 = arith.mulf %get3A_886, %get3A_282 : vector<16xf32>
        %add3A_888 = arith.addf %add3A_882, %mul3A_887 : vector<16xf32>
        %get3A_889 = arith.index_cast %add3A_859 : i32 to index
        %get3A_890 = arith.constant 80 : index
        %get3A_891 = tpu.vector_load %arg12[%get3A_889, %get3A_890] {strides = array<i32>} : memref<64x128xf32, #tpu.memory_space<vmem>>, vector<1x16xf32>,
        %get3A_892 = vector.shape_cast %get3A_891 : vector<1x16xf32> to vector<16xf32>
        %mul3A_893 = arith.mulf %get3A_892, %get3A_286 : vector<16xf32>
        %add3A_894 = arith.addf %add3A_888, %mul3A_893 : vector<16xf32>
        %get3A_895 = arith.index_cast %add3A_859 : i32 to index
        %get3A_896 = arith.constant 96 : index
        %get3A_897 = tpu.vector_load %arg12[%get3A_895, %get3A_896] {strides = array<i32>} : memref<64x128xf32, #tpu.memory_space<vmem>>, vector<1x16xf32>,
        %get3A_898 = vector.shape_cast %get3A_897 : vector<1x16xf32> to vector<16xf32>
        %mul3A_899 = arith.mulf %get3A_898, %get3A_290 : vector<16xf32>
        %add3A_900 = arith.addf %add3A_894, %mul3A_899 : vector<16xf32>
        %get3A_901 = arith.index_cast %add3A_859 : i32 to index
        %get3A_902 = arith.constant 112 : index
        %get3A_903 = tpu.vector_load %arg12[%get3A_901, %get3A_902] {strides = array<i32>} : memref<64x128xf32, #tpu.memory_space<vmem>>, vector<1x16xf32>,
        %get3A_904 = vector.shape_cast %get3A_903 : vector<1x16xf32> to vector<16xf32>
        %mul3A_905 = arith.mulf %get3A_904, %get3A_294 : vector<16xf32>
        %add3A_906 = arith.addf %add3A_900, %mul3A_905 : vector<16xf32>
        %mul3A_907 = arith.constant 16 : i32
        %mul3A_908 = arith.muli %scan3A_260, %mul3A_907 : i32
        %add3A_909 = arith.constant 12 : i32
        %add3A_910 = arith.addi %mul3A_908, %add3A_909 : i32
        %get3A_911 = arith.index_cast %add3A_910 : i32 to index
        %get3A_912 = arith.constant 0 : index
        %get3A_913 = tpu.vector_load %arg12[%get3A_911, %get3A_912] {strides = array<i32>} : memref<64x128xf32, #tpu.memory_space<vmem>>, vector<1x16xf32>,
        %get3A_914 = vector.shape_cast %get3A_913 : vector<1x16xf32> to vector<16xf32>
        %mul3A_915 = arith.mulf %get3A_914, %get3A_266 : vector<16xf32>
        %get3A_916 = arith.index_cast %add3A_910 : i32 to index
        %get3A_917 = arith.constant 16 : index
        %get3A_918 = tpu.vector_load %arg12[%get3A_916, %get3A_917] {strides = array<i32>} : memref<64x128xf32, #tpu.memory_space<vmem>>, vector<1x16xf32>,
        %get3A_919 = vector.shape_cast %get3A_918 : vector<1x16xf32> to vector<16xf32>
        %mul3A_920 = arith.mulf %get3A_919, %get3A_270 : vector<16xf32>
        %add3A_921 = arith.addf %mul3A_915, %mul3A_920 : vector<16xf32>
        %get3A_922 = arith.index_cast %add3A_910 : i32 to index
        %get3A_923 = arith.constant 32 : index
        %get3A_924 = tpu.vector_load %arg12[%get3A_922, %get3A_923] {strides = array<i32>} : memref<64x128xf32, #tpu.memory_space<vmem>>, vector<1x16xf32>,
        %get3A_925 = vector.shape_cast %get3A_924 : vector<1x16xf32> to vector<16xf32>
        %mul3A_926 = arith.mulf %get3A_925, %get3A_274 : vector<16xf32>
        %add3A_927 = arith.addf %add3A_921, %mul3A_926 : vector<16xf32>
        %get3A_928 = arith.index_cast %add3A_910 : i32 to index
        %get3A_929 = arith.constant 48 : index
        %get3A_930 = tpu.vector_load %arg12[%get3A_928, %get3A_929] {strides = array<i32>} : memref<64x128xf32, #tpu.memory_space<vmem>>, vector<1x16xf32>,
        %get3A_931 = vector.shape_cast %get3A_930 : vector<1x16xf32> to vector<16xf32>
        %mul3A_932 = arith.mulf %get3A_931, %get3A_278 : vector<16xf32>
        %add3A_933 = arith.addf %add3A_927, %mul3A_932 : vector<16xf32>
        %get3A_934 = arith.index_cast %add3A_910 : i32 to index
        %get3A_935 = arith.constant 64 : index
        %get3A_936 = tpu.vector_load %arg12[%get3A_934, %get3A_935] {strides = array<i32>} : memref<64x128xf32, #tpu.memory_space<vmem>>, vector<1x16xf32>,
        %get3A_937 = vector.shape_cast %get3A_936 : vector<1x16xf32> to vector<16xf32>
        %mul3A_938 = arith.mulf %get3A_937, %get3A_282 : vector<16xf32>
        %add3A_939 = arith.addf %add3A_933, %mul3A_938 : vector<16xf32>
        %get3A_940 = arith.index_cast %add3A_910 : i32 to index
        %get3A_941 = arith.constant 80 : index
        %get3A_942 = tpu.vector_load %arg12[%get3A_940, %get3A_941] {strides = array<i32>} : memref<64x128xf32, #tpu.memory_space<vmem>>, vector<1x16xf32>,
        %get3A_943 = vector.shape_cast %get3A_942 : vector<1x16xf32> to vector<16xf32>
        %mul3A_944 = arith.mulf %get3A_943, %get3A_286 : vector<16xf32>
        %add3A_945 = arith.addf %add3A_939, %mul3A_944 : vector<16xf32>
        %get3A_946 = arith.index_cast %add3A_910 : i32 to index
        %get3A_947 = arith.constant 96 : index
        %get3A_948 = tpu.vector_load %arg12[%get3A_946, %get3A_947] {strides = array<i32>} : memref<64x128xf32, #tpu.memory_space<vmem>>, vector<1x16xf32>,
        %get3A_949 = vector.shape_cast %get3A_948 : vector<1x16xf32> to vector<16xf32>
        %mul3A_950 = arith.mulf %get3A_949, %get3A_290 : vector<16xf32>
        %add3A_951 = arith.addf %add3A_945, %mul3A_950 : vector<16xf32>
        %get3A_952 = arith.index_cast %add3A_910 : i32 to index
        %get3A_953 = arith.constant 112 : index
        %get3A_954 = tpu.vector_load %arg12[%get3A_952, %get3A_953] {strides = array<i32>} : memref<64x128xf32, #tpu.memory_space<vmem>>, vector<1x16xf32>,
        %get3A_955 = vector.shape_cast %get3A_954 : vector<1x16xf32> to vector<16xf32>
        %mul3A_956 = arith.mulf %get3A_955, %get3A_294 : vector<16xf32>
        %add3A_957 = arith.addf %add3A_951, %mul3A_956 : vector<16xf32>
        %mul3A_958 = arith.constant 16 : i32
        %mul3A_959 = arith.muli %scan3A_260, %mul3A_958 : i32
        %add3A_960 = arith.constant 13 : i32
        %add3A_961 = arith.addi %mul3A_959, %add3A_960 : i32
        %get3A_962 = arith.index_cast %add3A_961 : i32 to index
        %get3A_963 = arith.constant 0 : index
        %get3A_964 = tpu.vector_load %arg12[%get3A_962, %get3A_963] {strides = array<i32>} : memref<64x128xf32, #tpu.memory_space<vmem>>, vector<1x16xf32>,
        %get3A_965 = vector.shape_cast %get3A_964 : vector<1x16xf32> to vector<16xf32>
        %mul3A_966 = arith.mulf %get3A_965, %get3A_266 : vector<16xf32>
        %get3A_967 = arith.index_cast %add3A_961 : i32 to index
        %get3A_968 = arith.constant 16 : index
        %get3A_969 = tpu.vector_load %arg12[%get3A_967, %get3A_968] {strides = array<i32>} : memref<64x128xf32, #tpu.memory_space<vmem>>, vector<1x16xf32>,
        %get3A_970 = vector.shape_cast %get3A_969 : vector<1x16xf32> to vector<16xf32>
        %mul3A_971 = arith.mulf %get3A_970, %get3A_270 : vector<16xf32>
        %add3A_972 = arith.addf %mul3A_966, %mul3A_971 : vector<16xf32>
        %get3A_973 = arith.index_cast %add3A_961 : i32 to index
        %get3A_974 = arith.constant 32 : index
        %get3A_975 = tpu.vector_load %arg12[%get3A_973, %get3A_974] {strides = array<i32>} : memref<64x128xf32, #tpu.memory_space<vmem>>, vector<1x16xf32>,
        %get3A_976 = vector.shape_cast %get3A_975 : vector<1x16xf32> to vector<16xf32>
        %mul3A_977 = arith.mulf %get3A_976, %get3A_274 : vector<16xf32>
        %add3A_978 = arith.addf %add3A_972, %mul3A_977 : vector<16xf32>
        %get3A_979 = arith.index_cast %add3A_961 : i32 to index
        %get3A_980 = arith.constant 48 : index
        %get3A_981 = tpu.vector_load %arg12[%get3A_979, %get3A_980] {strides = array<i32>} : memref<64x128xf32, #tpu.memory_space<vmem>>, vector<1x16xf32>,
        %get3A_982 = vector.shape_cast %get3A_981 : vector<1x16xf32> to vector<16xf32>
        %mul3A_983 = arith.mulf %get3A_982, %get3A_278 : vector<16xf32>
        %add3A_984 = arith.addf %add3A_978, %mul3A_983 : vector<16xf32>
        %get3A_985 = arith.index_cast %add3A_961 : i32 to index
        %get3A_986 = arith.constant 64 : index
        %get3A_987 = tpu.vector_load %arg12[%get3A_985, %get3A_986] {strides = array<i32>} : memref<64x128xf32, #tpu.memory_space<vmem>>, vector<1x16xf32>,
        %get3A_988 = vector.shape_cast %get3A_987 : vector<1x16xf32> to vector<16xf32>
        %mul3A_989 = arith.mulf %get3A_988, %get3A_282 : vector<16xf32>
        %add3A_990 = arith.addf %add3A_984, %mul3A_989 : vector<16xf32>
        %get3A_991 = arith.index_cast %add3A_961 : i32 to index
        %get3A_992 = arith.constant 80 : index
        %get3A_993 = tpu.vector_load %arg12[%get3A_991, %get3A_992] {strides = array<i32>} : memref<64x128xf32, #tpu.memory_space<vmem>>, vector<1x16xf32>,
        %get3A_994 = vector.shape_cast %get3A_993 : vector<1x16xf32> to vector<16xf32>
        %mul3A_995 = arith.mulf %get3A_994, %get3A_286 : vector<16xf32>
        %add3A_996 = arith.addf %add3A_990, %mul3A_995 : vector<16xf32>
        %get3A_997 = arith.index_cast %add3A_961 : i32 to index
        %get3A_998 = arith.constant 96 : index
        %get3A_999 = tpu.vector_load %arg12[%get3A_997, %get3A_998] {strides = array<i32>} : memref<64x128xf32, #tpu.memory_space<vmem>>, vector<1x16xf32>,
        %get3A_1000 = vector.shape_cast %get3A_999 : vector<1x16xf32> to vector<16xf32>
        %mul3A_1001 = arith.mulf %get3A_1000, %get3A_290 : vector<16xf32>
        %add3A_1002 = arith.addf %add3A_996, %mul3A_1001 : vector<16xf32>
        %get3A_1003 = arith.index_cast %add3A_961 : i32 to index
        %get3A_1004 = arith.constant 112 : index
        %get3A_1005 = tpu.vector_load %arg12[%get3A_1003, %get3A_1004] {strides = array<i32>} : memref<64x128xf32, #tpu.memory_space<vmem>>, vector<1x16xf32>,
        %get3A_1006 = vector.shape_cast %get3A_1005 : vector<1x16xf32> to vector<16xf32>
        %mul3A_1007 = arith.mulf %get3A_1006, %get3A_294 : vector<16xf32>
        %add3A_1008 = arith.addf %add3A_1002, %mul3A_1007 : vector<16xf32>
        %mul3A_1009 = arith.constant 16 : i32
        %mul3A_1010 = arith.muli %scan3A_260, %mul3A_1009 : i32
        %add3A_1011 = arith.constant 14 : i32
        %add3A_1012 = arith.addi %mul3A_1010, %add3A_1011 : i32
        %get3A_1013 = arith.index_cast %add3A_1012 : i32 to index
        %get3A_1014 = arith.constant 0 : index
        %get3A_1015 = tpu.vector_load %arg12[%get3A_1013, %get3A_1014] {strides = array<i32>} : memref<64x128xf32, #tpu.memory_space<vmem>>, vector<1x16xf32>,
        %get3A_1016 = vector.shape_cast %get3A_1015 : vector<1x16xf32> to vector<16xf32>
        %mul3A_1017 = arith.mulf %get3A_1016, %get3A_266 : vector<16xf32>
        %get3A_1018 = arith.index_cast %add3A_1012 : i32 to index
        %get3A_1019 = arith.constant 16 : index
        %get3A_1020 = tpu.vector_load %arg12[%get3A_1018, %get3A_1019] {strides = array<i32>} : memref<64x128xf32, #tpu.memory_space<vmem>>, vector<1x16xf32>,
        %get3A_1021 = vector.shape_cast %get3A_1020 : vector<1x16xf32> to vector<16xf32>
        %mul3A_1022 = arith.mulf %get3A_1021, %get3A_270 : vector<16xf32>
        %add3A_1023 = arith.addf %mul3A_1017, %mul3A_1022 : vector<16xf32>
        %get3A_1024 = arith.index_cast %add3A_1012 : i32 to index
        %get3A_1025 = arith.constant 32 : index
        %get3A_1026 = tpu.vector_load %arg12[%get3A_1024, %get3A_1025] {strides = array<i32>} : memref<64x128xf32, #tpu.memory_space<vmem>>, vector<1x16xf32>,
        %get3A_1027 = vector.shape_cast %get3A_1026 : vector<1x16xf32> to vector<16xf32>
        %mul3A_1028 = arith.mulf %get3A_1027, %get3A_274 : vector<16xf32>
        %add3A_1029 = arith.addf %add3A_1023, %mul3A_1028 : vector<16xf32>
        %get3A_1030 = arith.index_cast %add3A_1012 : i32 to index
        %get3A_1031 = arith.constant 48 : index
        %get3A_1032 = tpu.vector_load %arg12[%get3A_1030, %get3A_1031] {strides = array<i32>} : memref<64x128xf32, #tpu.memory_space<vmem>>, vector<1x16xf32>,
        %get3A_1033 = vector.shape_cast %get3A_1032 : vector<1x16xf32> to vector<16xf32>
        %mul3A_1034 = arith.mulf %get3A_1033, %get3A_278 : vector<16xf32>
        %add3A_1035 = arith.addf %add3A_1029, %mul3A_1034 : vector<16xf32>
        %get3A_1036 = arith.index_cast %add3A_1012 : i32 to index
        %get3A_1037 = arith.constant 64 : index
        %get3A_1038 = tpu.vector_load %arg12[%get3A_1036, %get3A_1037] {strides = array<i32>} : memref<64x128xf32, #tpu.memory_space<vmem>>, vector<1x16xf32>,
        %get3A_1039 = vector.shape_cast %get3A_1038 : vector<1x16xf32> to vector<16xf32>
        %mul3A_1040 = arith.mulf %get3A_1039, %get3A_282 : vector<16xf32>
        %add3A_1041 = arith.addf %add3A_1035, %mul3A_1040 : vector<16xf32>
        %get3A_1042 = arith.index_cast %add3A_1012 : i32 to index
        %get3A_1043 = arith.constant 80 : index
        %get3A_1044 = tpu.vector_load %arg12[%get3A_1042, %get3A_1043] {strides = array<i32>} : memref<64x128xf32, #tpu.memory_space<vmem>>, vector<1x16xf32>,
        %get3A_1045 = vector.shape_cast %get3A_1044 : vector<1x16xf32> to vector<16xf32>
        %mul3A_1046 = arith.mulf %get3A_1045, %get3A_286 : vector<16xf32>
        %add3A_1047 = arith.addf %add3A_1041, %mul3A_1046 : vector<16xf32>
        %get3A_1048 = arith.index_cast %add3A_1012 : i32 to index
        %get3A_1049 = arith.constant 96 : index
        %get3A_1050 = tpu.vector_load %arg12[%get3A_1048, %get3A_1049] {strides = array<i32>} : memref<64x128xf32, #tpu.memory_space<vmem>>, vector<1x16xf32>,
        %get3A_1051 = vector.shape_cast %get3A_1050 : vector<1x16xf32> to vector<16xf32>
        %mul3A_1052 = arith.mulf %get3A_1051, %get3A_290 : vector<16xf32>
        %add3A_1053 = arith.addf %add3A_1047, %mul3A_1052 : vector<16xf32>
        %get3A_1054 = arith.index_cast %add3A_1012 : i32 to index
        %get3A_1055 = arith.constant 112 : index
        %get3A_1056 = tpu.vector_load %arg12[%get3A_1054, %get3A_1055] {strides = array<i32>} : memref<64x128xf32, #tpu.memory_space<vmem>>, vector<1x16xf32>,
        %get3A_1057 = vector.shape_cast %get3A_1056 : vector<1x16xf32> to vector<16xf32>
        %mul3A_1058 = arith.mulf %get3A_1057, %get3A_294 : vector<16xf32>
        %add3A_1059 = arith.addf %add3A_1053, %mul3A_1058 : vector<16xf32>
        %mul3A_1060 = arith.constant 16 : i32
        %mul3A_1061 = arith.muli %scan3A_260, %mul3A_1060 : i32
        %add3A_1062 = arith.constant 15 : i32
        %add3A_1063 = arith.addi %mul3A_1061, %add3A_1062 : i32
        %get3A_1064 = arith.index_cast %add3A_1063 : i32 to index
        %get3A_1065 = arith.constant 0 : index
        %get3A_1066 = tpu.vector_load %arg12[%get3A_1064, %get3A_1065] {strides = array<i32>} : memref<64x128xf32, #tpu.memory_space<vmem>>, vector<1x16xf32>,
        %get3A_1067 = vector.shape_cast %get3A_1066 : vector<1x16xf32> to vector<16xf32>
        %mul3A_1068 = arith.mulf %get3A_1067, %get3A_266 : vector<16xf32>
        %get3A_1069 = arith.index_cast %add3A_1063 : i32 to index
        %get3A_1070 = arith.constant 16 : index
        %get3A_1071 = tpu.vector_load %arg12[%get3A_1069, %get3A_1070] {strides = array<i32>} : memref<64x128xf32, #tpu.memory_space<vmem>>, vector<1x16xf32>,
        %get3A_1072 = vector.shape_cast %get3A_1071 : vector<1x16xf32> to vector<16xf32>
        %mul3A_1073 = arith.mulf %get3A_1072, %get3A_270 : vector<16xf32>
        %add3A_1074 = arith.addf %mul3A_1068, %mul3A_1073 : vector<16xf32>
        %get3A_1075 = arith.index_cast %add3A_1063 : i32 to index
        %get3A_1076 = arith.constant 32 : index
        %get3A_1077 = tpu.vector_load %arg12[%get3A_1075, %get3A_1076] {strides = array<i32>} : memref<64x128xf32, #tpu.memory_space<vmem>>, vector<1x16xf32>,
        %get3A_1078 = vector.shape_cast %get3A_1077 : vector<1x16xf32> to vector<16xf32>
        %mul3A_1079 = arith.mulf %get3A_1078, %get3A_274 : vector<16xf32>
        %add3A_1080 = arith.addf %add3A_1074, %mul3A_1079 : vector<16xf32>
        %get3A_1081 = arith.index_cast %add3A_1063 : i32 to index
        %get3A_1082 = arith.constant 48 : index
        %get3A_1083 = tpu.vector_load %arg12[%get3A_1081, %get3A_1082] {strides = array<i32>} : memref<64x128xf32, #tpu.memory_space<vmem>>, vector<1x16xf32>,
        %get3A_1084 = vector.shape_cast %get3A_1083 : vector<1x16xf32> to vector<16xf32>
        %mul3A_1085 = arith.mulf %get3A_1084, %get3A_278 : vector<16xf32>
        %add3A_1086 = arith.addf %add3A_1080, %mul3A_1085 : vector<16xf32>
        %get3A_1087 = arith.index_cast %add3A_1063 : i32 to index
        %get3A_1088 = arith.constant 64 : index
        %get3A_1089 = tpu.vector_load %arg12[%get3A_1087, %get3A_1088] {strides = array<i32>} : memref<64x128xf32, #tpu.memory_space<vmem>>, vector<1x16xf32>,
        %get3A_1090 = vector.shape_cast %get3A_1089 : vector<1x16xf32> to vector<16xf32>
        %mul3A_1091 = arith.mulf %get3A_1090, %get3A_282 : vector<16xf32>
        %add3A_1092 = arith.addf %add3A_1086, %mul3A_1091 : vector<16xf32>
        %get3A_1093 = arith.index_cast %add3A_1063 : i32 to index
        %get3A_1094 = arith.constant 80 : index
        %get3A_1095 = tpu.vector_load %arg12[%get3A_1093, %get3A_1094] {strides = array<i32>} : memref<64x128xf32, #tpu.memory_space<vmem>>, vector<1x16xf32>,
        %get3A_1096 = vector.shape_cast %get3A_1095 : vector<1x16xf32> to vector<16xf32>
        %mul3A_1097 = arith.mulf %get3A_1096, %get3A_286 : vector<16xf32>
        %add3A_1098 = arith.addf %add3A_1092, %mul3A_1097 : vector<16xf32>
        %get3A_1099 = arith.index_cast %add3A_1063 : i32 to index
        %get3A_1100 = arith.constant 96 : index
        %get3A_1101 = tpu.vector_load %arg12[%get3A_1099, %get3A_1100] {strides = array<i32>} : memref<64x128xf32, #tpu.memory_space<vmem>>, vector<1x16xf32>,
        %get3A_1102 = vector.shape_cast %get3A_1101 : vector<1x16xf32> to vector<16xf32>
        %mul3A_1103 = arith.mulf %get3A_1102, %get3A_290 : vector<16xf32>
        %add3A_1104 = arith.addf %add3A_1098, %mul3A_1103 : vector<16xf32>
        %get3A_1105 = arith.index_cast %add3A_1063 : i32 to index
        %get3A_1106 = arith.constant 112 : index
        %get3A_1107 = tpu.vector_load %arg12[%get3A_1105, %get3A_1106] {strides = array<i32>} : memref<64x128xf32, #tpu.memory_space<vmem>>, vector<1x16xf32>,
        %get3A_1108 = vector.shape_cast %get3A_1107 : vector<1x16xf32> to vector<16xf32>
        %mul3A_1109 = arith.mulf %get3A_1108, %get3A_294 : vector<16xf32>
        %add3A_1110 = arith.addf %add3A_1104, %mul3A_1109 : vector<16xf32>
        %select_n3A = arith.select %eq3A_90, %add3A_345, %add3A_396 : vector<16xi1>, vector<16xf32>
        %select_n3A_1111 = arith.select %eq3A_90, %add3A_396, %add3A_345 : vector<16xi1>, vector<16xf32>
        %gather3A = vector.shape_cast %broadcast_in_dim3A : vector<16x1xi32> to vector<16xi32>
        %gather3A_1112 = tpu.dynamic_gather %select_n3A_1111[%gather3A] in [0] : vector<16xf32>, vector<16xi32> -> vector<16xf32>
        %add3A_1113 = arith.addf %select_n3A, %gather3A_1112 : vector<16xf32>
        %select_n3A_1114 = arith.select %eq3A_90, %add3A_447, %add3A_498 : vector<16xi1>, vector<16xf32>
        %select_n3A_1115 = arith.select %eq3A_90, %add3A_498, %add3A_447 : vector<16xi1>, vector<16xf32>
        %gather3A_1116 = vector.shape_cast %broadcast_in_dim3A : vector<16x1xi32> to vector<16xi32>
        %gather3A_1117 = tpu.dynamic_gather %select_n3A_1115[%gather3A_1116] in [0] : vector<16xf32>, vector<16xi32> -> vector<16xf32>
        %add3A_1118 = arith.addf %select_n3A_1114, %gather3A_1117 : vector<16xf32>
        %select_n3A_1119 = arith.select %eq3A_90, %add3A_549, %add3A_600 : vector<16xi1>, vector<16xf32>
        %select_n3A_1120 = arith.select %eq3A_90, %add3A_600, %add3A_549 : vector<16xi1>, vector<16xf32>
        %gather3A_1121 = vector.shape_cast %broadcast_in_dim3A : vector<16x1xi32> to vector<16xi32>
        %gather3A_1122 = tpu.dynamic_gather %select_n3A_1120[%gather3A_1121] in [0] : vector<16xf32>, vector<16xi32> -> vector<16xf32>
        %add3A_1123 = arith.addf %select_n3A_1119, %gather3A_1122 : vector<16xf32>
        %select_n3A_1124 = arith.select %eq3A_90, %add3A_651, %add3A_702 : vector<16xi1>, vector<16xf32>
        %select_n3A_1125 = arith.select %eq3A_90, %add3A_702, %add3A_651 : vector<16xi1>, vector<16xf32>
        %gather3A_1126 = vector.shape_cast %broadcast_in_dim3A : vector<16x1xi32> to vector<16xi32>
        %gather3A_1127 = tpu.dynamic_gather %select_n3A_1125[%gather3A_1126] in [0] : vector<16xf32>, vector<16xi32> -> vector<16xf32>
        %add3A_1128 = arith.addf %select_n3A_1124, %gather3A_1127 : vector<16xf32>
        %select_n3A_1129 = arith.select %eq3A_90, %add3A_753, %add3A_804 : vector<16xi1>, vector<16xf32>
        %select_n3A_1130 = arith.select %eq3A_90, %add3A_804, %add3A_753 : vector<16xi1>, vector<16xf32>
        %gather3A_1131 = vector.shape_cast %broadcast_in_dim3A : vector<16x1xi32> to vector<16xi32>
        %gather3A_1132 = tpu.dynamic_gather %select_n3A_1130[%gather3A_1131] in [0] : vector<16xf32>, vector<16xi32> -> vector<16xf32>
        %add3A_1133 = arith.addf %select_n3A_1129, %gather3A_1132 : vector<16xf32>
        %select_n3A_1134 = arith.select %eq3A_90, %add3A_855, %add3A_906 : vector<16xi1>, vector<16xf32>
        %select_n3A_1135 = arith.select %eq3A_90, %add3A_906, %add3A_855 : vector<16xi1>, vector<16xf32>
        %gather3A_1136 = vector.shape_cast %broadcast_in_dim3A : vector<16x1xi32> to vector<16xi32>
        %gather3A_1137 = tpu.dynamic_gather %select_n3A_1135[%gather3A_1136] in [0] : vector<16xf32>, vector<16xi32> -> vector<16xf32>
        %add3A_1138 = arith.addf %select_n3A_1134, %gather3A_1137 : vector<16xf32>
        %select_n3A_1139 = arith.select %eq3A_90, %add3A_957, %add3A_1008 : vector<16xi1>, vector<16xf32>
        %select_n3A_1140 = arith.select %eq3A_90, %add3A_1008, %add3A_957 : vector<16xi1>, vector<16xf32>
        %gather3A_1141 = vector.shape_cast %broadcast_in_dim3A : vector<16x1xi32> to vector<16xi32>
        %gather3A_1142 = tpu.dynamic_gather %select_n3A_1140[%gather3A_1141] in [0] : vector<16xf32>, vector<16xi32> -> vector<16xf32>
        %add3A_1143 = arith.addf %select_n3A_1139, %gather3A_1142 : vector<16xf32>
        %select_n3A_1144 = arith.select %eq3A_90, %add3A_1059, %add3A_1110 : vector<16xi1>, vector<16xf32>
        %select_n3A_1145 = arith.select %eq3A_90, %add3A_1110, %add3A_1059 : vector<16xi1>, vector<16xf32>
        %gather3A_1146 = vector.shape_cast %broadcast_in_dim3A : vector<16x1xi32> to vector<16xi32>
        %gather3A_1147 = tpu.dynamic_gather %select_n3A_1145[%gather3A_1146] in [0] : vector<16xf32>, vector<16xi32> -> vector<16xf32>
        %add3A_1148 = arith.addf %select_n3A_1144, %gather3A_1147 : vector<16xf32>
        %select_n3A_1149 = arith.select %eq3A_96, %add3A_1113, %add3A_1118 : vector<16xi1>, vector<16xf32>
        %select_n3A_1150 = arith.select %eq3A_96, %add3A_1118, %add3A_1113 : vector<16xi1>, vector<16xf32>
        %gather3A_1151 = vector.shape_cast %broadcast_in_dim3A_114 : vector<16x1xi32> to vector<16xi32>
        %gather3A_1152 = tpu.dynamic_gather %select_n3A_1150[%gather3A_1151] in [0] : vector<16xf32>, vector<16xi32> -> vector<16xf32>
        %add3A_1153 = arith.addf %select_n3A_1149, %gather3A_1152 : vector<16xf32>
        %select_n3A_1154 = arith.select %eq3A_96, %add3A_1123, %add3A_1128 : vector<16xi1>, vector<16xf32>
        %select_n3A_1155 = arith.select %eq3A_96, %add3A_1128, %add3A_1123 : vector<16xi1>, vector<16xf32>
        %gather3A_1156 = vector.shape_cast %broadcast_in_dim3A_114 : vector<16x1xi32> to vector<16xi32>
        %gather3A_1157 = tpu.dynamic_gather %select_n3A_1155[%gather3A_1156] in [0] : vector<16xf32>, vector<16xi32> -> vector<16xf32>
        %add3A_1158 = arith.addf %select_n3A_1154, %gather3A_1157 : vector<16xf32>
        %select_n3A_1159 = arith.select %eq3A_96, %add3A_1133, %add3A_1138 : vector<16xi1>, vector<16xf32>
        %select_n3A_1160 = arith.select %eq3A_96, %add3A_1138, %add3A_1133 : vector<16xi1>, vector<16xf32>
        %gather3A_1161 = vector.shape_cast %broadcast_in_dim3A_114 : vector<16x1xi32> to vector<16xi32>
        %gather3A_1162 = tpu.dynamic_gather %select_n3A_1160[%gather3A_1161] in [0] : vector<16xf32>, vector<16xi32> -> vector<16xf32>
        %add3A_1163 = arith.addf %select_n3A_1159, %gather3A_1162 : vector<16xf32>
        %select_n3A_1164 = arith.select %eq3A_96, %add3A_1143, %add3A_1148 : vector<16xi1>, vector<16xf32>
        %select_n3A_1165 = arith.select %eq3A_96, %add3A_1148, %add3A_1143 : vector<16xi1>, vector<16xf32>
        %gather3A_1166 = vector.shape_cast %broadcast_in_dim3A_114 : vector<16x1xi32> to vector<16xi32>
        %gather3A_1167 = tpu.dynamic_gather %select_n3A_1165[%gather3A_1166] in [0] : vector<16xf32>, vector<16xi32> -> vector<16xf32>
        %add3A_1168 = arith.addf %select_n3A_1164, %gather3A_1167 : vector<16xf32>
        %select_n3A_1169 = arith.select %eq3A_102, %add3A_1153, %add3A_1158 : vector<16xi1>, vector<16xf32>
        %select_n3A_1170 = arith.select %eq3A_102, %add3A_1158, %add3A_1153 : vector<16xi1>, vector<16xf32>
        %gather3A_1171 = vector.shape_cast %broadcast_in_dim3A_118 : vector<16x1xi32> to vector<16xi32>
        %gather3A_1172 = tpu.dynamic_gather %select_n3A_1170[%gather3A_1171] in [0] : vector<16xf32>, vector<16xi32> -> vector<16xf32>
        %add3A_1173 = arith.addf %select_n3A_1169, %gather3A_1172 : vector<16xf32>
        %select_n3A_1174 = arith.select %eq3A_102, %add3A_1163, %add3A_1168 : vector<16xi1>, vector<16xf32>
        %select_n3A_1175 = arith.select %eq3A_102, %add3A_1168, %add3A_1163 : vector<16xi1>, vector<16xf32>
        %gather3A_1176 = vector.shape_cast %broadcast_in_dim3A_118 : vector<16x1xi32> to vector<16xi32>
        %gather3A_1177 = tpu.dynamic_gather %select_n3A_1175[%gather3A_1176] in [0] : vector<16xf32>, vector<16xi32> -> vector<16xf32>
        %add3A_1178 = arith.addf %select_n3A_1174, %gather3A_1177 : vector<16xf32>
        %select_n3A_1179 = arith.select %eq3A_108, %add3A_1173, %add3A_1178 : vector<16xi1>, vector<16xf32>
        %select_n3A_1180 = arith.select %eq3A_108, %add3A_1178, %add3A_1173 : vector<16xi1>, vector<16xf32>
        %gather3A_1181 = vector.shape_cast %broadcast_in_dim3A_122 : vector<16x1xi32> to vector<16xi32>
        %gather3A_1182 = tpu.dynamic_gather %select_n3A_1180[%gather3A_1181] in [0] : vector<16xf32>, vector<16xi32> -> vector<16xf32>
        %add3A_1183 = arith.addf %select_n3A_1179, %gather3A_1182 : vector<16xf32>
        %mul3A_1184 = arith.constant 16 : i32
        %mul3A_1185 = arith.muli %scan3A_260, %mul3A_1184 : i32
        %add3A_1186 = arith.constant 0 : i32
        %add3A_1187 = arith.addi %mul3A_1185, %add3A_1186 : i32
        %get3A_1188 = arith.index_cast %add3A_1187 : i32 to index
        %get3A_1189 = arith.constant 0 : index
        %get3A_1190 = tpu.vector_load %arg14[%get3A_1188, %get3A_1189] {strides = array<i32>} : memref<64x128xf32, #tpu.memory_space<vmem>>, vector<1x16xf32>,
        %get3A_1191 = vector.shape_cast %get3A_1190 : vector<1x16xf32> to vector<16xf32>
        %mul3A_1192 = arith.mulf %get3A_1191, %get3A_266 : vector<16xf32>
        %get3A_1193 = arith.index_cast %add3A_1187 : i32 to index
        %get3A_1194 = arith.constant 16 : index
        %get3A_1195 = tpu.vector_load %arg14[%get3A_1193, %get3A_1194] {strides = array<i32>} : memref<64x128xf32, #tpu.memory_space<vmem>>, vector<1x16xf32>,
        %get3A_1196 = vector.shape_cast %get3A_1195 : vector<1x16xf32> to vector<16xf32>
        %mul3A_1197 = arith.mulf %get3A_1196, %get3A_270 : vector<16xf32>
        %add3A_1198 = arith.addf %mul3A_1192, %mul3A_1197 : vector<16xf32>
        %get3A_1199 = arith.index_cast %add3A_1187 : i32 to index
        %get3A_1200 = arith.constant 32 : index
        %get3A_1201 = tpu.vector_load %arg14[%get3A_1199, %get3A_1200] {strides = array<i32>} : memref<64x128xf32, #tpu.memory_space<vmem>>, vector<1x16xf32>,
        %get3A_1202 = vector.shape_cast %get3A_1201 : vector<1x16xf32> to vector<16xf32>
        %mul3A_1203 = arith.mulf %get3A_1202, %get3A_274 : vector<16xf32>
        %add3A_1204 = arith.addf %add3A_1198, %mul3A_1203 : vector<16xf32>
        %get3A_1205 = arith.index_cast %add3A_1187 : i32 to index
        %get3A_1206 = arith.constant 48 : index
        %get3A_1207 = tpu.vector_load %arg14[%get3A_1205, %get3A_1206] {strides = array<i32>} : memref<64x128xf32, #tpu.memory_space<vmem>>, vector<1x16xf32>,
        %get3A_1208 = vector.shape_cast %get3A_1207 : vector<1x16xf32> to vector<16xf32>
        %mul3A_1209 = arith.mulf %get3A_1208, %get3A_278 : vector<16xf32>
        %add3A_1210 = arith.addf %add3A_1204, %mul3A_1209 : vector<16xf32>
        %get3A_1211 = arith.index_cast %add3A_1187 : i32 to index
        %get3A_1212 = arith.constant 64 : index
        %get3A_1213 = tpu.vector_load %arg14[%get3A_1211, %get3A_1212] {strides = array<i32>} : memref<64x128xf32, #tpu.memory_space<vmem>>, vector<1x16xf32>,
        %get3A_1214 = vector.shape_cast %get3A_1213 : vector<1x16xf32> to vector<16xf32>
        %mul3A_1215 = arith.mulf %get3A_1214, %get3A_282 : vector<16xf32>
        %add3A_1216 = arith.addf %add3A_1210, %mul3A_1215 : vector<16xf32>
        %get3A_1217 = arith.index_cast %add3A_1187 : i32 to index
        %get3A_1218 = arith.constant 80 : index
        %get3A_1219 = tpu.vector_load %arg14[%get3A_1217, %get3A_1218] {strides = array<i32>} : memref<64x128xf32, #tpu.memory_space<vmem>>, vector<1x16xf32>,
        %get3A_1220 = vector.shape_cast %get3A_1219 : vector<1x16xf32> to vector<16xf32>
        %mul3A_1221 = arith.mulf %get3A_1220, %get3A_286 : vector<16xf32>
        %add3A_1222 = arith.addf %add3A_1216, %mul3A_1221 : vector<16xf32>
        %get3A_1223 = arith.index_cast %add3A_1187 : i32 to index
        %get3A_1224 = arith.constant 96 : index
        %get3A_1225 = tpu.vector_load %arg14[%get3A_1223, %get3A_1224] {strides = array<i32>} : memref<64x128xf32, #tpu.memory_space<vmem>>, vector<1x16xf32>,
        %get3A_1226 = vector.shape_cast %get3A_1225 : vector<1x16xf32> to vector<16xf32>
        %mul3A_1227 = arith.mulf %get3A_1226, %get3A_290 : vector<16xf32>
        %add3A_1228 = arith.addf %add3A_1222, %mul3A_1227 : vector<16xf32>
        %get3A_1229 = arith.index_cast %add3A_1187 : i32 to index
        %get3A_1230 = arith.constant 112 : index
        %get3A_1231 = tpu.vector_load %arg14[%get3A_1229, %get3A_1230] {strides = array<i32>} : memref<64x128xf32, #tpu.memory_space<vmem>>, vector<1x16xf32>,
        %get3A_1232 = vector.shape_cast %get3A_1231 : vector<1x16xf32> to vector<16xf32>
        %mul3A_1233 = arith.mulf %get3A_1232, %get3A_294 : vector<16xf32>
        %add3A_1234 = arith.addf %add3A_1228, %mul3A_1233 : vector<16xf32>
        %mul3A_1235 = arith.constant 16 : i32
        %mul3A_1236 = arith.muli %scan3A_260, %mul3A_1235 : i32
        %add3A_1237 = arith.constant 1 : i32
        %add3A_1238 = arith.addi %mul3A_1236, %add3A_1237 : i32
        %get3A_1239 = arith.index_cast %add3A_1238 : i32 to index
        %get3A_1240 = arith.constant 0 : index
        %get3A_1241 = tpu.vector_load %arg14[%get3A_1239, %get3A_1240] {strides = array<i32>} : memref<64x128xf32, #tpu.memory_space<vmem>>, vector<1x16xf32>,
        %get3A_1242 = vector.shape_cast %get3A_1241 : vector<1x16xf32> to vector<16xf32>
        %mul3A_1243 = arith.mulf %get3A_1242, %get3A_266 : vector<16xf32>
        %get3A_1244 = arith.index_cast %add3A_1238 : i32 to index
        %get3A_1245 = arith.constant 16 : index
        %get3A_1246 = tpu.vector_load %arg14[%get3A_1244, %get3A_1245] {strides = array<i32>} : memref<64x128xf32, #tpu.memory_space<vmem>>, vector<1x16xf32>,
        %get3A_1247 = vector.shape_cast %get3A_1246 : vector<1x16xf32> to vector<16xf32>
        %mul3A_1248 = arith.mulf %get3A_1247, %get3A_270 : vector<16xf32>
        %add3A_1249 = arith.addf %mul3A_1243, %mul3A_1248 : vector<16xf32>
        %get3A_1250 = arith.index_cast %add3A_1238 : i32 to index
        %get3A_1251 = arith.constant 32 : index
        %get3A_1252 = tpu.vector_load %arg14[%get3A_1250, %get3A_1251] {strides = array<i32>} : memref<64x128xf32, #tpu.memory_space<vmem>>, vector<1x16xf32>,
        %get3A_1253 = vector.shape_cast %get3A_1252 : vector<1x16xf32> to vector<16xf32>
        %mul3A_1254 = arith.mulf %get3A_1253, %get3A_274 : vector<16xf32>
        %add3A_1255 = arith.addf %add3A_1249, %mul3A_1254 : vector<16xf32>
        %get3A_1256 = arith.index_cast %add3A_1238 : i32 to index
        %get3A_1257 = arith.constant 48 : index
        %get3A_1258 = tpu.vector_load %arg14[%get3A_1256, %get3A_1257] {strides = array<i32>} : memref<64x128xf32, #tpu.memory_space<vmem>>, vector<1x16xf32>,
        %get3A_1259 = vector.shape_cast %get3A_1258 : vector<1x16xf32> to vector<16xf32>
        %mul3A_1260 = arith.mulf %get3A_1259, %get3A_278 : vector<16xf32>
        %add3A_1261 = arith.addf %add3A_1255, %mul3A_1260 : vector<16xf32>
        %get3A_1262 = arith.index_cast %add3A_1238 : i32 to index
        %get3A_1263 = arith.constant 64 : index
        %get3A_1264 = tpu.vector_load %arg14[%get3A_1262, %get3A_1263] {strides = array<i32>} : memref<64x128xf32, #tpu.memory_space<vmem>>, vector<1x16xf32>,
        %get3A_1265 = vector.shape_cast %get3A_1264 : vector<1x16xf32> to vector<16xf32>
        %mul3A_1266 = arith.mulf %get3A_1265, %get3A_282 : vector<16xf32>
        %add3A_1267 = arith.addf %add3A_1261, %mul3A_1266 : vector<16xf32>
        %get3A_1268 = arith.index_cast %add3A_1238 : i32 to index
        %get3A_1269 = arith.constant 80 : index
        %get3A_1270 = tpu.vector_load %arg14[%get3A_1268, %get3A_1269] {strides = array<i32>} : memref<64x128xf32, #tpu.memory_space<vmem>>, vector<1x16xf32>,
        %get3A_1271 = vector.shape_cast %get3A_1270 : vector<1x16xf32> to vector<16xf32>
        %mul3A_1272 = arith.mulf %get3A_1271, %get3A_286 : vector<16xf32>
        %add3A_1273 = arith.addf %add3A_1267, %mul3A_1272 : vector<16xf32>
        %get3A_1274 = arith.index_cast %add3A_1238 : i32 to index
        %get3A_1275 = arith.constant 96 : index
        %get3A_1276 = tpu.vector_load %arg14[%get3A_1274, %get3A_1275] {strides = array<i32>} : memref<64x128xf32, #tpu.memory_space<vmem>>, vector<1x16xf32>,
        %get3A_1277 = vector.shape_cast %get3A_1276 : vector<1x16xf32> to vector<16xf32>
        %mul3A_1278 = arith.mulf %get3A_1277, %get3A_290 : vector<16xf32>
        %add3A_1279 = arith.addf %add3A_1273, %mul3A_1278 : vector<16xf32>
        %get3A_1280 = arith.index_cast %add3A_1238 : i32 to index
        %get3A_1281 = arith.constant 112 : index
        %get3A_1282 = tpu.vector_load %arg14[%get3A_1280, %get3A_1281] {strides = array<i32>} : memref<64x128xf32, #tpu.memory_space<vmem>>, vector<1x16xf32>,
        %get3A_1283 = vector.shape_cast %get3A_1282 : vector<1x16xf32> to vector<16xf32>
        %mul3A_1284 = arith.mulf %get3A_1283, %get3A_294 : vector<16xf32>
        %add3A_1285 = arith.addf %add3A_1279, %mul3A_1284 : vector<16xf32>
        %mul3A_1286 = arith.constant 16 : i32
        %mul3A_1287 = arith.muli %scan3A_260, %mul3A_1286 : i32
        %add3A_1288 = arith.constant 2 : i32
        %add3A_1289 = arith.addi %mul3A_1287, %add3A_1288 : i32
        %get3A_1290 = arith.index_cast %add3A_1289 : i32 to index
        %get3A_1291 = arith.constant 0 : index
        %get3A_1292 = tpu.vector_load %arg14[%get3A_1290, %get3A_1291] {strides = array<i32>} : memref<64x128xf32, #tpu.memory_space<vmem>>, vector<1x16xf32>,
        %get3A_1293 = vector.shape_cast %get3A_1292 : vector<1x16xf32> to vector<16xf32>
        %mul3A_1294 = arith.mulf %get3A_1293, %get3A_266 : vector<16xf32>
        %get3A_1295 = arith.index_cast %add3A_1289 : i32 to index
        %get3A_1296 = arith.constant 16 : index
        %get3A_1297 = tpu.vector_load %arg14[%get3A_1295, %get3A_1296] {strides = array<i32>} : memref<64x128xf32, #tpu.memory_space<vmem>>, vector<1x16xf32>,
        %get3A_1298 = vector.shape_cast %get3A_1297 : vector<1x16xf32> to vector<16xf32>
        %mul3A_1299 = arith.mulf %get3A_1298, %get3A_270 : vector<16xf32>
        %add3A_1300 = arith.addf %mul3A_1294, %mul3A_1299 : vector<16xf32>
        %get3A_1301 = arith.index_cast %add3A_1289 : i32 to index
        %get3A_1302 = arith.constant 32 : index
        %get3A_1303 = tpu.vector_load %arg14[%get3A_1301, %get3A_1302] {strides = array<i32>} : memref<64x128xf32, #tpu.memory_space<vmem>>, vector<1x16xf32>,
        %get3A_1304 = vector.shape_cast %get3A_1303 : vector<1x16xf32> to vector<16xf32>
        %mul3A_1305 = arith.mulf %get3A_1304, %get3A_274 : vector<16xf32>
        %add3A_1306 = arith.addf %add3A_1300, %mul3A_1305 : vector<16xf32>
        %get3A_1307 = arith.index_cast %add3A_1289 : i32 to index
        %get3A_1308 = arith.constant 48 : index
        %get3A_1309 = tpu.vector_load %arg14[%get3A_1307, %get3A_1308] {strides = array<i32>} : memref<64x128xf32, #tpu.memory_space<vmem>>, vector<1x16xf32>,
        %get3A_1310 = vector.shape_cast %get3A_1309 : vector<1x16xf32> to vector<16xf32>
        %mul3A_1311 = arith.mulf %get3A_1310, %get3A_278 : vector<16xf32>
        %add3A_1312 = arith.addf %add3A_1306, %mul3A_1311 : vector<16xf32>
        %get3A_1313 = arith.index_cast %add3A_1289 : i32 to index
        %get3A_1314 = arith.constant 64 : index
        %get3A_1315 = tpu.vector_load %arg14[%get3A_1313, %get3A_1314] {strides = array<i32>} : memref<64x128xf32, #tpu.memory_space<vmem>>, vector<1x16xf32>,
        %get3A_1316 = vector.shape_cast %get3A_1315 : vector<1x16xf32> to vector<16xf32>
        %mul3A_1317 = arith.mulf %get3A_1316, %get3A_282 : vector<16xf32>
        %add3A_1318 = arith.addf %add3A_1312, %mul3A_1317 : vector<16xf32>
        %get3A_1319 = arith.index_cast %add3A_1289 : i32 to index
        %get3A_1320 = arith.constant 80 : index
        %get3A_1321 = tpu.vector_load %arg14[%get3A_1319, %get3A_1320] {strides = array<i32>} : memref<64x128xf32, #tpu.memory_space<vmem>>, vector<1x16xf32>,
        %get3A_1322 = vector.shape_cast %get3A_1321 : vector<1x16xf32> to vector<16xf32>
        %mul3A_1323 = arith.mulf %get3A_1322, %get3A_286 : vector<16xf32>
        %add3A_1324 = arith.addf %add3A_1318, %mul3A_1323 : vector<16xf32>
        %get3A_1325 = arith.index_cast %add3A_1289 : i32 to index
        %get3A_1326 = arith.constant 96 : index
        %get3A_1327 = tpu.vector_load %arg14[%get3A_1325, %get3A_1326] {strides = array<i32>} : memref<64x128xf32, #tpu.memory_space<vmem>>, vector<1x16xf32>,
        %get3A_1328 = vector.shape_cast %get3A_1327 : vector<1x16xf32> to vector<16xf32>
        %mul3A_1329 = arith.mulf %get3A_1328, %get3A_290 : vector<16xf32>
        %add3A_1330 = arith.addf %add3A_1324, %mul3A_1329 : vector<16xf32>
        %get3A_1331 = arith.index_cast %add3A_1289 : i32 to index
        %get3A_1332 = arith.constant 112 : index
        %get3A_1333 = tpu.vector_load %arg14[%get3A_1331, %get3A_1332] {strides = array<i32>} : memref<64x128xf32, #tpu.memory_space<vmem>>, vector<1x16xf32>,
        %get3A_1334 = vector.shape_cast %get3A_1333 : vector<1x16xf32> to vector<16xf32>
        %mul3A_1335 = arith.mulf %get3A_1334, %get3A_294 : vector<16xf32>
        %add3A_1336 = arith.addf %add3A_1330, %mul3A_1335 : vector<16xf32>
        %mul3A_1337 = arith.constant 16 : i32
        %mul3A_1338 = arith.muli %scan3A_260, %mul3A_1337 : i32
        %add3A_1339 = arith.constant 3 : i32
        %add3A_1340 = arith.addi %mul3A_1338, %add3A_1339 : i32
        %get3A_1341 = arith.index_cast %add3A_1340 : i32 to index
        %get3A_1342 = arith.constant 0 : index
        %get3A_1343 = tpu.vector_load %arg14[%get3A_1341, %get3A_1342] {strides = array<i32>} : memref<64x128xf32, #tpu.memory_space<vmem>>, vector<1x16xf32>,
        %get3A_1344 = vector.shape_cast %get3A_1343 : vector<1x16xf32> to vector<16xf32>
        %mul3A_1345 = arith.mulf %get3A_1344, %get3A_266 : vector<16xf32>
        %get3A_1346 = arith.index_cast %add3A_1340 : i32 to index
        %get3A_1347 = arith.constant 16 : index
        %get3A_1348 = tpu.vector_load %arg14[%get3A_1346, %get3A_1347] {strides = array<i32>} : memref<64x128xf32, #tpu.memory_space<vmem>>, vector<1x16xf32>,
        %get3A_1349 = vector.shape_cast %get3A_1348 : vector<1x16xf32> to vector<16xf32>
        %mul3A_1350 = arith.mulf %get3A_1349, %get3A_270 : vector<16xf32>
        %add3A_1351 = arith.addf %mul3A_1345, %mul3A_1350 : vector<16xf32>
        %get3A_1352 = arith.index_cast %add3A_1340 : i32 to index
        %get3A_1353 = arith.constant 32 : index
        %get3A_1354 = tpu.vector_load %arg14[%get3A_1352, %get3A_1353] {strides = array<i32>} : memref<64x128xf32, #tpu.memory_space<vmem>>, vector<1x16xf32>,
        %get3A_1355 = vector.shape_cast %get3A_1354 : vector<1x16xf32> to vector<16xf32>
        %mul3A_1356 = arith.mulf %get3A_1355, %get3A_274 : vector<16xf32>
        %add3A_1357 = arith.addf %add3A_1351, %mul3A_1356 : vector<16xf32>
        %get3A_1358 = arith.index_cast %add3A_1340 : i32 to index
        %get3A_1359 = arith.constant 48 : index
        %get3A_1360 = tpu.vector_load %arg14[%get3A_1358, %get3A_1359] {strides = array<i32>} : memref<64x128xf32, #tpu.memory_space<vmem>>, vector<1x16xf32>,
        %get3A_1361 = vector.shape_cast %get3A_1360 : vector<1x16xf32> to vector<16xf32>
        %mul3A_1362 = arith.mulf %get3A_1361, %get3A_278 : vector<16xf32>
        %add3A_1363 = arith.addf %add3A_1357, %mul3A_1362 : vector<16xf32>
        %get3A_1364 = arith.index_cast %add3A_1340 : i32 to index
        %get3A_1365 = arith.constant 64 : index
        %get3A_1366 = tpu.vector_load %arg14[%get3A_1364, %get3A_1365] {strides = array<i32>} : memref<64x128xf32, #tpu.memory_space<vmem>>, vector<1x16xf32>,
        %get3A_1367 = vector.shape_cast %get3A_1366 : vector<1x16xf32> to vector<16xf32>
        %mul3A_1368 = arith.mulf %get3A_1367, %get3A_282 : vector<16xf32>
        %add3A_1369 = arith.addf %add3A_1363, %mul3A_1368 : vector<16xf32>
        %get3A_1370 = arith.index_cast %add3A_1340 : i32 to index
        %get3A_1371 = arith.constant 80 : index
        %get3A_1372 = tpu.vector_load %arg14[%get3A_1370, %get3A_1371] {strides = array<i32>} : memref<64x128xf32, #tpu.memory_space<vmem>>, vector<1x16xf32>,
        %get3A_1373 = vector.shape_cast %get3A_1372 : vector<1x16xf32> to vector<16xf32>
        %mul3A_1374 = arith.mulf %get3A_1373, %get3A_286 : vector<16xf32>
        %add3A_1375 = arith.addf %add3A_1369, %mul3A_1374 : vector<16xf32>
        %get3A_1376 = arith.index_cast %add3A_1340 : i32 to index
        %get3A_1377 = arith.constant 96 : index
        %get3A_1378 = tpu.vector_load %arg14[%get3A_1376, %get3A_1377] {strides = array<i32>} : memref<64x128xf32, #tpu.memory_space<vmem>>, vector<1x16xf32>,
        %get3A_1379 = vector.shape_cast %get3A_1378 : vector<1x16xf32> to vector<16xf32>
        %mul3A_1380 = arith.mulf %get3A_1379, %get3A_290 : vector<16xf32>
        %add3A_1381 = arith.addf %add3A_1375, %mul3A_1380 : vector<16xf32>
        %get3A_1382 = arith.index_cast %add3A_1340 : i32 to index
        %get3A_1383 = arith.constant 112 : index
        %get3A_1384 = tpu.vector_load %arg14[%get3A_1382, %get3A_1383] {strides = array<i32>} : memref<64x128xf32, #tpu.memory_space<vmem>>, vector<1x16xf32>,
        %get3A_1385 = vector.shape_cast %get3A_1384 : vector<1x16xf32> to vector<16xf32>
        %mul3A_1386 = arith.mulf %get3A_1385, %get3A_294 : vector<16xf32>
        %add3A_1387 = arith.addf %add3A_1381, %mul3A_1386 : vector<16xf32>
        %mul3A_1388 = arith.constant 16 : i32
        %mul3A_1389 = arith.muli %scan3A_260, %mul3A_1388 : i32
        %add3A_1390 = arith.constant 4 : i32
        %add3A_1391 = arith.addi %mul3A_1389, %add3A_1390 : i32
        %get3A_1392 = arith.index_cast %add3A_1391 : i32 to index
        %get3A_1393 = arith.constant 0 : index
        %get3A_1394 = tpu.vector_load %arg14[%get3A_1392, %get3A_1393] {strides = array<i32>} : memref<64x128xf32, #tpu.memory_space<vmem>>, vector<1x16xf32>,
        %get3A_1395 = vector.shape_cast %get3A_1394 : vector<1x16xf32> to vector<16xf32>
        %mul3A_1396 = arith.mulf %get3A_1395, %get3A_266 : vector<16xf32>
        %get3A_1397 = arith.index_cast %add3A_1391 : i32 to index
        %get3A_1398 = arith.constant 16 : index
        %get3A_1399 = tpu.vector_load %arg14[%get3A_1397, %get3A_1398] {strides = array<i32>} : memref<64x128xf32, #tpu.memory_space<vmem>>, vector<1x16xf32>,
        %get3A_1400 = vector.shape_cast %get3A_1399 : vector<1x16xf32> to vector<16xf32>
        %mul3A_1401 = arith.mulf %get3A_1400, %get3A_270 : vector<16xf32>
        %add3A_1402 = arith.addf %mul3A_1396, %mul3A_1401 : vector<16xf32>
        %get3A_1403 = arith.index_cast %add3A_1391 : i32 to index
        %get3A_1404 = arith.constant 32 : index
        %get3A_1405 = tpu.vector_load %arg14[%get3A_1403, %get3A_1404] {strides = array<i32>} : memref<64x128xf32, #tpu.memory_space<vmem>>, vector<1x16xf32>,
        %get3A_1406 = vector.shape_cast %get3A_1405 : vector<1x16xf32> to vector<16xf32>
        %mul3A_1407 = arith.mulf %get3A_1406, %get3A_274 : vector<16xf32>
        %add3A_1408 = arith.addf %add3A_1402, %mul3A_1407 : vector<16xf32>
        %get3A_1409 = arith.index_cast %add3A_1391 : i32 to index
        %get3A_1410 = arith.constant 48 : index
        %get3A_1411 = tpu.vector_load %arg14[%get3A_1409, %get3A_1410] {strides = array<i32>} : memref<64x128xf32, #tpu.memory_space<vmem>>, vector<1x16xf32>,
        %get3A_1412 = vector.shape_cast %get3A_1411 : vector<1x16xf32> to vector<16xf32>
        %mul3A_1413 = arith.mulf %get3A_1412, %get3A_278 : vector<16xf32>
        %add3A_1414 = arith.addf %add3A_1408, %mul3A_1413 : vector<16xf32>
        %get3A_1415 = arith.index_cast %add3A_1391 : i32 to index
        %get3A_1416 = arith.constant 64 : index
        %get3A_1417 = tpu.vector_load %arg14[%get3A_1415, %get3A_1416] {strides = array<i32>} : memref<64x128xf32, #tpu.memory_space<vmem>>, vector<1x16xf32>,
        %get3A_1418 = vector.shape_cast %get3A_1417 : vector<1x16xf32> to vector<16xf32>
        %mul3A_1419 = arith.mulf %get3A_1418, %get3A_282 : vector<16xf32>
        %add3A_1420 = arith.addf %add3A_1414, %mul3A_1419 : vector<16xf32>
        %get3A_1421 = arith.index_cast %add3A_1391 : i32 to index
        %get3A_1422 = arith.constant 80 : index
        %get3A_1423 = tpu.vector_load %arg14[%get3A_1421, %get3A_1422] {strides = array<i32>} : memref<64x128xf32, #tpu.memory_space<vmem>>, vector<1x16xf32>,
        %get3A_1424 = vector.shape_cast %get3A_1423 : vector<1x16xf32> to vector<16xf32>
        %mul3A_1425 = arith.mulf %get3A_1424, %get3A_286 : vector<16xf32>
        %add3A_1426 = arith.addf %add3A_1420, %mul3A_1425 : vector<16xf32>
        %get3A_1427 = arith.index_cast %add3A_1391 : i32 to index
        %get3A_1428 = arith.constant 96 : index
        %get3A_1429 = tpu.vector_load %arg14[%get3A_1427, %get3A_1428] {strides = array<i32>} : memref<64x128xf32, #tpu.memory_space<vmem>>, vector<1x16xf32>,
        %get3A_1430 = vector.shape_cast %get3A_1429 : vector<1x16xf32> to vector<16xf32>
        %mul3A_1431 = arith.mulf %get3A_1430, %get3A_290 : vector<16xf32>
        %add3A_1432 = arith.addf %add3A_1426, %mul3A_1431 : vector<16xf32>
        %get3A_1433 = arith.index_cast %add3A_1391 : i32 to index
        %get3A_1434 = arith.constant 112 : index
        %get3A_1435 = tpu.vector_load %arg14[%get3A_1433, %get3A_1434] {strides = array<i32>} : memref<64x128xf32, #tpu.memory_space<vmem>>, vector<1x16xf32>,
        %get3A_1436 = vector.shape_cast %get3A_1435 : vector<1x16xf32> to vector<16xf32>
        %mul3A_1437 = arith.mulf %get3A_1436, %get3A_294 : vector<16xf32>
        %add3A_1438 = arith.addf %add3A_1432, %mul3A_1437 : vector<16xf32>
        %mul3A_1439 = arith.constant 16 : i32
        %mul3A_1440 = arith.muli %scan3A_260, %mul3A_1439 : i32
        %add3A_1441 = arith.constant 5 : i32
        %add3A_1442 = arith.addi %mul3A_1440, %add3A_1441 : i32
        %get3A_1443 = arith.index_cast %add3A_1442 : i32 to index
        %get3A_1444 = arith.constant 0 : index
        %get3A_1445 = tpu.vector_load %arg14[%get3A_1443, %get3A_1444] {strides = array<i32>} : memref<64x128xf32, #tpu.memory_space<vmem>>, vector<1x16xf32>,
        %get3A_1446 = vector.shape_cast %get3A_1445 : vector<1x16xf32> to vector<16xf32>
        %mul3A_1447 = arith.mulf %get3A_1446, %get3A_266 : vector<16xf32>
        %get3A_1448 = arith.index_cast %add3A_1442 : i32 to index
        %get3A_1449 = arith.constant 16 : index
        %get3A_1450 = tpu.vector_load %arg14[%get3A_1448, %get3A_1449] {strides = array<i32>} : memref<64x128xf32, #tpu.memory_space<vmem>>, vector<1x16xf32>,
        %get3A_1451 = vector.shape_cast %get3A_1450 : vector<1x16xf32> to vector<16xf32>
        %mul3A_1452 = arith.mulf %get3A_1451, %get3A_270 : vector<16xf32>
        %add3A_1453 = arith.addf %mul3A_1447, %mul3A_1452 : vector<16xf32>
        %get3A_1454 = arith.index_cast %add3A_1442 : i32 to index
        %get3A_1455 = arith.constant 32 : index
        %get3A_1456 = tpu.vector_load %arg14[%get3A_1454, %get3A_1455] {strides = array<i32>} : memref<64x128xf32, #tpu.memory_space<vmem>>, vector<1x16xf32>,
        %get3A_1457 = vector.shape_cast %get3A_1456 : vector<1x16xf32> to vector<16xf32>
        %mul3A_1458 = arith.mulf %get3A_1457, %get3A_274 : vector<16xf32>
        %add3A_1459 = arith.addf %add3A_1453, %mul3A_1458 : vector<16xf32>
        %get3A_1460 = arith.index_cast %add3A_1442 : i32 to index
        %get3A_1461 = arith.constant 48 : index
        %get3A_1462 = tpu.vector_load %arg14[%get3A_1460, %get3A_1461] {strides = array<i32>} : memref<64x128xf32, #tpu.memory_space<vmem>>, vector<1x16xf32>,
        %get3A_1463 = vector.shape_cast %get3A_1462 : vector<1x16xf32> to vector<16xf32>
        %mul3A_1464 = arith.mulf %get3A_1463, %get3A_278 : vector<16xf32>
        %add3A_1465 = arith.addf %add3A_1459, %mul3A_1464 : vector<16xf32>
        %get3A_1466 = arith.index_cast %add3A_1442 : i32 to index
        %get3A_1467 = arith.constant 64 : index
        %get3A_1468 = tpu.vector_load %arg14[%get3A_1466, %get3A_1467] {strides = array<i32>} : memref<64x128xf32, #tpu.memory_space<vmem>>, vector<1x16xf32>,
        %get3A_1469 = vector.shape_cast %get3A_1468 : vector<1x16xf32> to vector<16xf32>
        %mul3A_1470 = arith.mulf %get3A_1469, %get3A_282 : vector<16xf32>
        %add3A_1471 = arith.addf %add3A_1465, %mul3A_1470 : vector<16xf32>
        %get3A_1472 = arith.index_cast %add3A_1442 : i32 to index
        %get3A_1473 = arith.constant 80 : index
        %get3A_1474 = tpu.vector_load %arg14[%get3A_1472, %get3A_1473] {strides = array<i32>} : memref<64x128xf32, #tpu.memory_space<vmem>>, vector<1x16xf32>,
        %get3A_1475 = vector.shape_cast %get3A_1474 : vector<1x16xf32> to vector<16xf32>
        %mul3A_1476 = arith.mulf %get3A_1475, %get3A_286 : vector<16xf32>
        %add3A_1477 = arith.addf %add3A_1471, %mul3A_1476 : vector<16xf32>
        %get3A_1478 = arith.index_cast %add3A_1442 : i32 to index
        %get3A_1479 = arith.constant 96 : index
        %get3A_1480 = tpu.vector_load %arg14[%get3A_1478, %get3A_1479] {strides = array<i32>} : memref<64x128xf32, #tpu.memory_space<vmem>>, vector<1x16xf32>,
        %get3A_1481 = vector.shape_cast %get3A_1480 : vector<1x16xf32> to vector<16xf32>
        %mul3A_1482 = arith.mulf %get3A_1481, %get3A_290 : vector<16xf32>
        %add3A_1483 = arith.addf %add3A_1477, %mul3A_1482 : vector<16xf32>
        %get3A_1484 = arith.index_cast %add3A_1442 : i32 to index
        %get3A_1485 = arith.constant 112 : index
        %get3A_1486 = tpu.vector_load %arg14[%get3A_1484, %get3A_1485] {strides = array<i32>} : memref<64x128xf32, #tpu.memory_space<vmem>>, vector<1x16xf32>,
        %get3A_1487 = vector.shape_cast %get3A_1486 : vector<1x16xf32> to vector<16xf32>
        %mul3A_1488 = arith.mulf %get3A_1487, %get3A_294 : vector<16xf32>
        %add3A_1489 = arith.addf %add3A_1483, %mul3A_1488 : vector<16xf32>
        %mul3A_1490 = arith.constant 16 : i32
        %mul3A_1491 = arith.muli %scan3A_260, %mul3A_1490 : i32
        %add3A_1492 = arith.constant 6 : i32
        %add3A_1493 = arith.addi %mul3A_1491, %add3A_1492 : i32
        %get3A_1494 = arith.index_cast %add3A_1493 : i32 to index
        %get3A_1495 = arith.constant 0 : index
        %get3A_1496 = tpu.vector_load %arg14[%get3A_1494, %get3A_1495] {strides = array<i32>} : memref<64x128xf32, #tpu.memory_space<vmem>>, vector<1x16xf32>,
        %get3A_1497 = vector.shape_cast %get3A_1496 : vector<1x16xf32> to vector<16xf32>
        %mul3A_1498 = arith.mulf %get3A_1497, %get3A_266 : vector<16xf32>
        %get3A_1499 = arith.index_cast %add3A_1493 : i32 to index
        %get3A_1500 = arith.constant 16 : index
        %get3A_1501 = tpu.vector_load %arg14[%get3A_1499, %get3A_1500] {strides = array<i32>} : memref<64x128xf32, #tpu.memory_space<vmem>>, vector<1x16xf32>,
        %get3A_1502 = vector.shape_cast %get3A_1501 : vector<1x16xf32> to vector<16xf32>
        %mul3A_1503 = arith.mulf %get3A_1502, %get3A_270 : vector<16xf32>
        %add3A_1504 = arith.addf %mul3A_1498, %mul3A_1503 : vector<16xf32>
        %get3A_1505 = arith.index_cast %add3A_1493 : i32 to index
        %get3A_1506 = arith.constant 32 : index
        %get3A_1507 = tpu.vector_load %arg14[%get3A_1505, %get3A_1506] {strides = array<i32>} : memref<64x128xf32, #tpu.memory_space<vmem>>, vector<1x16xf32>,
        %get3A_1508 = vector.shape_cast %get3A_1507 : vector<1x16xf32> to vector<16xf32>
        %mul3A_1509 = arith.mulf %get3A_1508, %get3A_274 : vector<16xf32>
        %add3A_1510 = arith.addf %add3A_1504, %mul3A_1509 : vector<16xf32>
        %get3A_1511 = arith.index_cast %add3A_1493 : i32 to index
        %get3A_1512 = arith.constant 48 : index
        %get3A_1513 = tpu.vector_load %arg14[%get3A_1511, %get3A_1512] {strides = array<i32>} : memref<64x128xf32, #tpu.memory_space<vmem>>, vector<1x16xf32>,
        %get3A_1514 = vector.shape_cast %get3A_1513 : vector<1x16xf32> to vector<16xf32>
        %mul3A_1515 = arith.mulf %get3A_1514, %get3A_278 : vector<16xf32>
        %add3A_1516 = arith.addf %add3A_1510, %mul3A_1515 : vector<16xf32>
        %get3A_1517 = arith.index_cast %add3A_1493 : i32 to index
        %get3A_1518 = arith.constant 64 : index
        %get3A_1519 = tpu.vector_load %arg14[%get3A_1517, %get3A_1518] {strides = array<i32>} : memref<64x128xf32, #tpu.memory_space<vmem>>, vector<1x16xf32>,
        %get3A_1520 = vector.shape_cast %get3A_1519 : vector<1x16xf32> to vector<16xf32>
        %mul3A_1521 = arith.mulf %get3A_1520, %get3A_282 : vector<16xf32>
        %add3A_1522 = arith.addf %add3A_1516, %mul3A_1521 : vector<16xf32>
        %get3A_1523 = arith.index_cast %add3A_1493 : i32 to index
        %get3A_1524 = arith.constant 80 : index
        %get3A_1525 = tpu.vector_load %arg14[%get3A_1523, %get3A_1524] {strides = array<i32>} : memref<64x128xf32, #tpu.memory_space<vmem>>, vector<1x16xf32>,
        %get3A_1526 = vector.shape_cast %get3A_1525 : vector<1x16xf32> to vector<16xf32>
        %mul3A_1527 = arith.mulf %get3A_1526, %get3A_286 : vector<16xf32>
        %add3A_1528 = arith.addf %add3A_1522, %mul3A_1527 : vector<16xf32>
        %get3A_1529 = arith.index_cast %add3A_1493 : i32 to index
        %get3A_1530 = arith.constant 96 : index
        %get3A_1531 = tpu.vector_load %arg14[%get3A_1529, %get3A_1530] {strides = array<i32>} : memref<64x128xf32, #tpu.memory_space<vmem>>, vector<1x16xf32>,
        %get3A_1532 = vector.shape_cast %get3A_1531 : vector<1x16xf32> to vector<16xf32>
        %mul3A_1533 = arith.mulf %get3A_1532, %get3A_290 : vector<16xf32>
        %add3A_1534 = arith.addf %add3A_1528, %mul3A_1533 : vector<16xf32>
        %get3A_1535 = arith.index_cast %add3A_1493 : i32 to index
        %get3A_1536 = arith.constant 112 : index
        %get3A_1537 = tpu.vector_load %arg14[%get3A_1535, %get3A_1536] {strides = array<i32>} : memref<64x128xf32, #tpu.memory_space<vmem>>, vector<1x16xf32>,
        %get3A_1538 = vector.shape_cast %get3A_1537 : vector<1x16xf32> to vector<16xf32>
        %mul3A_1539 = arith.mulf %get3A_1538, %get3A_294 : vector<16xf32>
        %add3A_1540 = arith.addf %add3A_1534, %mul3A_1539 : vector<16xf32>
        %mul3A_1541 = arith.constant 16 : i32
        %mul3A_1542 = arith.muli %scan3A_260, %mul3A_1541 : i32
        %add3A_1543 = arith.constant 7 : i32
        %add3A_1544 = arith.addi %mul3A_1542, %add3A_1543 : i32
        %get3A_1545 = arith.index_cast %add3A_1544 : i32 to index
        %get3A_1546 = arith.constant 0 : index
        %get3A_1547 = tpu.vector_load %arg14[%get3A_1545, %get3A_1546] {strides = array<i32>} : memref<64x128xf32, #tpu.memory_space<vmem>>, vector<1x16xf32>,
        %get3A_1548 = vector.shape_cast %get3A_1547 : vector<1x16xf32> to vector<16xf32>
        %mul3A_1549 = arith.mulf %get3A_1548, %get3A_266 : vector<16xf32>
        %get3A_1550 = arith.index_cast %add3A_1544 : i32 to index
        %get3A_1551 = arith.constant 16 : index
        %get3A_1552 = tpu.vector_load %arg14[%get3A_1550, %get3A_1551] {strides = array<i32>} : memref<64x128xf32, #tpu.memory_space<vmem>>, vector<1x16xf32>,
        %get3A_1553 = vector.shape_cast %get3A_1552 : vector<1x16xf32> to vector<16xf32>
        %mul3A_1554 = arith.mulf %get3A_1553, %get3A_270 : vector<16xf32>
        %add3A_1555 = arith.addf %mul3A_1549, %mul3A_1554 : vector<16xf32>
        %get3A_1556 = arith.index_cast %add3A_1544 : i32 to index
        %get3A_1557 = arith.constant 32 : index
        %get3A_1558 = tpu.vector_load %arg14[%get3A_1556, %get3A_1557] {strides = array<i32>} : memref<64x128xf32, #tpu.memory_space<vmem>>, vector<1x16xf32>,
        %get3A_1559 = vector.shape_cast %get3A_1558 : vector<1x16xf32> to vector<16xf32>
        %mul3A_1560 = arith.mulf %get3A_1559, %get3A_274 : vector<16xf32>
        %add3A_1561 = arith.addf %add3A_1555, %mul3A_1560 : vector<16xf32>
        %get3A_1562 = arith.index_cast %add3A_1544 : i32 to index
        %get3A_1563 = arith.constant 48 : index
        %get3A_1564 = tpu.vector_load %arg14[%get3A_1562, %get3A_1563] {strides = array<i32>} : memref<64x128xf32, #tpu.memory_space<vmem>>, vector<1x16xf32>,
        %get3A_1565 = vector.shape_cast %get3A_1564 : vector<1x16xf32> to vector<16xf32>
        %mul3A_1566 = arith.mulf %get3A_1565, %get3A_278 : vector<16xf32>
        %add3A_1567 = arith.addf %add3A_1561, %mul3A_1566 : vector<16xf32>
        %get3A_1568 = arith.index_cast %add3A_1544 : i32 to index
        %get3A_1569 = arith.constant 64 : index
        %get3A_1570 = tpu.vector_load %arg14[%get3A_1568, %get3A_1569] {strides = array<i32>} : memref<64x128xf32, #tpu.memory_space<vmem>>, vector<1x16xf32>,
        %get3A_1571 = vector.shape_cast %get3A_1570 : vector<1x16xf32> to vector<16xf32>
        %mul3A_1572 = arith.mulf %get3A_1571, %get3A_282 : vector<16xf32>
        %add3A_1573 = arith.addf %add3A_1567, %mul3A_1572 : vector<16xf32>
        %get3A_1574 = arith.index_cast %add3A_1544 : i32 to index
        %get3A_1575 = arith.constant 80 : index
        %get3A_1576 = tpu.vector_load %arg14[%get3A_1574, %get3A_1575] {strides = array<i32>} : memref<64x128xf32, #tpu.memory_space<vmem>>, vector<1x16xf32>,
        %get3A_1577 = vector.shape_cast %get3A_1576 : vector<1x16xf32> to vector<16xf32>
        %mul3A_1578 = arith.mulf %get3A_1577, %get3A_286 : vector<16xf32>
        %add3A_1579 = arith.addf %add3A_1573, %mul3A_1578 : vector<16xf32>
        %get3A_1580 = arith.index_cast %add3A_1544 : i32 to index
        %get3A_1581 = arith.constant 96 : index
        %get3A_1582 = tpu.vector_load %arg14[%get3A_1580, %get3A_1581] {strides = array<i32>} : memref<64x128xf32, #tpu.memory_space<vmem>>, vector<1x16xf32>,
        %get3A_1583 = vector.shape_cast %get3A_1582 : vector<1x16xf32> to vector<16xf32>
        %mul3A_1584 = arith.mulf %get3A_1583, %get3A_290 : vector<16xf32>
        %add3A_1585 = arith.addf %add3A_1579, %mul3A_1584 : vector<16xf32>
        %get3A_1586 = arith.index_cast %add3A_1544 : i32 to index
        %get3A_1587 = arith.constant 112 : index
        %get3A_1588 = tpu.vector_load %arg14[%get3A_1586, %get3A_1587] {strides = array<i32>} : memref<64x128xf32, #tpu.memory_space<vmem>>, vector<1x16xf32>,
        %get3A_1589 = vector.shape_cast %get3A_1588 : vector<1x16xf32> to vector<16xf32>
        %mul3A_1590 = arith.mulf %get3A_1589, %get3A_294 : vector<16xf32>
        %add3A_1591 = arith.addf %add3A_1585, %mul3A_1590 : vector<16xf32>
        %mul3A_1592 = arith.constant 16 : i32
        %mul3A_1593 = arith.muli %scan3A_260, %mul3A_1592 : i32
        %add3A_1594 = arith.constant 8 : i32
        %add3A_1595 = arith.addi %mul3A_1593, %add3A_1594 : i32
        %get3A_1596 = arith.index_cast %add3A_1595 : i32 to index
        %get3A_1597 = arith.constant 0 : index
        %get3A_1598 = tpu.vector_load %arg14[%get3A_1596, %get3A_1597] {strides = array<i32>} : memref<64x128xf32, #tpu.memory_space<vmem>>, vector<1x16xf32>,
        %get3A_1599 = vector.shape_cast %get3A_1598 : vector<1x16xf32> to vector<16xf32>
        %mul3A_1600 = arith.mulf %get3A_1599, %get3A_266 : vector<16xf32>
        %get3A_1601 = arith.index_cast %add3A_1595 : i32 to index
        %get3A_1602 = arith.constant 16 : index
        %get3A_1603 = tpu.vector_load %arg14[%get3A_1601, %get3A_1602] {strides = array<i32>} : memref<64x128xf32, #tpu.memory_space<vmem>>, vector<1x16xf32>,
        %get3A_1604 = vector.shape_cast %get3A_1603 : vector<1x16xf32> to vector<16xf32>
        %mul3A_1605 = arith.mulf %get3A_1604, %get3A_270 : vector<16xf32>
        %add3A_1606 = arith.addf %mul3A_1600, %mul3A_1605 : vector<16xf32>
        %get3A_1607 = arith.index_cast %add3A_1595 : i32 to index
        %get3A_1608 = arith.constant 32 : index
        %get3A_1609 = tpu.vector_load %arg14[%get3A_1607, %get3A_1608] {strides = array<i32>} : memref<64x128xf32, #tpu.memory_space<vmem>>, vector<1x16xf32>,
        %get3A_1610 = vector.shape_cast %get3A_1609 : vector<1x16xf32> to vector<16xf32>
        %mul3A_1611 = arith.mulf %get3A_1610, %get3A_274 : vector<16xf32>
        %add3A_1612 = arith.addf %add3A_1606, %mul3A_1611 : vector<16xf32>
        %get3A_1613 = arith.index_cast %add3A_1595 : i32 to index
        %get3A_1614 = arith.constant 48 : index
        %get3A_1615 = tpu.vector_load %arg14[%get3A_1613, %get3A_1614] {strides = array<i32>} : memref<64x128xf32, #tpu.memory_space<vmem>>, vector<1x16xf32>,
        %get3A_1616 = vector.shape_cast %get3A_1615 : vector<1x16xf32> to vector<16xf32>
        %mul3A_1617 = arith.mulf %get3A_1616, %get3A_278 : vector<16xf32>
        %add3A_1618 = arith.addf %add3A_1612, %mul3A_1617 : vector<16xf32>
        %get3A_1619 = arith.index_cast %add3A_1595 : i32 to index
        %get3A_1620 = arith.constant 64 : index
        %get3A_1621 = tpu.vector_load %arg14[%get3A_1619, %get3A_1620] {strides = array<i32>} : memref<64x128xf32, #tpu.memory_space<vmem>>, vector<1x16xf32>,
        %get3A_1622 = vector.shape_cast %get3A_1621 : vector<1x16xf32> to vector<16xf32>
        %mul3A_1623 = arith.mulf %get3A_1622, %get3A_282 : vector<16xf32>
        %add3A_1624 = arith.addf %add3A_1618, %mul3A_1623 : vector<16xf32>
        %get3A_1625 = arith.index_cast %add3A_1595 : i32 to index
        %get3A_1626 = arith.constant 80 : index
        %get3A_1627 = tpu.vector_load %arg14[%get3A_1625, %get3A_1626] {strides = array<i32>} : memref<64x128xf32, #tpu.memory_space<vmem>>, vector<1x16xf32>,
        %get3A_1628 = vector.shape_cast %get3A_1627 : vector<1x16xf32> to vector<16xf32>
        %mul3A_1629 = arith.mulf %get3A_1628, %get3A_286 : vector<16xf32>
        %add3A_1630 = arith.addf %add3A_1624, %mul3A_1629 : vector<16xf32>
        %get3A_1631 = arith.index_cast %add3A_1595 : i32 to index
        %get3A_1632 = arith.constant 96 : index
        %get3A_1633 = tpu.vector_load %arg14[%get3A_1631, %get3A_1632] {strides = array<i32>} : memref<64x128xf32, #tpu.memory_space<vmem>>, vector<1x16xf32>,
        %get3A_1634 = vector.shape_cast %get3A_1633 : vector<1x16xf32> to vector<16xf32>
        %mul3A_1635 = arith.mulf %get3A_1634, %get3A_290 : vector<16xf32>
        %add3A_1636 = arith.addf %add3A_1630, %mul3A_1635 : vector<16xf32>
        %get3A_1637 = arith.index_cast %add3A_1595 : i32 to index
        %get3A_1638 = arith.constant 112 : index
        %get3A_1639 = tpu.vector_load %arg14[%get3A_1637, %get3A_1638] {strides = array<i32>} : memref<64x128xf32, #tpu.memory_space<vmem>>, vector<1x16xf32>,
        %get3A_1640 = vector.shape_cast %get3A_1639 : vector<1x16xf32> to vector<16xf32>
        %mul3A_1641 = arith.mulf %get3A_1640, %get3A_294 : vector<16xf32>
        %add3A_1642 = arith.addf %add3A_1636, %mul3A_1641 : vector<16xf32>
        %mul3A_1643 = arith.constant 16 : i32
        %mul3A_1644 = arith.muli %scan3A_260, %mul3A_1643 : i32
        %add3A_1645 = arith.constant 9 : i32
        %add3A_1646 = arith.addi %mul3A_1644, %add3A_1645 : i32
        %get3A_1647 = arith.index_cast %add3A_1646 : i32 to index
        %get3A_1648 = arith.constant 0 : index
        %get3A_1649 = tpu.vector_load %arg14[%get3A_1647, %get3A_1648] {strides = array<i32>} : memref<64x128xf32, #tpu.memory_space<vmem>>, vector<1x16xf32>,
        %get3A_1650 = vector.shape_cast %get3A_1649 : vector<1x16xf32> to vector<16xf32>
        %mul3A_1651 = arith.mulf %get3A_1650, %get3A_266 : vector<16xf32>
        %get3A_1652 = arith.index_cast %add3A_1646 : i32 to index
        %get3A_1653 = arith.constant 16 : index
        %get3A_1654 = tpu.vector_load %arg14[%get3A_1652, %get3A_1653] {strides = array<i32>} : memref<64x128xf32, #tpu.memory_space<vmem>>, vector<1x16xf32>,
        %get3A_1655 = vector.shape_cast %get3A_1654 : vector<1x16xf32> to vector<16xf32>
        %mul3A_1656 = arith.mulf %get3A_1655, %get3A_270 : vector<16xf32>
        %add3A_1657 = arith.addf %mul3A_1651, %mul3A_1656 : vector<16xf32>
        %get3A_1658 = arith.index_cast %add3A_1646 : i32 to index
        %get3A_1659 = arith.constant 32 : index
        %get3A_1660 = tpu.vector_load %arg14[%get3A_1658, %get3A_1659] {strides = array<i32>} : memref<64x128xf32, #tpu.memory_space<vmem>>, vector<1x16xf32>,
        %get3A_1661 = vector.shape_cast %get3A_1660 : vector<1x16xf32> to vector<16xf32>
        %mul3A_1662 = arith.mulf %get3A_1661, %get3A_274 : vector<16xf32>
        %add3A_1663 = arith.addf %add3A_1657, %mul3A_1662 : vector<16xf32>
        %get3A_1664 = arith.index_cast %add3A_1646 : i32 to index
        %get3A_1665 = arith.constant 48 : index
        %get3A_1666 = tpu.vector_load %arg14[%get3A_1664, %get3A_1665] {strides = array<i32>} : memref<64x128xf32, #tpu.memory_space<vmem>>, vector<1x16xf32>,
        %get3A_1667 = vector.shape_cast %get3A_1666 : vector<1x16xf32> to vector<16xf32>
        %mul3A_1668 = arith.mulf %get3A_1667, %get3A_278 : vector<16xf32>
        %add3A_1669 = arith.addf %add3A_1663, %mul3A_1668 : vector<16xf32>
        %get3A_1670 = arith.index_cast %add3A_1646 : i32 to index
        %get3A_1671 = arith.constant 64 : index
        %get3A_1672 = tpu.vector_load %arg14[%get3A_1670, %get3A_1671] {strides = array<i32>} : memref<64x128xf32, #tpu.memory_space<vmem>>, vector<1x16xf32>,
        %get3A_1673 = vector.shape_cast %get3A_1672 : vector<1x16xf32> to vector<16xf32>
        %mul3A_1674 = arith.mulf %get3A_1673, %get3A_282 : vector<16xf32>
        %add3A_1675 = arith.addf %add3A_1669, %mul3A_1674 : vector<16xf32>
        %get3A_1676 = arith.index_cast %add3A_1646 : i32 to index
        %get3A_1677 = arith.constant 80 : index
        %get3A_1678 = tpu.vector_load %arg14[%get3A_1676, %get3A_1677] {strides = array<i32>} : memref<64x128xf32, #tpu.memory_space<vmem>>, vector<1x16xf32>,
        %get3A_1679 = vector.shape_cast %get3A_1678 : vector<1x16xf32> to vector<16xf32>
        %mul3A_1680 = arith.mulf %get3A_1679, %get3A_286 : vector<16xf32>
        %add3A_1681 = arith.addf %add3A_1675, %mul3A_1680 : vector<16xf32>
        %get3A_1682 = arith.index_cast %add3A_1646 : i32 to index
        %get3A_1683 = arith.constant 96 : index
        %get3A_1684 = tpu.vector_load %arg14[%get3A_1682, %get3A_1683] {strides = array<i32>} : memref<64x128xf32, #tpu.memory_space<vmem>>, vector<1x16xf32>,
        %get3A_1685 = vector.shape_cast %get3A_1684 : vector<1x16xf32> to vector<16xf32>
        %mul3A_1686 = arith.mulf %get3A_1685, %get3A_290 : vector<16xf32>
        %add3A_1687 = arith.addf %add3A_1681, %mul3A_1686 : vector<16xf32>
        %get3A_1688 = arith.index_cast %add3A_1646 : i32 to index
        %get3A_1689 = arith.constant 112 : index
        %get3A_1690 = tpu.vector_load %arg14[%get3A_1688, %get3A_1689] {strides = array<i32>} : memref<64x128xf32, #tpu.memory_space<vmem>>, vector<1x16xf32>,
        %get3A_1691 = vector.shape_cast %get3A_1690 : vector<1x16xf32> to vector<16xf32>
        %mul3A_1692 = arith.mulf %get3A_1691, %get3A_294 : vector<16xf32>
        %add3A_1693 = arith.addf %add3A_1687, %mul3A_1692 : vector<16xf32>
        %mul3A_1694 = arith.constant 16 : i32
        %mul3A_1695 = arith.muli %scan3A_260, %mul3A_1694 : i32
        %add3A_1696 = arith.constant 10 : i32
        %add3A_1697 = arith.addi %mul3A_1695, %add3A_1696 : i32
        %get3A_1698 = arith.index_cast %add3A_1697 : i32 to index
        %get3A_1699 = arith.constant 0 : index
        %get3A_1700 = tpu.vector_load %arg14[%get3A_1698, %get3A_1699] {strides = array<i32>} : memref<64x128xf32, #tpu.memory_space<vmem>>, vector<1x16xf32>,
        %get3A_1701 = vector.shape_cast %get3A_1700 : vector<1x16xf32> to vector<16xf32>
        %mul3A_1702 = arith.mulf %get3A_1701, %get3A_266 : vector<16xf32>
        %get3A_1703 = arith.index_cast %add3A_1697 : i32 to index
        %get3A_1704 = arith.constant 16 : index
        %get3A_1705 = tpu.vector_load %arg14[%get3A_1703, %get3A_1704] {strides = array<i32>} : memref<64x128xf32, #tpu.memory_space<vmem>>, vector<1x16xf32>,
        %get3A_1706 = vector.shape_cast %get3A_1705 : vector<1x16xf32> to vector<16xf32>
        %mul3A_1707 = arith.mulf %get3A_1706, %get3A_270 : vector<16xf32>
        %add3A_1708 = arith.addf %mul3A_1702, %mul3A_1707 : vector<16xf32>
        %get3A_1709 = arith.index_cast %add3A_1697 : i32 to index
        %get3A_1710 = arith.constant 32 : index
        %get3A_1711 = tpu.vector_load %arg14[%get3A_1709, %get3A_1710] {strides = array<i32>} : memref<64x128xf32, #tpu.memory_space<vmem>>, vector<1x16xf32>,
        %get3A_1712 = vector.shape_cast %get3A_1711 : vector<1x16xf32> to vector<16xf32>
        %mul3A_1713 = arith.mulf %get3A_1712, %get3A_274 : vector<16xf32>
        %add3A_1714 = arith.addf %add3A_1708, %mul3A_1713 : vector<16xf32>
        %get3A_1715 = arith.index_cast %add3A_1697 : i32 to index
        %get3A_1716 = arith.constant 48 : index
        %get3A_1717 = tpu.vector_load %arg14[%get3A_1715, %get3A_1716] {strides = array<i32>} : memref<64x128xf32, #tpu.memory_space<vmem>>, vector<1x16xf32>,
        %get3A_1718 = vector.shape_cast %get3A_1717 : vector<1x16xf32> to vector<16xf32>
        %mul3A_1719 = arith.mulf %get3A_1718, %get3A_278 : vector<16xf32>
        %add3A_1720 = arith.addf %add3A_1714, %mul3A_1719 : vector<16xf32>
        %get3A_1721 = arith.index_cast %add3A_1697 : i32 to index
        %get3A_1722 = arith.constant 64 : index
        %get3A_1723 = tpu.vector_load %arg14[%get3A_1721, %get3A_1722] {strides = array<i32>} : memref<64x128xf32, #tpu.memory_space<vmem>>, vector<1x16xf32>,
        %get3A_1724 = vector.shape_cast %get3A_1723 : vector<1x16xf32> to vector<16xf32>
        %mul3A_1725 = arith.mulf %get3A_1724, %get3A_282 : vector<16xf32>
        %add3A_1726 = arith.addf %add3A_1720, %mul3A_1725 : vector<16xf32>
        %get3A_1727 = arith.index_cast %add3A_1697 : i32 to index
        %get3A_1728 = arith.constant 80 : index
        %get3A_1729 = tpu.vector_load %arg14[%get3A_1727, %get3A_1728] {strides = array<i32>} : memref<64x128xf32, #tpu.memory_space<vmem>>, vector<1x16xf32>,
        %get3A_1730 = vector.shape_cast %get3A_1729 : vector<1x16xf32> to vector<16xf32>
        %mul3A_1731 = arith.mulf %get3A_1730, %get3A_286 : vector<16xf32>
        %add3A_1732 = arith.addf %add3A_1726, %mul3A_1731 : vector<16xf32>
        %get3A_1733 = arith.index_cast %add3A_1697 : i32 to index
        %get3A_1734 = arith.constant 96 : index
        %get3A_1735 = tpu.vector_load %arg14[%get3A_1733, %get3A_1734] {strides = array<i32>} : memref<64x128xf32, #tpu.memory_space<vmem>>, vector<1x16xf32>,
        %get3A_1736 = vector.shape_cast %get3A_1735 : vector<1x16xf32> to vector<16xf32>
        %mul3A_1737 = arith.mulf %get3A_1736, %get3A_290 : vector<16xf32>
        %add3A_1738 = arith.addf %add3A_1732, %mul3A_1737 : vector<16xf32>
        %get3A_1739 = arith.index_cast %add3A_1697 : i32 to index
        %get3A_1740 = arith.constant 112 : index
        %get3A_1741 = tpu.vector_load %arg14[%get3A_1739, %get3A_1740] {strides = array<i32>} : memref<64x128xf32, #tpu.memory_space<vmem>>, vector<1x16xf32>,
        %get3A_1742 = vector.shape_cast %get3A_1741 : vector<1x16xf32> to vector<16xf32>
        %mul3A_1743 = arith.mulf %get3A_1742, %get3A_294 : vector<16xf32>
        %add3A_1744 = arith.addf %add3A_1738, %mul3A_1743 : vector<16xf32>
        %mul3A_1745 = arith.constant 16 : i32
        %mul3A_1746 = arith.muli %scan3A_260, %mul3A_1745 : i32
        %add3A_1747 = arith.constant 11 : i32
        %add3A_1748 = arith.addi %mul3A_1746, %add3A_1747 : i32
        %get3A_1749 = arith.index_cast %add3A_1748 : i32 to index
        %get3A_1750 = arith.constant 0 : index
        %get3A_1751 = tpu.vector_load %arg14[%get3A_1749, %get3A_1750] {strides = array<i32>} : memref<64x128xf32, #tpu.memory_space<vmem>>, vector<1x16xf32>,
        %get3A_1752 = vector.shape_cast %get3A_1751 : vector<1x16xf32> to vector<16xf32>
        %mul3A_1753 = arith.mulf %get3A_1752, %get3A_266 : vector<16xf32>
        %get3A_1754 = arith.index_cast %add3A_1748 : i32 to index
        %get3A_1755 = arith.constant 16 : index
        %get3A_1756 = tpu.vector_load %arg14[%get3A_1754, %get3A_1755] {strides = array<i32>} : memref<64x128xf32, #tpu.memory_space<vmem>>, vector<1x16xf32>,
        %get3A_1757 = vector.shape_cast %get3A_1756 : vector<1x16xf32> to vector<16xf32>
        %mul3A_1758 = arith.mulf %get3A_1757, %get3A_270 : vector<16xf32>
        %add3A_1759 = arith.addf %mul3A_1753, %mul3A_1758 : vector<16xf32>
        %get3A_1760 = arith.index_cast %add3A_1748 : i32 to index
        %get3A_1761 = arith.constant 32 : index
        %get3A_1762 = tpu.vector_load %arg14[%get3A_1760, %get3A_1761] {strides = array<i32>} : memref<64x128xf32, #tpu.memory_space<vmem>>, vector<1x16xf32>,
        %get3A_1763 = vector.shape_cast %get3A_1762 : vector<1x16xf32> to vector<16xf32>
        %mul3A_1764 = arith.mulf %get3A_1763, %get3A_274 : vector<16xf32>
        %add3A_1765 = arith.addf %add3A_1759, %mul3A_1764 : vector<16xf32>
        %get3A_1766 = arith.index_cast %add3A_1748 : i32 to index
        %get3A_1767 = arith.constant 48 : index
        %get3A_1768 = tpu.vector_load %arg14[%get3A_1766, %get3A_1767] {strides = array<i32>} : memref<64x128xf32, #tpu.memory_space<vmem>>, vector<1x16xf32>,
        %get3A_1769 = vector.shape_cast %get3A_1768 : vector<1x16xf32> to vector<16xf32>
        %mul3A_1770 = arith.mulf %get3A_1769, %get3A_278 : vector<16xf32>
        %add3A_1771 = arith.addf %add3A_1765, %mul3A_1770 : vector<16xf32>
        %get3A_1772 = arith.index_cast %add3A_1748 : i32 to index
        %get3A_1773 = arith.constant 64 : index
        %get3A_1774 = tpu.vector_load %arg14[%get3A_1772, %get3A_1773] {strides = array<i32>} : memref<64x128xf32, #tpu.memory_space<vmem>>, vector<1x16xf32>,
        %get3A_1775 = vector.shape_cast %get3A_1774 : vector<1x16xf32> to vector<16xf32>
        %mul3A_1776 = arith.mulf %get3A_1775, %get3A_282 : vector<16xf32>
        %add3A_1777 = arith.addf %add3A_1771, %mul3A_1776 : vector<16xf32>
        %get3A_1778 = arith.index_cast %add3A_1748 : i32 to index
        %get3A_1779 = arith.constant 80 : index
        %get3A_1780 = tpu.vector_load %arg14[%get3A_1778, %get3A_1779] {strides = array<i32>} : memref<64x128xf32, #tpu.memory_space<vmem>>, vector<1x16xf32>,
        %get3A_1781 = vector.shape_cast %get3A_1780 : vector<1x16xf32> to vector<16xf32>
        %mul3A_1782 = arith.mulf %get3A_1781, %get3A_286 : vector<16xf32>
        %add3A_1783 = arith.addf %add3A_1777, %mul3A_1782 : vector<16xf32>
        %get3A_1784 = arith.index_cast %add3A_1748 : i32 to index
        %get3A_1785 = arith.constant 96 : index
        %get3A_1786 = tpu.vector_load %arg14[%get3A_1784, %get3A_1785] {strides = array<i32>} : memref<64x128xf32, #tpu.memory_space<vmem>>, vector<1x16xf32>,
        %get3A_1787 = vector.shape_cast %get3A_1786 : vector<1x16xf32> to vector<16xf32>
        %mul3A_1788 = arith.mulf %get3A_1787, %get3A_290 : vector<16xf32>
        %add3A_1789 = arith.addf %add3A_1783, %mul3A_1788 : vector<16xf32>
        %get3A_1790 = arith.index_cast %add3A_1748 : i32 to index
        %get3A_1791 = arith.constant 112 : index
        %get3A_1792 = tpu.vector_load %arg14[%get3A_1790, %get3A_1791] {strides = array<i32>} : memref<64x128xf32, #tpu.memory_space<vmem>>, vector<1x16xf32>,
        %get3A_1793 = vector.shape_cast %get3A_1792 : vector<1x16xf32> to vector<16xf32>
        %mul3A_1794 = arith.mulf %get3A_1793, %get3A_294 : vector<16xf32>
        %add3A_1795 = arith.addf %add3A_1789, %mul3A_1794 : vector<16xf32>
        %mul3A_1796 = arith.constant 16 : i32
        %mul3A_1797 = arith.muli %scan3A_260, %mul3A_1796 : i32
        %add3A_1798 = arith.constant 12 : i32
        %add3A_1799 = arith.addi %mul3A_1797, %add3A_1798 : i32
        %get3A_1800 = arith.index_cast %add3A_1799 : i32 to index
        %get3A_1801 = arith.constant 0 : index
        %get3A_1802 = tpu.vector_load %arg14[%get3A_1800, %get3A_1801] {strides = array<i32>} : memref<64x128xf32, #tpu.memory_space<vmem>>, vector<1x16xf32>,
        %get3A_1803 = vector.shape_cast %get3A_1802 : vector<1x16xf32> to vector<16xf32>
        %mul3A_1804 = arith.mulf %get3A_1803, %get3A_266 : vector<16xf32>
        %get3A_1805 = arith.index_cast %add3A_1799 : i32 to index
        %get3A_1806 = arith.constant 16 : index
        %get3A_1807 = tpu.vector_load %arg14[%get3A_1805, %get3A_1806] {strides = array<i32>} : memref<64x128xf32, #tpu.memory_space<vmem>>, vector<1x16xf32>,
        %get3A_1808 = vector.shape_cast %get3A_1807 : vector<1x16xf32> to vector<16xf32>
        %mul3A_1809 = arith.mulf %get3A_1808, %get3A_270 : vector<16xf32>
        %add3A_1810 = arith.addf %mul3A_1804, %mul3A_1809 : vector<16xf32>
        %get3A_1811 = arith.index_cast %add3A_1799 : i32 to index
        %get3A_1812 = arith.constant 32 : index
        %get3A_1813 = tpu.vector_load %arg14[%get3A_1811, %get3A_1812] {strides = array<i32>} : memref<64x128xf32, #tpu.memory_space<vmem>>, vector<1x16xf32>,
        %get3A_1814 = vector.shape_cast %get3A_1813 : vector<1x16xf32> to vector<16xf32>
        %mul3A_1815 = arith.mulf %get3A_1814, %get3A_274 : vector<16xf32>
        %add3A_1816 = arith.addf %add3A_1810, %mul3A_1815 : vector<16xf32>
        %get3A_1817 = arith.index_cast %add3A_1799 : i32 to index
        %get3A_1818 = arith.constant 48 : index
        %get3A_1819 = tpu.vector_load %arg14[%get3A_1817, %get3A_1818] {strides = array<i32>} : memref<64x128xf32, #tpu.memory_space<vmem>>, vector<1x16xf32>,
        %get3A_1820 = vector.shape_cast %get3A_1819 : vector<1x16xf32> to vector<16xf32>
        %mul3A_1821 = arith.mulf %get3A_1820, %get3A_278 : vector<16xf32>
        %add3A_1822 = arith.addf %add3A_1816, %mul3A_1821 : vector<16xf32>
        %get3A_1823 = arith.index_cast %add3A_1799 : i32 to index
        %get3A_1824 = arith.constant 64 : index
        %get3A_1825 = tpu.vector_load %arg14[%get3A_1823, %get3A_1824] {strides = array<i32>} : memref<64x128xf32, #tpu.memory_space<vmem>>, vector<1x16xf32>,
        %get3A_1826 = vector.shape_cast %get3A_1825 : vector<1x16xf32> to vector<16xf32>
        %mul3A_1827 = arith.mulf %get3A_1826, %get3A_282 : vector<16xf32>
        %add3A_1828 = arith.addf %add3A_1822, %mul3A_1827 : vector<16xf32>
        %get3A_1829 = arith.index_cast %add3A_1799 : i32 to index
        %get3A_1830 = arith.constant 80 : index
        %get3A_1831 = tpu.vector_load %arg14[%get3A_1829, %get3A_1830] {strides = array<i32>} : memref<64x128xf32, #tpu.memory_space<vmem>>, vector<1x16xf32>,
        %get3A_1832 = vector.shape_cast %get3A_1831 : vector<1x16xf32> to vector<16xf32>
        %mul3A_1833 = arith.mulf %get3A_1832, %get3A_286 : vector<16xf32>
        %add3A_1834 = arith.addf %add3A_1828, %mul3A_1833 : vector<16xf32>
        %get3A_1835 = arith.index_cast %add3A_1799 : i32 to index
        %get3A_1836 = arith.constant 96 : index
        %get3A_1837 = tpu.vector_load %arg14[%get3A_1835, %get3A_1836] {strides = array<i32>} : memref<64x128xf32, #tpu.memory_space<vmem>>, vector<1x16xf32>,
        %get3A_1838 = vector.shape_cast %get3A_1837 : vector<1x16xf32> to vector<16xf32>
        %mul3A_1839 = arith.mulf %get3A_1838, %get3A_290 : vector<16xf32>
        %add3A_1840 = arith.addf %add3A_1834, %mul3A_1839 : vector<16xf32>
        %get3A_1841 = arith.index_cast %add3A_1799 : i32 to index
        %get3A_1842 = arith.constant 112 : index
        %get3A_1843 = tpu.vector_load %arg14[%get3A_1841, %get3A_1842] {strides = array<i32>} : memref<64x128xf32, #tpu.memory_space<vmem>>, vector<1x16xf32>,
        %get3A_1844 = vector.shape_cast %get3A_1843 : vector<1x16xf32> to vector<16xf32>
        %mul3A_1845 = arith.mulf %get3A_1844, %get3A_294 : vector<16xf32>
        %add3A_1846 = arith.addf %add3A_1840, %mul3A_1845 : vector<16xf32>
        %mul3A_1847 = arith.constant 16 : i32
        %mul3A_1848 = arith.muli %scan3A_260, %mul3A_1847 : i32
        %add3A_1849 = arith.constant 13 : i32
        %add3A_1850 = arith.addi %mul3A_1848, %add3A_1849 : i32
        %get3A_1851 = arith.index_cast %add3A_1850 : i32 to index
        %get3A_1852 = arith.constant 0 : index
        %get3A_1853 = tpu.vector_load %arg14[%get3A_1851, %get3A_1852] {strides = array<i32>} : memref<64x128xf32, #tpu.memory_space<vmem>>, vector<1x16xf32>,
        %get3A_1854 = vector.shape_cast %get3A_1853 : vector<1x16xf32> to vector<16xf32>
        %mul3A_1855 = arith.mulf %get3A_1854, %get3A_266 : vector<16xf32>
        %get3A_1856 = arith.index_cast %add3A_1850 : i32 to index
        %get3A_1857 = arith.constant 16 : index
        %get3A_1858 = tpu.vector_load %arg14[%get3A_1856, %get3A_1857] {strides = array<i32>} : memref<64x128xf32, #tpu.memory_space<vmem>>, vector<1x16xf32>,
        %get3A_1859 = vector.shape_cast %get3A_1858 : vector<1x16xf32> to vector<16xf32>
        %mul3A_1860 = arith.mulf %get3A_1859, %get3A_270 : vector<16xf32>
        %add3A_1861 = arith.addf %mul3A_1855, %mul3A_1860 : vector<16xf32>
        %get3A_1862 = arith.index_cast %add3A_1850 : i32 to index
        %get3A_1863 = arith.constant 32 : index
        %get3A_1864 = tpu.vector_load %arg14[%get3A_1862, %get3A_1863] {strides = array<i32>} : memref<64x128xf32, #tpu.memory_space<vmem>>, vector<1x16xf32>,
        %get3A_1865 = vector.shape_cast %get3A_1864 : vector<1x16xf32> to vector<16xf32>
        %mul3A_1866 = arith.mulf %get3A_1865, %get3A_274 : vector<16xf32>
        %add3A_1867 = arith.addf %add3A_1861, %mul3A_1866 : vector<16xf32>
        %get3A_1868 = arith.index_cast %add3A_1850 : i32 to index
        %get3A_1869 = arith.constant 48 : index
        %get3A_1870 = tpu.vector_load %arg14[%get3A_1868, %get3A_1869] {strides = array<i32>} : memref<64x128xf32, #tpu.memory_space<vmem>>, vector<1x16xf32>,
        %get3A_1871 = vector.shape_cast %get3A_1870 : vector<1x16xf32> to vector<16xf32>
        %mul3A_1872 = arith.mulf %get3A_1871, %get3A_278 : vector<16xf32>
        %add3A_1873 = arith.addf %add3A_1867, %mul3A_1872 : vector<16xf32>
        %get3A_1874 = arith.index_cast %add3A_1850 : i32 to index
        %get3A_1875 = arith.constant 64 : index
        %get3A_1876 = tpu.vector_load %arg14[%get3A_1874, %get3A_1875] {strides = array<i32>} : memref<64x128xf32, #tpu.memory_space<vmem>>, vector<1x16xf32>,
        %get3A_1877 = vector.shape_cast %get3A_1876 : vector<1x16xf32> to vector<16xf32>
        %mul3A_1878 = arith.mulf %get3A_1877, %get3A_282 : vector<16xf32>
        %add3A_1879 = arith.addf %add3A_1873, %mul3A_1878 : vector<16xf32>
        %get3A_1880 = arith.index_cast %add3A_1850 : i32 to index
        %get3A_1881 = arith.constant 80 : index
        %get3A_1882 = tpu.vector_load %arg14[%get3A_1880, %get3A_1881] {strides = array<i32>} : memref<64x128xf32, #tpu.memory_space<vmem>>, vector<1x16xf32>,
        %get3A_1883 = vector.shape_cast %get3A_1882 : vector<1x16xf32> to vector<16xf32>
        %mul3A_1884 = arith.mulf %get3A_1883, %get3A_286 : vector<16xf32>
        %add3A_1885 = arith.addf %add3A_1879, %mul3A_1884 : vector<16xf32>
        %get3A_1886 = arith.index_cast %add3A_1850 : i32 to index
        %get3A_1887 = arith.constant 96 : index
        %get3A_1888 = tpu.vector_load %arg14[%get3A_1886, %get3A_1887] {strides = array<i32>} : memref<64x128xf32, #tpu.memory_space<vmem>>, vector<1x16xf32>,
        %get3A_1889 = vector.shape_cast %get3A_1888 : vector<1x16xf32> to vector<16xf32>
        %mul3A_1890 = arith.mulf %get3A_1889, %get3A_290 : vector<16xf32>
        %add3A_1891 = arith.addf %add3A_1885, %mul3A_1890 : vector<16xf32>
        %get3A_1892 = arith.index_cast %add3A_1850 : i32 to index
        %get3A_1893 = arith.constant 112 : index
        %get3A_1894 = tpu.vector_load %arg14[%get3A_1892, %get3A_1893] {strides = array<i32>} : memref<64x128xf32, #tpu.memory_space<vmem>>, vector<1x16xf32>,
        %get3A_1895 = vector.shape_cast %get3A_1894 : vector<1x16xf32> to vector<16xf32>
        %mul3A_1896 = arith.mulf %get3A_1895, %get3A_294 : vector<16xf32>
        %add3A_1897 = arith.addf %add3A_1891, %mul3A_1896 : vector<16xf32>
        %mul3A_1898 = arith.constant 16 : i32
        %mul3A_1899 = arith.muli %scan3A_260, %mul3A_1898 : i32
        %add3A_1900 = arith.constant 14 : i32
        %add3A_1901 = arith.addi %mul3A_1899, %add3A_1900 : i32
        %get3A_1902 = arith.index_cast %add3A_1901 : i32 to index
        %get3A_1903 = arith.constant 0 : index
        %get3A_1904 = tpu.vector_load %arg14[%get3A_1902, %get3A_1903] {strides = array<i32>} : memref<64x128xf32, #tpu.memory_space<vmem>>, vector<1x16xf32>,
        %get3A_1905 = vector.shape_cast %get3A_1904 : vector<1x16xf32> to vector<16xf32>
        %mul3A_1906 = arith.mulf %get3A_1905, %get3A_266 : vector<16xf32>
        %get3A_1907 = arith.index_cast %add3A_1901 : i32 to index
        %get3A_1908 = arith.constant 16 : index
        %get3A_1909 = tpu.vector_load %arg14[%get3A_1907, %get3A_1908] {strides = array<i32>} : memref<64x128xf32, #tpu.memory_space<vmem>>, vector<1x16xf32>,
        %get3A_1910 = vector.shape_cast %get3A_1909 : vector<1x16xf32> to vector<16xf32>
        %mul3A_1911 = arith.mulf %get3A_1910, %get3A_270 : vector<16xf32>
        %add3A_1912 = arith.addf %mul3A_1906, %mul3A_1911 : vector<16xf32>
        %get3A_1913 = arith.index_cast %add3A_1901 : i32 to index
        %get3A_1914 = arith.constant 32 : index
        %get3A_1915 = tpu.vector_load %arg14[%get3A_1913, %get3A_1914] {strides = array<i32>} : memref<64x128xf32, #tpu.memory_space<vmem>>, vector<1x16xf32>,
        %get3A_1916 = vector.shape_cast %get3A_1915 : vector<1x16xf32> to vector<16xf32>
        %mul3A_1917 = arith.mulf %get3A_1916, %get3A_274 : vector<16xf32>
        %add3A_1918 = arith.addf %add3A_1912, %mul3A_1917 : vector<16xf32>
        %get3A_1919 = arith.index_cast %add3A_1901 : i32 to index
        %get3A_1920 = arith.constant 48 : index
        %get3A_1921 = tpu.vector_load %arg14[%get3A_1919, %get3A_1920] {strides = array<i32>} : memref<64x128xf32, #tpu.memory_space<vmem>>, vector<1x16xf32>,
        %get3A_1922 = vector.shape_cast %get3A_1921 : vector<1x16xf32> to vector<16xf32>
        %mul3A_1923 = arith.mulf %get3A_1922, %get3A_278 : vector<16xf32>
        %add3A_1924 = arith.addf %add3A_1918, %mul3A_1923 : vector<16xf32>
        %get3A_1925 = arith.index_cast %add3A_1901 : i32 to index
        %get3A_1926 = arith.constant 64 : index
        %get3A_1927 = tpu.vector_load %arg14[%get3A_1925, %get3A_1926] {strides = array<i32>} : memref<64x128xf32, #tpu.memory_space<vmem>>, vector<1x16xf32>,
        %get3A_1928 = vector.shape_cast %get3A_1927 : vector<1x16xf32> to vector<16xf32>
        %mul3A_1929 = arith.mulf %get3A_1928, %get3A_282 : vector<16xf32>
        %add3A_1930 = arith.addf %add3A_1924, %mul3A_1929 : vector<16xf32>
        %get3A_1931 = arith.index_cast %add3A_1901 : i32 to index
        %get3A_1932 = arith.constant 80 : index
        %get3A_1933 = tpu.vector_load %arg14[%get3A_1931, %get3A_1932] {strides = array<i32>} : memref<64x128xf32, #tpu.memory_space<vmem>>, vector<1x16xf32>,
        %get3A_1934 = vector.shape_cast %get3A_1933 : vector<1x16xf32> to vector<16xf32>
        %mul3A_1935 = arith.mulf %get3A_1934, %get3A_286 : vector<16xf32>
        %add3A_1936 = arith.addf %add3A_1930, %mul3A_1935 : vector<16xf32>
        %get3A_1937 = arith.index_cast %add3A_1901 : i32 to index
        %get3A_1938 = arith.constant 96 : index
        %get3A_1939 = tpu.vector_load %arg14[%get3A_1937, %get3A_1938] {strides = array<i32>} : memref<64x128xf32, #tpu.memory_space<vmem>>, vector<1x16xf32>,
        %get3A_1940 = vector.shape_cast %get3A_1939 : vector<1x16xf32> to vector<16xf32>
        %mul3A_1941 = arith.mulf %get3A_1940, %get3A_290 : vector<16xf32>
        %add3A_1942 = arith.addf %add3A_1936, %mul3A_1941 : vector<16xf32>
        %get3A_1943 = arith.index_cast %add3A_1901 : i32 to index
        %get3A_1944 = arith.constant 112 : index
        %get3A_1945 = tpu.vector_load %arg14[%get3A_1943, %get3A_1944] {strides = array<i32>} : memref<64x128xf32, #tpu.memory_space<vmem>>, vector<1x16xf32>,
        %get3A_1946 = vector.shape_cast %get3A_1945 : vector<1x16xf32> to vector<16xf32>
        %mul3A_1947 = arith.mulf %get3A_1946, %get3A_294 : vector<16xf32>
        %add3A_1948 = arith.addf %add3A_1942, %mul3A_1947 : vector<16xf32>
        %mul3A_1949 = arith.constant 16 : i32
        %mul3A_1950 = arith.muli %scan3A_260, %mul3A_1949 : i32
        %add3A_1951 = arith.constant 15 : i32
        %add3A_1952 = arith.addi %mul3A_1950, %add3A_1951 : i32
        %get3A_1953 = arith.index_cast %add3A_1952 : i32 to index
        %get3A_1954 = arith.constant 0 : index
        %get3A_1955 = tpu.vector_load %arg14[%get3A_1953, %get3A_1954] {strides = array<i32>} : memref<64x128xf32, #tpu.memory_space<vmem>>, vector<1x16xf32>,
        %get3A_1956 = vector.shape_cast %get3A_1955 : vector<1x16xf32> to vector<16xf32>
        %mul3A_1957 = arith.mulf %get3A_1956, %get3A_266 : vector<16xf32>
        %get3A_1958 = arith.index_cast %add3A_1952 : i32 to index
        %get3A_1959 = arith.constant 16 : index
        %get3A_1960 = tpu.vector_load %arg14[%get3A_1958, %get3A_1959] {strides = array<i32>} : memref<64x128xf32, #tpu.memory_space<vmem>>, vector<1x16xf32>,
        %get3A_1961 = vector.shape_cast %get3A_1960 : vector<1x16xf32> to vector<16xf32>
        %mul3A_1962 = arith.mulf %get3A_1961, %get3A_270 : vector<16xf32>
        %add3A_1963 = arith.addf %mul3A_1957, %mul3A_1962 : vector<16xf32>
        %get3A_1964 = arith.index_cast %add3A_1952 : i32 to index
        %get3A_1965 = arith.constant 32 : index
        %get3A_1966 = tpu.vector_load %arg14[%get3A_1964, %get3A_1965] {strides = array<i32>} : memref<64x128xf32, #tpu.memory_space<vmem>>, vector<1x16xf32>,
        %get3A_1967 = vector.shape_cast %get3A_1966 : vector<1x16xf32> to vector<16xf32>
        %mul3A_1968 = arith.mulf %get3A_1967, %get3A_274 : vector<16xf32>
        %add3A_1969 = arith.addf %add3A_1963, %mul3A_1968 : vector<16xf32>
        %get3A_1970 = arith.index_cast %add3A_1952 : i32 to index
        %get3A_1971 = arith.constant 48 : index
        %get3A_1972 = tpu.vector_load %arg14[%get3A_1970, %get3A_1971] {strides = array<i32>} : memref<64x128xf32, #tpu.memory_space<vmem>>, vector<1x16xf32>,
        %get3A_1973 = vector.shape_cast %get3A_1972 : vector<1x16xf32> to vector<16xf32>
        %mul3A_1974 = arith.mulf %get3A_1973, %get3A_278 : vector<16xf32>
        %add3A_1975 = arith.addf %add3A_1969, %mul3A_1974 : vector<16xf32>
        %get3A_1976 = arith.index_cast %add3A_1952 : i32 to index
        %get3A_1977 = arith.constant 64 : index
        %get3A_1978 = tpu.vector_load %arg14[%get3A_1976, %get3A_1977] {strides = array<i32>} : memref<64x128xf32, #tpu.memory_space<vmem>>, vector<1x16xf32>,
        %get3A_1979 = vector.shape_cast %get3A_1978 : vector<1x16xf32> to vector<16xf32>
        %mul3A_1980 = arith.mulf %get3A_1979, %get3A_282 : vector<16xf32>
        %add3A_1981 = arith.addf %add3A_1975, %mul3A_1980 : vector<16xf32>
        %get3A_1982 = arith.index_cast %add3A_1952 : i32 to index
        %get3A_1983 = arith.constant 80 : index
        %get3A_1984 = tpu.vector_load %arg14[%get3A_1982, %get3A_1983] {strides = array<i32>} : memref<64x128xf32, #tpu.memory_space<vmem>>, vector<1x16xf32>,
        %get3A_1985 = vector.shape_cast %get3A_1984 : vector<1x16xf32> to vector<16xf32>
        %mul3A_1986 = arith.mulf %get3A_1985, %get3A_286 : vector<16xf32>
        %add3A_1987 = arith.addf %add3A_1981, %mul3A_1986 : vector<16xf32>
        %get3A_1988 = arith.index_cast %add3A_1952 : i32 to index
        %get3A_1989 = arith.constant 96 : index
        %get3A_1990 = tpu.vector_load %arg14[%get3A_1988, %get3A_1989] {strides = array<i32>} : memref<64x128xf32, #tpu.memory_space<vmem>>, vector<1x16xf32>,
        %get3A_1991 = vector.shape_cast %get3A_1990 : vector<1x16xf32> to vector<16xf32>
        %mul3A_1992 = arith.mulf %get3A_1991, %get3A_290 : vector<16xf32>
        %add3A_1993 = arith.addf %add3A_1987, %mul3A_1992 : vector<16xf32>
        %get3A_1994 = arith.index_cast %add3A_1952 : i32 to index
        %get3A_1995 = arith.constant 112 : index
        %get3A_1996 = tpu.vector_load %arg14[%get3A_1994, %get3A_1995] {strides = array<i32>} : memref<64x128xf32, #tpu.memory_space<vmem>>, vector<1x16xf32>,
        %get3A_1997 = vector.shape_cast %get3A_1996 : vector<1x16xf32> to vector<16xf32>
        %mul3A_1998 = arith.mulf %get3A_1997, %get3A_294 : vector<16xf32>
        %add3A_1999 = arith.addf %add3A_1993, %mul3A_1998 : vector<16xf32>
        %select_n3A_2000 = arith.select %eq3A_90, %add3A_1234, %add3A_1285 : vector<16xi1>, vector<16xf32>
        %select_n3A_2001 = arith.select %eq3A_90, %add3A_1285, %add3A_1234 : vector<16xi1>, vector<16xf32>
        %gather3A_2002 = vector.shape_cast %broadcast_in_dim3A : vector<16x1xi32> to vector<16xi32>
        %gather3A_2003 = tpu.dynamic_gather %select_n3A_2001[%gather3A_2002] in [0] : vector<16xf32>, vector<16xi32> -> vector<16xf32>
        %add3A_2004 = arith.addf %select_n3A_2000, %gather3A_2003 : vector<16xf32>
        %select_n3A_2005 = arith.select %eq3A_90, %add3A_1336, %add3A_1387 : vector<16xi1>, vector<16xf32>
        %select_n3A_2006 = arith.select %eq3A_90, %add3A_1387, %add3A_1336 : vector<16xi1>, vector<16xf32>
        %gather3A_2007 = vector.shape_cast %broadcast_in_dim3A : vector<16x1xi32> to vector<16xi32>
        %gather3A_2008 = tpu.dynamic_gather %select_n3A_2006[%gather3A_2007] in [0] : vector<16xf32>, vector<16xi32> -> vector<16xf32>
        %add3A_2009 = arith.addf %select_n3A_2005, %gather3A_2008 : vector<16xf32>
        %select_n3A_2010 = arith.select %eq3A_90, %add3A_1438, %add3A_1489 : vector<16xi1>, vector<16xf32>
        %select_n3A_2011 = arith.select %eq3A_90, %add3A_1489, %add3A_1438 : vector<16xi1>, vector<16xf32>
        %gather3A_2012 = vector.shape_cast %broadcast_in_dim3A : vector<16x1xi32> to vector<16xi32>
        %gather3A_2013 = tpu.dynamic_gather %select_n3A_2011[%gather3A_2012] in [0] : vector<16xf32>, vector<16xi32> -> vector<16xf32>
        %add3A_2014 = arith.addf %select_n3A_2010, %gather3A_2013 : vector<16xf32>
        %select_n3A_2015 = arith.select %eq3A_90, %add3A_1540, %add3A_1591 : vector<16xi1>, vector<16xf32>
        %select_n3A_2016 = arith.select %eq3A_90, %add3A_1591, %add3A_1540 : vector<16xi1>, vector<16xf32>
        %gather3A_2017 = vector.shape_cast %broadcast_in_dim3A : vector<16x1xi32> to vector<16xi32>
        %gather3A_2018 = tpu.dynamic_gather %select_n3A_2016[%gather3A_2017] in [0] : vector<16xf32>, vector<16xi32> -> vector<16xf32>
        %add3A_2019 = arith.addf %select_n3A_2015, %gather3A_2018 : vector<16xf32>
        %select_n3A_2020 = arith.select %eq3A_90, %add3A_1642, %add3A_1693 : vector<16xi1>, vector<16xf32>
        %select_n3A_2021 = arith.select %eq3A_90, %add3A_1693, %add3A_1642 : vector<16xi1>, vector<16xf32>
        %gather3A_2022 = vector.shape_cast %broadcast_in_dim3A : vector<16x1xi32> to vector<16xi32>
        %gather3A_2023 = tpu.dynamic_gather %select_n3A_2021[%gather3A_2022] in [0] : vector<16xf32>, vector<16xi32> -> vector<16xf32>
        %add3A_2024 = arith.addf %select_n3A_2020, %gather3A_2023 : vector<16xf32>
        %select_n3A_2025 = arith.select %eq3A_90, %add3A_1744, %add3A_1795 : vector<16xi1>, vector<16xf32>
        %select_n3A_2026 = arith.select %eq3A_90, %add3A_1795, %add3A_1744 : vector<16xi1>, vector<16xf32>
        %gather3A_2027 = vector.shape_cast %broadcast_in_dim3A : vector<16x1xi32> to vector<16xi32>
        %gather3A_2028 = tpu.dynamic_gather %select_n3A_2026[%gather3A_2027] in [0] : vector<16xf32>, vector<16xi32> -> vector<16xf32>
        %add3A_2029 = arith.addf %select_n3A_2025, %gather3A_2028 : vector<16xf32>
        %select_n3A_2030 = arith.select %eq3A_90, %add3A_1846, %add3A_1897 : vector<16xi1>, vector<16xf32>
        %select_n3A_2031 = arith.select %eq3A_90, %add3A_1897, %add3A_1846 : vector<16xi1>, vector<16xf32>
        %gather3A_2032 = vector.shape_cast %broadcast_in_dim3A : vector<16x1xi32> to vector<16xi32>
        %gather3A_2033 = tpu.dynamic_gather %select_n3A_2031[%gather3A_2032] in [0] : vector<16xf32>, vector<16xi32> -> vector<16xf32>
        %add3A_2034 = arith.addf %select_n3A_2030, %gather3A_2033 : vector<16xf32>
        %select_n3A_2035 = arith.select %eq3A_90, %add3A_1948, %add3A_1999 : vector<16xi1>, vector<16xf32>
        %select_n3A_2036 = arith.select %eq3A_90, %add3A_1999, %add3A_1948 : vector<16xi1>, vector<16xf32>
        %gather3A_2037 = vector.shape_cast %broadcast_in_dim3A : vector<16x1xi32> to vector<16xi32>
        %gather3A_2038 = tpu.dynamic_gather %select_n3A_2036[%gather3A_2037] in [0] : vector<16xf32>, vector<16xi32> -> vector<16xf32>
        %add3A_2039 = arith.addf %select_n3A_2035, %gather3A_2038 : vector<16xf32>
        %select_n3A_2040 = arith.select %eq3A_96, %add3A_2004, %add3A_2009 : vector<16xi1>, vector<16xf32>
        %select_n3A_2041 = arith.select %eq3A_96, %add3A_2009, %add3A_2004 : vector<16xi1>, vector<16xf32>
        %gather3A_2042 = vector.shape_cast %broadcast_in_dim3A_114 : vector<16x1xi32> to vector<16xi32>
        %gather3A_2043 = tpu.dynamic_gather %select_n3A_2041[%gather3A_2042] in [0] : vector<16xf32>, vector<16xi32> -> vector<16xf32>
        %add3A_2044 = arith.addf %select_n3A_2040, %gather3A_2043 : vector<16xf32>
        %select_n3A_2045 = arith.select %eq3A_96, %add3A_2014, %add3A_2019 : vector<16xi1>, vector<16xf32>
        %select_n3A_2046 = arith.select %eq3A_96, %add3A_2019, %add3A_2014 : vector<16xi1>, vector<16xf32>
        %gather3A_2047 = vector.shape_cast %broadcast_in_dim3A_114 : vector<16x1xi32> to vector<16xi32>
        %gather3A_2048 = tpu.dynamic_gather %select_n3A_2046[%gather3A_2047] in [0] : vector<16xf32>, vector<16xi32> -> vector<16xf32>
        %add3A_2049 = arith.addf %select_n3A_2045, %gather3A_2048 : vector<16xf32>
        %select_n3A_2050 = arith.select %eq3A_96, %add3A_2024, %add3A_2029 : vector<16xi1>, vector<16xf32>
        %select_n3A_2051 = arith.select %eq3A_96, %add3A_2029, %add3A_2024 : vector<16xi1>, vector<16xf32>
        %gather3A_2052 = vector.shape_cast %broadcast_in_dim3A_114 : vector<16x1xi32> to vector<16xi32>
        %gather3A_2053 = tpu.dynamic_gather %select_n3A_2051[%gather3A_2052] in [0] : vector<16xf32>, vector<16xi32> -> vector<16xf32>
        %add3A_2054 = arith.addf %select_n3A_2050, %gather3A_2053 : vector<16xf32>
        %select_n3A_2055 = arith.select %eq3A_96, %add3A_2034, %add3A_2039 : vector<16xi1>, vector<16xf32>
        %select_n3A_2056 = arith.select %eq3A_96, %add3A_2039, %add3A_2034 : vector<16xi1>, vector<16xf32>
        %gather3A_2057 = vector.shape_cast %broadcast_in_dim3A_114 : vector<16x1xi32> to vector<16xi32>
        %gather3A_2058 = tpu.dynamic_gather %select_n3A_2056[%gather3A_2057] in [0] : vector<16xf32>, vector<16xi32> -> vector<16xf32>
        %add3A_2059 = arith.addf %select_n3A_2055, %gather3A_2058 : vector<16xf32>
        %select_n3A_2060 = arith.select %eq3A_102, %add3A_2044, %add3A_2049 : vector<16xi1>, vector<16xf32>
        %select_n3A_2061 = arith.select %eq3A_102, %add3A_2049, %add3A_2044 : vector<16xi1>, vector<16xf32>
        %gather3A_2062 = vector.shape_cast %broadcast_in_dim3A_118 : vector<16x1xi32> to vector<16xi32>
        %gather3A_2063 = tpu.dynamic_gather %select_n3A_2061[%gather3A_2062] in [0] : vector<16xf32>, vector<16xi32> -> vector<16xf32>
        %add3A_2064 = arith.addf %select_n3A_2060, %gather3A_2063 : vector<16xf32>
        %select_n3A_2065 = arith.select %eq3A_102, %add3A_2054, %add3A_2059 : vector<16xi1>, vector<16xf32>
        %select_n3A_2066 = arith.select %eq3A_102, %add3A_2059, %add3A_2054 : vector<16xi1>, vector<16xf32>
        %gather3A_2067 = vector.shape_cast %broadcast_in_dim3A_118 : vector<16x1xi32> to vector<16xi32>
        %gather3A_2068 = tpu.dynamic_gather %select_n3A_2066[%gather3A_2067] in [0] : vector<16xf32>, vector<16xi32> -> vector<16xf32>
        %add3A_2069 = arith.addf %select_n3A_2065, %gather3A_2068 : vector<16xf32>
        %select_n3A_2070 = arith.select %eq3A_108, %add3A_2064, %add3A_2069 : vector<16xi1>, vector<16xf32>
        %select_n3A_2071 = arith.select %eq3A_108, %add3A_2069, %add3A_2064 : vector<16xi1>, vector<16xf32>
        %gather3A_2072 = vector.shape_cast %broadcast_in_dim3A_122 : vector<16x1xi32> to vector<16xi32>
        %gather3A_2073 = tpu.dynamic_gather %select_n3A_2071[%gather3A_2072] in [0] : vector<16xf32>, vector<16xi32> -> vector<16xf32>
        %add3A_2074 = arith.addf %select_n3A_2070, %gather3A_2073 : vector<16xf32>
        %jit3A = arith.constant 4 : i32
        %div3A = arith.divsi %add3A_263, %jit3A : i32
        %sign3A = arith.constant 0 : i32
        %sign3A_2075 = arith.cmpi sgt, %add3A_263, %sign3A : i32
        %sign3A_2076 = arith.extui %sign3A_2075 : i1 to i32
        %sign3A_2077 = arith.constant 0 : i32
        %sign3A_2078 = arith.cmpi slt, %add3A_263, %sign3A_2077 : i32
        %sign3A_2079 = arith.extui %sign3A_2078 : i1 to i32
        %sign3A_2080 = arith.subi %sign3A_2076, %sign3A_2079 : i32
        %sign3A_2081 = arith.constant 0 : i32
        %sign3A_2082 = arith.cmpi sgt, %jit3A, %sign3A_2081 : i32
        %sign3A_2083 = arith.extui %sign3A_2082 : i1 to i32
        %sign3A_2084 = arith.constant 0 : i32
        %sign3A_2085 = arith.cmpi slt, %jit3A, %sign3A_2084 : i32
        %sign3A_2086 = arith.extui %sign3A_2085 : i1 to i32
        %sign3A_2087 = arith.subi %sign3A_2083, %sign3A_2086 : i32
        %ne3A = arith.cmpi ne, %sign3A_2080, %sign3A_2087 : i32
        %rem3A = arith.remsi %add3A_263, %jit3A : i32
        %ne3A_2088 = arith.constant 0 : i32
        %ne3A_2089 = arith.cmpi ne, %rem3A, %ne3A_2088 : i32
        %and3A_2090 = arith.andi %ne3A, %ne3A_2089 : i1
        %sub3A = arith.constant 1 : i32
        %sub3A_2091 = arith.subi %div3A, %sub3A : i32
        %select_n3A_2092 = arith.select %and3A_2090, %sub3A_2091, %div3A : i32
        %jit3A_2093 = arith.constant 4 : i32
        %eq3A_2094 = arith.constant 0 : i32
        %eq3A_2095 = arith.cmpi eq, %jit3A_2093, %eq3A_2094 : i32
        %jit3A_2096 = arith.constant 1 : i32
        %select_n3A_2097 = arith.select %eq3A_2095, %jit3A_2096, %jit3A_2093 : i32
        %rem3A_2098 = arith.remsi %add3A_263, %select_n3A_2097 : i32
        %ne3A_2099 = arith.constant 0 : i32
        %ne3A_2100 = arith.cmpi ne, %rem3A_2098, %ne3A_2099 : i32
        %lt3A_2101 = arith.constant 0 : i32
        %lt3A_2102 = arith.cmpi slt, %rem3A_2098, %lt3A_2101 : i32
        %lt3A_2103 = arith.constant 0 : i32
        %lt3A_2104 = arith.cmpi slt, %select_n3A_2097, %lt3A_2103 : i32
        %ne3A_2105 = arith.xori %lt3A_2102, %lt3A_2104 : i1
        %and3A_2106 = arith.andi %ne3A_2105, %ne3A_2100 : i1
        %add3A_2107 = arith.addi %rem3A_2098, %select_n3A_2097 : i32
        %select_n3A_2108 = arith.select %and3A_2106, %add3A_2107, %rem3A_2098 : i32
        %mul3A_2109 = arith.constant 32 : i32
        %mul3A_2110 = arith.muli %select_n3A_2108, %mul3A_2109 : i32
        %swap3A = arith.index_cast %select_n3A_2092 : i32 to index
        %swap3A_2111 = arith.index_cast %mul3A_2110 : i32 to index
        %swap3A_2112 = tpu.vector_load %arg15[%swap3A, %swap3A_2111] {strides = array<i32>} : memref<8x128xf32, #tpu.memory_space<vmem>>, vector<1x16xf32>,
        %swap3A_2113 = vector.shape_cast %swap3A_2112 : vector<1x16xf32> to vector<16xf32>
        %swap3A_2114 = vector.shape_cast %add3A_1183 : vector<16xf32> to vector<1x16xf32>
        tpu.vector_store %arg15[%swap3A, %swap3A_2111], %swap3A_2114 {strides = array<i32>} : memref<8x128xf32, #tpu.memory_space<vmem>>, vector<1x16xf32>,
        %add3A_2115 = arith.constant 16 : i32
        %add3A_2116 = arith.addi %mul3A_2110, %add3A_2115 : i32
        %swap3A_2117 = arith.index_cast %select_n3A_2092 : i32 to index
        %swap3A_2118 = arith.index_cast %add3A_2116 : i32 to index
        %swap3A_2119 = tpu.vector_load %arg15[%swap3A_2117, %swap3A_2118] {strides = array<i32>} : memref<8x128xf32, #tpu.memory_space<vmem>>, vector<1x16xf32>,
        %swap3A_2120 = vector.shape_cast %swap3A_2119 : vector<1x16xf32> to vector<16xf32>
        %swap3A_2121 = vector.shape_cast %add3A_2074 : vector<16xf32> to vector<1x16xf32>
        tpu.vector_store %arg15[%swap3A_2117, %swap3A_2118], %swap3A_2121 {strides = array<i32>} : memref<8x128xf32, #tpu.memory_space<vmem>>, vector<1x16xf32>,
      }
      %scan3A_250 = arith.constant 4 : i32
      %mul3A_251 = arith.constant 2 : i32
      %mul3A_252 = arith.muli %mul3A_251, %scan3A_130 : i32
      %add3A_253 = arith.constant 3 : i32
      %add3A_254 = arith.addi %mul3A_252, %add3A_253 : i32
      %lt3A_255 = arith.constant 8 : i32
      %lt3A_256 = arith.cmpi slt, %add3A_254, %lt3A_255 : i32
      %convert_element_type3A_257 = arith.extui %lt3A_256 : i1 to i32
      %cond3A_258 = arith.constant 0 : i32
      %cond3A_259 = arith.cmpi ne, %convert_element_type3A_257, %cond3A_258 : i32
      scf.if %cond3A_259 {
        %mul3A_260 = arith.constant 2 : i32
        %mul3A_261 = arith.muli %mul3A_260, %scan3A_130 : i32
        %add3A_262 = arith.constant 3 : i32
        %add3A_263 = arith.addi %mul3A_261, %add3A_262 : i32
        %mul3A_264 = arith.constant 64 : i32
        %mul3A_265 = arith.muli %add3A_263, %mul3A_264 : i32
        %add3A_266 = arith.constant 0 : i32
        %add3A_267 = arith.addi %mul3A_265, %add3A_266 : i32
        %dma_start3A_268 = arith.constant 0 : i32
        %dma_start3A_269 = arith.constant 0 : i32
        %dma_start3A_270 = tpu.memref_slice %arg12[%dma_start3A_268, %dma_start3A_269] : memref<64x128xf32, #tpu.memory_space<vmem>> -> memref<32x128xf32, #tpu.memory_space<vmem>>
        %dma_start3A_271 = tpu.memref_slice %arg8[%add3A_267] : memref<512xi32, #tpu.memory_space<vmem>> -> memref<32xi32, #tpu.memory_space<vmem>>
        %dma_start3A_272 = arith.constant 0 : i32
        %dma_start3A_273 = arith.constant 0 : i32
        %dma_start3A_274 = tpu.memref_slice %arg2[%dma_start3A_272, %dma_start3A_273] : memref<50000x128xf32, #tpu.memory_space<hbm>> -> memref<50000x128xf32, #tpu.memory_space<hbm>>
        tpu.enqueue_indirect_dma source(%dma_start3A_274 : memref<50000x128xf32, #tpu.memory_space<hbm>>) target(%dma_start3A_270 : memref<32x128xf32, #tpu.memory_space<vmem>>) offsets(%dma_start3A_271 : memref<32xi32, #tpu.memory_space<vmem>>) semaphore(%arg21 : memref<!tpu.dma_semaphore, #tpu.memory_space<semaphore_mem>>)
        %add3A_275 = arith.constant 0 : i32
        %add3A_276 = arith.addi %mul3A_265, %add3A_275 : i32
        %dma_start3A_277 = arith.constant 0 : i32
        %dma_start3A_278 = arith.constant 0 : i32
        %dma_start3A_279 = tpu.memref_slice %arg14[%dma_start3A_277, %dma_start3A_278] : memref<64x128xf32, #tpu.memory_space<vmem>> -> memref<32x128xf32, #tpu.memory_space<vmem>>
        %dma_start3A_280 = tpu.memref_slice %arg9[%add3A_276] : memref<512xi32, #tpu.memory_space<vmem>> -> memref<32xi32, #tpu.memory_space<vmem>>
        %dma_start3A_281 = arith.constant 0 : i32
        %dma_start3A_282 = arith.constant 0 : i32
        %dma_start3A_283 = tpu.memref_slice %arg2[%dma_start3A_281, %dma_start3A_282] : memref<50000x128xf32, #tpu.memory_space<hbm>> -> memref<50000x128xf32, #tpu.memory_space<hbm>>
        tpu.enqueue_indirect_dma source(%dma_start3A_283 : memref<50000x128xf32, #tpu.memory_space<hbm>>) target(%dma_start3A_279 : memref<32x128xf32, #tpu.memory_space<vmem>>) offsets(%dma_start3A_280 : memref<32xi32, #tpu.memory_space<vmem>>) semaphore(%arg25 : memref<!tpu.dma_semaphore, #tpu.memory_space<semaphore_mem>>)
        %add3A_284 = arith.constant 32 : i32
        %add3A_285 = arith.addi %mul3A_265, %add3A_284 : i32
        %dma_start3A_286 = arith.constant 32 : i32
        %dma_start3A_287 = arith.constant 0 : i32
        %dma_start3A_288 = tpu.memref_slice %arg12[%dma_start3A_286, %dma_start3A_287] : memref<64x128xf32, #tpu.memory_space<vmem>> -> memref<32x128xf32, #tpu.memory_space<vmem>>
        %dma_start3A_289 = tpu.memref_slice %arg8[%add3A_285] : memref<512xi32, #tpu.memory_space<vmem>> -> memref<32xi32, #tpu.memory_space<vmem>>
        %dma_start3A_290 = arith.constant 0 : i32
        %dma_start3A_291 = arith.constant 0 : i32
        %dma_start3A_292 = tpu.memref_slice %arg2[%dma_start3A_290, %dma_start3A_291] : memref<50000x128xf32, #tpu.memory_space<hbm>> -> memref<50000x128xf32, #tpu.memory_space<hbm>>
        tpu.enqueue_indirect_dma source(%dma_start3A_292 : memref<50000x128xf32, #tpu.memory_space<hbm>>) target(%dma_start3A_288 : memref<32x128xf32, #tpu.memory_space<vmem>>) offsets(%dma_start3A_289 : memref<32xi32, #tpu.memory_space<vmem>>) semaphore(%arg22 : memref<!tpu.dma_semaphore, #tpu.memory_space<semaphore_mem>>)
        %add3A_293 = arith.constant 32 : i32
        %add3A_294 = arith.addi %mul3A_265, %add3A_293 : i32
        %dma_start3A_295 = arith.constant 32 : i32
        %dma_start3A_296 = arith.constant 0 : i32
        %dma_start3A_297 = tpu.memref_slice %arg14[%dma_start3A_295, %dma_start3A_296] : memref<64x128xf32, #tpu.memory_space<vmem>> -> memref<32x128xf32, #tpu.memory_space<vmem>>
        %dma_start3A_298 = tpu.memref_slice %arg9[%add3A_294] : memref<512xi32, #tpu.memory_space<vmem>> -> memref<32xi32, #tpu.memory_space<vmem>>
        %dma_start3A_299 = arith.constant 0 : i32
        %dma_start3A_300 = arith.constant 0 : i32
        %dma_start3A_301 = tpu.memref_slice %arg2[%dma_start3A_299, %dma_start3A_300] : memref<50000x128xf32, #tpu.memory_space<hbm>> -> memref<50000x128xf32, #tpu.memory_space<hbm>>
        tpu.enqueue_indirect_dma source(%dma_start3A_301 : memref<50000x128xf32, #tpu.memory_space<hbm>>) target(%dma_start3A_297 : memref<32x128xf32, #tpu.memory_space<vmem>>) offsets(%dma_start3A_298 : memref<32xi32, #tpu.memory_space<vmem>>) semaphore(%arg26 : memref<!tpu.dma_semaphore, #tpu.memory_space<semaphore_mem>>)
      } else {
      }
    }
    %scan3A_127 = arith.constant 4 : i32
    %mul3A_128 = arith.constant 8 : i32
    %mul3A_129 = arith.muli %add3A, %mul3A_128 : i32
    "tpu.region"() ({
      %run_scoped3A = tpu.sem_alloc : memref<!tpu.dma_semaphore, #tpu.memory_space<semaphore_mem>>
      %dma_start3A_130 = arith.constant 0 : i32
      %dma_start3A_131 = tpu.memref_slice %arg6[%mul3A_129, %dma_start3A_130] : memref<256x128xf32, #tpu.memory_space<hbm>> -> memref<8x128xf32, #tpu.memory_space<hbm>>
      %dma_start3A_132 = arith.constant 0 : i32
      %dma_start3A_133 = tpu.memref_slice %arg6[%mul3A_129, %dma_start3A_132] : memref<256x128xf32, #tpu.memory_space<hbm>> -> memref<8x128xf32, #tpu.memory_space<hbm>>
      tpu.enqueue_dma source(%arg15 : memref<8x128xf32, #tpu.memory_space<vmem>>) target(%dma_start3A_133 : memref<8x128xf32, #tpu.memory_space<hbm>>) target_semaphore(%run_scoped3A : memref<!tpu.dma_semaphore, #tpu.memory_space<semaphore_mem>>)
      %dma_wait3A_134 = arith.constant 0 : i32
      %dma_wait3A_135 = tpu.memref_slice %arg6[%mul3A_129, %dma_wait3A_134] : memref<256x128xf32, #tpu.memory_space<hbm>> -> memref<8x128xf32, #tpu.memory_space<hbm>>
      %dma_wait3A_136 = arith.constant 0 : i32
      %dma_wait3A_137 = tpu.memref_slice %arg6[%mul3A_129, %dma_wait3A_136] : memref<256x128xf32, #tpu.memory_space<hbm>> -> memref<8x128xf32, #tpu.memory_space<hbm>>
      tpu.wait_dma2 semaphore(%run_scoped3A : memref<!tpu.dma_semaphore, #tpu.memory_space<semaphore_mem>>) src(%arg15 : memref<8x128xf32, #tpu.memory_space<vmem>>) dst(%dma_wait3A_137 : memref<8x128xf32, #tpu.memory_space<hbm>>)
      tpu.yield
    }) : () -> ()
    return
  }
}

module attributes {stable_mosaic.version = 14 : i64} {
  func.func @_tc_body(%arg0: memref<256x128xf32, #tpu.memory_space<vmem>>, %arg1: memref<1x1xf32, #tpu.memory_space<smem>>) attributes {dimension_semantics = [], scalar_prefetch = 0 : i64, scratch_operands = 0 : i64, tpu.core_type = #tpu.core_type<tc>} {
    %get3A = arith.constant 0 : index
    %get3A_0 = arith.constant 0 : index
    %get3A_1 = vector.load %arg0[%get3A, %get3A_0] : memref<256x128xf32, #tpu.memory_space<vmem>>, vector<256x128xf32>
    %iota3A = tpu.iota {dimensions = array<i32: 1>} : vector<256x128xi32>
    %and3A = arith.constant 16 : i32
    %and3A_2 = vector.broadcast %and3A : i32 to vector<256x128xi32>
    %and3A_3 = arith.andi %iota3A, %and3A_2 : vector<256x128xi32>
    %eq3A = arith.constant 0 : i32
    %eq3A_4 = vector.broadcast %eq3A : i32 to vector<256x128xi32>
    %eq3A_5 = arith.cmpi eq, %and3A_3, %eq3A_4 : vector<256x128xi32>
    %neg3A = arith.constant 0.000000e+00 : f32
    %neg3A_6 = vector.broadcast %neg3A : f32 to vector<256x128xf32>
    %neg3A_7 = arith.subf %neg3A_6, %get3A_1 : vector<256x128xf32>
    %select_n3A = arith.select %eq3A_5, %neg3A_7, %get3A_1 : vector<256x128xi1>, vector<256x128xf32>
    %max3A = arith.constant 0.000000e+00 : f32
    %max3A_8 = vector.broadcast %max3A : f32 to vector<256x128xf32>
    %max3A_9 = arith.maximumf %select_n3A, %max3A_8 : vector<256x128xf32>
    %abs3A = math.absf %select_n3A : vector<256x128xf32>
    %neg3A_10 = arith.constant 0.000000e+00 : f32
    %neg3A_11 = vector.broadcast %neg3A_10 : f32 to vector<256x128xf32>
    %neg3A_12 = arith.subf %neg3A_11, %abs3A : vector<256x128xf32>
    %exp3A = math.exp %neg3A_12 : vector<256x128xf32>
    %log1p3A = math.log1p %exp3A : vector<256x128xf32>
    %add3A = arith.addf %max3A_9, %log1p3A : vector<256x128xf32>
    %reduce_sum3A = vector.shape_cast %add3A : vector<256x128xf32> to vector<1x256x128xf32>
    %reduce_sum3A_13 = arith.constant dense<0.000000e+00> : vector<1xf32>
    %reduce_sum3A_14 = vector.multi_reduction <add>, %reduce_sum3A, %reduce_sum3A_13 [1, 2] : vector<1x256x128xf32> to vector<1xf32>
    %reduce_sum3A_15 = vector.shape_cast %reduce_sum3A_14 : vector<1xf32> to vector<1x1x1xf32>
    %reduce_sum3A_16 = vector.extract %reduce_sum3A_15[0, 0, 0] : f32 from vector<1x1x1xf32>
    %mul3A = arith.constant 6.250000e-02 : f32
    %mul3A_17 = arith.mulf %reduce_sum3A_16, %mul3A : f32
    %swap3A = arith.constant 0 : index
    %swap3A_18 = arith.constant 0 : index
    %swap3A_19 = memref.load %arg1[%swap3A, %swap3A_18] : memref<1x1xf32, #tpu.memory_space<smem>>
    memref.store %mul3A_17, %arg1[%swap3A, %swap3A_18] : memref<1x1xf32, #tpu.memory_space<smem>>
    return
  }
}

</mosaic_0001>

<sc_bundles>
// kernel: kernel.4.cloned.1.call-start
scs
__scs_entry_jumppad:
0x0: {  	(pc) =	sbr.rel $0x88, $3  }
0x1: {  	(tag) =	ssettag $0x0;
	lr =	simm.s32 $0x1  }
0x2: {  	[smem:$0x3F9D] =	sst lr;
	_ =	strace $0xD0000000  }
0x3: {  	_ = 	snop  }
0x4: {  	_ = 	snop  }
0x5: {  	_ = 	snop  }
0x6: {  	_ = 	snop  }
0x7: {  	_ = 	snop  }
__scs_overlays_trampoline_lowered:
0x8: {  	[smem:$0x3FAC] =	sst s0  }
0x9: {  	[smem:$0x3FAD] =	sst s1  }
0xa: {  	[smem:$0x3FAE] =	sst s2  }
0xb: {  	[smem:$0x3FAF] =	sst s3  }
0xc: {  	[smem:$0x3FB0] =	sst s4  }
0xd: {  	[smem:$0x3FB1] =	sst s5  }
0xe: {  	[smem:$0x3FB2] =	sst s6  }
0xf: {  	[smem:$0x3FB3] =	sst s7  }
0x10: {  	[smem:$0x3FB4] =	sst s8  }
0x11: {  	[smem:$0x3FB5] =	sst s9;
	s0 =	simm.s32 @!p0 $0x0  }
0x12: {  	s1 =	sld [smem:$0x3F9B];
	s0 =	simm.s32 @p0 $0x1  }
0x13: {  	[smem:$0x3FB6] =	sst s0;
	s0 =	simm.s32 @!p1 $0x0  }
0x14: {  	s2 =	sld [smem:$0x3F9A];
	s0 =	simm.s32 @p1 $0x1  }
0x15: {  	[smem:$0x3FB7] =	sst s0;
	s0 =	simm.s32 @!p2 $0x0  }
0x16: {  	s3 =	sld [smem:$0x3FDB];
	s0 =	simm.s32 @p2 $0x1  }
0x17: {  	s4 =	simm.s32 $0x1BF5;
	[smem:$0x3FB9] =	sst s0  }
0x18: {  	s0 =	sld [smem:$0x3F9C];
	_ =	swait.ge [sflag:s4], $0x0  }
0x19: {  	s7 =	sld [smem:$0x3F9D]  }
0x1a: {  	s8 =	sadd.s32 $0xFFFFE003, lr  }
0x1b: {  	s9 =	sadd.s32 $0xFFFFFEF7, lr;
	s5 =	simm.s32 $0xFFFFFFFF;
	p2 =	slt.u32 s8, $0xFFFFF086  }
0x1c: {  	p1 =	slt.u32 s9, $0xF7A;
	s5 =	simm.s32 @!p2 $0x0  }
0x1d: {  	s5 =	simm.s32 @p1 $0x1;
	p0 =	seq.s32 s7, s2  }
0x1e: {  	s7 =	smul.u32 @!p0 $0xF7A, s2;
	p2 =	seq.s32 @!p0 s5, $0x0  }
0x1f: {  	s9 =	smul.u32 $0xF7A, s1;
	s8 =	simm.s32 @!p0 $0x1BF5;
	p2 =	por !p2, p0  }
0x20: {  	[sflag:s8] =	ssyncset.s32 @!p0 $0xFFFFF086;
	s6 =	sadd.s32 @!p0 s3, s7;
	s7 =	simm.s32 @!p0 $0x108  }
0x21: {  	s3 =	sadd.s32 s3, s9;
	s6 =	sadd.s32 @!p0 $0x88, s6;
	s7 =	simm.s32 @p2 $0x1082  }
0x22: {  	[simem:s7], [sflag:s8] =	dma.local @!p0 [hbm:s6], $0xF7A  }
0x23: {  	s9 =	sor.u32 $0xD0000000, s2;
	s6 =	simm.s32 $0x108;
	_ =	swait.ge @!p0 [sflag:s8], $0x0  }
0x24: {  	s3 =	sadd.s32 $0x88, s3;
	s6 =	simm.s32 @!p1 $0x1082;
	[sflag:s4] =	ssyncset.s32 $0xFFFFF086  }
0x25: {  	[simem:s6], [sflag:s4] =	dma.local [hbm:s3], $0xF7A  }
0x26: {  	[smem:$0x3F9D] =	sst s1;
	(tag) =	ssettag s2;
	_ =	strace s9  }
0x27: {  	s1 =	sld [smem:$0x3FAD]  }
0x28: {  	s2 =	sld [smem:$0x3FAE]  }
0x29: {  	s4 =	sld [smem:$0x3FB0]  }
0x2a: {  	p0 =	seq.s32 s5, $0x0;
	s5 =	sld [smem:$0x3FB1]  }
0x2b: {  	s6 =	sld [smem:$0x3FB2]  }
0x2c: {  	s7 =	sld [smem:$0x3FB3]  }
0x2d: {  	s3 =	simm.s32 $0x108;
	s8 =	sld [smem:$0x3FB4]  }
0x2e: {  	s3 =	simm.s32 @!p0 $0x1082;
	s9 =	sld [smem:$0x3FB5]  }
0x2f: {  	lr =	sadd.s32 s0, s3;
	s0 =	sld [smem:$0x3FAC]  }
0x30: {  	s3 =	sld [smem:$0x3FAF]  }
0x31: {  	[smem:$0x3FB8] =	sst s10  }
0x32: {  	s10 =	sld [smem:$0x3FB6];
	_ =	sdelay $0x3  }
0x33: {  	p0 =	seq.s32 s10, $0x1;
	s10 =	sld [smem:$0x3FB8];
	_ =	sdelay $0x3  }
0x34: {  	[smem:$0x3FB8] =	sst s10  }
0x35: {  	s10 =	sld [smem:$0x3FB7];
	_ =	sdelay $0x3  }
0x36: {  	p1 =	seq.s32 s10, $0x1;
	s10 =	sld [smem:$0x3FB8];
	_ =	sdelay $0x3  }
0x37: {  	[smem:$0x3FB8] =	sst s10  }
0x38: {  	s10 =	sld [smem:$0x3FB9]  }
0x39: {  	_ = 	snop;
	(pc) =	sbr.ind lr, $3  }
0x3a: {  	_ = 	snop  }
0x3b: {  	_ = 	snop  }
0x3c: {  	p2 =	seq.s32 s10, $0x1;
	s10 =	sld [smem:$0x3FB8]  }
0x3d: {  	_ =	shalt  }
0x3e: {  	_ =	shalt  }
0x3f: {  	_ =	shalt  }
0x40: {  	_ =	shalt  }
0x41: {  	_ =	shalt  }
0x42: {  	_ =	shalt  }
0x43: {  	_ =	shalt  }
0x44: {  	_ =	shalt  }
0x45: {  	_ =	shalt  }
0x46: {  	_ =	shalt  }
0x47: {  	_ =	shalt  }
0x48: {  	_ =	shalt  }
0x49: {  	_ =	shalt  }
0x4a: {  	_ =	shalt  }
0x4b: {  	_ =	shalt  }
0x4c: {  	_ =	shalt  }
0x4d: {  	_ =	shalt  }
0x4e: {  	_ =	shalt  }
0x4f: {  	_ =	shalt  }
0x50: {  	_ =	shalt  }
0x51: {  	_ =	shalt  }
0x52: {  	_ =	shalt  }
0x53: {  	_ =	shalt  }
0x54: {  	_ =	shalt  }
0x55: {  	_ =	shalt  }
0x56: {  	_ =	shalt  }
0x57: {  	_ =	shalt  }
0x58: {  	_ =	shalt  }
0x59: {  	_ =	shalt  }
0x5a: {  	_ =	shalt  }
0x5b: {  	_ =	shalt  }
0x5c: {  	_ =	shalt  }
0x5d: {  	_ =	shalt  }
0x5e: {  	_ =	shalt  }
0x5f: {  	_ =	shalt  }
0x60: {  	_ =	shalt  }
0x61: {  	_ =	shalt  }
0x62: {  	_ =	shalt  }
0x63: {  	_ =	shalt  }
0x64: {  	_ =	shalt  }
0x65: {  	_ =	shalt  }
0x66: {  	_ =	shalt  }
0x67: {  	_ =	shalt  }
0x68: {  	_ =	shalt  }
0x69: {  	_ =	shalt  }
0x6a: {  	_ =	shalt  }
0x6b: {  	_ =	shalt  }
0x6c: {  	_ =	shalt  }
0x6d: {  	_ =	shalt  }
0x6e: {  	_ =	shalt  }
0x6f: {  	_ =	shalt  }
0x70: {  	_ =	shalt  }
0x71: {  	_ =	shalt  }
0x72: {  	_ =	shalt  }
0x73: {  	_ =	shalt  }
0x74: {  	_ =	shalt  }
0x75: {  	_ =	shalt  }
0x76: {  	_ =	shalt  }
0x77: {  	_ =	shalt  }
0x78: {  	_ =	shalt  }
0x79: {  	_ =	shalt  }
0x7a: {  	_ =	shalt  }
0x7b: {  	_ =	shalt  }
0x7c: {  	_ =	shalt  }
0x7d: {  	_ =	shalt  }
0x7e: {  	_ =	shalt  }
0x7f: {  	_ =	shalt  }
0x80: {  	_ =	shalt  }
0x81: {  	_ =	shalt  }
0x82: {  	_ =	shalt  }
0x83: {  	_ =	shalt  }
0x84: {  	_ =	shalt  }
0x85: {  	_ =	shalt  }
0x86: {  	_ =	shalt  }
0x87: {  	_ =	shalt  }
.Lfunc_end0:
.L_simem_size_0:
called_computation_lowered:
.L_overlay_start_0:
0x88: {  	s2 =	sld [smem:$0x3FD9]  }
0x89: {  	s3 =	sld [smem:$0x3FFE];
	_ =	sdelay $0x1  }
0x8a: {  	s1 =	srdreg.scid  }
0x8b: {  	s0 =	sand.u32 $0x1, s1  }
0x8c: {  	s17 =	sshll.u32 s0, $0xA;
	s2 =	sadd.s32 s3, s2  }
0x8d: {  	s2 =	sadd.s32 s2, s17  }
0x8e: {  	[smem:$0x3FC4] =	sst s2  }
0x8f: {  	_ = 	snop  }
0x90: {  	s2 =	sld [smem:$0x3FC9]  }
0x91: {  	s18 =	sld [smem:$0x3FC8];
	(tm) =	ssettm $0x1  }
0x92: {  	s4 =	sld [smem:$0x3FFB];
	_ =	sdelay $0x3  }
0x93: {  	_ =	strace s4  }
0x94: {  	s4 =	sld [smem:$0x3FFC];
	_ =	sdelay $0x3  }
0x95: {  	_ =	strace s4  }
0x96: {  	s4 =	sld [smem:$0x3FFD];
	_ =	sdelay $0x3  }
0x97: {  	_ =	strace s4  }
0x98: {  	_ =	strace $0x8FFFFFFF  }
0x99: {  	s19 =	sld [smem:$0x3FDB];
	_ =	sdelay $0x1  }
0x9a: {  	s5 =	simm.s32 $_scs_section_size  }
0x9b: {  	s6 =	simm.s32 $_size__tile_overlayer_lowered;
	s7 =	simm.s32 $_tile_overlayer_lowered  }
0x9c: {  	s22 =	simm.s32 $0x1BFF;
	s21 =	sshll.u32 s7, $0x1;
	s4 =	sadd.s32 s5, s19  }
0x9d: {  	s8 =	simm.s32 $0x0;
	s20 =	sshll.u32 s6, $0x1;
	s6 =	sadd.s32 s21, s4  }
0x9e: {  	[timem:s8], [sflag:s22] =	dma.local [hbm:s6], s20  }
0x9f: {  	_ =	swait.ge [sflag:s22], s20  }
0xa0: {  	s5 =	ssub.s32 $0x0, s20;
	[sflag:s22] =	ssyncset.done $0x0  }
0xa1: {  	[sflag:s22] =	ssyncadd.s32 s5;
	_ =	sdelay $0x1  }
0xa2: {  	s23 =	simm.s32 $0x1B8B  }
0xa3: {  	_ =	swait.ge [sflag:s23], $0x1  }
0xa4: {  	[sflag:s23] =	ssyncset.done $0x0  }
0xa5: {  	s25 =	simm.s32 $0x1B8E;
	s24 =	sld [smem:$0x3FFE];
	[sflag:s23] =	ssyncadd.s32 $0xFFFFFFFF  }
0xa6: {  	s26 =	simm.s32 $execute0_lowered;
	[smem:$0x3FD2] =	sst s25  }
0xa7: {  	s6 =	sshll.u32 s26, $0x1;
	_ =	strace $0x80000046;
	[dreg:$0x1] =	wrdreg $0xFFFFFFFF  }
0xa8: {  	s28 =	simm.s32 $_size_execute0_lowered;
	s4 =	sadd.s32 s4, s6;
	[dreg:$0x0] =	wrdreg $0x0  }
0xa9: {  	s6 =	sshll.u32 s28, $0x1;
	[dreg:$0x2] =	wrdreg s4  }
0xaa: {  	[dreg:$0x3] =	wrdreg s6  }
0xab: {  	[dreg:$0x4] =	wrdreg $0xC0  }
0xac: {  	_ =	task [dreg:s8], $0x5FFFF  }
0xad: {  	[dreg:$0x1] =	wrdreg $0xFFFFFFFF  }
0xae: {  	[dreg:$0x0] =	wrdreg $0x60  }
0xaf: {  	[dreg:$0x2] =	wrdreg s2  }
0xb0: {  	[dreg:$0x3] =	wrdreg s18  }
0xb1: {  	[dreg:$0x4] =	wrdreg s24  }
0xb2: {  	[dreg:$0x5] =	wrdreg $0x9  }
0xb3: {  	_ =	task.clear_ibuf [dreg:s8], $0x6FFFF;
	_ =	strace $0x90000046  }
0xb4: {  	s29 =	simm.s32 $0x9;
	_ =	strace $0x80000048  }
0xb5: {  	_ =	swait.ge [sflag:s29], $0x1  }
0xb6: {  	[sflag:s29] =	ssyncadd.s32 $0xFFFFFFFF  }
0xb7: {  	_ =	strace $0x90000048  }
0xb8: {  	_ =	sfence  }
0xb9: {  	s30 =	sld [smem:$0x0];
	_ =	sdelay $0x2  }
0xba: {  	s31 =	sshll.u32 s1, $0xD;
	s1 =	sshrl.u32 s1, $0x2  }
0xbb: {  	s3 =	sand.u32 $0x4000, s31;
	s1 =	sadd.s32 s1, s30  }
0xbc: {  	s0 =	sor.u32 s3, s0;
	s1 =	sshll.u32 s1, $0x11  }
0xbd: {  	s0 =	sor.u32 s1, s0  }
0xbe: {  	s0 =	sadd.s32 $0x8F2B, s0  }
0xbf: {  	[sflag:s0] =	ssyncadd.remote.s32 $0x1  }
0xc0: {  	_ =	sfence.sel $0xFFFF  }
0xc1: {  	[dreg:$0x0] =	wrdreg $0xFFFFFFFF;
	(pc) =	sbr.abs _section_cstart, $3  }
0xc2: {  	[dreg:$0x1] =	wrdreg $0xFFFFFFFF  }
0xc3: {  	_ =	task.clear_ibuf [dreg:s8], $0x2FFFF;
	_ =	strace $0x9FFFFFFF  }
0xc4: {  	(tm) =	ssettm $0x7FFFFFFF  }
0xc5: {  	_ =	shalt  }
tec
execute0_lowered:
.L_overlay_start_1:
0x0: {  	(tag) =	ssettag $0x1  }
0x1: {  	vm0 =	vcmask $0xB08  }
0x2: {  	vm1 =	vcmask $0x300;
	v0 =	vimm.s32 $0xEFCDAB89;
	v1 =	vimm.s32 $0x67452301  }
0x3: {  	v2 =	vimm.s32 $0xDCFE98BA;
	v59 =	vimm.s32 $0x54761032;
	v3 =	vimm.s32 $0xBA98FEDC  }
0x4: {  	v4 =	vimm.s32 $0x32107654;
	vm2 =	vcmask $0x700;
	v60 =	vimm.s32 $0xFEDCBA98  }
0x5: {  	s0 =	rddreg [dreg:$0x0];
	vm0 =	vmor vm1, vm0;
	vm1 =	vcmask $0x1310;
	v0 =	vunpack.c.l.s4.s8 v0  }
0x6: {  	s1 =	rddreg [dreg:$0x1];
	v1 =	vunpack.c.l.s4.s8 v1;
	v58 =	vunpack.c.l.s4.s8 v2;
	v2 =	vunpack.c.l.s4.s8 v59  }
0x7: {  	s2 =	srdreg.scid;
	s3 =	stileid.u32;
	v3 =	vunpack.c.l.s4.s8 v3;
	vm0 =	vmor vm0, vm1;
	vm1 =	vcmask $0x1B18  }
0x8: {  	s4 =	rddreg [dreg:$0x2];
	s11 =	simm.s32 $0x1;
	s12 =	simm.s32 $0x20;
	v4 =	vunpack.c.l.s4.s8 v4;
	vm0 =	vmor vm0, vm1;
	vm1 =	vcmask $0x2320  }
0x9: {  	s14 =	simm.s32 $0x2;
	s15 =	simm.s32 $0x3;
	s23 =	simm.s32 $0x3480;
	v0 =	vunpack.c.0.s8.s32 v0;
	v1 =	vunpack.c.0.s8.s32 v1;
	v2 =	vunpack.c.0.s8.s32 v2  }
0xa: {  	s25 =	simm.s32 $0x7480;
	s28 =	simm.s32 $0x4480;
	s30 =	simm.s32 $0x8480;
	v3 =	vunpack.c.0.s8.s32 v3;
	v4 =	vunpack.c.0.s8.s32 v4;
	vm0 =	vmor vm0, vm1  }
0xb: {  	s31 =	simm.s32 $0x4;
	s13 =	simm.s32 $0x9;
	s16 =	simm.s32 $0x6;
	vm1 =	vcmask $0x2B28;
	v0 =	vcombine.low v1, v0;
	v1 =	vunpack.c.0.s8.s32 v58  }
0xc: {  	v61 =	vimm.s32 $0x76543210;
	s17 =	simm.s32 $0xA;
	s18 =	simm.s32 $0x7;
	s19 =	simm.s32 $0xB;
	vm0 =	vmor vm0, vm1;
	vm1 =	vcmask $0x3330  }
0xd: {  	s21 =	simm.s32 $0xC;
	s2 =	sand.u32 $0x1, s2;
	s5 =	sshll.u32 s3, $0x1;
	v3 =	vcombine.low v4, v3;
	v1 =	vcombine.low v2, v1;
	v2 =	vunpack.c.l.s4.s8 v60  }
0xe: {  	s22 =	simm.s32 $0x0;
	s3 =	simm.s32 $0x0;
	s5 =	sor.u32 s2, s5;
	v4 =	vunpack.c.l.s4.s8 v61;
	vm0 =	vmor vm0, vm1;
	vm1 =	vcmask $0x3B38  }
0xf: {  	[smem:$0x7FF] =	sst s3;
	s2 =	ssub.s32 $0x2, s2;
	s6 =	sshll.u32 s5, $0x6;
	vm0 =	vmor vm0, vm1;
	vm1 =	vcmask $0x1710;
	v2 =	vunpack.c.0.s8.s32 v2  }
.Ltmp0:
0x10: {  	_ =	strace $0x80000047;
	s7 =	sshll.u32 s5, $0x7;
	v4 =	vunpack.c.0.s8.s32 v4;
	vm1 =	vmor vm2, vm1;
	vm2 =	vcmask $0x2720;
	(pc) =	sbr.rel .LBB2_1-.Ltmp0, $4  }
0x11: {  	s8 =	sshrl.u32 s2, $0x1;
	s5 =	sshll.u32 s5, $0x2;
	s6 =	sadd.s32 s6, s4;
	v10 =	vand.u32 $0xF, v3;
	vm1 =	vmor vm1, vm2;
	v63 =	vand.u32 $0xF, v2  }
0x12: {  	s7 =	sadd.s32 s7, s4;
	s2 =	ssub.s32 s2, s8;
	s4 =	sadd.s32 s1, s5;
	[tilespmem:$0x1FFD0] =	vst v10;
	vm2 =	vcmask $0x3730;
	v62 =	vand.u32 $0xF, v1;
	v6 =	vcombine.low v63, v4  }
0x13: {  	vm3 =	vcmask $0xF00;
	s1 =	simm.s32 $0x5;
	s5 =	sadd.s32 $0x600, s6;
	s6 =	sadd.s32 $0xE00, s6;
	vm1 =	vmor vm1, vm2;
	vm2 =	vcmask $0x2F20;
	[tilespmem:$0x1FFF0] =	vst v62  }
0x14: {  	s7 =	sadd.s32 $0x1600, s7;
	s8 =	smax.u32 s2, $0x1;
	s2 =	simm.s32 $0x8;
	v59 =	vand.u32 $0xF, v0;
	vm2 =	vmor vm3, vm2;
	vm3 =	vmmov $0xff;
	[tilespmem:$0x1FFE0] =	vst v6  }
.LBB2_8:
0x15: {  	s22 =	sadd.s32 $0x1, s22  }
0x16: {  	p0 =	sne.s32 s22, s8  }
.Ltmp1:
0x17: {  	s9 =	simm.s32 $0x9480;
	(pc) =	sbr.rel @!p0 .LBB2_9-.Ltmp1, $4  }
0x18: {  	[hbm4b:s7+s3] =	stream.linear.scatter [tilespmem:s9], [sflag:$0xC], $0x400, $0x38;
	[tilespmem:$0x9880] =	vst v63  }
0x19: {  	_ =	swait.ge [sflag:s21], $0x400  }
0x1a: {  	[sflag:s21] =	ssyncset.done $0x0  }
0x1b: {  	[sflag:s21] =	ssyncadd.s32 $0xFFFFFC00  }
.LBB2_1:
0x1c: {  	[tilespmem:s3], [sflag:$0x1] =	stream.linear.gather [hbm4b:s4+s3], $0x20, $0x38;
	[tilespmem:$0x9880] =	vst v63  }
0x1d: {  	s9 =	simm.s32 $0x80  }
0x1e: {  	[tilespmem:s9], [sflag:$0x2] =	stream.linear.gather [hbm4b:s5+s3], $0x200, $0x38;
	[tilespmem:$0x9880] =	vst v63  }
0x1f: {  	s10 =	simm.s32 $0x280  }
0x20: {  	[tilespmem:s10], [sflag:$0x3] =	stream.linear.gather [hbm4b:s6+s3], $0x200, $0x38;
	[tilespmem:$0x9880] =	vst v63  }
0x21: {  	_ =	swait.ge [sflag:s11], $0x20  }
0x22: {  	[sflag:s11] =	ssyncset.done $0x0  }
0x23: {  	s20 =	simm.s32 $0x480;
	[sflag:s11] =	ssyncadd.s32 $0xFFFFFFE0  }
0x24: {  	[tilespmem:s20], [sflag:$0x1] =	stream.indirect.gather [hbm4b:s0+s12], $0x80, s3, s12, $0xb8;
	[tilespmem:$0x9880] =	vst v63  }
0x25: {  	_ =	swait.ge [sflag:s14], $0x200  }
0x26: {  	[sflag:s14] =	ssyncset.done $0x0  }
0x27: {  	[sflag:s14] =	ssyncadd.s32 $0xFFFFFE00  }
0x28: {  	_ =	swait.ge [sflag:s15], $0x200  }
0x29: {  	[sflag:s15] =	ssyncset.done $0x0  }
0x2a: {  	s26 =	simm.s32 $0x1480;
	[sflag:s15] =	ssyncadd.s32 $0xFFFFFE00  }
0x2b: {  	[tilespmem:s26], [sflag:$0x4] =	stream.indirect.gather [hbm4b:s0+s12], $0x80, s9, s12, $0xb8;
	[tilespmem:$0x9880] =	vst v63  }
0x2c: {  	s29 =	simm.s32 $0x5480  }
0x2d: {  	[tilespmem:s29], [sflag:$0x8] =	stream.indirect.gather [hbm4b:s0+s12], $0x80, s10, s12, $0xb8;
	[tilespmem:$0x9880] =	vst v63  }
0x2e: {  	s24 =	simm.s32 $0x2480;
	s20 =	simm.s32 $0xA0  }
0x2f: {  	[tilespmem:s24], [sflag:$0x5] =	stream.indirect.gather [hbm4b:s0+s12], $0x80, s20, s12, $0xb8;
	[tilespmem:$0x9880] =	vst v63  }
0x30: {  	s26 =	simm.s32 $0x2A0;
	s29 =	simm.s32 $0x6480  }
0x31: {  	[tilespmem:s29], [sflag:$0x9] =	stream.indirect.gather [hbm4b:s0+s12], $0x80, s26, s12, $0xb8;
	[tilespmem:$0x9880] =	vst v63  }
0x32: {  	s20 =	simm.s32 $0xC0  }
0x33: {  	[tilespmem:s23], [sflag:$0x6] =	stream.indirect.gather [hbm4b:s0+s12], $0x80, s20, s12, $0xb8;
	[tilespmem:$0x9880] =	vst v63  }
0x34: {  	s24 =	simm.s32 $0x2C0  }
0x35: {  	[tilespmem:s25], [sflag:$0xA] =	stream.indirect.gather [hbm4b:s0+s12], $0x80, s24, s12, $0xb8;
	[tilespmem:$0x9880] =	vst v63  }
0x36: {  	s26 =	simm.s32 $0xE0  }
0x37: {  	[tilespmem:s28], [sflag:$0x7] =	stream.indirect.gather [hbm4b:s0+s12], $0x80, s26, s12, $0xb8;
	[tilespmem:$0x9880] =	vst v63  }
0x38: {  	s29 =	simm.s32 $0x2E0  }
0x39: {  	[tilespmem:s30], [sflag:$0xB] =	stream.indirect.gather [hbm4b:s0+s12], $0x80, s29, s12, $0xb8;
	[tilespmem:$0x9880] =	vst v63  }
0x3a: {  	_ =	swait.ge [sflag:s11], $0x1000  }
0x3b: {  	[sflag:s11] =	ssyncset.done $0x0  }
0x3c: {  	s24 =	simm.s32 $0x0;
	[sflag:s11] =	ssyncadd.s32 $0xFFFFF000  }
.LBB2_2:
0x3d: {  	_ =	swait.ge [sflag:s31], $0x1000  }
0x3e: {  	[sflag:s31] =	ssyncset.done $0x0  }
0x3f: {  	[sflag:s31] =	ssyncadd.s32 $0xFFFFF000  }
0x40: {  	_ =	swait.ge [sflag:s2], $0x1000  }
0x41: {  	[sflag:s2] =	ssyncset.done $0x0  }
0x42: {  	[sflag:s2] =	ssyncadd.s32 $0xFFFFF000  }
0x43: {  	s10 =	sshll.u32 s24, $0xC;
	_ =	swait.ge [sflag:s1], $0x1000  }
0x44: {  	s9 =	sshll.u32 s24, $0x8;
	s10 =	sshra.s32 s10, $0x2;
	[sflag:s1] =	ssyncset.done $0x0  }
0x45: {  	s9 =	sand.u32 $0x3FFFFF00, s9;
	s10 =	sadd.s32 $0x480, s10;
	[sflag:s1] =	ssyncadd.s32 $0xFFFFF000  }
0x46: {  	s9 =	sadd.s32 $0x9480, s9;
	v1 =	vmov s10;
	_ =	swait.ge [sflag:s13], $0x1000  }
0x47: {  	v63 =	vmov s9;
	[sflag:s13] =	ssyncset.done $0x0;
	[tilespmem:$0x1FFB0] =	vst v1  }
0x48: {  	s20 =	simm.s32 $0x0;
	[tilespmem:$0x1FFC0] =	vst v63;
	[sflag:s13] =	ssyncadd.s32 $0xFFFFF000  }
.LBB2_3:
0x49: {  	v0 =	vld [tilespmem:$0x1FFB0];
	s26 =	sshll.u32 s20, $0xB  }
0x4a: {  	v30 =	vld [tilespmem:s26+$0x1480]  }
0x4b: {  	v47 =	vld [tilespmem:s26+$0x1490]  }
0x4c: {  	v48 =	vld [tilespmem:s26+$0x14A0]  }
0x4d: {  	v49 =	vld [tilespmem:s26+$0x14B0]  }
0x4e: {  	v51 =	vld [tilespmem:s26+$0x14C0]  }
0x4f: {  	v52 =	vld [tilespmem:s26+$0x14D0]  }
0x50: {  	v22 =	vld [tilespmem:s26+$0x14E0]  }
0x51: {  	v34 =	vld [tilespmem:s26+$0x14F0]  }
0x52: {  	v54 =	vld [tilespmem:s26+$0x1500]  }
0x53: {  	v56 =	vld [tilespmem:s26+$0x1510]  }
0x54: {  	v60 =	vld [tilespmem:s26+$0x1520]  }
0x55: {  	v63 =	vld [tilespmem:s26+$0x1530]  }
0x56: {  	v5 =	vld [tilespmem:s26+$0x1540]  }
0x57: {  	v2 =	vld [tilespmem:s26+$0x1550]  }
0x58: {  	v20 =	vld [tilespmem:s26+$0x1560]  }
0x59: {  	v31 =	vld [tilespmem:s26+$0x1570]  }
0x5a: {  	v3 =	vld [tilespmem:s26+$0x1580]  }
0x5b: {  	v4 =	vld [tilespmem:s26+$0x1590]  }
0x5c: {  	v15 =	vld [tilespmem:s26+$0x15A0]  }
0x5d: {  	v17 =	vld [tilespmem:s26+$0x15B0]  }
0x5e: {  	v19 =	vld [tilespmem:s26+$0x15C0]  }
0x5f: {  	v23 =	vld [tilespmem:s26+$0x15D0]  }
0x60: {  	v29 =	vld [tilespmem:s26+$0x15E0]  }
0x61: {  	v44 =	vld [tilespmem:s26+$0x15F0]  }
0x62: {  	v1 =	vld [tilespmem:s26+$0x1610]  }
0x63: {  	v14 =	vld [tilespmem:s26+$0x1620]  }
0x64: {  	v16 =	vld [tilespmem:s26+$0x1630]  }
0x65: {  	v18 =	vld [tilespmem:s26+$0x1640]  }
0x66: {  	v21 =	vld [tilespmem:s26+$0x1650]  }
0x67: {  	v26 =	vld [tilespmem:s26+$0x1660]  }
0x68: {  	v38 =	vld [tilespmem:s26+$0x1670]  }
0x69: {  	v27 =	vld [tilespmem:s26+$0x1680]  }
0x6a: {  	v28 =	vld [tilespmem:s26+$0x1690]  }
0x6b: {  	v32 =	vld [tilespmem:s26+$0x16A0]  }
0x6c: {  	v39 =	vld [tilespmem:s26+$0x16B0]  }
0x6d: {  	v53 =	vld [tilespmem:s26+$0x16C0]  }
0x6e: {  	v46 =	vld [tilespmem:s26+$0x16D0]  }
0x6f: {  	v24 =	vld [tilespmem:s26+$0x16E0]  }
0x70: {  	v40 =	vld [tilespmem:s26+$0x16F0]  }
0x71: {  	v25 =	vld [tilespmem:s26+$0x1710]  }
0x72: {  	v33 =	vld [tilespmem:s26+$0x1720]  }
0x73: {  	v35 =	vld [tilespmem:s26+$0x1730]  }
0x74: {  	v42 =	vld [tilespmem:s26+$0x1740]  }
0x75: {  	v43 =	vld [tilespmem:s26+$0x1750]  }
0x76: {  	v61 =	vld [tilespmem:s26+$0x1850]  }
0x77: {  	v36 =	vld [tilespmem:s26+$0x1760]  }
0x78: {  	v41 =	vld [tilespmem:s26+$0x1770]  }
0x79: {  	v50 =	vld [tilespmem:s26+$0x17A0]  }
0x7a: {  	v62 =	vld [tilespmem:s26+$0x17B0]  }
0x7b: {  	[tilespmem:$0x1FCE0] =	vst v61;
	v61 =	vld [tilespmem:s26+$0x1860]  }
0x7c: {  	v58 =	vld [tilespmem:s26+$0x17C0]  }
0x7d: {  	v45 =	vld [tilespmem:s26+$0x17D0]  }
0x7e: {  	v55 =	vld [tilespmem:s26+$0x17E0]  }
0x7f: {  	v57 =	vld [tilespmem:s26+$0x17F0]  }
0x80: {  	[tilespmem:$0x1FD00] =	vst v61;
	v61 =	vld [tilespmem:s26+$0x1870]  }
0x81: {  	v37 =	vld [tilespmem:s26+$0x1810]  }
0x82: {  	[tilespmem:$0x1FC90] =	vst v24;
	v24 =	vld [tilespmem:s26+$0x1700]  }
0x83: {  	[tilespmem:$0x1FCB0] =	vst v40;
	v40 =	vld [tilespmem:s26+$0x1780]  }
0x84: {  	[tilespmem:$0x1FCD0] =	vst v41;
	v41 =	vld [tilespmem:s26+$0x1790]  }
0x85: {  	[tilespmem:$0x1FD70] =	vst v61;
	v61 =	vld [tilespmem:s26+$0x1880]  }
0x86: {  	[tilespmem:$0x1FCA0] =	vst v36;
	v36 =	vld [tilespmem:s26+$0x1800]  }
0x87: {  	s9 =	sshll.u32 s20, $0x9;
	[tilespmem:$0x1FCC0] =	vst v45;
	v45 =	vld [tilespmem:s26+$0x1820]  }
0x88: {  	s9 =	sshra.s32 s9, $0x2;
	[tilespmem:$0x1FD50] =	vst v57;
	v57 =	vld [tilespmem:s26+$0x1840]  }
0x89: {  	v12 =	vld.idx.msk [tilespmem:v0+s9+$0x0 ss:$0x1], $0xffff  }
0x8a: {  	[tilespmem:$0x1FD10] =	vst v61;
	v61 =	vld [tilespmem:s26+$0x1890]  }
0x8b: {  	v13 =	vld.idx.msk [tilespmem:v0+s9+$0x10 ss:$0x1], $0xffff  }
0x8c: {  	v11 =	vld.idx.msk [tilespmem:v0+s9+$0x20 ss:$0x1], $0xffff  }
0x8d: {  	v10 =	vld.idx.msk [tilespmem:v0+s9+$0x30 ss:$0x1], $0xffff  }
0x8e: {  	v9 =	vld.idx.msk [tilespmem:v0+s9+$0x40 ss:$0x1], $0xffff  }
0x8f: {  	[tilespmem:$0x1FD20] =	vst v61;
	v61 =	vld [tilespmem:s26+$0x18A0]  }
0x90: {  	v8 =	vld.idx.msk [tilespmem:v0+s9+$0x50 ss:$0x1], $0xffff;
	v30 =	vmul.f32 v30, v12  }
0x91: {  	v7 =	vld.idx.msk [tilespmem:v0+s9+$0x60 ss:$0x1], $0xffff;
	v47 =	vmul.f32 v47, v13;
	v54 =	vmul.f32 v54, v12  }
0x92: {  	v6 =	vld.idx.msk [tilespmem:v0+s9+$0x70 ss:$0x1], $0xffff;
	v56 =	vmul.f32 v56, v13;
	v3 =	vmul.f32 v3, v12  }
0x93: {  	v0 =	vld [tilespmem:s26+$0x1600];
	v4 =	vmul.f32 v4, v13;
	v40 =	vmul.f32 v40, v12  }
0x94: {  	v41 =	vmul.f32 v41, v13;
	v30 =	vadd.f32 v47, v30;
	v47 =	vmul.f32 v48, v11;
	[tilespmem:$0x1FD60] =	vst v61;
	v61 =	vld [tilespmem:s26+$0x18B0]  }
0x95: {  	[tilespmem:$0x1FCF0] =	vst v55;
	v55 =	vld [tilespmem:s26+$0x1830];
	v48 =	vadd.f32 v56, v54;
	v54 =	vmul.f32 v60, v11;
	v56 =	vmul.f32 v49, v10  }
0x96: {  	v60 =	vld [tilespmem:s26+$0x1A00];
	v49 =	vmul.f32 v63, v10;
	v3 =	vadd.f32 v4, v3;
	v4 =	vmul.f32 v22, v7  }
0x97: {  	v63 =	vld [tilespmem:s26+$0x1A10];
	v22 =	vmul.f32 v16, v10;
	v16 =	vmul.f32 v29, v7  }
0x98: {  	v29 =	vmul.f32 v28, v13;
	v28 =	vadd.f32 v41, v40;
	v41 =	vmul.f32 v57, v9;
	v57 =	vld [tilespmem:s26+$0x1BF0]  }
0x99: {  	v0 =	vmul.f32 v0, v12;
	[tilespmem:$0x1FD90] =	vst v61;
	v61 =	vld [tilespmem:s26+$0x18C0]  }
0x9a: {  	v1 =	vmul.f32 v1, v13;
	v40 =	vmul.f32 v58, v9;
	v58 =	vld [tilespmem:$0x1FCE0]  }
0x9b: {  	v30 =	vadd.f32 v47, v30;
	v48 =	vadd.f32 v54, v48;
	v54 =	vld [tilespmem:s26+$0x1A30]  }
0x9c: {  	v14 =	vmul.f32 v14, v11;
	v0 =	vadd.f32 v1, v0;
	v47 =	vmul.f32 v51, v9;
	v51 =	vld [tilespmem:s26+$0x1A40]  }
0x9d: {  	v30 =	vadd.f32 v56, v30;
	v56 =	vld [tilespmem:s26+$0x1A20]  }
0x9e: {  	v0 =	vadd.f32 v14, v0;
	[tilespmem:$0x1FDB0] =	vst v61;
	v61 =	vld [tilespmem:s26+$0x18D0]  }
0x9f: {  	v5 =	vmul.f32 v5, v9;
	v48 =	vadd.f32 v49, v48;
	v49 =	vmul.f32 v15, v11;
	v15 =	vld [tilespmem:s26+$0x1A70]  }
0xa0: {  	v0 =	vadd.f32 v22, v0;
	v22 =	vmul.f32 v34, v6;
	v34 =	vmul.f32 v21, v8;
	v21 =	vld [tilespmem:s26+$0x1B00]  }
0xa1: {  	v30 =	vadd.f32 v47, v30;
	v47 =	vld [tilespmem:s26+$0x1A50]  }
0xa2: {  	v5 =	vadd.f32 v5, v48;
	v48 =	vld [tilespmem:s26+$0x1A80]  }
0xa3: {  	v52 =	vmul.f32 v52, v8;
	[tilespmem:$0x1FDC0] =	vst v61;
	v61 =	vld [tilespmem:s26+$0x18E0]  }
0xa4: {  	v17 =	vmul.f32 v17, v10;
	v3 =	vadd.f32 v49, v3;
	v49 =	vld [tilespmem:s26+$0x1AA0]  }
0xa5: {  	v2 =	vmul.f32 v2, v8;
	v30 =	vadd.f32 v52, v30;
	v52 =	vld [tilespmem:s26+$0x1A60]  }
0xa6: {  	v3 =	vadd.f32 v17, v3;
	v17 =	vld [tilespmem:s26+$0x1AE0]  }
0xa7: {  	v20 =	vmul.f32 v20, v7;
	v2 =	vadd.f32 v2, v5;
	v5 =	vld [tilespmem:s26+$0x1B80]  }
0xa8: {  	[tilespmem:$0x1FE20] =	vst v61;
	v61 =	vld [tilespmem:s26+$0x18F0]  }
0xa9: {  	v4 =	vadd.f32 v4, v30;
	v30 =	vmul.f32 v19, v9;
	v1 =	vadd.f32 v20, v2;
	v20 =	vld [tilespmem:s26+$0x1AB0]  }
0xaa: {  	v19 =	vmul.f32 v18, v9;
	[tilespmem:$0x1FEB0] =	vst v49;
	v49 =	vld [tilespmem:s26+$0x1AD0]  }
0xab: {  	v3 =	vadd.f32 v30, v3;
	v30 =	vld [tilespmem:s26+$0x1AC0]  }
0xac: {  	v2 =	vadd.f32 v19, v0;
	v19 =	vmul.f32 v26, v7;
	v26 =	vld [tilespmem:s26+$0x1AF0]  }
0xad: {  	[tilespmem:$0x1FE60] =	vst v61;
	v61 =	vld [tilespmem:s26+$0x1900]  }
0xae: {  	v23 =	vmul.f32 v23, v8;
	v0 =	vmul.f32 v44, v6;
	v44 =	vld [tilespmem:s26+$0x1B40]  }
0xaf: {  	[tilespmem:$0x1FEA0] =	vst v52;
	v52 =	vld [tilespmem:s26+$0x1A90]  }
0xb0: {  	v3 =	vadd.f32 v23, v3;
	v23 =	vld [tilespmem:s26+$0x1B10]  }
0xb1: {  	v18 =	vadd.f32 v34, v2;
	v2 =	vld [tilespmem:s26+$0x1C70]  }
0xb2: {  	v27 =	vmul.f32 v27, v12;
	[tilespmem:$0x1FD30] =	vst v61;
	v61 =	vld [tilespmem:s26+$0x1910]  }
0xb3: {  	[tilespmem:$0x1FED0] =	vst v20;
	v20 =	vld [tilespmem:s26+$0x1BB0]  }
0xb4: {  	[tilespmem:$0x1FEF0] =	vst v49;
	v49 =	vadd.f32 v22, v4;
	v4 =	vadd.f32 v29, v27;
	v27 =	vld [tilespmem:s26+$0x1B20]  }
0xb5: {  	v31 =	vmul.f32 v31, v6;
	v29 =	vld [tilespmem:s26+$0x1B50]  }
0xb6: {  	v22 =	vmul.f32 v32, v11;
	v32 =	vmul.f32 v53, v9;
	v53 =	vld [tilespmem:s26+$0x1B60]  }
0xb7: {  	v34 =	vmul.f32 v25, v13;
	[tilespmem:$0x1FD40] =	vst v61;
	v61 =	vld [tilespmem:s26+$0x1920]  }
0xb8: {  	[tilespmem:$0x1FEE0] =	vst v30;
	v30 =	vadd.f32 v31, v1;
	v31 =	vmul.f32 v24, v12;
	v24 =	vmul.f32 v39, v10;
	v39 =	vld [tilespmem:s26+$0x1B70]  }
0xb9: {  	v3 =	vadd.f32 v16, v3;
	v22 =	vadd.f32 v22, v4;
	v4 =	vld [tilespmem:s26+$0x1B90]  }
0xba: {  	v14 =	vadd.f32 v34, v31;
	v31 =	vmul.f32 v38, v6;
	v38 =	vmul.f32 v33, v11;
	v33 =	vld [tilespmem:s26+$0x1B30]  }
0xbb: {  	[tilespmem:$0x1FF00] =	vst v17;
	v17 =	vadd.f32 v0, v3;
	v3 =	vadd.f32 v24, v22;
	v24 =	vld [tilespmem:s26+$0x1BE0]  }
0xbc: {  	v21 =	vmul.f32 v21, v12;
	[tilespmem:$0x1FD80] =	vst v61;
	v61 =	vld [tilespmem:s26+$0x1930]  }
0xbd: {  	v1 =	vadd.f32 v19, v18;
	v23 =	vmul.f32 v23, v13;
	v25 =	vadd.f32 v38, v14;
	v14 =	vld [tilespmem:s26+$0x1BA0]  }
0xbe: {  	v38 =	vmul.f32 v43, v8;
	v43 =	vmul.f32 v37, v13;
	v37 =	vld [tilespmem:$0x1FCA0]  }
0xbf: {  	[tilespmem:$0x1FEC0] =	vst v15;
	v15 =	vadd.f32 v31, v1;
	v31 =	vmul.f32 v50, v11;
	v50 =	vld [tilespmem:$0x1FCD0]  }
0xc0: {  	[tilespmem:$0x1FF10] =	vst v26;
	v26 =	vmul.f32 v35, v10;
	v21 =	vadd.f32 v23, v21;
	v23 =	vld [tilespmem:s26+$0x55C0]  }
0xc1: {  	v35 =	vmul.f32 v42, v9;
	v42 =	vmul.f32 v36, v12;
	[tilespmem:$0x1FDA0] =	vst v61;
	v61 =	vld [tilespmem:s26+$0x1940]  }
0xc2: {  	v3 =	vadd.f32 v32, v3;
	v32 =	vmul.f32 v45, v11;
	v45 =	vld [tilespmem:$0x1FCC0]  }
0xc3: {  	v27 =	vmul.f32 v27, v11;
	v16 =	vadd.f32 v43, v42;
	v42 =	vld [tilespmem:$0x1FCB0]  }
0xc4: {  	v19 =	vadd.f32 v31, v28;
	v31 =	vld [tilespmem:s26+$0x5480]  }
0xc5: {  	v34 =	vmul.f32 v46, v8;
	v27 =	vadd.f32 v27, v21;
	v21 =	vld [tilespmem:s26+$0x55D0]  }
0xc6: {  	[tilespmem:$0x1FDD0] =	vst v61;
	v61 =	vld [tilespmem:s26+$0x1950]  }
0xc7: {  	v46 =	vadd.f32 v34, v3;
	v34 =	vld [tilespmem:$0x1FC90]  }
0xc8: {  	v3 =	vld [tilespmem:s26+$0x1BC0]  }
0xc9: {  	[tilespmem:$0x1FF20] =	vst v39;
	v39 =	vmul.f32 v55, v10;
	v1 =	vadd.f32 v26, v25;
	v18 =	vadd.f32 v32, v16;
	v16 =	vld [tilespmem:s26+$0x1BD0]  }
0xca: {  	v32 =	vld [tilespmem:s26+$0x1C40]  }
0xcb: {  	v1 =	vadd.f32 v35, v1;
	v18 =	vadd.f32 v39, v18;
	[tilespmem:$0x1FDE0] =	vst v61;
	v61 =	vld [tilespmem:s26+$0x1960]  }
0xcc: {  	v36 =	vmul.f32 v62, v10;
	v39 =	vld [tilespmem:$0x1FD00];
	v35 =	vmul.f32 v34, v7  }
0xcd: {  	v1 =	vadd.f32 v38, v1;
	v38 =	vmul.f32 v37, v7;
	v18 =	vadd.f32 v41, v18;
	v41 =	vld [tilespmem:$0x1FD10]  }
0xce: {  	v22 =	vadd.f32 v35, v46;
	v46 =	vmul.f32 v45, v8;
	v45 =	vld [tilespmem:$0x1FD20]  }
0xcf: {  	v19 =	vadd.f32 v36, v19;
	v55 =	vmul.f32 v50, v6;
	v26 =	vadd.f32 v38, v1;
	v35 =	vld [tilespmem:$0x1FCF0]  }
0xd0: {  	[tilespmem:$0x1FE40] =	vst v61;
	v61 =	vld [tilespmem:s26+$0x1970]  }
0xd1: {  	v19 =	vadd.f32 v40, v19;
	v50 =	vadd.f32 v55, v26;
	v55 =	vld [tilespmem:$0x1FD30]  }
0xd2: {  	v43 =	vmul.f32 v42, v6;
	v42 =	vmul.f32 v41, v12;
	v41 =	vld [tilespmem:$0x1FD50]  }
0xd3: {  	v34 =	vadd.f32 v46, v19;
	v46 =	vmul.f32 v45, v13;
	v45 =	vld [tilespmem:$0x1FD60]  }
0xd4: {  	v40 =	vmul.f32 v39, v7;
	v39 =	vld [tilespmem:$0x1FD40]  }
0xd5: {  	v62 =	vmul.f32 v58, v8;
	v33 =	vmul.f32 v33, v10;
	[tilespmem:$0x1FE80] =	vst v61;
	v61 =	vld [tilespmem:s26+$0x1980]  }
0xd6: {  	v58 =	vmul.f32 v55, v12;
	v55 =	vld [tilespmem:$0x1FD70]  }
0xd7: {  	v27 =	vadd.f32 v33, v27;
	v33 =	vmul.f32 v29, v8;
	v29 =	vld [tilespmem:s26+$0x5610];
	v37 =	vadd.f32 v62, v18  }
0xd8: {  	v36 =	vmul.f32 v35, v7;
	v25 =	vadd.f32 v46, v42;
	v42 =	vmul.f32 v41, v6;
	v41 =	vld [tilespmem:$0x1FD90]  }
0xd9: {  	v28 =	vadd.f32 v40, v37;
	v40 =	vmul.f32 v39, v13;
	v39 =	vld [tilespmem:$0x1FD80]  }
0xda: {  	v43 =	vadd.f32 v43, v22;
	v22 =	vadd.f32 v36, v34;
	[tilespmem:$0x1FDF0] =	vst v61;
	v61 =	vld [tilespmem:s26+$0x1990]  }
0xdb: {  	v46 =	vmul.f32 v45, v11;
	v34 =	vadd.f32 v40, v58;
	v58 =	vmul.f32 v55, v6;
	v45 =	vld [tilespmem:$0x1FDA0]  }
0xdc: {  	v1 =	vld [tilespmem:s26+$0x1C00]  }
0xdd: {  	v55 =	vadd.f32 v42, v22;
	v22 =	vadd.f32 v58, v28;
	v58 =	vld [tilespmem:$0x1FDB0]  }
0xde: {  	v40 =	vmul.f32 v39, v11;
	v39 =	vld [tilespmem:$0x1FDC0]  }
0xdf: {  	v25 =	vadd.f32 v46, v25;
	[tilespmem:$0x1FE00] =	vst v61;
	v61 =	vld [tilespmem:s26+$0x19A0]  }
0xe0: {  	v42 =	vmul.f32 v41, v10;
	v34 =	vadd.f32 v40, v34;
	v46 =	vmul.f32 v45, v10;
	v41 =	vld [tilespmem:$0x1FDD0]  }
0xe1: {  	v45 =	vld [tilespmem:s26+$0x54B0]  }
0xe2: {  	v34 =	vadd.f32 v46, v34;
	v46 =	vld [tilespmem:$0x1FDF0]  }
0xe3: {  	v28 =	vmul.f32 v58, v9;
	v58 =	vld [tilespmem:$0x1FE00]  }
0xe4: {  	[tilespmem:$0x1FE10] =	vst v61;
	v61 =	vld [tilespmem:s26+$0x19B0]  }
0xe5: {  	v40 =	vld [tilespmem:s26+$0x54A0]  }
0xe6: {  	v25 =	vadd.f32 v42, v25;
	v35 =	vmul.f32 v41, v9;
	v42 =	vld [tilespmem:$0x1FDE0]  }
0xe7: {  	[tilespmem:$0x1FF40] =	vst v45;
	v45 =	vld [tilespmem:s26+$0x54C0];
	v36 =	vmul.f32 v46, v12;
	v46 =	vmul.f32 v60, v12  }
0xe8: {  	v25 =	vadd.f32 v28, v25;
	v28 =	vmul.f32 v58, v13;
	v58 =	vmul.f32 v63, v13;
	v63 =	vld [tilespmem:$0x1FE10]  }
0xe9: {  	v5 =	vmul.f32 v5, v12;
	[tilespmem:$0x1FE30] =	vst v61;
	v61 =	vld [tilespmem:s26+$0x19C0]  }
0xea: {  	v4 =	vmul.f32 v4, v13;
	v34 =	vadd.f32 v35, v34;
	v35 =	vadd.f32 v58, v46;
	v46 =	vld [tilespmem:s26+$0x54F0]  }
0xeb: {  	v58 =	vld [tilespmem:$0x1FE30]  }
0xec: {  	v4 =	vadd.f32 v4, v5;
	v5 =	vmul.f32 v14, v11;
	[tilespmem:$0x1FF50] =	vst v45;
	v45 =	vmul.f32 v56, v11;
	v56 =	vld [tilespmem:$0x1FE20]  }
0xed: {  	v20 =	vmul.f32 v20, v10;
	v38 =	vld [tilespmem:s26+$0x1C10]  }
0xee: {  	v4 =	vadd.f32 v5, v4;
	v36 =	vadd.f32 v28, v36;
	v28 =	vmul.f32 v63, v11;
	[tilespmem:$0x1FE50] =	vst v61;
	v61 =	vld [tilespmem:s26+$0x19D0]  }
0xef: {  	v39 =	vmul.f32 v39, v8;
	[tilespmem:$0x1FF70] =	vst v46;
	v46 =	vld [tilespmem:$0x1FE40]  }
0xf0: {  	v20 =	vadd.f32 v20, v4;
	v4 =	vld [tilespmem:s26+$0x5660];
	v36 =	vadd.f32 v28, v36;
	v63 =	vmul.f32 v58, v10  }
0xf1: {  	v18 =	vld [tilespmem:s26+$0x1C30];
	[tilespmem:$0x1FF30] =	vst v40;
	v25 =	vadd.f32 v39, v25;
	v40 =	vmul.f32 v42, v8;
	v39 =	vmul.f32 v56, v7  }
0xf2: {  	v56 =	vmul.f32 v54, v10;
	v35 =	vadd.f32 v45, v35;
	v58 =	vadd.f32 v63, v36;
	v63 =	vld [tilespmem:$0x1FE50]  }
0xf3: {  	v26 =	vld [tilespmem:s26+$0x1C50];
	[tilespmem:$0x1FE70] =	vst v61  }
0xf4: {  	v34 =	vadd.f32 v40, v34;
	v40 =	vmul.f32 v46, v7;
	v46 =	vadd.f32 v56, v35;
	v56 =	vld [tilespmem:$0x1FE70]  }
0xf5: {  	v61 =	vld [tilespmem:s26+$0x19E0]  }
0xf6: {  	v3 =	vmul.f32 v3, v9;
	v41 =	vld [tilespmem:s26+$0x54E0]  }
0xf7: {  	v54 =	vld [tilespmem:$0x1FE60];
	v0 =	vmul.f32 v63, v9  }
0xf8: {  	v62 =	vld [tilespmem:s26+$0x1C60];
	v3 =	vadd.f32 v3, v20  }
0xf9: {  	v20 =	vld [tilespmem:s26+$0x56A0];
	v25 =	vadd.f32 v39, v25;
	v39 =	vadd.f32 v0, v58;
	v42 =	vmul.f32 v56, v8  }
0xfa: {  	[tilespmem:$0x1FE90] =	vst v61;
	v58 =	vld [tilespmem:$0x1FE80]  }
0xfb: {  	v1 =	vmul.f32 v1, v12;
	v39 =	vadd.f32 v42, v39;
	v42 =	vld [tilespmem:$0x1FE90]  }
0xfc: {  	v19 =	vld [tilespmem:s26+$0x1C20];
	v38 =	vmul.f32 v38, v13;
	[tilespmem:$0x1FF60] =	vst v41;
	v41 =	vmul.f32 v54, v6  }
0xfd: {  	v51 =	vmul.f32 v51, v9;
	v37 =	vld [tilespmem:s26+$0x5490]  }
0xfe: {  	v44 =	vmul.f32 v44, v9;
	v1 =	vadd.f32 v38, v1;
	v25 =	vadd.f32 v41, v25;
	v61 =	vld [tilespmem:s26+$0x19F0]  }
0xff: {  	v38 =	vld [tilespmem:$0x1FF00];
	v40 =	vadd.f32 v40, v34;
	v34 =	vmul.f32 v58, v6;
	v58 =	vmul.f32 v48, v12  }
0x100: {  	v35 =	vadd.f32 v51, v46;
	v46 =	vld [tilespmem:$0x1FEA0];
	v48 =	vmul.f32 v52, v13;
	v41 =	vmul.f32 v42, v7  }
0x101: {  	v47 =	vmul.f32 v47, v8;
	v27 =	vadd.f32 v44, v27;
	v52 =	vld [tilespmem:$0x1FEB0]  }
0x102: {  	v44 =	vmul.f32 v53, v7;
	v39 =	vadd.f32 v41, v39;
	v41 =	vadd.f32 v48, v58;
	v58 =	vld [tilespmem:$0x1FEC0]  }
0x103: {  	v53 =	vmul.f32 v18, v10;
	v18 =	vld [tilespmem:s26+$0x5650];
	v42 =	vmul.f32 v61, v6  }
0x104: {  	v5 =	vmul.f32 v38, v7;
	v38 =	vld [tilespmem:s26+$0x5670];
	v35 =	vadd.f32 v47, v35  }
0x105: {  	v0 =	vadd.f32 v34, v40;
	v40 =	vmul.f32 v46, v7;
	v39 =	vadd.f32 v42, v39;
	v42 =	vld [tilespmem:$0x1FED0]  }
0x106: {  	v54 =	vld [tilespmem:s26+$0x5540]  }
0x107: {  	v35 =	vadd.f32 v40, v35;
	v48 =	vmul.f32 v52, v11;
	v52 =	vld [tilespmem:$0x1FEE0];
	v61 =	vmul.f32 v58, v6  }
0x108: {  	v60 =	vld [tilespmem:s26+$0x54D0]  }
0x109: {  	v58 =	vadd.f32 v61, v35;
	v61 =	vld [tilespmem:$0x1FEF0]  }
0x10a: {  	v45 =	vld [tilespmem:s26+$0x5510];
	v41 =	vadd.f32 v48, v41;
	v48 =	vmul.f32 v42, v10  }
0x10b: {  	v28 =	vld [tilespmem:s26+$0x5500]  }
0x10c: {  	v47 =	vld [tilespmem:s26+$0x5570];
	v42 =	vmul.f32 v52, v9;
	v41 =	vadd.f32 v48, v41  }
0x10d: {  	v36 =	vld [tilespmem:s26+$0x5520]  }
0x10e: {  	v51 =	vld [tilespmem:s26+$0x5550];
	v41 =	vadd.f32 v42, v41;
	v48 =	vmul.f32 v61, v8  }
0x10f: {  	v63 =	vld [tilespmem:s26+$0x5530];
	v61 =	vadd.f32 v33, v27;
	v33 =	vmul.f32 v19, v11  }
0x110: {  	v56 =	vld [tilespmem:s26+$0x5560];
	v41 =	vadd.f32 v48, v41  }
0x111: {  	[tilespmem:$0x1FF80] =	vst v47;
	v47 =	vld [tilespmem:s26+$0x5580];
	v1 =	vadd.f32 v33, v1  }
0x112: {  	v5 =	vadd.f32 v5, v41;
	v41 =	vld [tilespmem:$0x1FF10]  }
0x113: {  	v32 =	vmul.f32 v32, v9;
	v14 =	vadd.f32 v44, v61;
	v61 =	vadd.f32 v53, v1;
	v53 =	vld [tilespmem:$0x1FF20]  }
0x114: {  	v16 =	vmul.f32 v16, v8;
	v34 =	vld [tilespmem:s26+$0x5590]  }
0x115: {  	v52 =	vld [tilespmem:s26+$0x55F0];
	v27 =	vadd.f32 v32, v61;
	v61 =	vmul.f32 v26, v8  }
0x116: {  	v3 =	vadd.f32 v16, v3;
	v46 =	vld [tilespmem:s26+$0x55A0];
	v33 =	vmul.f32 v24, v7  }
0x117: {  	v2 =	vmul.f32 v2, v6;
	v62 =	vmul.f32 v62, v7;
	v40 =	vld [tilespmem:s26+$0x55B0];
	v61 =	vadd.f32 v61, v27  }
0x118: {  	v35 =	vld [tilespmem:s26+$0x55E0];
	v3 =	vadd.f32 v33, v3;
	v44 =	vmul.f32 v41, v6;
	v32 =	vmul.f32 v53, v6  }
0x119: {  	v42 =	vld [tilespmem:s26+$0x5630];
	v41 =	vsel vm0, v30, v49;
	v16 =	vadd.f32 v62, v61;
	v62 =	vsel vm0, v49, v30  }
0x11a: {  	[tilespmem:$0x1FF90] =	vst v52;
	v52 =	vld [tilespmem:s26+$0x5600];
	v30 =	vsel vm0, v50, v43;
	v53 =	vadd.f32 v44, v5;
	v5 =	vmul.f32 v57, v6  }
0x11b: {  	v19 =	vld [tilespmem:s26+$0x5640];
	v43 =	vsel vm0, v43, v50;
	v14 =	vadd.f32 v32, v14;
	v32 =	vsel vm0, v22, v55  }
0x11c: {  	v48 =	vld [tilespmem:s26+$0x5620];
	v22 =	vsel vm0, v55, v22;
	v2 =	vadd.f32 v2, v16;
	v61 =	vadd.f32 v5, v3  }
0x11d: {  	v1 =	vld [tilespmem:s26+$0x5680];
	v5 =	vsel vm0, v15, v17;
	v3 =	vperm.xlane v30, v59;
	v55 =	vsel vm0, v14, v53  }
0x11e: {  	v33 =	vld [tilespmem:s26+$0x56C0];
	v14 =	vsel vm0, v53, v14;
	v49 =	vperm.xlane v5, v59;
	v5 =	vsel vm0, v0, v25  }
0x11f: {  	v26 =	vld [tilespmem:s26+$0x5690];
	v0 =	vsel vm0, v25, v0;
	v25 =	vperm.xlane v55, v59;
	v24 =	vadd.f32 v3, v43  }
0x120: {  	v27 =	vld [tilespmem:s26+$0x56E0];
	v43 =	vsel vm0, v58, v39;
	v39 =	vsel vm0, v39, v58;
	v58 =	vsel vm0, v2, v61  }
0x121: {  	v50 =	vld [tilespmem:s26+$0x5720];
	v25 =	vadd.f32 v25, v14;
	v14 =	vperm.xlane v58, v59  }
0x122: {  	v44 =	vld [tilespmem:s26+$0x56B0];
	v2 =	vsel vm0, v61, v2  }
0x123: {  	v57 =	vperm.xlane v41, v59;
	v2 =	vadd.f32 v14, v2;
	v14 =	vld [tilespmem:$0x1FFF0]  }
0x124: {  	v41 =	vld [tilespmem:s26+$0x56D0];
	v15 =	vsel vm0, v17, v15  }
0x125: {  	v16 =	vadd.f32 v57, v62;
	v62 =	vld [tilespmem:s26+$0x56F0];
	v15 =	vadd.f32 v49, v15  }
0x126: {  	v57 =	vld [tilespmem:s26+$0x5700]  }
0x127: {  	v17 =	vperm.xlane v32, v59;
	v32 =	vld [tilespmem:s26+$0x5730];
	v61 =	vsel vm1, v15, v16  }
0x128: {  	v30 =	vld [tilespmem:s26+$0x5740];
	v3 =	vperm.xlane v5, v59;
	v14 =	vperm.xlane v61, v14  }
0x129: {  	v17 =	vadd.f32 v17, v22;
	v22 =	vld [tilespmem:s26+$0x5760];
	v15 =	vsel vm1, v16, v15  }
0x12a: {  	v0 =	vadd.f32 v3, v0;
	v3 =	vperm.xlane v43, v59;
	v14 =	vadd.f32 v14, v15;
	v15 =	vld [tilespmem:$0x1FFF0]  }
0x12b: {  	v5 =	vld [tilespmem:s26+$0x5770]  }
0x12c: {  	v49 =	vld [tilespmem:s26+$0x5710];
	v39 =	vadd.f32 v3, v39  }
0x12d: {  	v58 =	vld [tilespmem:s26+$0x5780]  }
0x12e: {  	v43 =	vld [tilespmem:s26+$0x5750];
	v55 =	vsel vm1, v17, v24;
	v3 =	vsel vm1, v24, v17;
	v24 =	vsel vm1, v39, v0  }
0x12f: {  	v61 =	vld [tilespmem:$0x1FFF0];
	v24 =	vperm.xlane v24, v15  }
0x130: {  	v15 =	vmul.f32 v28, v12;
	v28 =	vmul.f32 v45, v13;
	v45 =	vld [tilespmem:$0x1FF30]  }
0x131: {  	v17 =	vmul.f32 v31, v12;
	v31 =	vmul.f32 v37, v13;
	v37 =	vld [tilespmem:s26+$0x57C0]  }
0x132: {  	v15 =	vadd.f32 v28, v15;
	v28 =	vld [tilespmem:$0x1FFF0]  }
0x133: {  	v17 =	vadd.f32 v31, v17;
	v31 =	vld [tilespmem:s26+$0x57E0]  }
0x134: {  	v53 =	vperm.xlane v55, v61;
	v61 =	vld [tilespmem:s26+$0x5790]  }
0x135: {  	v0 =	vsel vm1, v0, v39;
	v55 =	vld [tilespmem:s26+$0x57A0];
	v39 =	vmul.f32 v45, v11  }
0x136: {  	v36 =	vmul.f32 v36, v11;
	v16 =	vadd.f32 v53, v3;
	v53 =	vld [tilespmem:s26+$0x57B0];
	v45 =	vsel vm1, v2, v25  }
0x137: {  	v2 =	vsel vm1, v25, v2;
	v45 =	vperm.xlane v45, v28;
	v25 =	vadd.f32 v39, v17;
	v39 =	vld [tilespmem:$0x1FF40]  }
0x138: {  	v3 =	vmul.f32 v54, v9;
	v54 =	vld [tilespmem:s26+$0x5830];
	v0 =	vadd.f32 v24, v0  }
0x139: {  	v17 =	vadd.f32 v45, v2;
	v2 =	vadd.f32 v36, v15;
	v15 =	vmul.f32 v63, v10;
	v63 =	vld [tilespmem:$0x1FF50]  }
0x13a: {  	v24 =	vld [tilespmem:s26+$0x57D0]  }
0x13b: {  	[tilespmem:$0x1FFA0] =	vst v0;
	v0 =	vld [tilespmem:s26+$0x5800]  }
0x13c: {  	v28 =	vld [tilespmem:s26+$0x57F0];
	v39 =	vmul.f32 v39, v10  }
0x13d: {  	v29 =	vmul.f32 v29, v13;
	v36 =	vld [tilespmem:s26+$0x5810];
	v45 =	vmul.f32 v60, v8;
	v2 =	vadd.f32 v15, v2  }
0x13e: {  	v60 =	vld [tilespmem:s26+$0x5820];
	v25 =	vadd.f32 v39, v25;
	v39 =	vmul.f32 v63, v9;
	v63 =	vmul.f32 v52, v12  }
0x13f: {  	v51 =	vmul.f32 v51, v8;
	v2 =	vadd.f32 v3, v2;
	v3 =	vmul.f32 v40, v10;
	v40 =	vld [tilespmem:s26+$0x5880]  }
0x140: {  	v15 =	vadd.f32 v29, v63;
	v63 =	vld [tilespmem:$0x1FF60]  }
0x141: {  	v56 =	vmul.f32 v56, v7;
	v52 =	vld [tilespmem:s26+$0x5850];
	v2 =	vadd.f32 v51, v2  }
0x142: {  	v34 =	vmul.f32 v34, v13;
	v25 =	vadd.f32 v39, v25;
	v39 =	vmul.f32 v47, v12;
	v47 =	vld [tilespmem:s26+$0x5840]  }
0x143: {  	v23 =	vmul.f32 v23, v9;
	v29 =	vmul.f32 v48, v11;
	v2 =	vadd.f32 v56, v2;
	v56 =	vld [tilespmem:$0x1FF70]  }
0x144: {  	v25 =	vadd.f32 v45, v25;
	v34 =	vadd.f32 v34, v39;
	v39 =	vmul.f32 v46, v11;
	v45 =	vld [tilespmem:s26+$0x5860]  }
0x145: {  	v46 =	vld [tilespmem:s26+$0x5870];
	v15 =	vadd.f32 v29, v15;
	v48 =	vmul.f32 v63, v7;
	v63 =	vmul.f32 v42, v10  }
0x146: {  	v21 =	vmul.f32 v21, v8;
	v38 =	vmul.f32 v38, v6;
	v29 =	vld [tilespmem:s26+$0x58B0]  }
0x147: {  	v19 =	vmul.f32 v19, v9;
	v34 =	vadd.f32 v39, v34;
	v15 =	vadd.f32 v63, v15;
	v63 =	vld [tilespmem:$0x1FF80]  }
0x148: {  	v1 =	vmul.f32 v1, v12;
	v27 =	vmul.f32 v27, v7;
	v39 =	vld [tilespmem:s26+$0x58A0]  }
0x149: {  	v62 =	vmul.f32 v62, v6;
	v22 =	vmul.f32 v22, v7;
	v42 =	vld [tilespmem:s26+$0x5890];
	v34 =	vadd.f32 v3, v34  }
0x14a: {  	v5 =	vmul.f32 v5, v6;
	v58 =	vmul.f32 v58, v12;
	v3 =	vld [tilespmem:s26+$0x58D0]  }
0x14b: {  	v25 =	vadd.f32 v48, v25;
	v48 =	vmul.f32 v56, v6;
	v23 =	vadd.f32 v23, v34;
	v34 =	vld [tilespmem:s26+$0x58C0]  }
0x14c: {  	v55 =	vmul.f32 v55, v11;
	v56 =	vadd.f32 v19, v15;
	v15 =	vld [tilespmem:s26+$0x58E0];
	v51 =	vmul.f32 v63, v6  }
0x14d: {  	v63 =	vmul.f32 v18, v8;
	v18 =	vadd.f32 v48, v25;
	v25 =	vmul.f32 v57, v12;
	v57 =	vld [tilespmem:$0x1FF90]  }
0x14e: {  	v24 =	vmul.f32 v24, v8;
	v21 =	vadd.f32 v21, v23;
	v48 =	vmul.f32 v35, v7;
	v35 =	vld [tilespmem:s26+$0x5960]  }
0x14f: {  	v19 =	vadd.f32 v51, v2;
	v51 =	vadd.f32 v63, v56;
	v56 =	vmul.f32 v4, v7;
	v4 =	vld [tilespmem:s26+$0x58F0]  }
0x150: {  	v0 =	vmul.f32 v0, v12;
	v63 =	vmul.f32 v26, v13;
	v26 =	vld [tilespmem:s26+$0x5900]  }
0x151: {  	v28 =	vmul.f32 v28, v6;
	v21 =	vadd.f32 v48, v21;
	v48 =	vld [tilespmem:s26+$0x5910];
	v2 =	vadd.f32 v56, v51  }
0x152: {  	v56 =	vmul.f32 v49, v13;
	v1 =	vadd.f32 v63, v1;
	v63 =	vmul.f32 v20, v11;
	v51 =	vld [tilespmem:s26+$0x5920]  }
0x153: {  	v49 =	vmul.f32 v57, v6;
	v57 =	vmul.f32 v44, v10;
	v44 =	vld [tilespmem:s26+$0x5940]  }
0x154: {  	v25 =	vadd.f32 v56, v25;
	v56 =	vmul.f32 v50, v11;
	v50 =	vld [tilespmem:s26+$0x5930];
	v1 =	vadd.f32 v63, v1  }
0x155: {  	v20 =	vadd.f32 v49, v21;
	v21 =	vadd.f32 v38, v2;
	v38 =	vmul.f32 v32, v10;
	v32 =	vld [tilespmem:s26+$0x5950]  }
0x156: {  	v49 =	vmul.f32 v33, v9;
	v33 =	vmul.f32 v41, v8;
	v41 =	vld [tilespmem:s26+$0x59A0];
	v63 =	vadd.f32 v56, v25  }
0x157: {  	v3 =	vmul.f32 v3, v8;
	v1 =	vadd.f32 v57, v1;
	v57 =	vmul.f32 v43, v8;
	v43 =	vld [tilespmem:s26+$0x5980]  }
0x158: {  	v15 =	vmul.f32 v15, v7;
	v56 =	vmul.f32 v30, v9;
	v30 =	vld [tilespmem:s26+$0x59B0];
	v2 =	vadd.f32 v38, v63  }
0x159: {  	v4 =	vmul.f32 v4, v6;
	v25 =	vld [tilespmem:s26+$0x59F0];
	v1 =	vadd.f32 v49, v1;
	v63 =	vmul.f32 v61, v13  }
0x15a: {  	v38 =	vld [tilespmem:s26+$0x5970];
	v49 =	vmul.f32 v36, v13;
	v61 =	vmul.f32 v47, v9;
	v2 =	vadd.f32 v56, v2  }
0x15b: {  	v36 =	vld [tilespmem:s26+$0x5990];
	v23 =	vadd.f32 v63, v58;
	v56 =	vmul.f32 v60, v11;
	v58 =	vmul.f32 v54, v10  }
0x15c: {  	v47 =	vld [tilespmem:s26+$0x5A70];
	v1 =	vadd.f32 v33, v1;
	v60 =	vmul.f32 v37, v9;
	v63 =	vmul.f32 v52, v8  }
0x15d: {  	v0 =	vadd.f32 v49, v0;
	v49 =	vld [tilespmem:s26+$0x59C0];
	v54 =	vmul.f32 v51, v11;
	v32 =	vmul.f32 v32, v8  }
0x15e: {  	v33 =	vld [tilespmem:s26+$0x59E0];
	v2 =	vadd.f32 v57, v2;
	v23 =	vadd.f32 v55, v23;
	v57 =	vmul.f32 v53, v10  }
0x15f: {  	v52 =	vld [tilespmem:s26+$0x5A10];
	v25 =	vmul.f32 v25, v6;
	v0 =	vadd.f32 v56, v0;
	v1 =	vadd.f32 v27, v1  }
0x160: {  	v56 =	vmul.f32 v31, v7;
	v31 =	vld [tilespmem:s26+$0x5A20];
	v36 =	vmul.f32 v36, v13;
	v23 =	vadd.f32 v57, v23  }
0x161: {  	v37 =	vld [tilespmem:s26+$0x5A90];
	v38 =	vmul.f32 v38, v6;
	v2 =	vadd.f32 v22, v2;
	v0 =	vadd.f32 v58, v0  }
0x162: {  	v53 =	vld [tilespmem:s26+$0x59D0];
	v22 =	vadd.f32 v62, v1;
	v57 =	vmul.f32 v45, v7;
	v58 =	vmul.f32 v40, v12  }
0x163: {  	v27 =	vld [tilespmem:s26+$0x5A00];
	v62 =	vmul.f32 v48, v13;
	v48 =	vmul.f32 v46, v6;
	v23 =	vadd.f32 v60, v23  }
0x164: {  	v40 =	vld [tilespmem:s26+$0x5A40];
	v0 =	vadd.f32 v61, v0;
	v60 =	vmul.f32 v42, v13;
	v61 =	vmul.f32 v26, v12  }
0x165: {  	v45 =	vld [tilespmem:s26+$0x5AD0];
	v51 =	vmul.f32 v31, v11;
	v55 =	vadd.f32 v24, v23;
	v23 =	vadd.f32 v5, v2  }
0x166: {  	v42 =	vld [tilespmem:s26+$0x5A50];
	v0 =	vadd.f32 v63, v0;
	v24 =	vadd.f32 v60, v58;
	v63 =	vmul.f32 v39, v11  }
0x167: {  	v31 =	vld [tilespmem:s26+$0x5AF0];
	v26 =	vadd.f32 v62, v61;
	v58 =	vmul.f32 v34, v9;
	v60 =	vmul.f32 v44, v9  }
0x168: {  	v5 =	vld [tilespmem:s26+$0x5A30];
	v61 =	vmul.f32 v43, v12;
	v62 =	vmul.f32 v27, v12;
	v1 =	vadd.f32 v56, v55  }
0x169: {  	v39 =	vld [tilespmem:s26+$0x5A60];
	v0 =	vadd.f32 v57, v0;
	v24 =	vadd.f32 v63, v24;
	v55 =	vmul.f32 v29, v10  }
0x16a: {  	v43 =	vld [tilespmem:s26+$0x5AC0];
	v56 =	vadd.f32 v54, v26;
	v57 =	vmul.f32 v50, v10;
	v63 =	vmul.f32 v52, v13  }
0x16b: {  	v34 =	vld [tilespmem:s26+$0x5AA0];
	v50 =	vmul.f32 v41, v11;
	v1 =	vadd.f32 v28, v1;
	v2 =	vadd.f32 v48, v0  }
0x16c: {  	v44 =	vld [tilespmem:s26+$0x5AB0];
	v52 =	vmul.f32 v30, v10;
	v24 =	vadd.f32 v55, v24;
	v0 =	vadd.f32 v57, v56  }
0x16d: {  	v29 =	vld [tilespmem:s26+$0x5A80];
	v48 =	vadd.f32 v36, v61;
	v55 =	vmul.f32 v35, v7;
	v61 =	vmul.f32 v40, v9  }
0x16e: {  	v54 =	vld [tilespmem:s26+$0x5B00];
	v26 =	vadd.f32 v63, v62;
	v62 =	vmul.f32 v53, v8;
	v63 =	vmul.f32 v42, v8  }
0x16f: {  	v41 =	vld [tilespmem:s26+$0x5C20];
	v5 =	vmul.f32 v5, v10;
	v42 =	vmul.f32 v43, v9;
	v24 =	vadd.f32 v58, v24  }
0x170: {  	v56 =	vld [tilespmem:s26+$0x5B10];
	v0 =	vadd.f32 v60, v0;
	v26 =	vadd.f32 v51, v26;
	v58 =	vmul.f32 v49, v9  }
0x171: {  	v35 =	vld [tilespmem:s26+$0x5B40];
	v49 =	vmul.f32 v39, v7;
	v51 =	vmul.f32 v37, v13;
	v37 =	vsel vm0, v20, v21  }
0x172: {  	v40 =	vld [tilespmem:s26+$0x5B50];
	v39 =	vsel vm0, v2, v1;
	v1 =	vsel vm0, v1, v2;
	v3 =	vadd.f32 v3, v24  }
0x173: {  	v43 =	vld [tilespmem:s26+$0x5BB0];
	v53 =	vmul.f32 v54, v12;
	v0 =	vadd.f32 v32, v0;
	v24 =	vadd.f32 v50, v48  }
0x174: {  	v60 =	vld [tilespmem:s26+$0x5B20];
	v5 =	vadd.f32 v5, v26;
	v48 =	vmul.f32 v33, v7;
	v50 =	vmul.f32 v29, v12  }
0x175: {  	v54 =	vld [tilespmem:s26+$0x5B90];
	v27 =	vmul.f32 v56, v13;
	v3 =	vadd.f32 v15, v3;
	v57 =	vadd.f32 v52, v24  }
0x176: {  	v32 =	vld [tilespmem:s26+$0x5B30];
	v35 =	vmul.f32 v35, v9;
	v0 =	vadd.f32 v55, v0;
	v5 =	vadd.f32 v61, v5  }
0x177: {  	v56 =	vld [tilespmem:s26+$0x5C00];
	v55 =	vmul.f32 v34, v11;
	v61 =	vmul.f32 v44, v10;
	v34 =	vsel vm0, v21, v20  }
0x178: {  	v52 =	vld [tilespmem:s26+$0x5B80];
	v26 =	vadd.f32 v27, v53;
	v53 =	vmul.f32 v43, v10;
	v15 =	vadd.f32 v58, v57  }
0x179: {  	v24 =	vld [tilespmem:s26+$0x5B60];
	v3 =	vadd.f32 v4, v3;
	v0 =	vadd.f32 v38, v0;
	v57 =	vmul.f32 v47, v6  }
0x17a: {  	v36 =	vld [tilespmem:s26+$0x5AE0];
	v5 =	vadd.f32 v63, v5;
	v58 =	vmul.f32 v60, v11;
	v30 =	vmul.f32 v54, v13  }
0x17b: {  	v60 =	vld [tilespmem:s26+$0x5C10];
	v38 =	vsel vm0, v22, v23;
	v63 =	vmul.f32 v32, v10;
	v46 =	vadd.f32 v62, v15  }
0x17c: {  	v47 =	vld [tilespmem:s26+$0x5BC0];
	v5 =	vadd.f32 v49, v5;
	v15 =	vadd.f32 v51, v50;
	v50 =	vmul.f32 v45, v8  }
0x17d: {  	v54 =	vld [tilespmem:s26+$0x5C50];
	v26 =	vadd.f32 v58, v26;
	v44 =	vmul.f32 v52, v12;
	v12 =	vmul.f32 v56, v12  }
0x17e: {  	v62 =	vld [tilespmem:s26+$0x5BA0];
	v52 =	vmul.f32 v40, v8;
	v24 =	vmul.f32 v24, v7;
	v40 =	vsel vm0, v0, v3  }
0x17f: {  	v49 =	vld [tilespmem:s26+$0x5C40];
	v0 =	vsel vm0, v3, v0;
	v4 =	vadd.f32 v48, v46;
	v15 =	vadd.f32 v55, v15  }
0x180: {  	v51 =	vld [tilespmem:s26+$0x5BD0];
	v5 =	vadd.f32 v57, v5;
	v26 =	vadd.f32 v63, v26;
	v13 =	vmul.f32 v60, v13  }
0x181: {  	v58 =	vld [tilespmem:s26+$0x5C60];
	v27 =	vadd.f32 v30, v44;
	v60 =	vmul.f32 v36, v7;
	v4 =	vadd.f32 v25, v4  }
0x182: {  	v46 =	vld [tilespmem:s26+$0x5C30];
	v36 =	vsel vm0, v18, v19;
	v15 =	vadd.f32 v61, v15;
	v26 =	vadd.f32 v35, v26  }
0x183: {  	v55 =	vld [tilespmem:s26+$0x5BE0];
	v25 =	vmul.f32 v47, v9;
	v35 =	vsel vm0, v23, v22;
	v48 =	vmul.f32 v62, v11  }
0x184: {  	v12 =	vadd.f32 v13, v12;
	v11 =	vmul.f32 v41, v11;
	v9 =	vmul.f32 v49, v9  }
0x185: {  	v62 =	vmul.f32 v51, v8;
	v8 =	vmul.f32 v54, v8;
	v15 =	vadd.f32 v42, v15  }
0x186: {  	v33 =	vld [tilespmem:s26+$0x5B70];
	v56 =	vadd.f32 v52, v26;
	v26 =	vmul.f32 v31, v6;
	v41 =	vsel vm0, v5, v4  }
0x187: {  	v61 =	vld [tilespmem:s26+$0x5BF0];
	v27 =	vadd.f32 v48, v27;
	v11 =	vadd.f32 v11, v12;
	v10 =	vmul.f32 v46, v10  }
0x188: {  	v43 =	vsel vm0, v4, v5;
	v12 =	vmul.f32 v55, v7;
	v7 =	vmul.f32 v58, v7  }
0x189: {  	v42 =	vperm.xlane v41, v59;
	v57 =	vadd.f32 v53, v27;
	v10 =	vadd.f32 v10, v11  }
0x18a: {  	v63 =	vld [tilespmem:s26+$0x5C70];
	v13 =	vadd.f32 v50, v15;
	v24 =	vadd.f32 v24, v56;
	v15 =	vperm.xlane v39, v59  }
0x18b: {  	v27 =	vmul.f32 v33, v6;
	v25 =	vadd.f32 v25, v57;
	v9 =	vadd.f32 v9, v10  }
0x18c: {  	v30 =	vmul.f32 v61, v6;
	v2 =	vadd.f32 v42, v43;
	v11 =	vadd.f32 v60, v13  }
0x18d: {  	v33 =	vsel vm0, v19, v18;
	v25 =	vadd.f32 v62, v25;
	v8 =	vadd.f32 v8, v9  }
0x18e: {  	v18 =	vperm.xlane v40, v59;
	v1 =	vadd.f32 v15, v1;
	v10 =	vadd.f32 v27, v24  }
0x18f: {  	v6 =	vmul.f32 v63, v6;
	v12 =	vadd.f32 v12, v25;
	v7 =	vadd.f32 v7, v8  }
0x190: {  	v13 =	vperm.xlane v35, v59;
	v0 =	vadd.f32 v18, v0;
	v9 =	vadd.f32 v26, v11  }
0x191: {  	v54 =	vsel vm2, v14, v16;
	v32 =	vadd.f32 v30, v12;
	v6 =	vadd.f32 v6, v7  }
0x192: {  	v13 =	vadd.f32 v13, v38;
	v52 =	vsel vm1, v2, v0;
	v44 =	vsel vm0, v10, v9  }
0x193: {  	v48 =	vld [tilespmem:$0x1FFF0];
	v7 =	vperm.xlane v33, v59;
	v12 =	vperm.xlane v34, v59;
	v45 =	vsel vm0, v6, v32  }
0x194: {  	v9 =	vsel vm0, v9, v10;
	v3 =	vperm.xlane v44, v59;
	v4 =	vperm.xlane v45, v59  }
0x195: {  	v7 =	vadd.f32 v7, v36;
	v12 =	vadd.f32 v12, v37;
	v6 =	vsel vm0, v32, v6  }
0x196: {  	v47 =	vld [tilespmem:$0x1FFD0];
	v0 =	vsel vm1, v0, v2;
	v3 =	vadd.f32 v3, v9;
	v4 =	vadd.f32 v4, v6  }
0x197: {  	v55 =	vld [tilespmem:$0x1FFA0];
	v51 =	vsel vm1, v1, v13;
	v1 =	vsel vm1, v13, v1;
	v46 =	vsel vm1, v12, v7  }
0x198: {  	v8 =	vperm.xlane v52, v48;
	v5 =	vperm.xlane v46, v48;
	v9 =	vsel vm1, v4, v3  }
0x199: {  	v49 =	vsel vm1, v7, v12;
	v6 =	vperm.xlane v51, v48;
	v9 =	vperm.xlane v9, v48  }
0x19a: {  	v0 =	vadd.f32 v8, v0;
	v5 =	vadd.f32 v5, v49;
	v53 =	vsel vm1, v3, v4  }
0x19b: {  	v31 =	vsel vm2, v16, v14;
	v1 =	vadd.f32 v6, v1;
	v2 =	vadd.f32 v9, v53  }
0x19c: {  	v50 =	vperm.xlane v31, v47;
	v56 =	vsel vm2, v17, v55;
	v8 =	vsel vm2, v55, v17  }
0x19d: {  	v58 =	vld [tilespmem:$0x1FFE0];
	v4 =	vperm.xlane v56, v47;
	v6 =	vsel vm2, v1, v5;
	v57 =	vsel vm2, v2, v0  }
0x19e: {  	v63 =	vld [tilespmem:$0x1FFC0];
	v3 =	vadd.f32 v50, v54;
	v6 =	vperm.xlane v6, v47;
	v7 =	vperm.xlane v57, v47  }
0x19f: {  	v4 =	vadd.f32 v4, v8;
	v1 =	vsel vm2, v5, v1;
	v0 =	vsel vm2, v0, v2  }
0x1a0: {  	v1 =	vadd.f32 v6, v1;
	v0 =	vadd.f32 v7, v0  }
0x1a1: {  	v60 =	vsel vm3, v4, v3  }
0x1a2: {  	p0 =	sne.s32 s20, $0x3;
	v2 =	vperm.xlane v60, v58;
	v61 =	vsel vm3, v0, v1  }
.Ltmp2:
0x1a3: {  	v3 =	vsel vm3, v3, v4;
	v62 =	vperm.xlane v61, v58;
	(pc) =	sbr.rel @p0 .LBB2_3-.Ltmp2, $4  }
0x1a4: {  	s29 =	sshll.u32 s20, $0x5;
	v2 =	vadd.f32 v3, v2;
	v0 =	vsel vm3, v1, v0  }
0x1a5: {  	s9 =	sand.u32 $0x3FFFFFE0, s29;
	v0 =	vadd.f32 v0, v62  }
0x1a6: {  	[tilespmem:v63+s9+$0x0 ss:$0x1] =	vst.idx.msk $0xffff, v2  }
0x1a7: {  	s20 =	sadd.s32 $0x1, s20;
	[tilespmem:v63+s9+$0x10 ss:$0x1] =	vst.idx.msk $0xffff, v0  }
0x1a8: {  	s26 =	sshll.u32 s24, $0x7;
	p0 =	seq.s32 s24, $0x3  }
0x1a9: {  	s9 =	sadd.s32 @!p0 $0x100, s26;
	s10 =	simm.s32 @!p0 $0x20;
	s20 =	simm.s32 @!p0 $0x1480  }
0x1aa: {  	[tilespmem:s20], [sflag:$0x4] =	stream.indirect.gather @!p0 [hbm4b:s0+s10], $0x80, s9, s10, $0xb8;
	[tilespmem:$0x9880] =	vst v63  }
0x1ab: {  	s9 =	sadd.s32 @!p0 $0x300, s26;
	s20 =	simm.s32 @!p0 $0x5480  }
0x1ac: {  	[tilespmem:s20], [sflag:$0x8] =	stream.indirect.gather @!p0 [hbm4b:s0+s10], $0x80, s9, s10, $0xb8;
	[tilespmem:$0x9880] =	vst v63  }
0x1ad: {  	s9 =	sadd.s32 @!p0 $0x120, s26;
	s20 =	simm.s32 @!p0 $0x2480  }
0x1ae: {  	[tilespmem:s20], [sflag:$0x5] =	stream.indirect.gather @!p0 [hbm4b:s0+s10], $0x80, s9, s10, $0xb8;
	[tilespmem:$0x9880] =	vst v63  }
0x1af: {  	s9 =	sadd.s32 @!p0 $0x320, s26;
	s20 =	simm.s32 @!p0 $0x6480  }
0x1b0: {  	[tilespmem:s20], [sflag:$0x9] =	stream.indirect.gather @!p0 [hbm4b:s0+s10], $0x80, s9, s10, $0xb8;
	[tilespmem:$0x9880] =	vst v63  }
0x1b1: {  	_ =	swait.ge [sflag:s16], $0x1000  }
0x1b2: {  	[sflag:s16] =	ssyncset.done $0x0  }
0x1b3: {  	[sflag:s16] =	ssyncadd.s32 $0xFFFFF000  }
0x1b4: {  	_ =	swait.ge [sflag:s17], $0x1000  }
0x1b5: {  	[sflag:s17] =	ssyncset.done $0x0  }
0x1b6: {  	[sflag:s17] =	ssyncadd.s32 $0xFFFFF000  }
0x1b7: {  	_ =	swait.ge [sflag:s18], $0x1000  }
0x1b8: {  	[sflag:s18] =	ssyncset.done $0x0  }
0x1b9: {  	[sflag:s18] =	ssyncadd.s32 $0xFFFFF000  }
0x1ba: {  	_ =	swait.ge [sflag:s19], $0x1000  }
0x1bb: {  	s20 =	sshll.u32 s24, $0x3;
	[sflag:s19] =	ssyncset.done $0x0  }
0x1bc: {  	s29 =	sor.u32 $0x4, s20;
	s20 =	simm.s32 $0x0;
	[sflag:s19] =	ssyncadd.s32 $0xFFFFF000  }
.LBB2_5:
0x1bd: {  	s9 =	sadd.s32 s29, s20  }
0x1be: {  	s10 =	sshll.u32 s9, $0x7  }
0x1bf: {  	s10 =	sand.u32 $0x3FFFFF80, s10  }
0x1c0: {  	v10 =	vld [tilespmem:s10+$0x480]  }
0x1c1: {  	v11 =	vld [tilespmem:s10+$0x490]  }
0x1c2: {  	v9 =	vld [tilespmem:s10+$0x4A0]  }
0x1c3: {  	v8 =	vld [tilespmem:s10+$0x4B0]  }
0x1c4: {  	v7 =	vld [tilespmem:s10+$0x4C0]  }
0x1c5: {  	v6 =	vld [tilespmem:s10+$0x4D0]  }
0x1c6: {  	v5 =	vld [tilespmem:s10+$0x4E0]  }
0x1c7: {  	v4 =	vld [tilespmem:s10+$0x4F0];
	s10 =	sshll.u32 s20, $0xB  }
0x1c8: {  	v0 =	vld [tilespmem:s10+$0x3480]  }
0x1c9: {  	v29 =	vld [tilespmem:s10+$0x3490]  }
0x1ca: {  	v45 =	vld [tilespmem:s10+$0x34A0]  }
0x1cb: {  	v46 =	vld [tilespmem:s10+$0x34B0]  }
0x1cc: {  	v47 =	vld [tilespmem:s10+$0x34C0]  }
0x1cd: {  	v49 =	vld [tilespmem:s10+$0x34D0]  }
0x1ce: {  	v50 =	vld [tilespmem:s10+$0x34E0]  }
0x1cf: {  	v35 =	vld [tilespmem:s10+$0x34F0]  }
0x1d0: {  	v52 =	vld [tilespmem:s10+$0x3500]  }
0x1d1: {  	v54 =	vld [tilespmem:s10+$0x3510]  }
0x1d2: {  	v60 =	vld [tilespmem:s10+$0x3520]  }
0x1d3: {  	v1 =	vld [tilespmem:s10+$0x3530]  }
0x1d4: {  	v14 =	vld [tilespmem:s10+$0x3540]  }
0x1d5: {  	v15 =	vld [tilespmem:s10+$0x3550]  }
0x1d6: {  	v22 =	vld [tilespmem:s10+$0x3560]  }
0x1d7: {  	v33 =	vld [tilespmem:s10+$0x3570]  }
0x1d8: {  	v12 =	vld [tilespmem:s10+$0x3580]  }
0x1d9: {  	v13 =	vld [tilespmem:s10+$0x3590]  }
0x1da: {  	v17 =	vld [tilespmem:s10+$0x35A0]  }
0x1db: {  	v19 =	vld [tilespmem:s10+$0x35B0]  }
0x1dc: {  	v21 =	vld [tilespmem:s10+$0x35C0]  }
0x1dd: {  	v24 =	vld [tilespmem:s10+$0x35D0]  }
0x1de: {  	v31 =	vld [tilespmem:s10+$0x35E0]  }
0x1df: {  	v48 =	vld [tilespmem:s10+$0x35F0]  }
0x1e0: {  	v2 =	vld [tilespmem:s10+$0x3600]  }
0x1e1: {  	v3 =	vld [tilespmem:s10+$0x3610]  }
0x1e2: {  	v16 =	vld [tilespmem:s10+$0x3620]  }
0x1e3: {  	v18 =	vld [tilespmem:s10+$0x3630]  }
0x1e4: {  	v20 =	vld [tilespmem:s10+$0x3640]  }
0x1e5: {  	v63 =	vld [tilespmem:s10+$0x37D0]  }
0x1e6: {  	v23 =	vld [tilespmem:s10+$0x3650]  }
0x1e7: {  	v27 =	vld [tilespmem:s10+$0x3660]  }
0x1e8: {  	v39 =	vld [tilespmem:s10+$0x3670]  }
0x1e9: {  	v28 =	vld [tilespmem:s10+$0x3680]  }
0x1ea: {  	[tilespmem:$0x1F990] =	vst v63;
	v63 =	vld [tilespmem:s10+$0x3850]  }
0x1eb: {  	v30 =	vld [tilespmem:s10+$0x3690]  }
0x1ec: {  	v34 =	vld [tilespmem:s10+$0x36A0]  }
0x1ed: {  	v40 =	vld [tilespmem:s10+$0x36B0]  }
0x1ee: {  	v55 =	vld [tilespmem:s10+$0x36C0]  }
0x1ef: {  	[tilespmem:$0x1F9B0] =	vst v63;
	v63 =	vld [tilespmem:s10+$0x3860]  }
0x1f0: {  	v53 =	vld [tilespmem:s10+$0x36D0]  }
0x1f1: {  	v25 =	vld [tilespmem:s10+$0x36E0]  }
0x1f2: {  	v61 =	vld [tilespmem:s10+$0x36F0]  }
0x1f3: {  	v26 =	vld [tilespmem:s10+$0x3710]  }
0x1f4: {  	[tilespmem:$0x1F9D0] =	vst v63;
	v63 =	vld [tilespmem:s10+$0x3870]  }
0x1f5: {  	v32 =	vld [tilespmem:s10+$0x3720]  }
0x1f6: {  	v36 =	vld [tilespmem:s10+$0x3730]  }
0x1f7: {  	v42 =	vld [tilespmem:s10+$0x3740]  }
0x1f8: {  	v43 =	vld [tilespmem:s10+$0x3750]  }
0x1f9: {  	[tilespmem:$0x1FA40] =	vst v63;
	v63 =	vld [tilespmem:s10+$0x3880]  }
0x1fa: {  	v37 =	vld [tilespmem:s10+$0x3760]  }
0x1fb: {  	v62 =	vld [tilespmem:s10+$0x3770]  }
0x1fc: {  	v44 =	vld [tilespmem:s10+$0x3780]  }
0x1fd: {  	v41 =	vld [tilespmem:s10+$0x3790]  }
0x1fe: {  	[tilespmem:$0x1F9E0] =	vst v63;
	v63 =	vld [tilespmem:s10+$0x3890]  }
0x1ff: {  	v56 =	vld [tilespmem:s10+$0x37A0]  }
0x200: {  	v58 =	vld [tilespmem:s10+$0x37B0]  }
0x201: {  	v51 =	vld [tilespmem:s10+$0x37E0]  }
0x202: {  	v57 =	vld [tilespmem:s10+$0x37F0]  }
0x203: {  	[tilespmem:$0x1F9F0] =	vst v63;
	v63 =	vld [tilespmem:s10+$0x38A0]  }
0x204: {  	v38 =	vld [tilespmem:s10+$0x3800]  }
0x205: {  	[tilespmem:$0x1F960] =	vst v25;
	v25 =	vld [tilespmem:s10+$0x3700]  }
0x206: {  	[tilespmem:$0x1F980] =	vst v61;
	v61 =	vld [tilespmem:s10+$0x37C0]  }
0x207: {  	[tilespmem:$0x1F970] =	vst v37;
	v37 =	vld [tilespmem:s10+$0x3810]  }
0x208: {  	[tilespmem:$0x1FA30] =	vst v63;
	v63 =	vld [tilespmem:s10+$0x38B0]  }
0x209: {  	[tilespmem:$0x1F9C0] =	vst v51;
	v51 =	vld [tilespmem:s10+$0x3820];
	v0 =	vmul.f32 v0, v10;
	v29 =	vmul.f32 v29, v11  }
0x20a: {  	[tilespmem:$0x1F9A0] =	vst v62;
	v62 =	vld [tilespmem:s10+$0x3830];
	v52 =	vmul.f32 v52, v10;
	v54 =	vmul.f32 v54, v11  }
0x20b: {  	[tilespmem:$0x1FA20] =	vst v57;
	v57 =	vld [tilespmem:s10+$0x3840];
	v12 =	vmul.f32 v12, v10;
	v13 =	vmul.f32 v13, v11  }
0x20c: {  	v2 =	vmul.f32 v2, v10;
	v0 =	vadd.f32 v29, v0;
	v29 =	vmul.f32 v45, v9;
	v45 =	vld [tilespmem:s10+$0x39E0]  }
0x20d: {  	v3 =	vmul.f32 v3, v11;
	v28 =	vmul.f32 v28, v10;
	[tilespmem:$0x1FA60] =	vst v63;
	v63 =	vld [tilespmem:s10+$0x38C0]  }
0x20e: {  	v30 =	vmul.f32 v30, v11;
	v52 =	vadd.f32 v54, v52;
	v54 =	vmul.f32 v60, v9;
	v60 =	vld [tilespmem:s10+$0x39F0]  }
0x20f: {  	v12 =	vadd.f32 v13, v12;
	v13 =	vmul.f32 v50, v5;
	v50 =	vld [tilespmem:s10+$0x3A90]  }
0x210: {  	v2 =	vadd.f32 v3, v2;
	v3 =	vadd.f32 v30, v28;
	v28 =	vld [tilespmem:s10+$0x3B50]  }
0x211: {  	v0 =	vadd.f32 v29, v0;
	v29 =	vmul.f32 v46, v8;
	v46 =	vadd.f32 v54, v52;
	v54 =	vld [tilespmem:s10+$0x3A20]  }
0x212: {  	v1 =	vmul.f32 v1, v8;
	[tilespmem:$0x1FA80] =	vst v63;
	v63 =	vld [tilespmem:s10+$0x38D0]  }
0x213: {  	v52 =	vld [tilespmem:s10+$0x3A30]  }
0x214: {  	v1 =	vadd.f32 v1, v46;
	v46 =	vld [tilespmem:s10+$0x3A40]  }
0x215: {  	v0 =	vadd.f32 v29, v0;
	v29 =	vmul.f32 v47, v7;
	v47 =	vmul.f32 v17, v9;
	v17 =	vld [tilespmem:s10+$0x3A70]  }
0x216: {  	[tilespmem:$0x1FB60] =	vst v45;
	v45 =	vld [tilespmem:s10+$0x3A00]  }
0x217: {  	[tilespmem:$0x1FA90] =	vst v63;
	v63 =	vld [tilespmem:s10+$0x38E0]  }
0x218: {  	[tilespmem:$0x1FB80] =	vst v60;
	v60 =	vld [tilespmem:s10+$0x3A10]  }
0x219: {  	v49 =	vmul.f32 v49, v6;
	v0 =	vadd.f32 v29, v0;
	v29 =	vld [tilespmem:s10+$0x3A50]  }
0x21a: {  	v14 =	vmul.f32 v14, v7;
	v12 =	vadd.f32 v47, v12;
	v47 =	vld [tilespmem:s10+$0x3A80]  }
0x21b: {  	v19 =	vmul.f32 v19, v8;
	v0 =	vadd.f32 v49, v0;
	v49 =	vld [tilespmem:s10+$0x3A60]  }
0x21c: {  	v15 =	vmul.f32 v15, v6;
	v1 =	vadd.f32 v14, v1;
	[tilespmem:$0x1FAF0] =	vst v63;
	v63 =	vld [tilespmem:s10+$0x38F0]  }
0x21d: {  	v12 =	vadd.f32 v19, v12;
	v19 =	vld [tilespmem:s10+$0x3AA0]  }
0x21e: {  	v16 =	vmul.f32 v16, v9;
	v22 =	vmul.f32 v22, v5;
	v1 =	vadd.f32 v15, v1;
	v15 =	vld [tilespmem:s10+$0x3BC0]  }
0x21f: {  	[tilespmem:$0x1FBA0] =	vst v17;
	v17 =	vmul.f32 v31, v5;
	v31 =	vmul.f32 v25, v10;
	v25 =	vld [tilespmem:s10+$0x3B80]  }
0x220: {  	v1 =	vadd.f32 v22, v1;
	v22 =	vmul.f32 v35, v4;
	v35 =	vmul.f32 v23, v6;
	v23 =	vld [tilespmem:s10+$0x3B00];
	[tilespmem:$0x1FB50] =	vst v29  }
0x221: {  	v2 =	vadd.f32 v16, v2;
	v29 =	vmul.f32 v18, v8;
	[tilespmem:$0x1FB30] =	vst v63;
	v63 =	vld [tilespmem:s10+$0x3900]  }
0x222: {  	v18 =	vmul.f32 v21, v7;
	v21 =	vld [tilespmem:s10+$0x3AB0]  }
0x223: {  	v20 =	vmul.f32 v20, v7;
	v2 =	vadd.f32 v29, v2;
	v29 =	vld [tilespmem:s10+$0x3AC0]  }
0x224: {  	v24 =	vmul.f32 v24, v6;
	[tilespmem:$0x1FB70] =	vst v49;
	v12 =	vadd.f32 v18, v12;
	v49 =	vld [tilespmem:s10+$0x3AD0]  }
0x225: {  	v33 =	vmul.f32 v33, v4;
	v18 =	vld [tilespmem:s10+$0x3AE0];
	v2 =	vadd.f32 v20, v2  }
0x226: {  	v16 =	vadd.f32 v24, v12;
	v24 =	vmul.f32 v27, v5;
	v20 =	vmul.f32 v32, v9;
	[tilespmem:$0x1FA00] =	vst v63;
	v63 =	vld [tilespmem:s10+$0x3910]  }
0x227: {  	v27 =	vld [tilespmem:s10+$0x3AF0];
	[tilespmem:$0x1FBB0] =	vst v21;
	v21 =	vadd.f32 v33, v1;
	v33 =	vmul.f32 v26, v11;
	v26 =	vmul.f32 v40, v8  }
0x228: {  	v32 =	vld [tilespmem:s10+$0x3B40];
	v40 =	vmul.f32 v53, v6;
	v53 =	vmul.f32 v44, v10  }
0x229: {  	[tilespmem:$0x1FB90] =	vst v19;
	v44 =	vmul.f32 v57, v7;
	v57 =	vld [tilespmem:$0x1F9A0];
	v19 =	vadd.f32 v35, v2;
	v35 =	vmul.f32 v48, v4  }
0x22a: {  	v0 =	vadd.f32 v13, v0;
	v48 =	vmul.f32 v34, v9;
	v34 =	vmul.f32 v36, v8;
	v36 =	vld [tilespmem:s10+$0x3B60]  }
0x22b: {  	[tilespmem:$0x1FA10] =	vst v63;
	v63 =	vld [tilespmem:s10+$0x3920]  }
0x22c: {  	[tilespmem:$0x1FBC0] =	vst v29;
	v29 =	vadd.f32 v22, v0;
	v22 =	vld [tilespmem:s10+$0x3B10]  }
0x22d: {  	v0 =	vadd.f32 v17, v16;
	v16 =	vld [tilespmem:s10+$0x3BA0]  }
0x22e: {  	v2 =	vadd.f32 v33, v31;
	v31 =	vmul.f32 v37, v11;
	v37 =	vld [tilespmem:$0x1F960]  }
0x22f: {  	v17 =	vld [tilespmem:s10+$0x3BD0]  }
0x230: {  	[tilespmem:$0x1FA50] =	vst v63;
	v63 =	vld [tilespmem:s10+$0x3930]  }
0x231: {  	v1 =	vadd.f32 v24, v19;
	v24 =	vld [tilespmem:s10+$0x3B20]  }
0x232: {  	v19 =	vld [tilespmem:s10+$0x3BB0]  }
0x233: {  	v3 =	vadd.f32 v48, v3;
	v48 =	vmul.f32 v43, v6;
	v43 =	vmul.f32 v61, v7;
	v61 =	vld [tilespmem:$0x1F9B0]  }
0x234: {  	[tilespmem:$0x1FBF0] =	vst v27;
	v27 =	vld [tilespmem:s10+$0x3B30]  }
0x235: {  	[tilespmem:$0x1FA70] =	vst v63;
	v63 =	vld [tilespmem:s10+$0x3940]  }
0x236: {  	[tilespmem:$0x1FBD0] =	vst v49;
	v49 =	vmul.f32 v39, v4;
	v33 =	vadd.f32 v20, v2;
	v2 =	vld [tilespmem:s10+$0x3B90]  }
0x237: {  	v39 =	vmul.f32 v58, v8;
	v12 =	vadd.f32 v35, v0;
	v20 =	vld [tilespmem:s10+$0x3C00]  }
0x238: {  	v35 =	vmul.f32 v55, v7;
	v13 =	vadd.f32 v49, v1;
	v3 =	vadd.f32 v26, v3;
	v49 =	vld [tilespmem:s10+$0x3B70]  }
0x239: {  	v55 =	vmul.f32 v41, v11;
	v58 =	vmul.f32 v57, v4;
	v57 =	vld [tilespmem:$0x1F9D0]  }
0x23a: {  	v42 =	vmul.f32 v42, v7;
	v1 =	vadd.f32 v34, v33;
	v3 =	vadd.f32 v35, v3;
	[tilespmem:$0x1FAA0] =	vst v63;
	v63 =	vld [tilespmem:s10+$0x3950]  }
0x23b: {  	v30 =	vmul.f32 v38, v10;
	v14 =	vadd.f32 v55, v53;
	v53 =	vld [tilespmem:$0x1F990]  }
0x23c: {  	v33 =	vmul.f32 v56, v9;
	v1 =	vadd.f32 v42, v1;
	v3 =	vadd.f32 v40, v3;
	v40 =	vld [tilespmem:$0x1F970]  }
0x23d: {  	v34 =	vadd.f32 v31, v30;
	v42 =	vmul.f32 v62, v8;
	v62 =	vmul.f32 v61, v6;
	v61 =	vld [tilespmem:$0x1F9E0]  }
0x23e: {  	v35 =	vmul.f32 v51, v9;
	v14 =	vadd.f32 v33, v14;
	v1 =	vadd.f32 v48, v1;
	v48 =	vld [tilespmem:$0x1F980]  }
0x23f: {  	v38 =	vmul.f32 v37, v5;
	[tilespmem:$0x1FAB0] =	vst v63;
	v63 =	vld [tilespmem:s10+$0x3960]  }
0x240: {  	[tilespmem:$0x1FBE0] =	vst v18;
	v18 =	vadd.f32 v35, v34;
	v14 =	vadd.f32 v39, v14;
	v56 =	vmul.f32 v53, v6;
	v53 =	vld [tilespmem:$0x1F9C0]  }
0x241: {  	v3 =	vadd.f32 v38, v3;
	v38 =	vld [tilespmem:$0x1F9F0];
	v41 =	vmul.f32 v40, v5  }
0x242: {  	v18 =	vadd.f32 v42, v18;
	v14 =	vadd.f32 v43, v14;
	v40 =	vld [tilespmem:$0x1FA00]  }
0x243: {  	v1 =	vadd.f32 v41, v1;
	v43 =	vld [tilespmem:$0x1FA10]  }
0x244: {  	v26 =	vadd.f32 v44, v18;
	v44 =	vadd.f32 v56, v14;
	v51 =	vmul.f32 v48, v4;
	[tilespmem:$0x1FB10] =	vst v63;
	v63 =	vld [tilespmem:s10+$0x3970]  }
0x245: {  	v56 =	vmul.f32 v53, v5;
	v48 =	vadd.f32 v58, v1;
	v58 =	vmul.f32 v57, v5;
	v57 =	vld [tilespmem:$0x1FA30]  }
0x246: {  	v41 =	vadd.f32 v51, v3;
	v51 =	vld [tilespmem:$0x1FA20]  }
0x247: {  	v26 =	vadd.f32 v62, v26;
	v62 =	vmul.f32 v61, v10;
	v31 =	vadd.f32 v56, v44;
	v56 =	vld [tilespmem:$0x1FA40]  }
0x248: {  	v39 =	vmul.f32 v38, v11;
	v44 =	vmul.f32 v43, v11;
	v43 =	vld [tilespmem:$0x1FA50]  }
0x249: {  	v42 =	vmul.f32 v40, v10;
	[tilespmem:$0x1FB40] =	vst v63;
	v63 =	vld [tilespmem:s10+$0x3980]  }
0x24a: {  	v55 =	vld [tilespmem:s10+$0x3BF0];
	v33 =	vadd.f32 v39, v62;
	v30 =	vadd.f32 v58, v26;
	v58 =	vmul.f32 v57, v9  }
0x24b: {  	v34 =	vadd.f32 v44, v42;
	v42 =	vld [tilespmem:$0x1FA70]  }
0x24c: {  	v53 =	vmul.f32 v51, v4;
	v51 =	vadd.f32 v58, v33;
	v58 =	vld [tilespmem:$0x1FA60]  }
0x24d: {  	v39 =	vld [tilespmem:s10+$0x7480];
	v44 =	vmul.f32 v43, v9  }
0x24e: {  	v57 =	vmul.f32 v56, v4;
	[tilespmem:$0x1FAC0] =	vst v63;
	v63 =	vld [tilespmem:s10+$0x3990]  }
0x24f: {  	v34 =	vadd.f32 v44, v34;
	v44 =	vld [tilespmem:$0x1FA80]  }
0x250: {  	v56 =	vadd.f32 v57, v30;
	v57 =	vld [tilespmem:$0x1FA90];
	v43 =	vmul.f32 v42, v8  }
0x251: {  	v62 =	vmul.f32 v58, v8;
	v58 =	vld [tilespmem:$0x1FAA0]  }
0x252: {  	v34 =	vadd.f32 v43, v34;
	v43 =	vld [tilespmem:$0x1FAC0]  }
0x253: {  	[tilespmem:$0x1FAD0] =	vst v63;
	v63 =	vld [tilespmem:s10+$0x39A0]  }
0x254: {  	v53 =	vadd.f32 v53, v31;
	v31 =	vadd.f32 v62, v51;
	v51 =	vmul.f32 v44, v7;
	v44 =	vld [tilespmem:$0x1FAD0]  }
0x255: {  	[tilespmem:$0x1FC10] =	vst v39;
	v39 =	vmul.f32 v57, v6;
	v57 =	vld [tilespmem:s10+$0x74C0]  }
0x256: {  	v37 =	vld [tilespmem:s10+$0x3C10]  }
0x257: {  	v60 =	vmul.f32 v60, v11;
	v42 =	vld [tilespmem:s10+$0x74B0]  }
0x258: {  	v62 =	vmul.f32 v58, v7;
	v58 =	vmul.f32 v45, v10;
	[tilespmem:$0x1FAE0] =	vst v63;
	v63 =	vld [tilespmem:s10+$0x39B0]  }
0x259: {  	v35 =	vld [tilespmem:s10+$0x7490];
	v31 =	vadd.f32 v51, v31;
	v33 =	vmul.f32 v43, v10;
	v51 =	vmul.f32 v44, v11  }
0x25a: {  	[tilespmem:$0x1FC30] =	vst v57;
	v57 =	vld [tilespmem:s10+$0x74F0]  }
0x25b: {  	v33 =	vadd.f32 v51, v33;
	v51 =	vadd.f32 v60, v58;
	v58 =	vld [tilespmem:$0x1FAF0]  }
0x25c: {  	v23 =	vmul.f32 v23, v10;
	v22 =	vmul.f32 v22, v11;
	[tilespmem:$0x1FC20] =	vst v42;
	v42 =	vld [tilespmem:$0x1FAE0]  }
0x25d: {  	v34 =	vadd.f32 v62, v34;
	v62 =	vld [tilespmem:s10+$0x74D0];
	[tilespmem:$0x1FB00] =	vst v63  }
0x25e: {  	v24 =	vmul.f32 v24, v9;
	v22 =	vadd.f32 v22, v23;
	v60 =	vld [tilespmem:$0x1FB00]  }
0x25f: {  	v23 =	vmul.f32 v27, v8;
	v63 =	vld [tilespmem:s10+$0x39C0]  }
0x260: {  	v22 =	vadd.f32 v24, v22;
	v31 =	vadd.f32 v39, v31;
	v39 =	vmul.f32 v58, v5;
	v58 =	vld [tilespmem:$0x1FB10]  }
0x261: {  	[tilespmem:$0x1FC00] =	vst v49;
	v49 =	vld [tilespmem:s10+$0x3BE0];
	v44 =	vmul.f32 v42, v9  }
0x262: {  	v54 =	vmul.f32 v54, v9;
	v18 =	vld [tilespmem:s10+$0x3C20];
	v22 =	vadd.f32 v23, v22;
	[tilespmem:$0x1FC70] =	vst v57  }
0x263: {  	v23 =	vmul.f32 v20, v10;
	v20 =	vld [tilespmem:s10+$0x7610];
	[tilespmem:$0x1FC40] =	vst v62;
	v33 =	vadd.f32 v44, v33;
	v62 =	vmul.f32 v60, v8  }
0x264: {  	v25 =	vmul.f32 v25, v10;
	v57 =	vmul.f32 v52, v8;
	v40 =	vld [tilespmem:$0x1FAB0];
	v38 =	vadd.f32 v54, v51;
	[tilespmem:$0x1FB20] =	vst v63  }
0x265: {  	v2 =	vmul.f32 v2, v11;
	v60 =	vmul.f32 v58, v5;
	v58 =	vadd.f32 v62, v33;
	v62 =	vld [tilespmem:$0x1FB20]  }
0x266: {  	v54 =	vmul.f32 v46, v7;
	v38 =	vadd.f32 v57, v38;
	v57 =	vld [tilespmem:$0x1FB30]  }
0x267: {  	v16 =	vmul.f32 v16, v9;
	v2 =	vadd.f32 v2, v25;
	v63 =	vld [tilespmem:s10+$0x39D0]  }
0x268: {  	v38 =	vadd.f32 v54, v38;
	v54 =	vld [tilespmem:$0x1FB40]  }
0x269: {  	v19 =	vmul.f32 v19, v8;
	v2 =	vadd.f32 v16, v2;
	v16 =	vld [tilespmem:s10+$0x7650]  }
0x26a: {  	v15 =	vmul.f32 v15, v7;
	v14 =	vld [tilespmem:s10+$0x3C40];
	v0 =	vmul.f32 v62, v7  }
0x26b: {  	v17 =	vmul.f32 v17, v6;
	v2 =	vadd.f32 v19, v2;
	v51 =	vadd.f32 v39, v31;
	v31 =	vld [tilespmem:$0x1FB50]  }
0x26c: {  	v61 =	vld [tilespmem:s10+$0x3C60];
	v40 =	vmul.f32 v40, v6;
	v33 =	vadd.f32 v0, v58;
	v58 =	vmul.f32 v63, v6  }
0x26d: {  	v2 =	vadd.f32 v15, v2;
	v44 =	vmul.f32 v57, v4;
	v57 =	vmul.f32 v54, v4;
	v54 =	vld [tilespmem:$0x1FB70]  }
0x26e: {  	v33 =	vadd.f32 v58, v33;
	v58 =	vld [tilespmem:$0x1FB60]  }
0x26f: {  	v49 =	vmul.f32 v49, v5;
	v3 =	vld [tilespmem:s10+$0x3C70];
	v2 =	vadd.f32 v17, v2;
	v40 =	vadd.f32 v40, v34  }
0x270: {  	v1 =	vld [tilespmem:s10+$0x3C30];
	v39 =	vmul.f32 v31, v6  }
0x271: {  	v26 =	vld [tilespmem:s10+$0x3C50];
	v17 =	vadd.f32 v49, v2;
	v40 =	vadd.f32 v60, v40  }
0x272: {  	v49 =	vsel vm0, v21, v29;
	v2 =	vld [tilespmem:s10+$0x76C0];
	v21 =	vsel vm0, v29, v21;
	v38 =	vadd.f32 v39, v38  }
0x273: {  	v29 =	vld [tilespmem:s10+$0x76F0];
	v62 =	vmul.f32 v58, v5;
	v58 =	vadd.f32 v57, v40;
	v57 =	vmul.f32 v54, v5  }
0x274: {  	v45 =	vld [tilespmem:s10+$0x74E0]  }
0x275: {  	v40 =	vadd.f32 v57, v38;
	v57 =	vld [tilespmem:$0x1FB90]  }
0x276: {  	v30 =	vld [tilespmem:s10+$0x74A0]  }
0x277: {  	v52 =	vld [tilespmem:s10+$0x7510]  }
0x278: {  	v34 =	vld [tilespmem:s10+$0x7520];
	v0 =	vmul.f32 v50, v11;
	v33 =	vadd.f32 v62, v33;
	v62 =	vmul.f32 v47, v10  }
0x279: {  	v46 =	vld [tilespmem:s10+$0x7560]  }
0x27a: {  	[tilespmem:$0x1FC50] =	vst v45;
	v50 =	vld [tilespmem:$0x1FB80];
	v45 =	vadd.f32 v0, v62;
	v62 =	vmul.f32 v57, v9  }
0x27b: {  	v43 =	vld [tilespmem:s10+$0x75A0]  }
0x27c: {  	v45 =	vadd.f32 v62, v45;
	v62 =	vld [tilespmem:$0x1FBB0]  }
0x27d: {  	v42 =	vld [tilespmem:s10+$0x7500]  }
0x27e: {  	v39 =	vld [tilespmem:$0x1FBA0]  }
0x27f: {  	[tilespmem:$0x1FC60] =	vst v46;
	v46 =	vld [tilespmem:s10+$0x75E0];
	v50 =	vmul.f32 v50, v4  }
0x280: {  	v51 =	vadd.f32 v44, v51;
	v44 =	vld [tilespmem:s10+$0x7580]  }
0x281: {  	v60 =	vld [tilespmem:s10+$0x7530];
	v0 =	vadd.f32 v50, v33;
	v33 =	vmul.f32 v62, v8  }
0x282: {  	v31 =	vld [tilespmem:s10+$0x7550]  }
0x283: {  	v50 =	vld [tilespmem:$0x1FBC0];
	v57 =	vmul.f32 v39, v4;
	v24 =	vadd.f32 v33, v45;
	v33 =	vmul.f32 v32, v7  }
0x284: {  	v47 =	vld [tilespmem:s10+$0x7590]  }
0x285: {  	v28 =	vmul.f32 v28, v6;
	v62 =	vadd.f32 v57, v40;
	v57 =	vld [tilespmem:$0x1FBD0];
	v22 =	vadd.f32 v33, v22  }
0x286: {  	v63 =	vld [tilespmem:s10+$0x7540]  }
0x287: {  	v22 =	vadd.f32 v28, v22;
	v28 =	vld [tilespmem:$0x1FBE0]  }
0x288: {  	v54 =	vld [tilespmem:s10+$0x7570];
	v27 =	vmul.f32 v50, v7  }
0x289: {  	v44 =	vmul.f32 v44, v10;
	v38 =	vld [tilespmem:s10+$0x75B0];
	v47 =	vmul.f32 v47, v11  }
0x28a: {  	v39 =	vld [tilespmem:s10+$0x75C0];
	v24 =	vadd.f32 v27, v24;
	v57 =	vmul.f32 v57, v6  }
0x28b: {  	v50 =	vld [tilespmem:s10+$0x7600];
	v44 =	vadd.f32 v47, v44  }
0x28c: {  	v47 =	vld [tilespmem:s10+$0x7860];
	v27 =	vmul.f32 v37, v11;
	v32 =	vadd.f32 v57, v24;
	v33 =	vmul.f32 v28, v5  }
0x28d: {  	v43 =	vmul.f32 v43, v9;
	v28 =	vld [tilespmem:$0x1FBF0]  }
0x28e: {  	v23 =	vadd.f32 v27, v23;
	v57 =	vmul.f32 v18, v9;
	v27 =	vadd.f32 v33, v32;
	v32 =	vld [tilespmem:$0x1FC00]  }
0x28f: {  	v43 =	vadd.f32 v43, v44;
	v44 =	vld [tilespmem:s10+$0x7880]  }
0x290: {  	v40 =	vld [tilespmem:s10+$0x75D0];
	v23 =	vadd.f32 v57, v23;
	v57 =	vmul.f32 v1, v8  }
0x291: {  	v36 =	vmul.f32 v36, v5;
	v45 =	vld [tilespmem:s10+$0x75F0]  }
0x292: {  	v14 =	vmul.f32 v14, v7;
	v37 =	vld [tilespmem:s10+$0x7620];
	v25 =	vadd.f32 v57, v23  }
0x293: {  	v18 =	vld [tilespmem:s10+$0x7630];
	v19 =	vadd.f32 v36, v22;
	v15 =	vmul.f32 v28, v4;
	v57 =	vmul.f32 v32, v4  }
0x294: {  	v24 =	vld [tilespmem:s10+$0x7640];
	v14 =	vadd.f32 v14, v25;
	v32 =	vmul.f32 v26, v6  }
0x295: {  	v3 =	vmul.f32 v3, v4;
	v36 =	vld [tilespmem:s10+$0x7670];
	v15 =	vadd.f32 v15, v27;
	v27 =	vadd.f32 v57, v19  }
0x296: {  	v22 =	vld [tilespmem:s10+$0x76A0];
	v14 =	vadd.f32 v32, v14;
	v57 =	vmul.f32 v61, v5;
	v61 =	vmul.f32 v55, v4  }
0x297: {  	v1 =	vsel vm0, v48, v41;
	v41 =	vsel vm0, v41, v48;
	v48 =	vld [tilespmem:s10+$0x7730];
	v55 =	vperm.xlane v49, v59  }
0x298: {  	v23 =	vld [tilespmem:s10+$0x7680];
	v14 =	vadd.f32 v57, v14;
	v17 =	vadd.f32 v61, v17;
	v57 =	vsel vm0, v13, v12  }
0x299: {  	v33 =	vld [tilespmem:s10+$0x7660];
	v21 =	vadd.f32 v55, v21;
	v55 =	vsel vm0, v56, v53;
	v61 =	vperm.xlane v57, v59  }
0x29a: {  	v25 =	vld [tilespmem:s10+$0x76E0];
	v13 =	vsel vm0, v12, v13;
	v57 =	vperm.xlane v1, v59;
	v32 =	vperm.xlane v55, v59  }
0x29b: {  	v28 =	vld [tilespmem:s10+$0x76D0];
	v1 =	vsel vm0, v58, v51;
	v13 =	vadd.f32 v61, v13;
	v61 =	vsel vm0, v53, v56  }
0x29c: {  	v26 =	vld [tilespmem:s10+$0x7690];
	v14 =	vadd.f32 v3, v14;
	v32 =	vadd.f32 v32, v61;
	v61 =	vperm.xlane v1, v59  }
0x29d: {  	v19 =	vld [tilespmem:s10+$0x76B0];
	v51 =	vsel vm0, v51, v58;
	v1 =	vsel vm0, v62, v0  }
0x29e: {  	v49 =	vld [tilespmem:s10+$0x7710];
	v58 =	vadd.f32 v61, v51;
	v61 =	vperm.xlane v1, v59;
	v1 =	vsel vm0, v14, v17  }
0x29f: {  	v12 =	vld [tilespmem:s10+$0x7700];
	v0 =	vsel vm0, v0, v62;
	v62 =	vperm.xlane v1, v59  }
0x2a0: {  	v3 =	vld [tilespmem:s10+$0x7770];
	v14 =	vsel vm0, v17, v14  }
0x2a1: {  	v62 =	vadd.f32 v62, v14;
	v14 =	vld [tilespmem:$0x1FFF0]  }
0x2a2: {  	v53 =	vld [tilespmem:s10+$0x7720]  }
0x2a3: {  	v23 =	vmul.f32 v23, v10;
	v26 =	vmul.f32 v26, v11;
	v56 =	vadd.f32 v57, v41;
	v41 =	vld [tilespmem:s10+$0x7740]  }
0x2a4: {  	v57 =	vsel vm0, v27, v15;
	v15 =	vsel vm0, v15, v27;
	v27 =	vld [tilespmem:s10+$0x7760]  }
0x2a5: {  	v23 =	vadd.f32 v26, v23;
	v26 =	vld [tilespmem:s10+$0x7920];
	v55 =	vperm.xlane v57, v59;
	v17 =	vsel vm1, v13, v21  }
0x2a6: {  	v22 =	vmul.f32 v22, v9;
	v61 =	vadd.f32 v61, v0;
	v0 =	vperm.xlane v17, v14;
	v17 =	vld [tilespmem:$0x1FFF0]  }
0x2a7: {  	v57 =	vld [tilespmem:s10+$0x7780];
	v15 =	vadd.f32 v55, v15;
	v55 =	vsel vm1, v32, v56;
	v13 =	vsel vm1, v21, v13  }
0x2a8: {  	v32 =	vsel vm1, v56, v32;
	v56 =	vsel vm1, v61, v58;
	v21 =	vsel vm1, v58, v61;
	v58 =	vld [tilespmem:$0x1FC10]  }
0x2a9: {  	v22 =	vadd.f32 v22, v23;
	v23 =	vmul.f32 v28, v6;
	v28 =	vld [tilespmem:s10+$0x7960]  }
0x2aa: {  	v51 =	vld [tilespmem:s10+$0x7750]  }
0x2ab: {  	v14 =	vperm.xlane v55, v17;
	v17 =	vld [tilespmem:$0x1FFF0]  }
0x2ac: {  	v34 =	vmul.f32 v34, v9;
	v1 =	vld [tilespmem:s10+$0x77A0];
	v0 =	vadd.f32 v0, v13  }
0x2ad: {  	v55 =	vld [tilespmem:s10+$0x7790];
	v14 =	vadd.f32 v14, v32;
	v32 =	vmul.f32 v58, v10;
	v58 =	vmul.f32 v35, v11  }
0x2ae: {  	v61 =	vmul.f32 v42, v10;
	[tilespmem:$0x1FC80] =	vst v0;
	v0 =	vmul.f32 v52, v11;
	v35 =	vld [tilespmem:s10+$0x77C0]  }
0x2af: {  	v52 =	vadd.f32 v58, v32;
	v32 =	vsel vm1, v62, v15;
	v15 =	vsel vm1, v15, v62;
	v62 =	vld [tilespmem:$0x1FC20]  }
0x2b0: {  	v58 =	vmul.f32 v30, v9;
	v30 =	vld [tilespmem:s10+$0x77E0];
	v13 =	vperm.xlane v56, v17;
	v17 =	vadd.f32 v0, v61  }
0x2b1: {  	v61 =	vld [tilespmem:$0x1FFF0]  }
0x2b2: {  	v17 =	vadd.f32 v34, v17;
	v34 =	vmul.f32 v60, v8;
	v60 =	vld [tilespmem:$0x1FC30]  }
0x2b3: {  	v56 =	vld [tilespmem:s10+$0x77B0]  }
0x2b4: {  	v52 =	vadd.f32 v58, v52;
	v0 =	vmul.f32 v62, v8;
	v62 =	vld [tilespmem:$0x1FC40]  }
0x2b5: {  	v13 =	vadd.f32 v13, v21;
	v21 =	vld [tilespmem:s10+$0x77D0]  }
0x2b6: {  	v17 =	vadd.f32 v34, v17;
	v34 =	vld [tilespmem:s10+$0x7870];
	v52 =	vadd.f32 v0, v52;
	v0 =	vmul.f32 v63, v7  }
0x2b7: {  	v42 =	vperm.xlane v32, v61;
	v32 =	vld [tilespmem:s10+$0x77F0];
	v58 =	vmul.f32 v60, v7  }
0x2b8: {  	v31 =	vmul.f32 v31, v6;
	v61 =	vld [tilespmem:s10+$0x7800];
	v17 =	vadd.f32 v0, v17  }
0x2b9: {  	v20 =	vmul.f32 v20, v11;
	v63 =	vld [tilespmem:s10+$0x7830];
	v60 =	vmul.f32 v62, v6;
	v52 =	vadd.f32 v58, v52  }
0x2ba: {  	v2 =	vmul.f32 v2, v7;
	v17 =	vadd.f32 v31, v17;
	v31 =	vmul.f32 v37, v9;
	v37 =	vld [tilespmem:$0x1FC50]  }
0x2bb: {  	v29 =	vmul.f32 v29, v4;
	v38 =	vmul.f32 v38, v8;
	v52 =	vadd.f32 v60, v52;
	v60 =	vld [tilespmem:$0x1FC60]  }
0x2bc: {  	v45 =	vmul.f32 v45, v4;
	v15 =	vadd.f32 v42, v15;
	v42 =	vld [tilespmem:s10+$0x7810];
	v0 =	vmul.f32 v50, v10  }
0x2bd: {  	v18 =	vmul.f32 v18, v8;
	v36 =	vmul.f32 v36, v4;
	v50 =	vld [tilespmem:s10+$0x7850]  }
0x2be: {  	v25 =	vmul.f32 v25, v5;
	v12 =	vmul.f32 v12, v10;
	v62 =	vld [tilespmem:s10+$0x7820];
	v20 =	vadd.f32 v20, v0  }
0x2bf: {  	v3 =	vmul.f32 v3, v4;
	v58 =	vld [tilespmem:s10+$0x7840];
	v37 =	vmul.f32 v37, v5  }
0x2c0: {  	v27 =	vmul.f32 v27, v5;
	v0 =	vld [tilespmem:s10+$0x7890];
	v20 =	vadd.f32 v31, v20;
	v60 =	vmul.f32 v60, v5  }
0x2c1: {  	v31 =	vadd.f32 v37, v52;
	v37 =	vadd.f32 v38, v43;
	v38 =	vmul.f32 v39, v7;
	v52 =	vld [tilespmem:$0x1FC70]  }
0x2c2: {  	v26 =	vmul.f32 v26, v9;
	v18 =	vadd.f32 v18, v20;
	v20 =	vmul.f32 v24, v7;
	v39 =	vld [tilespmem:s10+$0x78A0]  }
0x2c3: {  	v43 =	vld [tilespmem:s10+$0x78B0];
	v17 =	vadd.f32 v60, v17;
	v60 =	vmul.f32 v40, v6;
	v37 =	vadd.f32 v38, v37  }
0x2c4: {  	v28 =	vmul.f32 v28, v5;
	v18 =	vadd.f32 v20, v18;
	v20 =	vmul.f32 v16, v6;
	v40 =	vld [tilespmem:s10+$0x78C0]  }
0x2c5: {  	v1 =	vmul.f32 v1, v9;
	v38 =	vld [tilespmem:s10+$0x7910];
	v37 =	vadd.f32 v60, v37;
	v60 =	vmul.f32 v46, v5  }
0x2c6: {  	v18 =	vadd.f32 v20, v18;
	v24 =	vmul.f32 v52, v4;
	v52 =	vmul.f32 v54, v4;
	v54 =	vld [tilespmem:s10+$0x78D0]  }
0x2c7: {  	v46 =	vmul.f32 v33, v5;
	v33 =	vadd.f32 v60, v37;
	v37 =	vld [tilespmem:s10+$0x7900];
	v60 =	vmul.f32 v53, v9  }
0x2c8: {  	v53 =	vmul.f32 v41, v7;
	v41 =	vmul.f32 v51, v6;
	v51 =	vld [tilespmem:s10+$0x7990]  }
0x2c9: {  	v21 =	vmul.f32 v21, v6;
	v34 =	vmul.f32 v34, v4;
	v20 =	vadd.f32 v46, v18;
	v46 =	vld [tilespmem:s10+$0x79C0]  }
0x2ca: {  	v16 =	vadd.f32 v24, v31;
	v31 =	vld [tilespmem:s10+$0x78E0];
	v17 =	vadd.f32 v52, v17;
	v52 =	vmul.f32 v49, v11  }
0x2cb: {  	v32 =	vmul.f32 v32, v4;
	v42 =	vmul.f32 v42, v11;
	v24 =	vld [tilespmem:s10+$0x78F0]  }
0x2cc: {  	v58 =	vmul.f32 v58, v7;
	v0 =	vmul.f32 v0, v11;
	v49 =	vld [tilespmem:s10+$0x7930];
	v12 =	vadd.f32 v52, v12  }
0x2cd: {  	v18 =	vadd.f32 v45, v33;
	v45 =	vmul.f32 v19, v8;
	v33 =	vld [tilespmem:s10+$0x7940];
	v19 =	vadd.f32 v36, v20  }
0x2ce: {  	v36 =	vld [tilespmem:s10+$0x7950];
	v52 =	vmul.f32 v48, v8;
	v12 =	vadd.f32 v60, v12;
	v60 =	vmul.f32 v61, v10  }
0x2cf: {  	v48 =	vld [tilespmem:s10+$0x7980];
	v22 =	vadd.f32 v45, v22;
	v61 =	vmul.f32 v62, v9;
	v62 =	vmul.f32 v56, v8  }
0x2d0: {  	v45 =	vld [tilespmem:s10+$0x7970];
	v56 =	vmul.f32 v63, v8;
	v63 =	vmul.f32 v47, v5  }
0x2d1: {  	v47 =	vmul.f32 v38, v11;
	v38 =	vld [tilespmem:s10+$0x7A50];
	v2 =	vadd.f32 v2, v22;
	v22 =	vmul.f32 v57, v10  }
0x2d2: {  	v57 =	vmul.f32 v55, v11;
	v55 =	vmul.f32 v43, v8;
	v20 =	vadd.f32 v42, v60;
	v42 =	vld [tilespmem:s10+$0x79B0]  }
0x2d3: {  	v31 =	vmul.f32 v31, v5;
	v24 =	vmul.f32 v24, v4;
	v12 =	vadd.f32 v52, v12;
	v52 =	vld [tilespmem:s10+$0x79D0]  }
0x2d4: {  	v60 =	vmul.f32 v50, v6;
	v50 =	vld [tilespmem:s10+$0x7A10];
	v2 =	vadd.f32 v23, v2;
	v22 =	vadd.f32 v57, v22  }
0x2d5: {  	v23 =	vld [tilespmem:s10+$0x79A0];
	v57 =	vmul.f32 v35, v7;
	v12 =	vadd.f32 v53, v12;
	v20 =	vadd.f32 v61, v20  }
0x2d6: {  	v35 =	vld [tilespmem:s10+$0x79F0];
	v61 =	vmul.f32 v30, v5;
	v53 =	vmul.f32 v39, v9;
	v1 =	vadd.f32 v1, v22  }
0x2d7: {  	v30 =	vld [tilespmem:s10+$0x7A40];
	v45 =	vmul.f32 v45, v4;
	v12 =	vadd.f32 v41, v12;
	v20 =	vadd.f32 v56, v20  }
0x2d8: {  	v2 =	vadd.f32 v25, v2;
	v22 =	vld [tilespmem:s10+$0x7A00];
	v41 =	vmul.f32 v44, v10;
	v1 =	vadd.f32 v62, v1  }
0x2d9: {  	v39 =	vld [tilespmem:s10+$0x7A60];
	v44 =	vmul.f32 v37, v10;
	v12 =	vadd.f32 v27, v12;
	v27 =	vadd.f32 v58, v20  }
0x2da: {  	v37 =	vld [tilespmem:s10+$0x7A70];
	v20 =	vadd.f32 v29, v2;
	v0 =	vadd.f32 v0, v41;
	v58 =	vmul.f32 v40, v7  }
0x2db: {  	v25 =	vld [tilespmem:s10+$0x79E0];
	v23 =	vmul.f32 v23, v9;
	v35 =	vmul.f32 v35, v4;
	v1 =	vadd.f32 v57, v1  }
0x2dc: {  	v29 =	vld [tilespmem:s10+$0x7A20];
	v57 =	vmul.f32 v49, v8;
	v62 =	vadd.f32 v60, v27;
	v0 =	vadd.f32 v53, v0  }
0x2dd: {  	v41 =	vld [tilespmem:s10+$0x7A80];
	v60 =	vmul.f32 v54, v6;
	v49 =	vmul.f32 v22, v10;
	v1 =	vadd.f32 v21, v1  }
0x2de: {  	v40 =	vld [tilespmem:s10+$0x7AA0];
	v54 =	vmul.f32 v42, v8;
	v21 =	vadd.f32 v3, v12;
	v12 =	vadd.f32 v47, v44  }
0x2df: {  	v27 =	vld [tilespmem:s10+$0x7A30];
	v37 =	vmul.f32 v37, v4;
	v3 =	vadd.f32 v63, v62;
	v62 =	vmul.f32 v36, v6  }
0x2e0: {  	v44 =	vld [tilespmem:s10+$0x7AC0];
	v0 =	vadd.f32 v55, v0;
	v63 =	vmul.f32 v48, v10;
	v48 =	vmul.f32 v51, v11  }
0x2e1: {  	v47 =	vld [tilespmem:s10+$0x7AD0];
	v51 =	vmul.f32 v50, v11;
	v1 =	vadd.f32 v61, v1;
	v61 =	vmul.f32 v33, v7  }
0x2e2: {  	v36 =	vld [tilespmem:s10+$0x7AB0];
	v56 =	vadd.f32 v26, v12;
	v53 =	vmul.f32 v29, v9;
	v50 =	vmul.f32 v41, v10  }
0x2e3: {  	v55 =	vld [tilespmem:s10+$0x7B00];
	v2 =	vadd.f32 v34, v3;
	v0 =	vadd.f32 v58, v0;
	v58 =	vmul.f32 v46, v7  }
0x2e4: {  	v26 =	vld [tilespmem:s10+$0x7A90];
	v12 =	vadd.f32 v51, v49;
	v46 =	vmul.f32 v38, v6;
	v49 =	vmul.f32 v39, v5  }
0x2e5: {  	v41 =	vld [tilespmem:s10+$0x7BB0];
	v1 =	vadd.f32 v32, v1;
	v3 =	vadd.f32 v57, v56;
	v56 =	vmul.f32 v27, v8  }
0x2e6: {  	v51 =	vld [tilespmem:s10+$0x7B80];
	v32 =	vadd.f32 v48, v63;
	v63 =	vmul.f32 v52, v6;
	v48 =	vmul.f32 v25, v5  }
0x2e7: {  	v57 =	vld [tilespmem:s10+$0x7B10];
	v0 =	vadd.f32 v60, v0;
	v12 =	vadd.f32 v53, v12;
	v47 =	vmul.f32 v47, v6  }
0x2e8: {  	v25 =	vld [tilespmem:s10+$0x7B60];
	v3 =	vadd.f32 v61, v3;
	v23 =	vadd.f32 v23, v32;
	v61 =	vmul.f32 v30, v7  }
0x2e9: {  	v60 =	vld [tilespmem:s10+$0x7B20];
	v52 =	vmul.f32 v55, v10;
	v0 =	vadd.f32 v31, v0;
	v12 =	vadd.f32 v56, v12  }
0x2ea: {  	v53 =	vld [tilespmem:s10+$0x7B90];
	v26 =	vmul.f32 v26, v11;
	v3 =	vadd.f32 v62, v3;
	v23 =	vadd.f32 v54, v23  }
0x2eb: {  	v55 =	vld [tilespmem:s10+$0x7C00];
	v54 =	vmul.f32 v40, v9;
	v42 =	vmul.f32 v51, v10;
	v12 =	vadd.f32 v61, v12  }
0x2ec: {  	v34 =	vld [tilespmem:s10+$0x7AE0];
	v0 =	vadd.f32 v24, v0;
	v27 =	vmul.f32 v57, v11;
	v24 =	vadd.f32 v26, v50  }
0x2ed: {  	v31 =	vld [tilespmem:s10+$0x7B40];
	v50 =	vmul.f32 v41, v8;
	v25 =	vmul.f32 v25, v5;
	v3 =	vadd.f32 v28, v3  }
0x2ee: {  	v43 =	vld [tilespmem:s10+$0x7C30];
	v23 =	vadd.f32 v58, v23;
	v56 =	vmul.f32 v60, v9;
	v58 =	vmul.f32 v36, v8  }
0x2ef: {  	v62 =	vld [tilespmem:s10+$0x7B30];
	v33 =	vmul.f32 v53, v11;
	v36 =	vsel vm0, v18, v19;
	v12 =	vadd.f32 v46, v12  }
0x2f0: {  	v38 =	vld [tilespmem:s10+$0x7B50];
	v22 =	vadd.f32 v27, v52;
	v24 =	vadd.f32 v54, v24;
	v10 =	vmul.f32 v55, v10  }
0x2f1: {  	v29 =	vld [tilespmem:s10+$0x7AF0];
	v55 =	vmul.f32 v34, v5;
	v34 =	vsel vm0, v19, v18;
	v23 =	vadd.f32 v63, v23  }
0x2f2: {  	v57 =	vld [tilespmem:s10+$0x7C10];
	v3 =	vadd.f32 v45, v3;
	v63 =	vmul.f32 v44, v7;
	v31 =	vmul.f32 v31, v7  }
0x2f3: {  	v30 =	vld [tilespmem:s10+$0x7B70];
	v27 =	vadd.f32 v33, v42;
	v33 =	vsel vm0, v17, v16;
	v16 =	vsel vm0, v16, v17  }
0x2f4: {  	v60 =	vld [tilespmem:s10+$0x7BA0];
	v12 =	vadd.f32 v49, v12;
	v22 =	vadd.f32 v56, v22;
	v61 =	vmul.f32 v62, v8  }
0x2f5: {  	v46 =	vld [tilespmem:s10+$0x7C40];
	v24 =	vadd.f32 v58, v24;
	v49 =	vmul.f32 v38, v6;
	v8 =	vmul.f32 v43, v8  }
0x2f6: {  	v62 =	vld [tilespmem:s10+$0x7C20];
	v38 =	vsel vm0, v2, v1;
	v1 =	vsel vm0, v1, v2;
	v23 =	vadd.f32 v48, v23  }
0x2f7: {  	v44 =	vld [tilespmem:s10+$0x7BC0];
	v11 =	vmul.f32 v57, v11;
	v39 =	vsel vm0, v3, v0;
	v12 =	vadd.f32 v37, v12  }
0x2f8: {  	v56 =	vld [tilespmem:s10+$0x7BF0];
	v0 =	vsel vm0, v0, v3;
	v22 =	vadd.f32 v61, v22;
	v24 =	vadd.f32 v63, v24  }
0x2f9: {  	v58 =	vld [tilespmem:s10+$0x7C70];
	v45 =	vmul.f32 v60, v9;
	v63 =	vmul.f32 v30, v4;
	v37 =	vsel vm0, v20, v21  }
0x2fa: {  	v17 =	vperm.xlane v39, v59;
	v23 =	vadd.f32 v35, v23;
	v10 =	vadd.f32 v11, v10  }
0x2fb: {  	v48 =	vld [tilespmem:s10+$0x7BD0];
	v35 =	vsel vm0, v21, v20;
	v22 =	vadd.f32 v31, v22;
	v9 =	vmul.f32 v62, v9  }
0x2fc: {  	v51 =	vld [tilespmem:s10+$0x7C50];
	v27 =	vadd.f32 v45, v27;
	v11 =	vadd.f32 v47, v24;
	v26 =	vmul.f32 v44, v7  }
0x2fd: {  	v52 =	vld [tilespmem:s10+$0x7BE0];
	v7 =	vmul.f32 v46, v7;
	v62 =	vmul.f32 v29, v4;
	v9 =	vadd.f32 v9, v10  }
0x2fe: {  	v54 =	vld [tilespmem:s10+$0x7C60];
	v0 =	vadd.f32 v17, v0;
	v29 =	vmul.f32 v56, v4;
	v4 =	vmul.f32 v58, v4  }
0x2ff: {  	v40 =	vsel vm0, v12, v23;
	v53 =	vadd.f32 v50, v27;
	v8 =	vadd.f32 v8, v9  }
0x300: {  	v42 =	vsel vm0, v23, v12;
	v22 =	vadd.f32 v49, v22;
	v57 =	vmul.f32 v48, v6  }
0x301: {  	v6 =	vmul.f32 v51, v6;
	v24 =	vadd.f32 v26, v53;
	v7 =	vadd.f32 v7, v8  }
0x302: {  	v41 =	vperm.xlane v40, v59;
	v10 =	vmul.f32 v52, v5;
	v60 =	vadd.f32 v25, v22  }
0x303: {  	v5 =	vmul.f32 v54, v5;
	v61 =	vadd.f32 v57, v24;
	v6 =	vadd.f32 v6, v7  }
0x304: {  	v58 =	vsel vm2, v13, v15;
	v2 =	vadd.f32 v41, v42;
	v9 =	vadd.f32 v55, v11  }
0x305: {  	v11 =	vperm.xlane v35, v59;
	v10 =	vadd.f32 v10, v61;
	v5 =	vadd.f32 v5, v6  }
0x306: {  	v50 =	vsel vm1, v2, v0;
	v8 =	vadd.f32 v63, v60;
	v7 =	vadd.f32 v62, v9  }
0x307: {  	v32 =	vadd.f32 v29, v10;
	v4 =	vadd.f32 v4, v5;
	v5 =	vperm.xlane v33, v59  }
0x308: {  	v46 =	vld [tilespmem:$0x1FFF0];
	v11 =	vadd.f32 v11, v37;
	v10 =	vperm.xlane v34, v59;
	v43 =	vsel vm0, v8, v7  }
0x309: {  	v49 =	vld [tilespmem:$0x1FFF0];
	v5 =	vadd.f32 v5, v16;
	v16 =	vperm.xlane v38, v59;
	v44 =	vsel vm0, v4, v32  }
0x30a: {  	v52 =	vld [tilespmem:$0x1FFF0];
	v10 =	vadd.f32 v10, v36;
	v3 =	vperm.xlane v43, v59;
	v12 =	vperm.xlane v44, v59  }
0x30b: {  	v7 =	vsel vm0, v7, v8;
	v4 =	vsel vm0, v32, v4;
	v1 =	vadd.f32 v16, v1  }
0x30c: {  	v30 =	vld [tilespmem:$0x1FC80];
	v3 =	vadd.f32 v3, v7;
	v45 =	vsel vm1, v10, v5;
	v4 =	vadd.f32 v12, v4  }
0x30d: {  	v47 =	vld [tilespmem:$0x1FFD0];
	v5 =	vsel vm1, v5, v10;
	v8 =	vperm.xlane v45, v46;
	v48 =	vsel vm1, v1, v11  }
0x30e: {  	v1 =	vsel vm1, v11, v1;
	v7 =	vperm.xlane v48, v49;
	v51 =	vsel vm1, v4, v3  }
0x30f: {  	v5 =	vadd.f32 v8, v5;
	v8 =	vperm.xlane v50, v52;
	v9 =	vperm.xlane v51, v52  }
0x310: {  	v0 =	vsel vm1, v0, v2;
	v53 =	vsel vm1, v3, v4;
	v1 =	vadd.f32 v7, v1  }
0x311: {  	v31 =	vsel vm2, v14, v30;
	v0 =	vadd.f32 v8, v0;
	v2 =	vadd.f32 v9, v53  }
0x312: {  	v54 =	vsel vm2, v30, v14;
	v55 =	vsel vm2, v15, v13;
	v6 =	vperm.xlane v31, v47  }
0x313: {  	v60 =	vld [tilespmem:$0x1FFE0];
	v4 =	vperm.xlane v55, v47;
	v56 =	vsel vm2, v1, v5;
	v57 =	vsel vm2, v2, v0  }
0x314: {  	v3 =	vadd.f32 v6, v54;
	v6 =	vperm.xlane v56, v47;
	v7 =	vperm.xlane v57, v47  }
0x315: {  	v4 =	vadd.f32 v4, v58;
	v1 =	vsel vm2, v5, v1;
	v0 =	vsel vm2, v0, v2  }
0x316: {  	v1 =	vadd.f32 v6, v1;
	v0 =	vadd.f32 v7, v0  }
0x317: {  	v61 =	vsel vm3, v4, v3  }
0x318: {  	p1 =	sne.s32 s20, $0x3;
	v2 =	vperm.xlane v61, v60;
	v62 =	vsel vm3, v0, v1  }
.Ltmp3:
0x319: {  	s9 =	sshll.u32 s9, $0x5;
	s10 =	sshll.u32 s20, $0x5;
	v3 =	vsel vm3, v3, v4;
	v63 =	vperm.xlane v62, v60;
	(pc) =	sbr.rel @p1 .LBB2_5-.Ltmp3, $4  }
0x31a: {  	s9 =	sand.u32 $0x380, s9;
	s10 =	sand.u32 $0x3FFFFFE0, s10;
	v2 =	vadd.f32 v3, v2;
	v0 =	vsel vm3, v1, v0  }
0x31b: {  	s9 =	sadd.s32 s10, s9;
	v0 =	vadd.f32 v0, v63  }
0x31c: {  	[tilespmem:s9+$0x9480] =	vst v2  }
0x31d: {  	s20 =	sadd.s32 $0x1, s20;
	[tilespmem:s9+$0x9490] =	vst v0  }
.Ltmp4:
0x31e: {  	(pc) =	sbr.rel @p0 .LBB2_8-.Ltmp4, $1  }
0x31f: {  	_ =	sdelay $0x3  }
0x320: {  	s9 =	sadd.s32 $0x140, s26  }
0x321: {  	[tilespmem:s23], [sflag:$0x6] =	stream.indirect.gather [hbm4b:s0+s12], $0x80, s9, s12, $0xb8;
	[tilespmem:$0x9880] =	vst v63  }
0x322: {  	s10 =	sadd.s32 $0x340, s26  }
0x323: {  	[tilespmem:s25], [sflag:$0xA] =	stream.indirect.gather [hbm4b:s0+s12], $0x80, s10, s12, $0xb8;
	[tilespmem:$0x9880] =	vst v63  }
.Ltmp5:
0x324: {  	_ = 	snop;
	(pc) =	sbr.rel .LBB2_2-.Ltmp5, $4  }
0x325: {  	s20 =	sadd.s32 $0x160, s26  }
0x326: {  	[tilespmem:s28], [sflag:$0x7] =	stream.indirect.gather [hbm4b:s0+s12], $0x80, s20, s12, $0xb8;
	[tilespmem:$0x9880] =	vst v63  }
0x327: {  	s29 =	sadd.s32 $0x360, s26;
	s24 =	sadd.s32 $0x1, s24  }
0x328: {  	[tilespmem:s30], [sflag:$0xB] =	stream.indirect.gather [hbm4b:s0+s12], $0x80, s29, s12, $0xb8;
	[tilespmem:$0x9880] =	vst v63  }
.LBB2_9:
0x329: {  	_ =	sfence.sel $0x180000  }
0x32a: {  	[bflag:$0x0] =	sbarrier.arrive $0xFFFF  }
0x32b: {  	_ =	strace $0x90000047  }
0x32c: {  	s0 =	stileid.u32;
	[bflag:$0x2] =	sbarrier.arrive $0xFFFF  }
0x32d: {  	p0 =	sne.s32 s0, $0x0;
	s0 =	rddreg [dreg:$0x3]  }
0x32e: {  	s0 =	sadd.s32 @!p0 $0x100000, s0  }
0x32f: {  	[sflag:s0] =	ssyncadd.tile.s32 @!p0 $0x1;
	_ =	shalt  }
.Lfunc_end2:
_tile_overlayer_lowered:
.L_overlay_start_2:
0x330: {  	(tag) =	ssettag $0x2  }
0x331: {  	s0 =	rddreg [dreg:$0x0];
	s2 =	stileid.u32  }
0x332: {  	s1 =	rddreg [dreg:$0x1];
	p0 =	sne.s32 s2, $0x0  }
0x333: {  	s3 =	rddreg [dreg:$0x2];
	[bflag:$0x3] =	sbarrier.arrive $0xFFFF;
	s2 =	simm.s32 @!p0 $0x1C0C  }
0x334: {  	[timem:s3], [sflag:s2] =	dma.local @!p0 [hbm:s0], s1  }
0x335: {  	s0 =	simm.s32 @!p0 $0xC  }
0x336: {  	_ =	swait.ge @!p0 [sflag:s0], s1  }
0x337: {  	s1 =	ssub.s32 @!p0 $0x0, s1;
	[sflag:s0] =	ssyncset.done @!p0 $0x0  }
0x338: {  	[sflag:s0] =	ssyncadd.s32 @!p0 s1  }
0x339: {  	[bflag:$0x3] =	sbarrier.arrive $0xFFFF  }
0x33a: {  	_ =	shalt  }

</sc_bundles>
